<compile_context>
chip_gen: v7x
topology: tpu7x:2x2x1
jax: 0.10.2.dev20260603
libtpu: 0.0.44.dev20260713+nightly
codegen_flags: <defaults>
</compile_context>

<pallas_src>
import functools
import jax
import jax.numpy as jnp
from jax import lax
from jax.experimental import pallas as pl
from jax.experimental.pallas import tpu as pltpu
from jax.experimental.pallas import tpu_sc as plsc

NC = 2
NS = 16
CH = 128
RB = 1024
C0_FRAC = 0.775


def _mesh():
    return plsc.VectorSubcoreMesh(core_axis_name="c", subcore_axis_name="s",
                                  num_cores=NC, num_subcores=NS)



def _mm_body(x_ref, w_ref, o_ref):
    o_ref[...] = jnp.dot(x_ref[...], w_ref[...],
                         preferred_element_type=jnp.float32)


def _tc_matmul(x, w, np_rows):
    return pl.pallas_call(
        _mm_body,
        grid=(np_rows // RB,),
        in_specs=[pl.BlockSpec((RB, x.shape[1]), lambda i: (i, 0)),
                  pl.BlockSpec(w.shape, lambda i: (0, 0))],
        out_specs=pl.BlockSpec((RB, w.shape[1]), lambda i: (i, 0)),
        out_shape=jax.ShapeDtypeStruct((np_rows, w.shape[1]), jnp.float32),
    )(x, w)


def _k3_body(h1p_ref, d0_ref, d1_ref, dinv_ref, g_ref):
    deg = d0_ref[0, :, 0:1] + d1_ref[0, :, 0:1] + 1.0
    dinv = lax.rsqrt(deg)
    dinv_ref[...] = dinv
    g_ref[...] = h1p_ref[...] * dinv


def _k3(h1p, deg_st, np_rows):
    return pl.pallas_call(
        _k3_body,
        grid=(np_rows // RB,),
        in_specs=[pl.BlockSpec((RB, 128), lambda i: (i, 0)),
                  pl.BlockSpec((1, RB, 128), lambda i: (0, i, 0)),
                  pl.BlockSpec((1, RB, 128), lambda i: (1, i, 0))],
        out_specs=[pl.BlockSpec((RB, 1), lambda i: (i, 0)),
                   pl.BlockSpec((RB, 128), lambda i: (i, 0))],
        out_shape=[jax.ShapeDtypeStruct((np_rows, 1), jnp.float32),
                   jax.ShapeDtypeStruct((np_rows, 128), jnp.float32)],
    )(h1p, deg_st, deg_st)


def _k5_body(a0_ref, a1_ref, g_ref, dinv_ref, b_ref, w_ref, o_ref):
    acc = a0_ref[0] + a1_ref[0]
    dinv = dinv_ref[...]
    h = jnp.maximum(dinv * (acc + g_ref[...]) + b_ref[...], 0.0)
    h2p = jnp.dot(h, w_ref[...], preferred_element_type=jnp.float32)
    o_ref[...] = h2p * dinv


def _k5(a_st, g, dinv, b, w, np_rows):
    return pl.pallas_call(
        _k5_body,
        grid=(np_rows // RB,),
        in_specs=[pl.BlockSpec((1, RB, 128), lambda i: (0, i, 0)),
                  pl.BlockSpec((1, RB, 128), lambda i: (1, i, 0)),
                  pl.BlockSpec((RB, 128), lambda i: (i, 0)),
                  pl.BlockSpec((RB, 1), lambda i: (i, 0)),
                  pl.BlockSpec((1, 128), lambda i: (0, 0)),
                  pl.BlockSpec((128, 128), lambda i: (0, 0))],
        out_specs=pl.BlockSpec((RB, 128), lambda i: (i, 0)),
        out_shape=jax.ShapeDtypeStruct((np_rows, 128), jnp.float32),
    )(a_st, a_st, g, dinv, b, w)


def _k7_body(a0_ref, a1_ref, g_ref, dinv_ref, b_ref, o_ref):
    acc = a0_ref[0] + a1_ref[0]
    o_ref[...] = jnp.maximum(
        dinv_ref[...] * (acc + g_ref[...]) + b_ref[...], 0.0)


def _k7(a_st, g, dinv, b, np_rows):
    return pl.pallas_call(
        _k7_body,
        grid=(np_rows // RB,),
        in_specs=[pl.BlockSpec((1, RB, 128), lambda i: (0, i, 0)),
                  pl.BlockSpec((1, RB, 128), lambda i: (1, i, 0)),
                  pl.BlockSpec((RB, 128), lambda i: (i, 0)),
                  pl.BlockSpec((RB, 1), lambda i: (i, 0)),
                  pl.BlockSpec((1, 128), lambda i: (0, 0))],
        out_specs=pl.BlockSpec((RB, 128), lambda i: (i, 0)),
        out_shape=jax.ShapeDtypeStruct((np_rows, 128), jnp.float32),
    )(a_st, a_st, g, dinv, b)


def _k9_body(s_ref, c0_ref, c1_ref, wc_ref, bc_ref, o_ref):
    sums = s_ref[0] + s_ref[1]
    cnt = c0_ref[0, :, 0:1] + c1_ref[0, :, 0:1]
    pooled = sums / jnp.clip(cnt, 1.0, None)
    o_ref[...] = jnp.dot(pooled, wc_ref[...],
                         preferred_element_type=jnp.float32) + bc_ref[...]


def _k9(sums_st, cnt_st, wc, bc):
    return pl.pallas_call(
        _k9_body,
        grid=(1,),
        in_specs=[pl.BlockSpec((2, 128, 128), lambda i: (0, 0, 0)),
                  pl.BlockSpec((1, 128, 128), lambda i: (0, 0, 0)),
                  pl.BlockSpec((1, 128, 128), lambda i: (1, 0, 0)),
                  pl.BlockSpec((128, 1), lambda i: (0, 0)),
                  pl.BlockSpec((1, 1), lambda i: (0, 0))],
        out_specs=pl.BlockSpec((128, 1), lambda i: (0, 0)),
        out_shape=jax.ShapeDtypeStruct((128, 1), jnp.float32),
    )(sums_st, cnt_st, cnt_st, wc, bc)



def _sc_deg(dst_pad, batch_pad, np_rows, ep, nb):
    zrows_per_tile = np_rows // NS
    nchunk = ep // (CH * NC * NS)
    bch = 64
    nbchunk = np_rows // (NC * NS) // bch
    cnt_rows = 2 * nb
    NB = 4
    ngroup = nchunk // NB

    @functools.partial(
        pl.kernel,
        out_type=[jax.ShapeDtypeStruct((NC, np_rows, 128), jnp.float32),
                  jax.ShapeDtypeStruct((NC, nb, 128), jnp.float32)],
        mesh=_mesh(),
        scratch_types=[
            pltpu.VMEM((NB, CH), jnp.int32),
            pltpu.VMEM((64,), jnp.int32),
            pltpu.VMEM((CH, 128), jnp.float32),
            pltpu.VMEM((CH, 128), jnp.float32),
            pltpu.VMEM_SHARED((np_rows, 128), jnp.float32),
            pltpu.VMEM_SHARED((2 * nb, 128), jnp.float32),
            pltpu.SemaphoreType.DMA((NB,)),
            pltpu.SemaphoreType.DMA((NB,)),
        ],
    )
    def k(dst_hbm, batch_hbm, deg_out, cnt_out, didx_v, bidx_v, ones_v,
          zbuf_v, acc_sh, cnt_sh, isem, ssem):
        c = lax.axis_index("c")
        s = lax.axis_index("s")
        w = c * NS + s
        base0 = w * nchunk

        def fill(i, _):
            r = i // 8
            q = i % 8
            ones_v[r, pl.ds(q * 16, 16)] = jnp.full((16,), 1.0, jnp.float32)
            zbuf_v[r, pl.ds(q * 16, 16)] = jnp.zeros((16,), jnp.float32)
            return 0
        lax.fori_loop(0, CH * 8, fill, 0)

        def zrow(j, _):
            pltpu.sync_copy(zbuf_v, acc_sh.at[pl.ds(s * zrows_per_tile
                                                    + j * CH, CH)])
            return 0
        lax.fori_loop(0, zrows_per_tile // CH, zrow, 0)

        @pl.when(s < cnt_rows // CH)
        def _():
            pltpu.sync_copy(zbuf_v, cnt_sh.at[pl.ds(s * CH, CH)])

        plsc.subcore_barrier()

        def id_load(ch, b):
            return pltpu.make_async_copy(
                dst_hbm.at[pl.ds((base0 + ch) * CH, CH)], didx_v.at[b],
                isem.at[b])

        def s_mirror(b):
            return pltpu.make_async_copy(ones_v, acc_sh.at[didx_v.at[b]],
                                         ssem.at[b])

        for b in range(NB):
            id_load(b, b).start()

        def group(gi, _):
            for b in range(NB):
                id_load(gi * NB + b, b).wait()
                pltpu.async_copy(ones_v, acc_sh.at[didx_v.at[b]], ssem.at[b],
                                 add=True)
            for b in range(NB):
                s_mirror(b).wait()
                id_load((gi + 1) * NB + b, b).start()
            return 0
        lax.fori_loop(0, ngroup - 1, group, 0)

        for b in range(NB):
            id_load((ngroup - 1) * NB + b, b).wait()
            pltpu.async_copy(ones_v, acc_sh.at[didx_v.at[b]], ssem.at[b],
                             add=True)
        for b in range(NB):
            s_mirror(b).wait()

        def bbody(j, _):
            base = (w * nbchunk + j) * bch
            pltpu.sync_copy(batch_hbm.at[pl.ds(base, bch)], bidx_v)
            pltpu.sync_copy(ones_v.at[pl.ds(0, bch)], cnt_sh.at[bidx_v],
                            add=True)
            return 0
        lax.fori_loop(0, nbchunk, bbody, 0)

        plsc.subcore_barrier()

        pltpu.sync_copy(
            acc_sh.at[pl.ds(s * zrows_per_tile, zrows_per_tile)],
            deg_out.at[c, pl.ds(s * zrows_per_tile, zrows_per_tile)])

        @pl.when(s == 0)
        def _():
            pltpu.sync_copy(cnt_sh.at[pl.ds(0, nb)], cnt_out.at[c])

    return k(dst_pad, batch_pad)


def _sc_agg(g, src_pad, dst_pad, np_rows, ep):
    rows_per_tile = np_rows // NS
    ECH = 64
    NB = 4
    tpp = ep // (ECH * NS)
    nch0 = (int(round(tpp * C0_FRAC)) // NB) * NB
    nch1 = tpp - nch0

    @functools.partial(
        pl.kernel,
        out_type=jax.ShapeDtypeStruct((NC, np_rows, 128), jnp.float32),
        mesh=_mesh(),
        scratch_types=(
            [pltpu.VMEM((ECH,), jnp.int32)] * NB
            + [pltpu.VMEM((ECH,), jnp.int32)] * NB
            + [pltpu.VMEM((ECH, 128), jnp.float32)] * NB
            + [pltpu.VMEM((ECH, 128), jnp.float32),
               pltpu.VMEM_SHARED((np_rows, 128), jnp.float32),
               pltpu.SemaphoreType.DMA((NB,)),
               pltpu.SemaphoreType.DMA((NB,)),
               pltpu.SemaphoreType.DMA((NB,)),
               pltpu.SemaphoreType.DMA((NB,))]),
    )
    def k(g_hbm, src_hbm, dst_hbm, out_hbm,
          si0, si1, si2, si3, di0, di1, di2, di3, r0, r1, r2, r3,
          zbuf_v, acc_sh, issem, idsem, gsem, ssem):
        sidx = [si0, si1, si2, si3]
        didx = [di0, di1, di2, di3]
        rows = [r0, r1, r2, r3]
        c = lax.axis_index("c")
        s = lax.axis_index("s")
        nchunk = jnp.where(c == 0, nch0, nch1)
        ngroup = nchunk // NB
        base0 = jnp.where(c == 0, s * nch0, NS * nch0 + s * nch1)

        def zf(i, _):
            r = i // 8
            q = i % 8
            zbuf_v[r, pl.ds(q * 16, 16)] = jnp.zeros((16,), jnp.float32)
            return 0
        lax.fori_loop(0, ECH * 8, zf, 0)

        def zrow(j, _):
            pltpu.sync_copy(zbuf_v, acc_sh.at[pl.ds(s * rows_per_tile
                                                    + j * ECH, ECH)])
            return 0
        lax.fori_loop(0, rows_per_tile // ECH, zrow, 0)
        plsc.subcore_barrier()

        def is_load(ch, b):
            return pltpu.make_async_copy(
                src_hbm.at[pl.ds((base0 + ch) * ECH, ECH)], sidx[b],
                issem.at[b])

        def id_load(ch, b):
            return pltpu.make_async_copy(
                dst_hbm.at[pl.ds((base0 + ch) * ECH, ECH)], didx[b],
                idsem.at[b])

        def g_desc(b):
            return pltpu.make_async_copy(g_hbm.at[sidx[b]], rows[b],
                                         gsem.at[b])

        def s_mirror(b):
            return pltpu.make_async_copy(rows[b], acc_sh.at[didx[b]],
                                         ssem.at[b])

        for b in range(NB):
            is_load(b, b).start()
            id_load(b, b).start()
        for b in range(NB):
            is_load(b, b).wait()
            g_desc(b).start()

        def group(gi, _):
            for b in range(NB):
                g_desc(b).wait()
                id_load(gi * NB + b, b).wait()
                pltpu.async_copy(rows[b], acc_sh.at[didx[b]], ssem.at[b],
                                 add=True)
            for b in range(NB):
                s_mirror(b).wait()
                is_load((gi + 1) * NB + b, b).start()
                id_load((gi + 1) * NB + b, b).start()
            for b in range(NB):
                is_load((gi + 1) * NB + b, b).wait()
                g_desc(b).start()
            return 0
        lax.fori_loop(0, ngroup - 1, group, 0)

        for b in range(NB):
            g_desc(b).wait()
            id_load((ngroup - 1) * NB + b, b).wait()
            pltpu.async_copy(rows[b], acc_sh.at[didx[b]], ssem.at[b],
                             add=True)
        for b in range(NB):
            s_mirror(b).wait()

        plsc.subcore_barrier()

        pltpu.sync_copy(
            acc_sh.at[pl.ds(s * rows_per_tile, rows_per_tile)],
            out_hbm.at[c, pl.ds(s * rows_per_tile, rows_per_tile)])

    return k(g, src_pad, dst_pad)


def _sc_pool(h2, batch_pad, np_rows, nb):
    bch = 64
    rows_per_tile = np_rows // (NC * NS)
    nchunk = rows_per_tile // bch
    acc_rows = 2 * nb

    @functools.partial(
        pl.kernel,
        out_type=jax.ShapeDtypeStruct((NC, nb, 128), jnp.float32),
        mesh=_mesh(),
        scratch_types=[
            pltpu.VMEM((bch,), jnp.int32),
            pltpu.VMEM((bch, 128), jnp.float32),
            pltpu.VMEM((CH, 128), jnp.float32),
            pltpu.VMEM_SHARED((2 * nb, 128), jnp.float32),
        ],
    )
    def k(h2_hbm, batch_hbm, out_hbm, bidx_v, rows_v, zbuf_v, acc_sh):
        c = lax.axis_index("c")
        s = lax.axis_index("s")
        w = c * NS + s

        def zf(i, _):
            r = i // 8
            q = i % 8
            zbuf_v[r, pl.ds(q * 16, 16)] = jnp.zeros((16,), jnp.float32)
            return 0
        lax.fori_loop(0, CH * 8, zf, 0)

        @pl.when(s < acc_rows // CH)
        def _():
            pltpu.sync_copy(zbuf_v, acc_sh.at[pl.ds(s * CH, CH)])
        plsc.subcore_barrier()

        def body(j, _):
            base = (w * nchunk + j) * bch
            pltpu.sync_copy(batch_hbm.at[pl.ds(base, bch)], bidx_v)
            pltpu.sync_copy(h2_hbm.at[pl.ds(base, bch)], rows_v)
            pltpu.sync_copy(rows_v, acc_sh.at[bidx_v], add=True)
            return 0
        lax.fori_loop(0, nchunk, body, 0)
        plsc.subcore_barrier()

        @pl.when(s < 8)
        def _():
            pltpu.sync_copy(acc_sh.at[pl.ds(s * 16, 16)],
                            out_hbm.at[c, pl.ds(s * 16, 16)])

    return k(h2, batch_pad)



def kernel(x, edge_index, batch, W1, b1, W2, b2, Wc, bc):
    n, d = x.shape
    e = edge_index.shape[1]
    nb = 128

    runit = CH * NS
    eunit = CH * NC * NS * 4
    np_rows = ((n + runit - 1) // runit) * runit
    ep = ((e + eunit - 1) // eunit) * eunit

    x_pad = jnp.pad(x, ((0, np_rows - n), (0, 0)))
    pad_idx = jnp.full((ep - e,), n, jnp.int32)
    src = jnp.concatenate([edge_index[0], pad_idx])
    dst = jnp.concatenate([edge_index[1], pad_idx])
    batch_pad = jnp.concatenate(
        [batch, jnp.full((np_rows - n,), nb, jnp.int32)])

    b1r = b1.reshape(1, 128)
    b2r = b2.reshape(1, 128)
    bcr = bc.reshape(1, 1)

    h1p = _tc_matmul(x_pad, W1, np_rows)
    deg_st, cnt_st = _sc_deg(dst, batch_pad, np_rows, ep, nb)
    dinv, g1 = _k3(h1p, deg_st, np_rows)
    a1_st = _sc_agg(g1, src, dst, np_rows, ep)
    g2 = _k5(a1_st, g1, dinv, b1r, W2, np_rows)
    a2_st = _sc_agg(g2, src, dst, np_rows, ep)
    h2 = _k7(a2_st, g2, dinv, b2r, np_rows)
    sums_st = _sc_pool(h2, batch_pad, np_rows, nb)
    return _k9(sums_st, cnt_st, Wc, bcr)

# --- scband reference (transcript-rebuilt; emitter-appended) ---
"""Pipeline reference for scband-mpnn-25546465476713 (READ-ONLY COPY).

The authoritative reference and input builder live on the scoring server;
editing this copy changes nothing except your own understanding.
"""

import jax, jax.numpy as jnp
import numpy as np

N = 10000
E = 320000
D = 128
H = 128
B = 128


def setup_inputs(seed: int = 0) -> dict:
    key = jax.random.key(seed)
    ks = [jax.random.fold_in(key, i) for i in range(10)]
    x = jax.random.normal(ks[0], (N, D), dtype=jnp.float32)
    edge_index = jax.random.randint(ks[1], (2, E), 0, N, dtype=jnp.int32)
    batch = jnp.sort(jax.random.randint(ks[2], (N,), 0, B, dtype=jnp.int32))
    W1 = jax.random.normal(ks[3], (D, H), dtype=jnp.float32) * (1.0 / np.sqrt(D))
    b1 = jnp.zeros((H,), dtype=jnp.float32)
    W2 = jax.random.normal(ks[4], (H, H), dtype=jnp.float32) * (1.0 / np.sqrt(H))
    b2 = jnp.zeros((H,), dtype=jnp.float32)
    Wc = jax.random.normal(ks[5], (H, 1), dtype=jnp.float32) * (1.0 / np.sqrt(H))
    bc = jnp.zeros((1,), dtype=jnp.float32)
    return {"x": x, "edge_index": edge_index, "batch": batch,
            "W1": W1, "b1": b1, "W2": W2, "b2": b2, "Wc": Wc, "bc": bc}


def gcn_conv(x, edge_index, W, b):
    n = x.shape[0]
    loop = jnp.arange(n, dtype=edge_index.dtype)
    src = jnp.concatenate([edge_index[0], loop])
    dst = jnp.concatenate([edge_index[1], loop])
    deg = jnp.zeros((n,), dtype=x.dtype).at[dst].add(1.0)
    dinv = 1.0 / jnp.sqrt(jnp.clip(deg, 1.0))
    norm = dinv[src] * dinv[dst]
    h = x @ W
    msg = h[src] * norm[:, None]
    out = jax.ops.segment_sum(msg, dst, num_segments=n)
    return out + b


def reference(x, edge_index, batch, W1, b1, W2, b2, Wc, bc):
    h = jax.nn.relu(gcn_conv(x, edge_index, W1, b1))
    h = jax.nn.relu(gcn_conv(h, edge_index, W2, b2))
    sums = jax.ops.segment_sum(h, batch, num_segments=B)
    cnt = jax.ops.segment_sum(jnp.ones((h.shape[0], 1), dtype=h.dtype), batch, num_segments=B)
    pooled = sums / jnp.clip(cnt, 1.0)
    return pooled @ Wc + bc

if __name__ == "__main__":
    import jax
    _d = setup_inputs()
    print(jax.jit(kernel)(*tuple(_d.values())))

</pallas_src>

<mosaic_0001>
#map = affine_map<(d0, d1) -> (0)>
#map1 = affine_map<(d0, d1) -> (0, 0, 0)>
module attributes {stable_mosaic.version = 14 : i64} {
  func.func @k(%arg0: i32, %arg1: i32, %arg2: memref<327680xi32, #tpu.memory_space<hbm>>, %arg3: memref<10240xi32, #tpu.memory_space<hbm>>, %arg4: memref<2x10240x128xf32, #tpu.memory_space<hbm>>, %arg5: memref<2x128x128xf32, #tpu.memory_space<hbm>>, %arg6: memref<4x128xi32, #tpu.memory_space<vmem>>, %arg7: memref<64xi32, #tpu.memory_space<vmem>>, %arg8: memref<128x128xf32, #tpu.memory_space<vmem>>, %arg9: memref<128x128xf32, #tpu.memory_space<vmem>>, %arg10: memref<10240x128xf32, #tpu.memory_space<vmem_shared>>, %arg11: memref<256x128xf32, #tpu.memory_space<vmem_shared>>, %arg12: memref<4x!tpu.dma_semaphore, #tpu.memory_space<semaphore_mem>>, %arg13: memref<4x!tpu.dma_semaphore, #tpu.memory_space<semaphore_mem>>) attributes {dimension_semantics = [#tpu.dimension_semantics<core_parallel>, #tpu.dimension_semantics<subcore_parallel>], iteration_bounds = array<i64: 2, 16>, scalar_prefetch = 0 : i64, scratch_operands = 8 : i64, tpu.core_type = #tpu.core_type<sc_vector_subcore>, window_params = [{transform_indices = #map}, {transform_indices = #map}, {transform_indices = #map1}, {transform_indices = #map1}]} {
    %mul3A = arith.constant 16 : i32
    %mul3A_0 = arith.muli %arg0, %mul3A : i32
    %add3A = arith.addi %mul3A_0, %arg1 : i32
    %mul3A_1 = arith.constant 80 : i32
    %mul3A_2 = arith.muli %add3A, %mul3A_1 : i32
    %scan3A = arith.constant 0 : i32
    %scan3A_3 = arith.constant 0 : i32
    %scan3A_4 = arith.constant 1024 : i32
    %scan3A_5 = arith.addi %scan3A_3, %scan3A_4 : i32
    %scan3A_6 = arith.constant 1 : i32
    %scan3A_7 = scf.for %scan3A_247 = %scan3A_3 to %scan3A_5 step %scan3A_6 iter_args(%scan3A_248 = %scan3A) -> (i32)  : i32 {
      %jit3A = arith.constant 8 : i32
      %div3A = arith.divsi %scan3A_247, %jit3A : i32
      %sign3A = arith.constant 0 : i32
      %sign3A_249 = arith.cmpi sgt, %scan3A_247, %sign3A : i32
      %sign3A_250 = arith.extui %sign3A_249 : i1 to i32
      %sign3A_251 = arith.constant 0 : i32
      %sign3A_252 = arith.cmpi slt, %scan3A_247, %sign3A_251 : i32
      %sign3A_253 = arith.extui %sign3A_252 : i1 to i32
      %sign3A_254 = arith.subi %sign3A_250, %sign3A_253 : i32
      %sign3A_255 = arith.constant 0 : i32
      %sign3A_256 = arith.cmpi sgt, %jit3A, %sign3A_255 : i32
      %sign3A_257 = arith.extui %sign3A_256 : i1 to i32
      %sign3A_258 = arith.constant 0 : i32
      %sign3A_259 = arith.cmpi slt, %jit3A, %sign3A_258 : i32
      %sign3A_260 = arith.extui %sign3A_259 : i1 to i32
      %sign3A_261 = arith.subi %sign3A_257, %sign3A_260 : i32
      %ne3A = arith.cmpi ne, %sign3A_254, %sign3A_261 : i32
      %rem3A = arith.remsi %scan3A_247, %jit3A : i32
      %ne3A_262 = arith.constant 0 : i32
      %ne3A_263 = arith.cmpi ne, %rem3A, %ne3A_262 : i32
      %and3A = arith.andi %ne3A, %ne3A_263 : i1
      %sub3A = arith.constant 1 : i32
      %sub3A_264 = arith.subi %div3A, %sub3A : i32
      %select_n3A = arith.select %and3A, %sub3A_264, %div3A : i32
      %jit3A_265 = arith.constant 8 : i32
      %eq3A_266 = arith.constant 0 : i32
      %eq3A_267 = arith.cmpi eq, %jit3A_265, %eq3A_266 : i32
      %jit3A_268 = arith.constant 1 : i32
      %select_n3A_269 = arith.select %eq3A_267, %jit3A_268, %jit3A_265 : i32
      %rem3A_270 = arith.remsi %scan3A_247, %select_n3A_269 : i32
      %ne3A_271 = arith.constant 0 : i32
      %ne3A_272 = arith.cmpi ne, %rem3A_270, %ne3A_271 : i32
      %lt3A_273 = arith.constant 0 : i32
      %lt3A_274 = arith.cmpi slt, %rem3A_270, %lt3A_273 : i32
      %lt3A_275 = arith.constant 0 : i32
      %lt3A_276 = arith.cmpi slt, %select_n3A_269, %lt3A_275 : i32
      %ne3A_277 = arith.xori %lt3A_274, %lt3A_276 : i1
      %and3A_278 = arith.andi %ne3A_277, %ne3A_272 : i1
      %add3A_279 = arith.addi %rem3A_270, %select_n3A_269 : i32
      %select_n3A_280 = arith.select %and3A_278, %add3A_279, %rem3A_270 : i32
      %broadcast_in_dim3A = arith.constant 1.000000e+00 : f32
      %broadcast_in_dim3A_281 = vector.broadcast %broadcast_in_dim3A : f32 to vector<16xf32>
      %mul3A_282 = arith.constant 16 : i32
      %mul3A_283 = arith.muli %select_n3A_280, %mul3A_282 : i32
      %swap3A = arith.index_cast %select_n3A : i32 to index
      %swap3A_284 = arith.index_cast %mul3A_283 : i32 to index
      %swap3A_285 = tpu.vector_load %arg8[%swap3A, %swap3A_284] {strides = array<i32>} : memref<128x128xf32, #tpu.memory_space<vmem>>, vector<1x16xf32>,
      %swap3A_286 = vector.shape_cast %swap3A_285 : vector<1x16xf32> to vector<16xf32>
      %swap3A_287 = vector.shape_cast %broadcast_in_dim3A_281 : vector<16xf32> to vector<1x16xf32>
      tpu.vector_store %arg8[%swap3A, %swap3A_284], %swap3A_287 {strides = array<i32>} : memref<128x128xf32, #tpu.memory_space<vmem>>, vector<1x16xf32>,
      %broadcast_in_dim3A_288 = arith.constant 0.000000e+00 : f32
      %broadcast_in_dim3A_289 = vector.broadcast %broadcast_in_dim3A_288 : f32 to vector<16xf32>
      %mul3A_290 = arith.constant 16 : i32
      %mul3A_291 = arith.muli %select_n3A_280, %mul3A_290 : i32
      %swap3A_292 = arith.index_cast %select_n3A : i32 to index
      %swap3A_293 = arith.index_cast %mul3A_291 : i32 to index
      %swap3A_294 = tpu.vector_load %arg9[%swap3A_292, %swap3A_293] {strides = array<i32>} : memref<128x128xf32, #tpu.memory_space<vmem>>, vector<1x16xf32>,
      %swap3A_295 = vector.shape_cast %swap3A_294 : vector<1x16xf32> to vector<16xf32>
      %swap3A_296 = vector.shape_cast %broadcast_in_dim3A_289 : vector<16xf32> to vector<1x16xf32>
      tpu.vector_store %arg9[%swap3A_292, %swap3A_293], %swap3A_296 {strides = array<i32>} : memref<128x128xf32, #tpu.memory_space<vmem>>, vector<1x16xf32>,
      %scan3A_297 = arith.constant 0 : i32
      scf.yield %scan3A_297 : i32
    }
    %scan3A_8 = arith.constant 1024 : i32
    %scan3A_9 = arith.constant 0 : i32
    %scan3A_10 = arith.constant 0 : i32
    %scan3A_11 = arith.constant 5 : i32
    %scan3A_12 = arith.addi %scan3A_10, %scan3A_11 : i32
    %scan3A_13 = arith.constant 1 : i32
    %scan3A_14 = scf.for %scan3A_247 = %scan3A_10 to %scan3A_12 step %scan3A_13 iter_args(%scan3A_248 = %scan3A_9) -> (i32)  : i32 {
      %mul3A_249 = arith.constant 640 : i32
      %mul3A_250 = arith.muli %arg1, %mul3A_249 : i32
      %mul3A_251 = arith.constant 128 : i32
      %mul3A_252 = arith.muli %scan3A_247, %mul3A_251 : i32
      %add3A_253 = arith.addi %mul3A_250, %mul3A_252 : i32
      "tpu.region"() ({
        %run_scoped3A = tpu.sem_alloc : memref<!tpu.dma_semaphore, #tpu.memory_space<semaphore_mem>>
        %dma_start3A_255 = arith.constant 0 : i32
        %dma_start3A_256 = tpu.memref_slice %arg10[%add3A_253, %dma_start3A_255] : memref<10240x128xf32, #tpu.memory_space<vmem_shared>> -> memref<128x128xf32, #tpu.memory_space<vmem_shared>>
        %dma_start3A_257 = arith.constant 0 : i32
        %dma_start3A_258 = tpu.memref_slice %arg10[%add3A_253, %dma_start3A_257] : memref<10240x128xf32, #tpu.memory_space<vmem_shared>> -> memref<128x128xf32, #tpu.memory_space<vmem_shared>>
        tpu.enqueue_dma source(%arg9 : memref<128x128xf32, #tpu.memory_space<vmem>>) target(%dma_start3A_258 : memref<128x128xf32, #tpu.memory_space<vmem_shared>>) target_semaphore(%run_scoped3A : memref<!tpu.dma_semaphore, #tpu.memory_space<semaphore_mem>>)
        %dma_wait3A_259 = arith.constant 0 : i32
        %dma_wait3A_260 = tpu.memref_slice %arg10[%add3A_253, %dma_wait3A_259] : memref<10240x128xf32, #tpu.memory_space<vmem_shared>> -> memref<128x128xf32, #tpu.memory_space<vmem_shared>>
        %dma_wait3A_261 = arith.constant 0 : i32
        %dma_wait3A_262 = tpu.memref_slice %arg10[%add3A_253, %dma_wait3A_261] : memref<10240x128xf32, #tpu.memory_space<vmem_shared>> -> memref<128x128xf32, #tpu.memory_space<vmem_shared>>
        tpu.wait_dma2 semaphore(%run_scoped3A : memref<!tpu.dma_semaphore, #tpu.memory_space<semaphore_mem>>) src(%arg9 : memref<128x128xf32, #tpu.memory_space<vmem>>) dst(%dma_wait3A_262 : memref<128x128xf32, #tpu.memory_space<vmem_shared>>)
        tpu.yield
      }) : () -> ()
      %scan3A_254 = arith.constant 0 : i32
      scf.yield %scan3A_254 : i32
    }
    %scan3A_15 = arith.constant 5 : i32
    %lt3A = arith.constant 2 : i32
    %lt3A_16 = arith.cmpi slt, %arg1, %lt3A : i32
    %convert_element_type3A = arith.extui %lt3A_16 : i1 to i32
    %cond3A = arith.constant 0 : i32
    %cond3A_17 = arith.cmpi ne, %convert_element_type3A, %cond3A : i32
    scf.if %cond3A_17 {
      %mul3A_247 = arith.constant 128 : i32
      %mul3A_248 = arith.muli %arg1, %mul3A_247 : i32
      "tpu.region"() ({
        %run_scoped3A = tpu.sem_alloc : memref<!tpu.dma_semaphore, #tpu.memory_space<semaphore_mem>>
        %dma_start3A_249 = arith.constant 0 : i32
        %dma_start3A_250 = tpu.memref_slice %arg11[%mul3A_248, %dma_start3A_249] : memref<256x128xf32, #tpu.memory_space<vmem_shared>> -> memref<128x128xf32, #tpu.memory_space<vmem_shared>>
        %dma_start3A_251 = arith.constant 0 : i32
        %dma_start3A_252 = tpu.memref_slice %arg11[%mul3A_248, %dma_start3A_251] : memref<256x128xf32, #tpu.memory_space<vmem_shared>> -> memref<128x128xf32, #tpu.memory_space<vmem_shared>>
        tpu.enqueue_dma source(%arg9 : memref<128x128xf32, #tpu.memory_space<vmem>>) target(%dma_start3A_252 : memref<128x128xf32, #tpu.memory_space<vmem_shared>>) target_semaphore(%run_scoped3A : memref<!tpu.dma_semaphore, #tpu.memory_space<semaphore_mem>>)
        %dma_wait3A_253 = arith.constant 0 : i32
        %dma_wait3A_254 = tpu.memref_slice %arg11[%mul3A_248, %dma_wait3A_253] : memref<256x128xf32, #tpu.memory_space<vmem_shared>> -> memref<128x128xf32, #tpu.memory_space<vmem_shared>>
        %dma_wait3A_255 = arith.constant 0 : i32
        %dma_wait3A_256 = tpu.memref_slice %arg11[%mul3A_248, %dma_wait3A_255] : memref<256x128xf32, #tpu.memory_space<vmem_shared>> -> memref<128x128xf32, #tpu.memory_space<vmem_shared>>
        tpu.wait_dma2 semaphore(%run_scoped3A : memref<!tpu.dma_semaphore, #tpu.memory_space<semaphore_mem>>) src(%arg9 : memref<128x128xf32, #tpu.memory_space<vmem>>) dst(%dma_wait3A_256 : memref<128x128xf32, #tpu.memory_space<vmem_shared>>)
        tpu.yield
      }) : () -> ()
    } else {
    }
    %barrier3A = arith.constant 0 : index
    tpu.barrier barrier_id(%barrier3A)
    %add3A_18 = arith.constant 0 : i32
    %add3A_19 = arith.addi %mul3A_2, %add3A_18 : i32
    %mul3A_20 = arith.constant 128 : i32
    %mul3A_21 = arith.muli %add3A_19, %mul3A_20 : i32
    %dma_start3A = arith.constant 0 : i32
    %dma_start3A_22 = arith.constant 0 : i32
    %dma_start3A_23 = arith.constant 0 : i32
    %dma_start3A_24 = tpu.memref_slice %arg6[%dma_start3A, %dma_start3A_23] : memref<4x128xi32, #tpu.memory_space<vmem>> -> memref<1x128xi32, #tpu.memory_space<vmem>>
    %dma_start3A_25 = tpu.memref_squeeze %dma_start3A_24 : memref<1x128xi32, #tpu.memory_space<vmem>> -> memref<128xi32, #tpu.memory_space<vmem>>
    %dma_start3A_26 = tpu.memref_slice %arg2[%mul3A_21] : memref<327680xi32, #tpu.memory_space<hbm>> -> memref<128xi32, #tpu.memory_space<hbm>>
    %dma_start3A_27 = tpu.memref_slice %arg12[%dma_start3A_22] : memref<4x!tpu.dma_semaphore, #tpu.memory_space<semaphore_mem>> -> memref<1x!tpu.dma_semaphore, #tpu.memory_space<semaphore_mem>>
    %dma_start3A_28 = tpu.memref_squeeze %dma_start3A_27 : memref<1x!tpu.dma_semaphore, #tpu.memory_space<semaphore_mem>> -> memref<!tpu.dma_semaphore, #tpu.memory_space<semaphore_mem>>
    %dma_start3A_29 = arith.constant 0 : i32
    %dma_start3A_30 = tpu.memref_slice %arg6[%dma_start3A, %dma_start3A_29] : memref<4x128xi32, #tpu.memory_space<vmem>> -> memref<1x128xi32, #tpu.memory_space<vmem>>
    %dma_start3A_31 = tpu.memref_squeeze %dma_start3A_30 : memref<1x128xi32, #tpu.memory_space<vmem>> -> memref<128xi32, #tpu.memory_space<vmem>>
    %dma_start3A_32 = tpu.memref_slice %arg2[%mul3A_21] : memref<327680xi32, #tpu.memory_space<hbm>> -> memref<128xi32, #tpu.memory_space<hbm>>
    tpu.enqueue_dma source(%dma_start3A_32 : memref<128xi32, #tpu.memory_space<hbm>>) target(%dma_start3A_31 : memref<128xi32, #tpu.memory_space<vmem>>) target_semaphore(%dma_start3A_28 : memref<!tpu.dma_semaphore, #tpu.memory_space<semaphore_mem>>)
    %add3A_33 = arith.constant 1 : i32
    %add3A_34 = arith.addi %mul3A_2, %add3A_33 : i32
    %mul3A_35 = arith.constant 128 : i32
    %mul3A_36 = arith.muli %add3A_34, %mul3A_35 : i32
    %dma_start3A_37 = arith.constant 1 : i32
    %dma_start3A_38 = arith.constant 1 : i32
    %dma_start3A_39 = arith.constant 0 : i32
    %dma_start3A_40 = tpu.memref_slice %arg6[%dma_start3A_37, %dma_start3A_39] : memref<4x128xi32, #tpu.memory_space<vmem>> -> memref<1x128xi32, #tpu.memory_space<vmem>>
    %dma_start3A_41 = tpu.memref_squeeze %dma_start3A_40 : memref<1x128xi32, #tpu.memory_space<vmem>> -> memref<128xi32, #tpu.memory_space<vmem>>
    %dma_start3A_42 = tpu.memref_slice %arg2[%mul3A_36] : memref<327680xi32, #tpu.memory_space<hbm>> -> memref<128xi32, #tpu.memory_space<hbm>>
    %dma_start3A_43 = tpu.memref_slice %arg12[%dma_start3A_38] : memref<4x!tpu.dma_semaphore, #tpu.memory_space<semaphore_mem>> -> memref<1x!tpu.dma_semaphore, #tpu.memory_space<semaphore_mem>>
    %dma_start3A_44 = tpu.memref_squeeze %dma_start3A_43 : memref<1x!tpu.dma_semaphore, #tpu.memory_space<semaphore_mem>> -> memref<!tpu.dma_semaphore, #tpu.memory_space<semaphore_mem>>
    %dma_start3A_45 = arith.constant 0 : i32
    %dma_start3A_46 = tpu.memref_slice %arg6[%dma_start3A_37, %dma_start3A_45] : memref<4x128xi32, #tpu.memory_space<vmem>> -> memref<1x128xi32, #tpu.memory_space<vmem>>
    %dma_start3A_47 = tpu.memref_squeeze %dma_start3A_46 : memref<1x128xi32, #tpu.memory_space<vmem>> -> memref<128xi32, #tpu.memory_space<vmem>>
    %dma_start3A_48 = tpu.memref_slice %arg2[%mul3A_36] : memref<327680xi32, #tpu.memory_space<hbm>> -> memref<128xi32, #tpu.memory_space<hbm>>
    tpu.enqueue_dma source(%dma_start3A_48 : memref<128xi32, #tpu.memory_space<hbm>>) target(%dma_start3A_47 : memref<128xi32, #tpu.memory_space<vmem>>) target_semaphore(%dma_start3A_44 : memref<!tpu.dma_semaphore, #tpu.memory_space<semaphore_mem>>)
    %add3A_49 = arith.constant 2 : i32
    %add3A_50 = arith.addi %mul3A_2, %add3A_49 : i32
    %mul3A_51 = arith.constant 128 : i32
    %mul3A_52 = arith.muli %add3A_50, %mul3A_51 : i32
    %dma_start3A_53 = arith.constant 2 : i32
    %dma_start3A_54 = arith.constant 2 : i32
    %dma_start3A_55 = arith.constant 0 : i32
    %dma_start3A_56 = tpu.memref_slice %arg6[%dma_start3A_53, %dma_start3A_55] : memref<4x128xi32, #tpu.memory_space<vmem>> -> memref<1x128xi32, #tpu.memory_space<vmem>>
    %dma_start3A_57 = tpu.memref_squeeze %dma_start3A_56 : memref<1x128xi32, #tpu.memory_space<vmem>> -> memref<128xi32, #tpu.memory_space<vmem>>
    %dma_start3A_58 = tpu.memref_slice %arg2[%mul3A_52] : memref<327680xi32, #tpu.memory_space<hbm>> -> memref<128xi32, #tpu.memory_space<hbm>>
    %dma_start3A_59 = tpu.memref_slice %arg12[%dma_start3A_54] : memref<4x!tpu.dma_semaphore, #tpu.memory_space<semaphore_mem>> -> memref<1x!tpu.dma_semaphore, #tpu.memory_space<semaphore_mem>>
    %dma_start3A_60 = tpu.memref_squeeze %dma_start3A_59 : memref<1x!tpu.dma_semaphore, #tpu.memory_space<semaphore_mem>> -> memref<!tpu.dma_semaphore, #tpu.memory_space<semaphore_mem>>
    %dma_start3A_61 = arith.constant 0 : i32
    %dma_start3A_62 = tpu.memref_slice %arg6[%dma_start3A_53, %dma_start3A_61] : memref<4x128xi32, #tpu.memory_space<vmem>> -> memref<1x128xi32, #tpu.memory_space<vmem>>
    %dma_start3A_63 = tpu.memref_squeeze %dma_start3A_62 : memref<1x128xi32, #tpu.memory_space<vmem>> -> memref<128xi32, #tpu.memory_space<vmem>>
    %dma_start3A_64 = tpu.memref_slice %arg2[%mul3A_52] : memref<327680xi32, #tpu.memory_space<hbm>> -> memref<128xi32, #tpu.memory_space<hbm>>
    tpu.enqueue_dma source(%dma_start3A_64 : memref<128xi32, #tpu.memory_space<hbm>>) target(%dma_start3A_63 : memref<128xi32, #tpu.memory_space<vmem>>) target_semaphore(%dma_start3A_60 : memref<!tpu.dma_semaphore, #tpu.memory_space<semaphore_mem>>)
    %add3A_65 = arith.constant 3 : i32
    %add3A_66 = arith.addi %mul3A_2, %add3A_65 : i32
    %mul3A_67 = arith.constant 128 : i32
    %mul3A_68 = arith.muli %add3A_66, %mul3A_67 : i32
    %dma_start3A_69 = arith.constant 3 : i32
    %dma_start3A_70 = arith.constant 3 : i32
    %dma_start3A_71 = arith.constant 0 : i32
    %dma_start3A_72 = tpu.memref_slice %arg6[%dma_start3A_69, %dma_start3A_71] : memref<4x128xi32, #tpu.memory_space<vmem>> -> memref<1x128xi32, #tpu.memory_space<vmem>>
    %dma_start3A_73 = tpu.memref_squeeze %dma_start3A_72 : memref<1x128xi32, #tpu.memory_space<vmem>> -> memref<128xi32, #tpu.memory_space<vmem>>
    %dma_start3A_74 = tpu.memref_slice %arg2[%mul3A_68] : memref<327680xi32, #tpu.memory_space<hbm>> -> memref<128xi32, #tpu.memory_space<hbm>>
    %dma_start3A_75 = tpu.memref_slice %arg12[%dma_start3A_70] : memref<4x!tpu.dma_semaphore, #tpu.memory_space<semaphore_mem>> -> memref<1x!tpu.dma_semaphore, #tpu.memory_space<semaphore_mem>>
    %dma_start3A_76 = tpu.memref_squeeze %dma_start3A_75 : memref<1x!tpu.dma_semaphore, #tpu.memory_space<semaphore_mem>> -> memref<!tpu.dma_semaphore, #tpu.memory_space<semaphore_mem>>
    %dma_start3A_77 = arith.constant 0 : i32
    %dma_start3A_78 = tpu.memref_slice %arg6[%dma_start3A_69, %dma_start3A_77] : memref<4x128xi32, #tpu.memory_space<vmem>> -> memref<1x128xi32, #tpu.memory_space<vmem>>
    %dma_start3A_79 = tpu.memref_squeeze %dma_start3A_78 : memref<1x128xi32, #tpu.memory_space<vmem>> -> memref<128xi32, #tpu.memory_space<vmem>>
    %dma_start3A_80 = tpu.memref_slice %arg2[%mul3A_68] : memref<327680xi32, #tpu.memory_space<hbm>> -> memref<128xi32, #tpu.memory_space<hbm>>
    tpu.enqueue_dma source(%dma_start3A_80 : memref<128xi32, #tpu.memory_space<hbm>>) target(%dma_start3A_79 : memref<128xi32, #tpu.memory_space<vmem>>) target_semaphore(%dma_start3A_76 : memref<!tpu.dma_semaphore, #tpu.memory_space<semaphore_mem>>)
    %scan3A_81 = arith.constant 0 : i32
    %scan3A_82 = arith.constant 0 : i32
    %scan3A_83 = arith.constant 19 : i32
    %scan3A_84 = arith.addi %scan3A_82, %scan3A_83 : i32
    %scan3A_85 = arith.constant 1 : i32
    %scan3A_86 = scf.for %scan3A_247 = %scan3A_82 to %scan3A_84 step %scan3A_85 iter_args(%scan3A_248 = %scan3A_81) -> (i32)  : i32 {
      %mul3A_249 = arith.constant 4 : i32
      %mul3A_250 = arith.muli %scan3A_247, %mul3A_249 : i32
      %add3A_251 = arith.constant 0 : i32
      %add3A_252 = arith.addi %mul3A_250, %add3A_251 : i32
      %add3A_253 = arith.addi %mul3A_2, %add3A_252 : i32
      %mul3A_254 = arith.constant 128 : i32
      %mul3A_255 = arith.muli %add3A_253, %mul3A_254 : i32
      %dma_wait3A_256 = arith.constant 0 : i32
      %dma_wait3A_257 = arith.constant 0 : i32
      %dma_wait3A_258 = arith.constant 0 : i32
      %dma_wait3A_259 = tpu.memref_slice %arg6[%dma_wait3A_256, %dma_wait3A_258] : memref<4x128xi32, #tpu.memory_space<vmem>> -> memref<1x128xi32, #tpu.memory_space<vmem>>
      %dma_wait3A_260 = tpu.memref_squeeze %dma_wait3A_259 : memref<1x128xi32, #tpu.memory_space<vmem>> -> memref<128xi32, #tpu.memory_space<vmem>>
      %dma_wait3A_261 = tpu.memref_slice %arg2[%mul3A_255] : memref<327680xi32, #tpu.memory_space<hbm>> -> memref<128xi32, #tpu.memory_space<hbm>>
      %dma_wait3A_262 = tpu.memref_slice %arg12[%dma_wait3A_257] : memref<4x!tpu.dma_semaphore, #tpu.memory_space<semaphore_mem>> -> memref<1x!tpu.dma_semaphore, #tpu.memory_space<semaphore_mem>>
      %dma_wait3A_263 = tpu.memref_squeeze %dma_wait3A_262 : memref<1x!tpu.dma_semaphore, #tpu.memory_space<semaphore_mem>> -> memref<!tpu.dma_semaphore, #tpu.memory_space<semaphore_mem>>
      %dma_wait3A_264 = arith.constant 0 : i32
      %dma_wait3A_265 = tpu.memref_slice %arg6[%dma_wait3A_256, %dma_wait3A_264] : memref<4x128xi32, #tpu.memory_space<vmem>> -> memref<1x128xi32, #tpu.memory_space<vmem>>
      %dma_wait3A_266 = tpu.memref_squeeze %dma_wait3A_265 : memref<1x128xi32, #tpu.memory_space<vmem>> -> memref<128xi32, #tpu.memory_space<vmem>>
      %dma_wait3A_267 = tpu.memref_slice %arg2[%mul3A_255] : memref<327680xi32, #tpu.memory_space<hbm>> -> memref<128xi32, #tpu.memory_space<hbm>>
      tpu.wait_dma2 semaphore(%dma_wait3A_263 : memref<!tpu.dma_semaphore, #tpu.memory_space<semaphore_mem>>) src(%dma_wait3A_267 : memref<128xi32, #tpu.memory_space<hbm>>) dst(%dma_wait3A_266 : memref<128xi32, #tpu.memory_space<vmem>>)
      %dma_start3A_268 = arith.constant 0 : i32
      %dma_start3A_269 = arith.constant 0 : i32
      %dma_start3A_270 = arith.constant 0 : i32
      %dma_start3A_271 = tpu.memref_slice %arg6[%dma_start3A_268, %dma_start3A_270] : memref<4x128xi32, #tpu.memory_space<vmem>> -> memref<1x128xi32, #tpu.memory_space<vmem>>
      %dma_start3A_272 = tpu.memref_squeeze %dma_start3A_271 : memref<1x128xi32, #tpu.memory_space<vmem>> -> memref<128xi32, #tpu.memory_space<vmem>>
      %dma_start3A_273 = arith.constant 0 : i32
      %dma_start3A_274 = arith.constant 0 : i32
      %dma_start3A_275 = tpu.memref_slice %arg10[%dma_start3A_273, %dma_start3A_274] : memref<10240x128xf32, #tpu.memory_space<vmem_shared>> -> memref<10240x128xf32, #tpu.memory_space<vmem_shared>>
      %dma_start3A_276 = tpu.memref_slice %arg13[%dma_start3A_269] : memref<4x!tpu.dma_semaphore, #tpu.memory_space<semaphore_mem>> -> memref<1x!tpu.dma_semaphore, #tpu.memory_space<semaphore_mem>>
      %dma_start3A_277 = tpu.memref_squeeze %dma_start3A_276 : memref<1x!tpu.dma_semaphore, #tpu.memory_space<semaphore_mem>> -> memref<!tpu.dma_semaphore, #tpu.memory_space<semaphore_mem>>
      tpu.enqueue_indirect_dma source(%arg8 : memref<128x128xf32, #tpu.memory_space<vmem>>) target(%dma_start3A_275 : memref<10240x128xf32, #tpu.memory_space<vmem_shared>>) offsets(%dma_start3A_272 : memref<128xi32, #tpu.memory_space<vmem>>) semaphore(%dma_start3A_277 : memref<!tpu.dma_semaphore, #tpu.memory_space<semaphore_mem>>) {add = true}
      %mul3A_278 = arith.constant 4 : i32
      %mul3A_279 = arith.muli %scan3A_247, %mul3A_278 : i32
      %add3A_280 = arith.constant 1 : i32
      %add3A_281 = arith.addi %mul3A_279, %add3A_280 : i32
      %add3A_282 = arith.addi %mul3A_2, %add3A_281 : i32
      %mul3A_283 = arith.constant 128 : i32
      %mul3A_284 = arith.muli %add3A_282, %mul3A_283 : i32
      %dma_wait3A_285 = arith.constant 1 : i32
      %dma_wait3A_286 = arith.constant 1 : i32
      %dma_wait3A_287 = arith.constant 0 : i32
      %dma_wait3A_288 = tpu.memref_slice %arg6[%dma_wait3A_285, %dma_wait3A_287] : memref<4x128xi32, #tpu.memory_space<vmem>> -> memref<1x128xi32, #tpu.memory_space<vmem>>
      %dma_wait3A_289 = tpu.memref_squeeze %dma_wait3A_288 : memref<1x128xi32, #tpu.memory_space<vmem>> -> memref<128xi32, #tpu.memory_space<vmem>>
      %dma_wait3A_290 = tpu.memref_slice %arg2[%mul3A_284] : memref<327680xi32, #tpu.memory_space<hbm>> -> memref<128xi32, #tpu.memory_space<hbm>>
      %dma_wait3A_291 = tpu.memref_slice %arg12[%dma_wait3A_286] : memref<4x!tpu.dma_semaphore, #tpu.memory_space<semaphore_mem>> -> memref<1x!tpu.dma_semaphore, #tpu.memory_space<semaphore_mem>>
      %dma_wait3A_292 = tpu.memref_squeeze %dma_wait3A_291 : memref<1x!tpu.dma_semaphore, #tpu.memory_space<semaphore_mem>> -> memref<!tpu.dma_semaphore, #tpu.memory_space<semaphore_mem>>
      %dma_wait3A_293 = arith.constant 0 : i32
      %dma_wait3A_294 = tpu.memref_slice %arg6[%dma_wait3A_285, %dma_wait3A_293] : memref<4x128xi32, #tpu.memory_space<vmem>> -> memref<1x128xi32, #tpu.memory_space<vmem>>
      %dma_wait3A_295 = tpu.memref_squeeze %dma_wait3A_294 : memref<1x128xi32, #tpu.memory_space<vmem>> -> memref<128xi32, #tpu.memory_space<vmem>>
      %dma_wait3A_296 = tpu.memref_slice %arg2[%mul3A_284] : memref<327680xi32, #tpu.memory_space<hbm>> -> memref<128xi32, #tpu.memory_space<hbm>>
      tpu.wait_dma2 semaphore(%dma_wait3A_292 : memref<!tpu.dma_semaphore, #tpu.memory_space<semaphore_mem>>) src(%dma_wait3A_296 : memref<128xi32, #tpu.memory_space<hbm>>) dst(%dma_wait3A_295 : memref<128xi32, #tpu.memory_space<vmem>>)
      %dma_start3A_297 = arith.constant 1 : i32
      %dma_start3A_298 = arith.constant 1 : i32
      %dma_start3A_299 = arith.constant 0 : i32
      %dma_start3A_300 = tpu.memref_slice %arg6[%dma_start3A_297, %dma_start3A_299] : memref<4x128xi32, #tpu.memory_space<vmem>> -> memref<1x128xi32, #tpu.memory_space<vmem>>
      %dma_start3A_301 = tpu.memref_squeeze %dma_start3A_300 : memref<1x128xi32, #tpu.memory_space<vmem>> -> memref<128xi32, #tpu.memory_space<vmem>>
      %dma_start3A_302 = arith.constant 0 : i32
      %dma_start3A_303 = arith.constant 0 : i32
      %dma_start3A_304 = tpu.memref_slice %arg10[%dma_start3A_302, %dma_start3A_303] : memref<10240x128xf32, #tpu.memory_space<vmem_shared>> -> memref<10240x128xf32, #tpu.memory_space<vmem_shared>>
      %dma_start3A_305 = tpu.memref_slice %arg13[%dma_start3A_298] : memref<4x!tpu.dma_semaphore, #tpu.memory_space<semaphore_mem>> -> memref<1x!tpu.dma_semaphore, #tpu.memory_space<semaphore_mem>>
      %dma_start3A_306 = tpu.memref_squeeze %dma_start3A_305 : memref<1x!tpu.dma_semaphore, #tpu.memory_space<semaphore_mem>> -> memref<!tpu.dma_semaphore, #tpu.memory_space<semaphore_mem>>
      tpu.enqueue_indirect_dma source(%arg8 : memref<128x128xf32, #tpu.memory_space<vmem>>) target(%dma_start3A_304 : memref<10240x128xf32, #tpu.memory_space<vmem_shared>>) offsets(%dma_start3A_301 : memref<128xi32, #tpu.memory_space<vmem>>) semaphore(%dma_start3A_306 : memref<!tpu.dma_semaphore, #tpu.memory_space<semaphore_mem>>) {add = true}
      %mul3A_307 = arith.constant 4 : i32
      %mul3A_308 = arith.muli %scan3A_247, %mul3A_307 : i32
      %add3A_309 = arith.constant 2 : i32
      %add3A_310 = arith.addi %mul3A_308, %add3A_309 : i32
      %add3A_311 = arith.addi %mul3A_2, %add3A_310 : i32
      %mul3A_312 = arith.constant 128 : i32
      %mul3A_313 = arith.muli %add3A_311, %mul3A_312 : i32
      %dma_wait3A_314 = arith.constant 2 : i32
      %dma_wait3A_315 = arith.constant 2 : i32
      %dma_wait3A_316 = arith.constant 0 : i32
      %dma_wait3A_317 = tpu.memref_slice %arg6[%dma_wait3A_314, %dma_wait3A_316] : memref<4x128xi32, #tpu.memory_space<vmem>> -> memref<1x128xi32, #tpu.memory_space<vmem>>
      %dma_wait3A_318 = tpu.memref_squeeze %dma_wait3A_317 : memref<1x128xi32, #tpu.memory_space<vmem>> -> memref<128xi32, #tpu.memory_space<vmem>>
      %dma_wait3A_319 = tpu.memref_slice %arg2[%mul3A_313] : memref<327680xi32, #tpu.memory_space<hbm>> -> memref<128xi32, #tpu.memory_space<hbm>>
      %dma_wait3A_320 = tpu.memref_slice %arg12[%dma_wait3A_315] : memref<4x!tpu.dma_semaphore, #tpu.memory_space<semaphore_mem>> -> memref<1x!tpu.dma_semaphore, #tpu.memory_space<semaphore_mem>>
      %dma_wait3A_321 = tpu.memref_squeeze %dma_wait3A_320 : memref<1x!tpu.dma_semaphore, #tpu.memory_space<semaphore_mem>> -> memref<!tpu.dma_semaphore, #tpu.memory_space<semaphore_mem>>
      %dma_wait3A_322 = arith.constant 0 : i32
      %dma_wait3A_323 = tpu.memref_slice %arg6[%dma_wait3A_314, %dma_wait3A_322] : memref<4x128xi32, #tpu.memory_space<vmem>> -> memref<1x128xi32, #tpu.memory_space<vmem>>
      %dma_wait3A_324 = tpu.memref_squeeze %dma_wait3A_323 : memref<1x128xi32, #tpu.memory_space<vmem>> -> memref<128xi32, #tpu.memory_space<vmem>>
      %dma_wait3A_325 = tpu.memref_slice %arg2[%mul3A_313] : memref<327680xi32, #tpu.memory_space<hbm>> -> memref<128xi32, #tpu.memory_space<hbm>>
      tpu.wait_dma2 semaphore(%dma_wait3A_321 : memref<!tpu.dma_semaphore, #tpu.memory_space<semaphore_mem>>) src(%dma_wait3A_325 : memref<128xi32, #tpu.memory_space<hbm>>) dst(%dma_wait3A_324 : memref<128xi32, #tpu.memory_space<vmem>>)
      %dma_start3A_326 = arith.constant 2 : i32
      %dma_start3A_327 = arith.constant 2 : i32
      %dma_start3A_328 = arith.constant 0 : i32
      %dma_start3A_329 = tpu.memref_slice %arg6[%dma_start3A_326, %dma_start3A_328] : memref<4x128xi32, #tpu.memory_space<vmem>> -> memref<1x128xi32, #tpu.memory_space<vmem>>
      %dma_start3A_330 = tpu.memref_squeeze %dma_start3A_329 : memref<1x128xi32, #tpu.memory_space<vmem>> -> memref<128xi32, #tpu.memory_space<vmem>>
      %dma_start3A_331 = arith.constant 0 : i32
      %dma_start3A_332 = arith.constant 0 : i32
      %dma_start3A_333 = tpu.memref_slice %arg10[%dma_start3A_331, %dma_start3A_332] : memref<10240x128xf32, #tpu.memory_space<vmem_shared>> -> memref<10240x128xf32, #tpu.memory_space<vmem_shared>>
      %dma_start3A_334 = tpu.memref_slice %arg13[%dma_start3A_327] : memref<4x!tpu.dma_semaphore, #tpu.memory_space<semaphore_mem>> -> memref<1x!tpu.dma_semaphore, #tpu.memory_space<semaphore_mem>>
      %dma_start3A_335 = tpu.memref_squeeze %dma_start3A_334 : memref<1x!tpu.dma_semaphore, #tpu.memory_space<semaphore_mem>> -> memref<!tpu.dma_semaphore, #tpu.memory_space<semaphore_mem>>
      tpu.enqueue_indirect_dma source(%arg8 : memref<128x128xf32, #tpu.memory_space<vmem>>) target(%dma_start3A_333 : memref<10240x128xf32, #tpu.memory_space<vmem_shared>>) offsets(%dma_start3A_330 : memref<128xi32, #tpu.memory_space<vmem>>) semaphore(%dma_start3A_335 : memref<!tpu.dma_semaphore, #tpu.memory_space<semaphore_mem>>) {add = true}
      %mul3A_336 = arith.constant 4 : i32
      %mul3A_337 = arith.muli %scan3A_247, %mul3A_336 : i32
      %add3A_338 = arith.constant 3 : i32
      %add3A_339 = arith.addi %mul3A_337, %add3A_338 : i32
      %add3A_340 = arith.addi %mul3A_2, %add3A_339 : i32
      %mul3A_341 = arith.constant 128 : i32
      %mul3A_342 = arith.muli %add3A_340, %mul3A_341 : i32
      %dma_wait3A_343 = arith.constant 3 : i32
      %dma_wait3A_344 = arith.constant 3 : i32
      %dma_wait3A_345 = arith.constant 0 : i32
      %dma_wait3A_346 = tpu.memref_slice %arg6[%dma_wait3A_343, %dma_wait3A_345] : memref<4x128xi32, #tpu.memory_space<vmem>> -> memref<1x128xi32, #tpu.memory_space<vmem>>
      %dma_wait3A_347 = tpu.memref_squeeze %dma_wait3A_346 : memref<1x128xi32, #tpu.memory_space<vmem>> -> memref<128xi32, #tpu.memory_space<vmem>>
      %dma_wait3A_348 = tpu.memref_slice %arg2[%mul3A_342] : memref<327680xi32, #tpu.memory_space<hbm>> -> memref<128xi32, #tpu.memory_space<hbm>>
      %dma_wait3A_349 = tpu.memref_slice %arg12[%dma_wait3A_344] : memref<4x!tpu.dma_semaphore, #tpu.memory_space<semaphore_mem>> -> memref<1x!tpu.dma_semaphore, #tpu.memory_space<semaphore_mem>>
      %dma_wait3A_350 = tpu.memref_squeeze %dma_wait3A_349 : memref<1x!tpu.dma_semaphore, #tpu.memory_space<semaphore_mem>> -> memref<!tpu.dma_semaphore, #tpu.memory_space<semaphore_mem>>
      %dma_wait3A_351 = arith.constant 0 : i32
      %dma_wait3A_352 = tpu.memref_slice %arg6[%dma_wait3A_343, %dma_wait3A_351] : memref<4x128xi32, #tpu.memory_space<vmem>> -> memref<1x128xi32, #tpu.memory_space<vmem>>
      %dma_wait3A_353 = tpu.memref_squeeze %dma_wait3A_352 : memref<1x128xi32, #tpu.memory_space<vmem>> -> memref<128xi32, #tpu.memory_space<vmem>>
      %dma_wait3A_354 = tpu.memref_slice %arg2[%mul3A_342] : memref<327680xi32, #tpu.memory_space<hbm>> -> memref<128xi32, #tpu.memory_space<hbm>>
      tpu.wait_dma2 semaphore(%dma_wait3A_350 : memref<!tpu.dma_semaphore, #tpu.memory_space<semaphore_mem>>) src(%dma_wait3A_354 : memref<128xi32, #tpu.memory_space<hbm>>) dst(%dma_wait3A_353 : memref<128xi32, #tpu.memory_space<vmem>>)
      %dma_start3A_355 = arith.constant 3 : i32
      %dma_start3A_356 = arith.constant 3 : i32
      %dma_start3A_357 = arith.constant 0 : i32
      %dma_start3A_358 = tpu.memref_slice %arg6[%dma_start3A_355, %dma_start3A_357] : memref<4x128xi32, #tpu.memory_space<vmem>> -> memref<1x128xi32, #tpu.memory_space<vmem>>
      %dma_start3A_359 = tpu.memref_squeeze %dma_start3A_358 : memref<1x128xi32, #tpu.memory_space<vmem>> -> memref<128xi32, #tpu.memory_space<vmem>>
      %dma_start3A_360 = arith.constant 0 : i32
      %dma_start3A_361 = arith.constant 0 : i32
      %dma_start3A_362 = tpu.memref_slice %arg10[%dma_start3A_360, %dma_start3A_361] : memref<10240x128xf32, #tpu.memory_space<vmem_shared>> -> memref<10240x128xf32, #tpu.memory_space<vmem_shared>>
      %dma_start3A_363 = tpu.memref_slice %arg13[%dma_start3A_356] : memref<4x!tpu.dma_semaphore, #tpu.memory_space<semaphore_mem>> -> memref<1x!tpu.dma_semaphore, #tpu.memory_space<semaphore_mem>>
      %dma_start3A_364 = tpu.memref_squeeze %dma_start3A_363 : memref<1x!tpu.dma_semaphore, #tpu.memory_space<semaphore_mem>> -> memref<!tpu.dma_semaphore, #tpu.memory_space<semaphore_mem>>
      tpu.enqueue_indirect_dma source(%arg8 : memref<128x128xf32, #tpu.memory_space<vmem>>) target(%dma_start3A_362 : memref<10240x128xf32, #tpu.memory_space<vmem_shared>>) offsets(%dma_start3A_359 : memref<128xi32, #tpu.memory_space<vmem>>) semaphore(%dma_start3A_364 : memref<!tpu.dma_semaphore, #tpu.memory_space<semaphore_mem>>) {add = true}
      %dma_wait3A_365 = arith.constant 0 : i32
      %dma_wait3A_366 = arith.constant 0 : i32
      %dma_wait3A_367 = arith.constant 0 : i32
      %dma_wait3A_368 = tpu.memref_slice %arg6[%dma_wait3A_365, %dma_wait3A_367] : memref<4x128xi32, #tpu.memory_space<vmem>> -> memref<1x128xi32, #tpu.memory_space<vmem>>
      %dma_wait3A_369 = tpu.memref_squeeze %dma_wait3A_368 : memref<1x128xi32, #tpu.memory_space<vmem>> -> memref<128xi32, #tpu.memory_space<vmem>>
      %dma_wait3A_370 = arith.constant 0 : i32
      %dma_wait3A_371 = arith.constant 0 : i32
      %dma_wait3A_372 = tpu.memref_slice %arg10[%dma_wait3A_370, %dma_wait3A_371] : memref<10240x128xf32, #tpu.memory_space<vmem_shared>> -> memref<10240x128xf32, #tpu.memory_space<vmem_shared>>
      %dma_wait3A_373 = tpu.memref_slice %arg13[%dma_wait3A_366] : memref<4x!tpu.dma_semaphore, #tpu.memory_space<semaphore_mem>> -> memref<1x!tpu.dma_semaphore, #tpu.memory_space<semaphore_mem>>
      %dma_wait3A_374 = tpu.memref_squeeze %dma_wait3A_373 : memref<1x!tpu.dma_semaphore, #tpu.memory_space<semaphore_mem>> -> memref<!tpu.dma_semaphore, #tpu.memory_space<semaphore_mem>>
      tpu.wait_indirect_dma semaphore(%dma_wait3A_374 : memref<!tpu.dma_semaphore, #tpu.memory_space<semaphore_mem>>) src(%arg8 : memref<128x128xf32, #tpu.memory_space<vmem>>) dst(%dma_wait3A_372 : memref<10240x128xf32, #tpu.memory_space<vmem_shared>>)
      %add3A_375 = arith.constant 1 : i32
      %add3A_376 = arith.addi %scan3A_247, %add3A_375 : i32
      %mul3A_377 = arith.constant 4 : i32
      %mul3A_378 = arith.muli %add3A_376, %mul3A_377 : i32
      %add3A_379 = arith.constant 0 : i32
      %add3A_380 = arith.addi %mul3A_378, %add3A_379 : i32
      %add3A_381 = arith.addi %mul3A_2, %add3A_380 : i32
      %mul3A_382 = arith.constant 128 : i32
      %mul3A_383 = arith.muli %add3A_381, %mul3A_382 : i32
      %dma_start3A_384 = arith.constant 0 : i32
      %dma_start3A_385 = arith.constant 0 : i32
      %dma_start3A_386 = arith.constant 0 : i32
      %dma_start3A_387 = tpu.memref_slice %arg6[%dma_start3A_384, %dma_start3A_386] : memref<4x128xi32, #tpu.memory_space<vmem>> -> memref<1x128xi32, #tpu.memory_space<vmem>>
      %dma_start3A_388 = tpu.memref_squeeze %dma_start3A_387 : memref<1x128xi32, #tpu.memory_space<vmem>> -> memref<128xi32, #tpu.memory_space<vmem>>
      %dma_start3A_389 = tpu.memref_slice %arg2[%mul3A_383] : memref<327680xi32, #tpu.memory_space<hbm>> -> memref<128xi32, #tpu.memory_space<hbm>>
      %dma_start3A_390 = tpu.memref_slice %arg12[%dma_start3A_385] : memref<4x!tpu.dma_semaphore, #tpu.memory_space<semaphore_mem>> -> memref<1x!tpu.dma_semaphore, #tpu.memory_space<semaphore_mem>>
      %dma_start3A_391 = tpu.memref_squeeze %dma_start3A_390 : memref<1x!tpu.dma_semaphore, #tpu.memory_space<semaphore_mem>> -> memref<!tpu.dma_semaphore, #tpu.memory_space<semaphore_mem>>
      %dma_start3A_392 = arith.constant 0 : i32
      %dma_start3A_393 = tpu.memref_slice %arg6[%dma_start3A_384, %dma_start3A_392] : memref<4x128xi32, #tpu.memory_space<vmem>> -> memref<1x128xi32, #tpu.memory_space<vmem>>
      %dma_start3A_394 = tpu.memref_squeeze %dma_start3A_393 : memref<1x128xi32, #tpu.memory_space<vmem>> -> memref<128xi32, #tpu.memory_space<vmem>>
      %dma_start3A_395 = tpu.memref_slice %arg2[%mul3A_383] : memref<327680xi32, #tpu.memory_space<hbm>> -> memref<128xi32, #tpu.memory_space<hbm>>
      tpu.enqueue_dma source(%dma_start3A_395 : memref<128xi32, #tpu.memory_space<hbm>>) target(%dma_start3A_394 : memref<128xi32, #tpu.memory_space<vmem>>) target_semaphore(%dma_start3A_391 : memref<!tpu.dma_semaphore, #tpu.memory_space<semaphore_mem>>)
      %dma_wait3A_396 = arith.constant 1 : i32
      %dma_wait3A_397 = arith.constant 1 : i32
      %dma_wait3A_398 = arith.constant 0 : i32
      %dma_wait3A_399 = tpu.memref_slice %arg6[%dma_wait3A_396, %dma_wait3A_398] : memref<4x128xi32, #tpu.memory_space<vmem>> -> memref<1x128xi32, #tpu.memory_space<vmem>>
      %dma_wait3A_400 = tpu.memref_squeeze %dma_wait3A_399 : memref<1x128xi32, #tpu.memory_space<vmem>> -> memref<128xi32, #tpu.memory_space<vmem>>
      %dma_wait3A_401 = arith.constant 0 : i32
      %dma_wait3A_402 = arith.constant 0 : i32
      %dma_wait3A_403 = tpu.memref_slice %arg10[%dma_wait3A_401, %dma_wait3A_402] : memref<10240x128xf32, #tpu.memory_space<vmem_shared>> -> memref<10240x128xf32, #tpu.memory_space<vmem_shared>>
      %dma_wait3A_404 = tpu.memref_slice %arg13[%dma_wait3A_397] : memref<4x!tpu.dma_semaphore, #tpu.memory_space<semaphore_mem>> -> memref<1x!tpu.dma_semaphore, #tpu.memory_space<semaphore_mem>>
      %dma_wait3A_405 = tpu.memref_squeeze %dma_wait3A_404 : memref<1x!tpu.dma_semaphore, #tpu.memory_space<semaphore_mem>> -> memref<!tpu.dma_semaphore, #tpu.memory_space<semaphore_mem>>
      tpu.wait_indirect_dma semaphore(%dma_wait3A_405 : memref<!tpu.dma_semaphore, #tpu.memory_space<semaphore_mem>>) src(%arg8 : memref<128x128xf32, #tpu.memory_space<vmem>>) dst(%dma_wait3A_403 : memref<10240x128xf32, #tpu.memory_space<vmem_shared>>)
      %add3A_406 = arith.constant 1 : i32
      %add3A_407 = arith.addi %scan3A_247, %add3A_406 : i32
      %mul3A_408 = arith.constant 4 : i32
      %mul3A_409 = arith.muli %add3A_407, %mul3A_408 : i32
      %add3A_410 = arith.constant 1 : i32
      %add3A_411 = arith.addi %mul3A_409, %add3A_410 : i32
      %add3A_412 = arith.addi %mul3A_2, %add3A_411 : i32
      %mul3A_413 = arith.constant 128 : i32
      %mul3A_414 = arith.muli %add3A_412, %mul3A_413 : i32
      %dma_start3A_415 = arith.constant 1 : i32
      %dma_start3A_416 = arith.constant 1 : i32
      %dma_start3A_417 = arith.constant 0 : i32
      %dma_start3A_418 = tpu.memref_slice %arg6[%dma_start3A_415, %dma_start3A_417] : memref<4x128xi32, #tpu.memory_space<vmem>> -> memref<1x128xi32, #tpu.memory_space<vmem>>
      %dma_start3A_419 = tpu.memref_squeeze %dma_start3A_418 : memref<1x128xi32, #tpu.memory_space<vmem>> -> memref<128xi32, #tpu.memory_space<vmem>>
      %dma_start3A_420 = tpu.memref_slice %arg2[%mul3A_414] : memref<327680xi32, #tpu.memory_space<hbm>> -> memref<128xi32, #tpu.memory_space<hbm>>
      %dma_start3A_421 = tpu.memref_slice %arg12[%dma_start3A_416] : memref<4x!tpu.dma_semaphore, #tpu.memory_space<semaphore_mem>> -> memref<1x!tpu.dma_semaphore, #tpu.memory_space<semaphore_mem>>
      %dma_start3A_422 = tpu.memref_squeeze %dma_start3A_421 : memref<1x!tpu.dma_semaphore, #tpu.memory_space<semaphore_mem>> -> memref<!tpu.dma_semaphore, #tpu.memory_space<semaphore_mem>>
      %dma_start3A_423 = arith.constant 0 : i32
      %dma_start3A_424 = tpu.memref_slice %arg6[%dma_start3A_415, %dma_start3A_423] : memref<4x128xi32, #tpu.memory_space<vmem>> -> memref<1x128xi32, #tpu.memory_space<vmem>>
      %dma_start3A_425 = tpu.memref_squeeze %dma_start3A_424 : memref<1x128xi32, #tpu.memory_space<vmem>> -> memref<128xi32, #tpu.memory_space<vmem>>
      %dma_start3A_426 = tpu.memref_slice %arg2[%mul3A_414] : memref<327680xi32, #tpu.memory_space<hbm>> -> memref<128xi32, #tpu.memory_space<hbm>>
      tpu.enqueue_dma source(%dma_start3A_426 : memref<128xi32, #tpu.memory_space<hbm>>) target(%dma_start3A_425 : memref<128xi32, #tpu.memory_space<vmem>>) target_semaphore(%dma_start3A_422 : memref<!tpu.dma_semaphore, #tpu.memory_space<semaphore_mem>>)
      %dma_wait3A_427 = arith.constant 2 : i32
      %dma_wait3A_428 = arith.constant 2 : i32
      %dma_wait3A_429 = arith.constant 0 : i32
      %dma_wait3A_430 = tpu.memref_slice %arg6[%dma_wait3A_427, %dma_wait3A_429] : memref<4x128xi32, #tpu.memory_space<vmem>> -> memref<1x128xi32, #tpu.memory_space<vmem>>
      %dma_wait3A_431 = tpu.memref_squeeze %dma_wait3A_430 : memref<1x128xi32, #tpu.memory_space<vmem>> -> memref<128xi32, #tpu.memory_space<vmem>>
      %dma_wait3A_432 = arith.constant 0 : i32
      %dma_wait3A_433 = arith.constant 0 : i32
      %dma_wait3A_434 = tpu.memref_slice %arg10[%dma_wait3A_432, %dma_wait3A_433] : memref<10240x128xf32, #tpu.memory_space<vmem_shared>> -> memref<10240x128xf32, #tpu.memory_space<vmem_shared>>
      %dma_wait3A_435 = tpu.memref_slice %arg13[%dma_wait3A_428] : memref<4x!tpu.dma_semaphore, #tpu.memory_space<semaphore_mem>> -> memref<1x!tpu.dma_semaphore, #tpu.memory_space<semaphore_mem>>
      %dma_wait3A_436 = tpu.memref_squeeze %dma_wait3A_435 : memref<1x!tpu.dma_semaphore, #tpu.memory_space<semaphore_mem>> -> memref<!tpu.dma_semaphore, #tpu.memory_space<semaphore_mem>>
      tpu.wait_indirect_dma semaphore(%dma_wait3A_436 : memref<!tpu.dma_semaphore, #tpu.memory_space<semaphore_mem>>) src(%arg8 : memref<128x128xf32, #tpu.memory_space<vmem>>) dst(%dma_wait3A_434 : memref<10240x128xf32, #tpu.memory_space<vmem_shared>>)
      %add3A_437 = arith.constant 1 : i32
      %add3A_438 = arith.addi %scan3A_247, %add3A_437 : i32
      %mul3A_439 = arith.constant 4 : i32
      %mul3A_440 = arith.muli %add3A_438, %mul3A_439 : i32
      %add3A_441 = arith.constant 2 : i32
      %add3A_442 = arith.addi %mul3A_440, %add3A_441 : i32
      %add3A_443 = arith.addi %mul3A_2, %add3A_442 : i32
      %mul3A_444 = arith.constant 128 : i32
      %mul3A_445 = arith.muli %add3A_443, %mul3A_444 : i32
      %dma_start3A_446 = arith.constant 2 : i32
      %dma_start3A_447 = arith.constant 2 : i32
      %dma_start3A_448 = arith.constant 0 : i32
      %dma_start3A_449 = tpu.memref_slice %arg6[%dma_start3A_446, %dma_start3A_448] : memref<4x128xi32, #tpu.memory_space<vmem>> -> memref<1x128xi32, #tpu.memory_space<vmem>>
      %dma_start3A_450 = tpu.memref_squeeze %dma_start3A_449 : memref<1x128xi32, #tpu.memory_space<vmem>> -> memref<128xi32, #tpu.memory_space<vmem>>
      %dma_start3A_451 = tpu.memref_slice %arg2[%mul3A_445] : memref<327680xi32, #tpu.memory_space<hbm>> -> memref<128xi32, #tpu.memory_space<hbm>>
      %dma_start3A_452 = tpu.memref_slice %arg12[%dma_start3A_447] : memref<4x!tpu.dma_semaphore, #tpu.memory_space<semaphore_mem>> -> memref<1x!tpu.dma_semaphore, #tpu.memory_space<semaphore_mem>>
      %dma_start3A_453 = tpu.memref_squeeze %dma_start3A_452 : memref<1x!tpu.dma_semaphore, #tpu.memory_space<semaphore_mem>> -> memref<!tpu.dma_semaphore, #tpu.memory_space<semaphore_mem>>
      %dma_start3A_454 = arith.constant 0 : i32
      %dma_start3A_455 = tpu.memref_slice %arg6[%dma_start3A_446, %dma_start3A_454] : memref<4x128xi32, #tpu.memory_space<vmem>> -> memref<1x128xi32, #tpu.memory_space<vmem>>
      %dma_start3A_456 = tpu.memref_squeeze %dma_start3A_455 : memref<1x128xi32, #tpu.memory_space<vmem>> -> memref<128xi32, #tpu.memory_space<vmem>>
      %dma_start3A_457 = tpu.memref_slice %arg2[%mul3A_445] : memref<327680xi32, #tpu.memory_space<hbm>> -> memref<128xi32, #tpu.memory_space<hbm>>
      tpu.enqueue_dma source(%dma_start3A_457 : memref<128xi32, #tpu.memory_space<hbm>>) target(%dma_start3A_456 : memref<128xi32, #tpu.memory_space<vmem>>) target_semaphore(%dma_start3A_453 : memref<!tpu.dma_semaphore, #tpu.memory_space<semaphore_mem>>)
      %dma_wait3A_458 = arith.constant 3 : i32
      %dma_wait3A_459 = arith.constant 3 : i32
      %dma_wait3A_460 = arith.constant 0 : i32
      %dma_wait3A_461 = tpu.memref_slice %arg6[%dma_wait3A_458, %dma_wait3A_460] : memref<4x128xi32, #tpu.memory_space<vmem>> -> memref<1x128xi32, #tpu.memory_space<vmem>>
      %dma_wait3A_462 = tpu.memref_squeeze %dma_wait3A_461 : memref<1x128xi32, #tpu.memory_space<vmem>> -> memref<128xi32, #tpu.memory_space<vmem>>
      %dma_wait3A_463 = arith.constant 0 : i32
      %dma_wait3A_464 = arith.constant 0 : i32
      %dma_wait3A_465 = tpu.memref_slice %arg10[%dma_wait3A_463, %dma_wait3A_464] : memref<10240x128xf32, #tpu.memory_space<vmem_shared>> -> memref<10240x128xf32, #tpu.memory_space<vmem_shared>>
      %dma_wait3A_466 = tpu.memref_slice %arg13[%dma_wait3A_459] : memref<4x!tpu.dma_semaphore, #tpu.memory_space<semaphore_mem>> -> memref<1x!tpu.dma_semaphore, #tpu.memory_space<semaphore_mem>>
      %dma_wait3A_467 = tpu.memref_squeeze %dma_wait3A_466 : memref<1x!tpu.dma_semaphore, #tpu.memory_space<semaphore_mem>> -> memref<!tpu.dma_semaphore, #tpu.memory_space<semaphore_mem>>
      tpu.wait_indirect_dma semaphore(%dma_wait3A_467 : memref<!tpu.dma_semaphore, #tpu.memory_space<semaphore_mem>>) src(%arg8 : memref<128x128xf32, #tpu.memory_space<vmem>>) dst(%dma_wait3A_465 : memref<10240x128xf32, #tpu.memory_space<vmem_shared>>)
      %add3A_468 = arith.constant 1 : i32
      %add3A_469 = arith.addi %scan3A_247, %add3A_468 : i32
      %mul3A_470 = arith.constant 4 : i32
      %mul3A_471 = arith.muli %add3A_469, %mul3A_470 : i32
      %add3A_472 = arith.constant 3 : i32
      %add3A_473 = arith.addi %mul3A_471, %add3A_472 : i32
      %add3A_474 = arith.addi %mul3A_2, %add3A_473 : i32
      %mul3A_475 = arith.constant 128 : i32
      %mul3A_476 = arith.muli %add3A_474, %mul3A_475 : i32
      %dma_start3A_477 = arith.constant 3 : i32
      %dma_start3A_478 = arith.constant 3 : i32
      %dma_start3A_479 = arith.constant 0 : i32
      %dma_start3A_480 = tpu.memref_slice %arg6[%dma_start3A_477, %dma_start3A_479] : memref<4x128xi32, #tpu.memory_space<vmem>> -> memref<1x128xi32, #tpu.memory_space<vmem>>
      %dma_start3A_481 = tpu.memref_squeeze %dma_start3A_480 : memref<1x128xi32, #tpu.memory_space<vmem>> -> memref<128xi32, #tpu.memory_space<vmem>>
      %dma_start3A_482 = tpu.memref_slice %arg2[%mul3A_476] : memref<327680xi32, #tpu.memory_space<hbm>> -> memref<128xi32, #tpu.memory_space<hbm>>
      %dma_start3A_483 = tpu.memref_slice %arg12[%dma_start3A_478] : memref<4x!tpu.dma_semaphore, #tpu.memory_space<semaphore_mem>> -> memref<1x!tpu.dma_semaphore, #tpu.memory_space<semaphore_mem>>
      %dma_start3A_484 = tpu.memref_squeeze %dma_start3A_483 : memref<1x!tpu.dma_semaphore, #tpu.memory_space<semaphore_mem>> -> memref<!tpu.dma_semaphore, #tpu.memory_space<semaphore_mem>>
      %dma_start3A_485 = arith.constant 0 : i32
      %dma_start3A_486 = tpu.memref_slice %arg6[%dma_start3A_477, %dma_start3A_485] : memref<4x128xi32, #tpu.memory_space<vmem>> -> memref<1x128xi32, #tpu.memory_space<vmem>>
      %dma_start3A_487 = tpu.memref_squeeze %dma_start3A_486 : memref<1x128xi32, #tpu.memory_space<vmem>> -> memref<128xi32, #tpu.memory_space<vmem>>
      %dma_start3A_488 = tpu.memref_slice %arg2[%mul3A_476] : memref<327680xi32, #tpu.memory_space<hbm>> -> memref<128xi32, #tpu.memory_space<hbm>>
      tpu.enqueue_dma source(%dma_start3A_488 : memref<128xi32, #tpu.memory_space<hbm>>) target(%dma_start3A_487 : memref<128xi32, #tpu.memory_space<vmem>>) target_semaphore(%dma_start3A_484 : memref<!tpu.dma_semaphore, #tpu.memory_space<semaphore_mem>>)
      %scan3A_489 = arith.constant 0 : i32
      scf.yield %scan3A_489 : i32
    }
    %scan3A_87 = arith.constant 19 : i32
    %add3A_88 = arith.constant 76 : i32
    %add3A_89 = arith.addi %mul3A_2, %add3A_88 : i32
    %mul3A_90 = arith.constant 128 : i32
    %mul3A_91 = arith.muli %add3A_89, %mul3A_90 : i32
    %dma_wait3A = arith.constant 0 : i32
    %dma_wait3A_92 = arith.constant 0 : i32
    %dma_wait3A_93 = arith.constant 0 : i32
    %dma_wait3A_94 = tpu.memref_slice %arg6[%dma_wait3A, %dma_wait3A_93] : memref<4x128xi32, #tpu.memory_space<vmem>> -> memref<1x128xi32, #tpu.memory_space<vmem>>
    %dma_wait3A_95 = tpu.memref_squeeze %dma_wait3A_94 : memref<1x128xi32, #tpu.memory_space<vmem>> -> memref<128xi32, #tpu.memory_space<vmem>>
    %dma_wait3A_96 = tpu.memref_slice %arg2[%mul3A_91] : memref<327680xi32, #tpu.memory_space<hbm>> -> memref<128xi32, #tpu.memory_space<hbm>>
    %dma_wait3A_97 = tpu.memref_slice %arg12[%dma_wait3A_92] : memref<4x!tpu.dma_semaphore, #tpu.memory_space<semaphore_mem>> -> memref<1x!tpu.dma_semaphore, #tpu.memory_space<semaphore_mem>>
    %dma_wait3A_98 = tpu.memref_squeeze %dma_wait3A_97 : memref<1x!tpu.dma_semaphore, #tpu.memory_space<semaphore_mem>> -> memref<!tpu.dma_semaphore, #tpu.memory_space<semaphore_mem>>
    %dma_wait3A_99 = arith.constant 0 : i32
    %dma_wait3A_100 = tpu.memref_slice %arg6[%dma_wait3A, %dma_wait3A_99] : memref<4x128xi32, #tpu.memory_space<vmem>> -> memref<1x128xi32, #tpu.memory_space<vmem>>
    %dma_wait3A_101 = tpu.memref_squeeze %dma_wait3A_100 : memref<1x128xi32, #tpu.memory_space<vmem>> -> memref<128xi32, #tpu.memory_space<vmem>>
    %dma_wait3A_102 = tpu.memref_slice %arg2[%mul3A_91] : memref<327680xi32, #tpu.memory_space<hbm>> -> memref<128xi32, #tpu.memory_space<hbm>>
    tpu.wait_dma2 semaphore(%dma_wait3A_98 : memref<!tpu.dma_semaphore, #tpu.memory_space<semaphore_mem>>) src(%dma_wait3A_102 : memref<128xi32, #tpu.memory_space<hbm>>) dst(%dma_wait3A_101 : memref<128xi32, #tpu.memory_space<vmem>>)
    %dma_start3A_103 = arith.constant 0 : i32
    %dma_start3A_104 = arith.constant 0 : i32
    %dma_start3A_105 = arith.constant 0 : i32
    %dma_start3A_106 = tpu.memref_slice %arg6[%dma_start3A_103, %dma_start3A_105] : memref<4x128xi32, #tpu.memory_space<vmem>> -> memref<1x128xi32, #tpu.memory_space<vmem>>
    %dma_start3A_107 = tpu.memref_squeeze %dma_start3A_106 : memref<1x128xi32, #tpu.memory_space<vmem>> -> memref<128xi32, #tpu.memory_space<vmem>>
    %dma_start3A_108 = arith.constant 0 : i32
    %dma_start3A_109 = arith.constant 0 : i32
    %dma_start3A_110 = tpu.memref_slice %arg10[%dma_start3A_108, %dma_start3A_109] : memref<10240x128xf32, #tpu.memory_space<vmem_shared>> -> memref<10240x128xf32, #tpu.memory_space<vmem_shared>>
    %dma_start3A_111 = tpu.memref_slice %arg13[%dma_start3A_104] : memref<4x!tpu.dma_semaphore, #tpu.memory_space<semaphore_mem>> -> memref<1x!tpu.dma_semaphore, #tpu.memory_space<semaphore_mem>>
    %dma_start3A_112 = tpu.memref_squeeze %dma_start3A_111 : memref<1x!tpu.dma_semaphore, #tpu.memory_space<semaphore_mem>> -> memref<!tpu.dma_semaphore, #tpu.memory_space<semaphore_mem>>
    tpu.enqueue_indirect_dma source(%arg8 : memref<128x128xf32, #tpu.memory_space<vmem>>) target(%dma_start3A_110 : memref<10240x128xf32, #tpu.memory_space<vmem_shared>>) offsets(%dma_start3A_107 : memref<128xi32, #tpu.memory_space<vmem>>) semaphore(%dma_start3A_112 : memref<!tpu.dma_semaphore, #tpu.memory_space<semaphore_mem>>) {add = true}
    %add3A_113 = arith.constant 77 : i32
    %add3A_114 = arith.addi %mul3A_2, %add3A_113 : i32
    %mul3A_115 = arith.constant 128 : i32
    %mul3A_116 = arith.muli %add3A_114, %mul3A_115 : i32
    %dma_wait3A_117 = arith.constant 1 : i32
    %dma_wait3A_118 = arith.constant 1 : i32
    %dma_wait3A_119 = arith.constant 0 : i32
    %dma_wait3A_120 = tpu.memref_slice %arg6[%dma_wait3A_117, %dma_wait3A_119] : memref<4x128xi32, #tpu.memory_space<vmem>> -> memref<1x128xi32, #tpu.memory_space<vmem>>
    %dma_wait3A_121 = tpu.memref_squeeze %dma_wait3A_120 : memref<1x128xi32, #tpu.memory_space<vmem>> -> memref<128xi32, #tpu.memory_space<vmem>>
    %dma_wait3A_122 = tpu.memref_slice %arg2[%mul3A_116] : memref<327680xi32, #tpu.memory_space<hbm>> -> memref<128xi32, #tpu.memory_space<hbm>>
    %dma_wait3A_123 = tpu.memref_slice %arg12[%dma_wait3A_118] : memref<4x!tpu.dma_semaphore, #tpu.memory_space<semaphore_mem>> -> memref<1x!tpu.dma_semaphore, #tpu.memory_space<semaphore_mem>>
    %dma_wait3A_124 = tpu.memref_squeeze %dma_wait3A_123 : memref<1x!tpu.dma_semaphore, #tpu.memory_space<semaphore_mem>> -> memref<!tpu.dma_semaphore, #tpu.memory_space<semaphore_mem>>
    %dma_wait3A_125 = arith.constant 0 : i32
    %dma_wait3A_126 = tpu.memref_slice %arg6[%dma_wait3A_117, %dma_wait3A_125] : memref<4x128xi32, #tpu.memory_space<vmem>> -> memref<1x128xi32, #tpu.memory_space<vmem>>
    %dma_wait3A_127 = tpu.memref_squeeze %dma_wait3A_126 : memref<1x128xi32, #tpu.memory_space<vmem>> -> memref<128xi32, #tpu.memory_space<vmem>>
    %dma_wait3A_128 = tpu.memref_slice %arg2[%mul3A_116] : memref<327680xi32, #tpu.memory_space<hbm>> -> memref<128xi32, #tpu.memory_space<hbm>>
    tpu.wait_dma2 semaphore(%dma_wait3A_124 : memref<!tpu.dma_semaphore, #tpu.memory_space<semaphore_mem>>) src(%dma_wait3A_128 : memref<128xi32, #tpu.memory_space<hbm>>) dst(%dma_wait3A_127 : memref<128xi32, #tpu.memory_space<vmem>>)
    %dma_start3A_129 = arith.constant 1 : i32
    %dma_start3A_130 = arith.constant 1 : i32
    %dma_start3A_131 = arith.constant 0 : i32
    %dma_start3A_132 = tpu.memref_slice %arg6[%dma_start3A_129, %dma_start3A_131] : memref<4x128xi32, #tpu.memory_space<vmem>> -> memref<1x128xi32, #tpu.memory_space<vmem>>
    %dma_start3A_133 = tpu.memref_squeeze %dma_start3A_132 : memref<1x128xi32, #tpu.memory_space<vmem>> -> memref<128xi32, #tpu.memory_space<vmem>>
    %dma_start3A_134 = arith.constant 0 : i32
    %dma_start3A_135 = arith.constant 0 : i32
    %dma_start3A_136 = tpu.memref_slice %arg10[%dma_start3A_134, %dma_start3A_135] : memref<10240x128xf32, #tpu.memory_space<vmem_shared>> -> memref<10240x128xf32, #tpu.memory_space<vmem_shared>>
    %dma_start3A_137 = tpu.memref_slice %arg13[%dma_start3A_130] : memref<4x!tpu.dma_semaphore, #tpu.memory_space<semaphore_mem>> -> memref<1x!tpu.dma_semaphore, #tpu.memory_space<semaphore_mem>>
    %dma_start3A_138 = tpu.memref_squeeze %dma_start3A_137 : memref<1x!tpu.dma_semaphore, #tpu.memory_space<semaphore_mem>> -> memref<!tpu.dma_semaphore, #tpu.memory_space<semaphore_mem>>
    tpu.enqueue_indirect_dma source(%arg8 : memref<128x128xf32, #tpu.memory_space<vmem>>) target(%dma_start3A_136 : memref<10240x128xf32, #tpu.memory_space<vmem_shared>>) offsets(%dma_start3A_133 : memref<128xi32, #tpu.memory_space<vmem>>) semaphore(%dma_start3A_138 : memref<!tpu.dma_semaphore, #tpu.memory_space<semaphore_mem>>) {add = true}
    %add3A_139 = arith.constant 78 : i32
    %add3A_140 = arith.addi %mul3A_2, %add3A_139 : i32
    %mul3A_141 = arith.constant 128 : i32
    %mul3A_142 = arith.muli %add3A_140, %mul3A_141 : i32
    %dma_wait3A_143 = arith.constant 2 : i32
    %dma_wait3A_144 = arith.constant 2 : i32
    %dma_wait3A_145 = arith.constant 0 : i32
    %dma_wait3A_146 = tpu.memref_slice %arg6[%dma_wait3A_143, %dma_wait3A_145] : memref<4x128xi32, #tpu.memory_space<vmem>> -> memref<1x128xi32, #tpu.memory_space<vmem>>
    %dma_wait3A_147 = tpu.memref_squeeze %dma_wait3A_146 : memref<1x128xi32, #tpu.memory_space<vmem>> -> memref<128xi32, #tpu.memory_space<vmem>>
    %dma_wait3A_148 = tpu.memref_slice %arg2[%mul3A_142] : memref<327680xi32, #tpu.memory_space<hbm>> -> memref<128xi32, #tpu.memory_space<hbm>>
    %dma_wait3A_149 = tpu.memref_slice %arg12[%dma_wait3A_144] : memref<4x!tpu.dma_semaphore, #tpu.memory_space<semaphore_mem>> -> memref<1x!tpu.dma_semaphore, #tpu.memory_space<semaphore_mem>>
    %dma_wait3A_150 = tpu.memref_squeeze %dma_wait3A_149 : memref<1x!tpu.dma_semaphore, #tpu.memory_space<semaphore_mem>> -> memref<!tpu.dma_semaphore, #tpu.memory_space<semaphore_mem>>
    %dma_wait3A_151 = arith.constant 0 : i32
    %dma_wait3A_152 = tpu.memref_slice %arg6[%dma_wait3A_143, %dma_wait3A_151] : memref<4x128xi32, #tpu.memory_space<vmem>> -> memref<1x128xi32, #tpu.memory_space<vmem>>
    %dma_wait3A_153 = tpu.memref_squeeze %dma_wait3A_152 : memref<1x128xi32, #tpu.memory_space<vmem>> -> memref<128xi32, #tpu.memory_space<vmem>>
    %dma_wait3A_154 = tpu.memref_slice %arg2[%mul3A_142] : memref<327680xi32, #tpu.memory_space<hbm>> -> memref<128xi32, #tpu.memory_space<hbm>>
    tpu.wait_dma2 semaphore(%dma_wait3A_150 : memref<!tpu.dma_semaphore, #tpu.memory_space<semaphore_mem>>) src(%dma_wait3A_154 : memref<128xi32, #tpu.memory_space<hbm>>) dst(%dma_wait3A_153 : memref<128xi32, #tpu.memory_space<vmem>>)
    %dma_start3A_155 = arith.constant 2 : i32
    %dma_start3A_156 = arith.constant 2 : i32
    %dma_start3A_157 = arith.constant 0 : i32
    %dma_start3A_158 = tpu.memref_slice %arg6[%dma_start3A_155, %dma_start3A_157] : memref<4x128xi32, #tpu.memory_space<vmem>> -> memref<1x128xi32, #tpu.memory_space<vmem>>
    %dma_start3A_159 = tpu.memref_squeeze %dma_start3A_158 : memref<1x128xi32, #tpu.memory_space<vmem>> -> memref<128xi32, #tpu.memory_space<vmem>>
    %dma_start3A_160 = arith.constant 0 : i32
    %dma_start3A_161 = arith.constant 0 : i32
    %dma_start3A_162 = tpu.memref_slice %arg10[%dma_start3A_160, %dma_start3A_161] : memref<10240x128xf32, #tpu.memory_space<vmem_shared>> -> memref<10240x128xf32, #tpu.memory_space<vmem_shared>>
    %dma_start3A_163 = tpu.memref_slice %arg13[%dma_start3A_156] : memref<4x!tpu.dma_semaphore, #tpu.memory_space<semaphore_mem>> -> memref<1x!tpu.dma_semaphore, #tpu.memory_space<semaphore_mem>>
    %dma_start3A_164 = tpu.memref_squeeze %dma_start3A_163 : memref<1x!tpu.dma_semaphore, #tpu.memory_space<semaphore_mem>> -> memref<!tpu.dma_semaphore, #tpu.memory_space<semaphore_mem>>
    tpu.enqueue_indirect_dma source(%arg8 : memref<128x128xf32, #tpu.memory_space<vmem>>) target(%dma_start3A_162 : memref<10240x128xf32, #tpu.memory_space<vmem_shared>>) offsets(%dma_start3A_159 : memref<128xi32, #tpu.memory_space<vmem>>) semaphore(%dma_start3A_164 : memref<!tpu.dma_semaphore, #tpu.memory_space<semaphore_mem>>) {add = true}
    %add3A_165 = arith.constant 79 : i32
    %add3A_166 = arith.addi %mul3A_2, %add3A_165 : i32
    %mul3A_167 = arith.constant 128 : i32
    %mul3A_168 = arith.muli %add3A_166, %mul3A_167 : i32
    %dma_wait3A_169 = arith.constant 3 : i32
    %dma_wait3A_170 = arith.constant 3 : i32
    %dma_wait3A_171 = arith.constant 0 : i32
    %dma_wait3A_172 = tpu.memref_slice %arg6[%dma_wait3A_169, %dma_wait3A_171] : memref<4x128xi32, #tpu.memory_space<vmem>> -> memref<1x128xi32, #tpu.memory_space<vmem>>
    %dma_wait3A_173 = tpu.memref_squeeze %dma_wait3A_172 : memref<1x128xi32, #tpu.memory_space<vmem>> -> memref<128xi32, #tpu.memory_space<vmem>>
    %dma_wait3A_174 = tpu.memref_slice %arg2[%mul3A_168] : memref<327680xi32, #tpu.memory_space<hbm>> -> memref<128xi32, #tpu.memory_space<hbm>>
    %dma_wait3A_175 = tpu.memref_slice %arg12[%dma_wait3A_170] : memref<4x!tpu.dma_semaphore, #tpu.memory_space<semaphore_mem>> -> memref<1x!tpu.dma_semaphore, #tpu.memory_space<semaphore_mem>>
    %dma_wait3A_176 = tpu.memref_squeeze %dma_wait3A_175 : memref<1x!tpu.dma_semaphore, #tpu.memory_space<semaphore_mem>> -> memref<!tpu.dma_semaphore, #tpu.memory_space<semaphore_mem>>
    %dma_wait3A_177 = arith.constant 0 : i32
    %dma_wait3A_178 = tpu.memref_slice %arg6[%dma_wait3A_169, %dma_wait3A_177] : memref<4x128xi32, #tpu.memory_space<vmem>> -> memref<1x128xi32, #tpu.memory_space<vmem>>
    %dma_wait3A_179 = tpu.memref_squeeze %dma_wait3A_178 : memref<1x128xi32, #tpu.memory_space<vmem>> -> memref<128xi32, #tpu.memory_space<vmem>>
    %dma_wait3A_180 = tpu.memref_slice %arg2[%mul3A_168] : memref<327680xi32, #tpu.memory_space<hbm>> -> memref<128xi32, #tpu.memory_space<hbm>>
    tpu.wait_dma2 semaphore(%dma_wait3A_176 : memref<!tpu.dma_semaphore, #tpu.memory_space<semaphore_mem>>) src(%dma_wait3A_180 : memref<128xi32, #tpu.memory_space<hbm>>) dst(%dma_wait3A_179 : memref<128xi32, #tpu.memory_space<vmem>>)
    %dma_start3A_181 = arith.constant 3 : i32
    %dma_start3A_182 = arith.constant 3 : i32
    %dma_start3A_183 = arith.constant 0 : i32
    %dma_start3A_184 = tpu.memref_slice %arg6[%dma_start3A_181, %dma_start3A_183] : memref<4x128xi32, #tpu.memory_space<vmem>> -> memref<1x128xi32, #tpu.memory_space<vmem>>
    %dma_start3A_185 = tpu.memref_squeeze %dma_start3A_184 : memref<1x128xi32, #tpu.memory_space<vmem>> -> memref<128xi32, #tpu.memory_space<vmem>>
    %dma_start3A_186 = arith.constant 0 : i32
    %dma_start3A_187 = arith.constant 0 : i32
    %dma_start3A_188 = tpu.memref_slice %arg10[%dma_start3A_186, %dma_start3A_187] : memref<10240x128xf32, #tpu.memory_space<vmem_shared>> -> memref<10240x128xf32, #tpu.memory_space<vmem_shared>>
    %dma_start3A_189 = tpu.memref_slice %arg13[%dma_start3A_182] : memref<4x!tpu.dma_semaphore, #tpu.memory_space<semaphore_mem>> -> memref<1x!tpu.dma_semaphore, #tpu.memory_space<semaphore_mem>>
    %dma_start3A_190 = tpu.memref_squeeze %dma_start3A_189 : memref<1x!tpu.dma_semaphore, #tpu.memory_space<semaphore_mem>> -> memref<!tpu.dma_semaphore, #tpu.memory_space<semaphore_mem>>
    tpu.enqueue_indirect_dma source(%arg8 : memref<128x128xf32, #tpu.memory_space<vmem>>) target(%dma_start3A_188 : memref<10240x128xf32, #tpu.memory_space<vmem_shared>>) offsets(%dma_start3A_185 : memref<128xi32, #tpu.memory_space<vmem>>) semaphore(%dma_start3A_190 : memref<!tpu.dma_semaphore, #tpu.memory_space<semaphore_mem>>) {add = true}
    %dma_wait3A_191 = arith.constant 0 : i32
    %dma_wait3A_192 = arith.constant 0 : i32
    %dma_wait3A_193 = arith.constant 0 : i32
    %dma_wait3A_194 = tpu.memref_slice %arg6[%dma_wait3A_191, %dma_wait3A_193] : memref<4x128xi32, #tpu.memory_space<vmem>> -> memref<1x128xi32, #tpu.memory_space<vmem>>
    %dma_wait3A_195 = tpu.memref_squeeze %dma_wait3A_194 : memref<1x128xi32, #tpu.memory_space<vmem>> -> memref<128xi32, #tpu.memory_space<vmem>>
    %dma_wait3A_196 = arith.constant 0 : i32
    %dma_wait3A_197 = arith.constant 0 : i32
    %dma_wait3A_198 = tpu.memref_slice %arg10[%dma_wait3A_196, %dma_wait3A_197] : memref<10240x128xf32, #tpu.memory_space<vmem_shared>> -> memref<10240x128xf32, #tpu.memory_space<vmem_shared>>
    %dma_wait3A_199 = tpu.memref_slice %arg13[%dma_wait3A_192] : memref<4x!tpu.dma_semaphore, #tpu.memory_space<semaphore_mem>> -> memref<1x!tpu.dma_semaphore, #tpu.memory_space<semaphore_mem>>
    %dma_wait3A_200 = tpu.memref_squeeze %dma_wait3A_199 : memref<1x!tpu.dma_semaphore, #tpu.memory_space<semaphore_mem>> -> memref<!tpu.dma_semaphore, #tpu.memory_space<semaphore_mem>>
    tpu.wait_indirect_dma semaphore(%dma_wait3A_200 : memref<!tpu.dma_semaphore, #tpu.memory_space<semaphore_mem>>) src(%arg8 : memref<128x128xf32, #tpu.memory_space<vmem>>) dst(%dma_wait3A_198 : memref<10240x128xf32, #tpu.memory_space<vmem_shared>>)
    %dma_wait3A_201 = arith.constant 1 : i32
    %dma_wait3A_202 = arith.constant 1 : i32
    %dma_wait3A_203 = arith.constant 0 : i32
    %dma_wait3A_204 = tpu.memref_slice %arg6[%dma_wait3A_201, %dma_wait3A_203] : memref<4x128xi32, #tpu.memory_space<vmem>> -> memref<1x128xi32, #tpu.memory_space<vmem>>
    %dma_wait3A_205 = tpu.memref_squeeze %dma_wait3A_204 : memref<1x128xi32, #tpu.memory_space<vmem>> -> memref<128xi32, #tpu.memory_space<vmem>>
    %dma_wait3A_206 = arith.constant 0 : i32
    %dma_wait3A_207 = arith.constant 0 : i32
    %dma_wait3A_208 = tpu.memref_slice %arg10[%dma_wait3A_206, %dma_wait3A_207] : memref<10240x128xf32, #tpu.memory_space<vmem_shared>> -> memref<10240x128xf32, #tpu.memory_space<vmem_shared>>
    %dma_wait3A_209 = tpu.memref_slice %arg13[%dma_wait3A_202] : memref<4x!tpu.dma_semaphore, #tpu.memory_space<semaphore_mem>> -> memref<1x!tpu.dma_semaphore, #tpu.memory_space<semaphore_mem>>
    %dma_wait3A_210 = tpu.memref_squeeze %dma_wait3A_209 : memref<1x!tpu.dma_semaphore, #tpu.memory_space<semaphore_mem>> -> memref<!tpu.dma_semaphore, #tpu.memory_space<semaphore_mem>>
    tpu.wait_indirect_dma semaphore(%dma_wait3A_210 : memref<!tpu.dma_semaphore, #tpu.memory_space<semaphore_mem>>) src(%arg8 : memref<128x128xf32, #tpu.memory_space<vmem>>) dst(%dma_wait3A_208 : memref<10240x128xf32, #tpu.memory_space<vmem_shared>>)
    %dma_wait3A_211 = arith.constant 2 : i32
    %dma_wait3A_212 = arith.constant 2 : i32
    %dma_wait3A_213 = arith.constant 0 : i32
    %dma_wait3A_214 = tpu.memref_slice %arg6[%dma_wait3A_211, %dma_wait3A_213] : memref<4x128xi32, #tpu.memory_space<vmem>> -> memref<1x128xi32, #tpu.memory_space<vmem>>
    %dma_wait3A_215 = tpu.memref_squeeze %dma_wait3A_214 : memref<1x128xi32, #tpu.memory_space<vmem>> -> memref<128xi32, #tpu.memory_space<vmem>>
    %dma_wait3A_216 = arith.constant 0 : i32
    %dma_wait3A_217 = arith.constant 0 : i32
    %dma_wait3A_218 = tpu.memref_slice %arg10[%dma_wait3A_216, %dma_wait3A_217] : memref<10240x128xf32, #tpu.memory_space<vmem_shared>> -> memref<10240x128xf32, #tpu.memory_space<vmem_shared>>
    %dma_wait3A_219 = tpu.memref_slice %arg13[%dma_wait3A_212] : memref<4x!tpu.dma_semaphore, #tpu.memory_space<semaphore_mem>> -> memref<1x!tpu.dma_semaphore, #tpu.memory_space<semaphore_mem>>
    %dma_wait3A_220 = tpu.memref_squeeze %dma_wait3A_219 : memref<1x!tpu.dma_semaphore, #tpu.memory_space<semaphore_mem>> -> memref<!tpu.dma_semaphore, #tpu.memory_space<semaphore_mem>>
    tpu.wait_indirect_dma semaphore(%dma_wait3A_220 : memref<!tpu.dma_semaphore, #tpu.memory_space<semaphore_mem>>) src(%arg8 : memref<128x128xf32, #tpu.memory_space<vmem>>) dst(%dma_wait3A_218 : memref<10240x128xf32, #tpu.memory_space<vmem_shared>>)
    %dma_wait3A_221 = arith.constant 3 : i32
    %dma_wait3A_222 = arith.constant 3 : i32
    %dma_wait3A_223 = arith.constant 0 : i32
    %dma_wait3A_224 = tpu.memref_slice %arg6[%dma_wait3A_221, %dma_wait3A_223] : memref<4x128xi32, #tpu.memory_space<vmem>> -> memref<1x128xi32, #tpu.memory_space<vmem>>
    %dma_wait3A_225 = tpu.memref_squeeze %dma_wait3A_224 : memref<1x128xi32, #tpu.memory_space<vmem>> -> memref<128xi32, #tpu.memory_space<vmem>>
    %dma_wait3A_226 = arith.constant 0 : i32
    %dma_wait3A_227 = arith.constant 0 : i32
    %dma_wait3A_228 = tpu.memref_slice %arg10[%dma_wait3A_226, %dma_wait3A_227] : memref<10240x128xf32, #tpu.memory_space<vmem_shared>> -> memref<10240x128xf32, #tpu.memory_space<vmem_shared>>
    %dma_wait3A_229 = tpu.memref_slice %arg13[%dma_wait3A_222] : memref<4x!tpu.dma_semaphore, #tpu.memory_space<semaphore_mem>> -> memref<1x!tpu.dma_semaphore, #tpu.memory_space<semaphore_mem>>
    %dma_wait3A_230 = tpu.memref_squeeze %dma_wait3A_229 : memref<1x!tpu.dma_semaphore, #tpu.memory_space<semaphore_mem>> -> memref<!tpu.dma_semaphore, #tpu.memory_space<semaphore_mem>>
    tpu.wait_indirect_dma semaphore(%dma_wait3A_230 : memref<!tpu.dma_semaphore, #tpu.memory_space<semaphore_mem>>) src(%arg8 : memref<128x128xf32, #tpu.memory_space<vmem>>) dst(%dma_wait3A_228 : memref<10240x128xf32, #tpu.memory_space<vmem_shared>>)
    %scan3A_231 = arith.constant 0 : i32
    %scan3A_232 = arith.constant 0 : i32
    %scan3A_233 = arith.constant 5 : i32
    %scan3A_234 = arith.addi %scan3A_232, %scan3A_233 : i32
    %scan3A_235 = arith.constant 1 : i32
    %scan3A_236 = scf.for %scan3A_247 = %scan3A_232 to %scan3A_234 step %scan3A_235 iter_args(%scan3A_248 = %scan3A_231) -> (i32)  : i32 {
      %mul3A_249 = arith.constant 5 : i32
      %mul3A_250 = arith.muli %add3A, %mul3A_249 : i32
      %add3A_251 = arith.addi %mul3A_250, %scan3A_247 : i32
      %mul3A_252 = arith.constant 64 : i32
      %mul3A_253 = arith.muli %add3A_251, %mul3A_252 : i32
      "tpu.region"() ({
        %run_scoped3A = tpu.sem_alloc : memref<!tpu.dma_semaphore, #tpu.memory_space<semaphore_mem>>
        %dma_start3A_255 = tpu.memref_slice %arg3[%mul3A_253] : memref<10240xi32, #tpu.memory_space<hbm>> -> memref<64xi32, #tpu.memory_space<hbm>>
        %dma_start3A_256 = tpu.memref_slice %arg3[%mul3A_253] : memref<10240xi32, #tpu.memory_space<hbm>> -> memref<64xi32, #tpu.memory_space<hbm>>
        tpu.enqueue_dma source(%dma_start3A_256 : memref<64xi32, #tpu.memory_space<hbm>>) target(%arg7 : memref<64xi32, #tpu.memory_space<vmem>>) target_semaphore(%run_scoped3A : memref<!tpu.dma_semaphore, #tpu.memory_space<semaphore_mem>>)
        %dma_wait3A_257 = tpu.memref_slice %arg3[%mul3A_253] : memref<10240xi32, #tpu.memory_space<hbm>> -> memref<64xi32, #tpu.memory_space<hbm>>
        %dma_wait3A_258 = tpu.memref_slice %arg3[%mul3A_253] : memref<10240xi32, #tpu.memory_space<hbm>> -> memref<64xi32, #tpu.memory_space<hbm>>
        tpu.wait_dma2 semaphore(%run_scoped3A : memref<!tpu.dma_semaphore, #tpu.memory_space<semaphore_mem>>) src(%dma_wait3A_258 : memref<64xi32, #tpu.memory_space<hbm>>) dst(%arg7 : memref<64xi32, #tpu.memory_space<vmem>>)
        tpu.yield
      }) : () -> ()
      "tpu.region"() ({
        %run_scoped3A = tpu.sem_alloc : memref<!tpu.dma_semaphore, #tpu.memory_space<semaphore_mem>>
        %dma_start3A_255 = arith.constant 0 : i32
        %dma_start3A_256 = arith.constant 0 : i32
        %dma_start3A_257 = tpu.memref_slice %arg8[%dma_start3A_255, %dma_start3A_256] : memref<128x128xf32, #tpu.memory_space<vmem>> -> memref<64x128xf32, #tpu.memory_space<vmem>>
        %dma_start3A_258 = arith.constant 0 : i32
        %dma_start3A_259 = arith.constant 0 : i32
        %dma_start3A_260 = tpu.memref_slice %arg11[%dma_start3A_258, %dma_start3A_259] : memref<256x128xf32, #tpu.memory_space<vmem_shared>> -> memref<256x128xf32, #tpu.memory_space<vmem_shared>>
        tpu.enqueue_indirect_dma source(%dma_start3A_257 : memref<64x128xf32, #tpu.memory_space<vmem>>) target(%dma_start3A_260 : memref<256x128xf32, #tpu.memory_space<vmem_shared>>) offsets(%arg7 : memref<64xi32, #tpu.memory_space<vmem>>) semaphore(%run_scoped3A : memref<!tpu.dma_semaphore, #tpu.memory_space<semaphore_mem>>) {add = true}
        %dma_wait3A_261 = arith.constant 0 : i32
        %dma_wait3A_262 = arith.constant 0 : i32
        %dma_wait3A_263 = tpu.memref_slice %arg8[%dma_wait3A_261, %dma_wait3A_262] : memref<128x128xf32, #tpu.memory_space<vmem>> -> memref<64x128xf32, #tpu.memory_space<vmem>>
        %dma_wait3A_264 = arith.constant 0 : i32
        %dma_wait3A_265 = arith.constant 0 : i32
        %dma_wait3A_266 = tpu.memref_slice %arg11[%dma_wait3A_264, %dma_wait3A_265] : memref<256x128xf32, #tpu.memory_space<vmem_shared>> -> memref<256x128xf32, #tpu.memory_space<vmem_shared>>
        tpu.wait_indirect_dma semaphore(%run_scoped3A : memref<!tpu.dma_semaphore, #tpu.memory_space<semaphore_mem>>) src(%dma_wait3A_263 : memref<64x128xf32, #tpu.memory_space<vmem>>) dst(%dma_wait3A_266 : memref<256x128xf32, #tpu.memory_space<vmem_shared>>)
        tpu.yield
      }) : () -> ()
      %scan3A_254 = arith.constant 0 : i32
      scf.yield %scan3A_254 : i32
    }
    %scan3A_237 = arith.constant 5 : i32
    %barrier3A_238 = arith.constant 0 : index
    tpu.barrier barrier_id(%barrier3A_238)
    %mul3A_239 = arith.constant 640 : i32
    %mul3A_240 = arith.muli %arg1, %mul3A_239 : i32
    %mul3A_241 = arith.constant 640 : i32
    %mul3A_242 = arith.muli %arg1, %mul3A_241 : i32
    "tpu.region"() ({
      %run_scoped3A = tpu.sem_alloc : memref<!tpu.dma_semaphore, #tpu.memory_space<semaphore_mem>>
      %dma_start3A_247 = arith.constant 0 : i32
      %dma_start3A_248 = tpu.memref_slice %arg4[%arg0, %mul3A_242, %dma_start3A_247] : memref<2x10240x128xf32, #tpu.memory_space<hbm>> -> memref<1x640x128xf32, #tpu.memory_space<hbm>>
      %dma_start3A_249 = tpu.memref_squeeze %dma_start3A_248 : memref<1x640x128xf32, #tpu.memory_space<hbm>> -> memref<640x128xf32, #tpu.memory_space<hbm>>
      %dma_start3A_250 = arith.constant 0 : i32
      %dma_start3A_251 = tpu.memref_slice %arg10[%mul3A_240, %dma_start3A_250] : memref<10240x128xf32, #tpu.memory_space<vmem_shared>> -> memref<640x128xf32, #tpu.memory_space<vmem_shared>>
      tpu.enqueue_dma source(%dma_start3A_251 : memref<640x128xf32, #tpu.memory_space<vmem_shared>>) target(%dma_start3A_249 : memref<640x128xf32, #tpu.memory_space<hbm>>) target_semaphore(%run_scoped3A : memref<!tpu.dma_semaphore, #tpu.memory_space<semaphore_mem>>)
      %dma_wait3A_252 = arith.constant 0 : i32
      %dma_wait3A_253 = tpu.memref_slice %arg4[%arg0, %mul3A_242, %dma_wait3A_252] : memref<2x10240x128xf32, #tpu.memory_space<hbm>> -> memref<1x640x128xf32, #tpu.memory_space<hbm>>
      %dma_wait3A_254 = tpu.memref_squeeze %dma_wait3A_253 : memref<1x640x128xf32, #tpu.memory_space<hbm>> -> memref<640x128xf32, #tpu.memory_space<hbm>>
      %dma_wait3A_255 = arith.constant 0 : i32
      %dma_wait3A_256 = tpu.memref_slice %arg10[%mul3A_240, %dma_wait3A_255] : memref<10240x128xf32, #tpu.memory_space<vmem_shared>> -> memref<640x128xf32, #tpu.memory_space<vmem_shared>>
      tpu.wait_dma2 semaphore(%run_scoped3A : memref<!tpu.dma_semaphore, #tpu.memory_space<semaphore_mem>>) src(%dma_wait3A_256 : memref<640x128xf32, #tpu.memory_space<vmem_shared>>) dst(%dma_wait3A_254 : memref<640x128xf32, #tpu.memory_space<hbm>>)
      tpu.yield
    }) : () -> ()
    %eq3A = arith.constant 0 : i32
    %eq3A_243 = arith.cmpi eq, %arg1, %eq3A : i32
    %convert_element_type3A_244 = arith.extui %eq3A_243 : i1 to i32
    %cond3A_245 = arith.constant 0 : i32
    %cond3A_246 = arith.cmpi ne, %convert_element_type3A_244, %cond3A_245 : i32
    scf.if %cond3A_246 {
      "tpu.region"() ({
        %run_scoped3A = tpu.sem_alloc : memref<!tpu.dma_semaphore, #tpu.memory_space<semaphore_mem>>
        %dma_start3A_247 = arith.constant 0 : i32
        %dma_start3A_248 = arith.constant 0 : i32
        %dma_start3A_249 = tpu.memref_slice %arg5[%arg0, %dma_start3A_247, %dma_start3A_248] : memref<2x128x128xf32, #tpu.memory_space<hbm>> -> memref<1x128x128xf32, #tpu.memory_space<hbm>>
        %dma_start3A_250 = tpu.memref_squeeze %dma_start3A_249 : memref<1x128x128xf32, #tpu.memory_space<hbm>> -> memref<128x128xf32, #tpu.memory_space<hbm>>
        %dma_start3A_251 = arith.constant 0 : i32
        %dma_start3A_252 = arith.constant 0 : i32
        %dma_start3A_253 = tpu.memref_slice %arg11[%dma_start3A_251, %dma_start3A_252] : memref<256x128xf32, #tpu.memory_space<vmem_shared>> -> memref<128x128xf32, #tpu.memory_space<vmem_shared>>
        tpu.enqueue_dma source(%dma_start3A_253 : memref<128x128xf32, #tpu.memory_space<vmem_shared>>) target(%dma_start3A_250 : memref<128x128xf32, #tpu.memory_space<hbm>>) target_semaphore(%run_scoped3A : memref<!tpu.dma_semaphore, #tpu.memory_space<semaphore_mem>>)
        %dma_wait3A_254 = arith.constant 0 : i32
        %dma_wait3A_255 = arith.constant 0 : i32
        %dma_wait3A_256 = tpu.memref_slice %arg5[%arg0, %dma_wait3A_254, %dma_wait3A_255] : memref<2x128x128xf32, #tpu.memory_space<hbm>> -> memref<1x128x128xf32, #tpu.memory_space<hbm>>
        %dma_wait3A_257 = tpu.memref_squeeze %dma_wait3A_256 : memref<1x128x128xf32, #tpu.memory_space<hbm>> -> memref<128x128xf32, #tpu.memory_space<hbm>>
        %dma_wait3A_258 = arith.constant 0 : i32
        %dma_wait3A_259 = arith.constant 0 : i32
        %dma_wait3A_260 = tpu.memref_slice %arg11[%dma_wait3A_258, %dma_wait3A_259] : memref<256x128xf32, #tpu.memory_space<vmem_shared>> -> memref<128x128xf32, #tpu.memory_space<vmem_shared>>
        tpu.wait_dma2 semaphore(%run_scoped3A : memref<!tpu.dma_semaphore, #tpu.memory_space<semaphore_mem>>) src(%dma_wait3A_260 : memref<128x128xf32, #tpu.memory_space<vmem_shared>>) dst(%dma_wait3A_257 : memref<128x128xf32, #tpu.memory_space<hbm>>)
        tpu.yield
      }) : () -> ()
    } else {
    }
    return
  }
}

#map = affine_map<(d0, d1) -> (0, 0)>
#map1 = affine_map<(d0, d1) -> (0)>
#map2 = affine_map<(d0, d1) -> (0, 0, 0)>
module attributes {stable_mosaic.version = 14 : i64} {
  func.func @k(%arg0: i32, %arg1: i32, %arg2: memref<10240x128xf32, #tpu.memory_space<hbm>>, %arg3: memref<327680xi32, #tpu.memory_space<hbm>>, %arg4: memref<327680xi32, #tpu.memory_space<hbm>>, %arg5: memref<2x10240x128xf32, #tpu.memory_space<hbm>>, %arg6: memref<64xi32, #tpu.memory_space<vmem>>, %arg7: memref<64xi32, #tpu.memory_space<vmem>>, %arg8: memref<64xi32, #tpu.memory_space<vmem>>, %arg9: memref<64xi32, #tpu.memory_space<vmem>>, %arg10: memref<64xi32, #tpu.memory_space<vmem>>, %arg11: memref<64xi32, #tpu.memory_space<vmem>>, %arg12: memref<64xi32, #tpu.memory_space<vmem>>, %arg13: memref<64xi32, #tpu.memory_space<vmem>>, %arg14: memref<64x128xf32, #tpu.memory_space<vmem>>, %arg15: memref<64x128xf32, #tpu.memory_space<vmem>>, %arg16: memref<64x128xf32, #tpu.memory_space<vmem>>, %arg17: memref<64x128xf32, #tpu.memory_space<vmem>>, %arg18: memref<64x128xf32, #tpu.memory_space<vmem>>, %arg19: memref<10240x128xf32, #tpu.memory_space<vmem_shared>>, %arg20: memref<4x!tpu.dma_semaphore, #tpu.memory_space<semaphore_mem>>, %arg21: memref<4x!tpu.dma_semaphore, #tpu.memory_space<semaphore_mem>>, %arg22: memref<4x!tpu.dma_semaphore, #tpu.memory_space<semaphore_mem>>, %arg23: memref<4x!tpu.dma_semaphore, #tpu.memory_space<semaphore_mem>>) attributes {dimension_semantics = [#tpu.dimension_semantics<core_parallel>, #tpu.dimension_semantics<subcore_parallel>], iteration_bounds = array<i64: 2, 16>, scalar_prefetch = 0 : i64, scratch_operands = 18 : i64, tpu.core_type = #tpu.core_type<sc_vector_subcore>, window_params = [{transform_indices = #map}, {transform_indices = #map1}, {transform_indices = #map1}, {transform_indices = #map2}]} {
    %eq3A = arith.constant 0 : i32
    %eq3A_0 = arith.cmpi eq, %arg0, %eq3A : i32
    %jit3A = arith.constant 248 : i32
    %jit3A_1 = arith.constant 72 : i32
    %select_n3A = arith.select %eq3A_0, %jit3A, %jit3A_1 : i32
    %jit3A_2 = arith.constant 4 : i32
    %div3A = arith.divsi %select_n3A, %jit3A_2 : i32
    %sign3A = arith.constant 0 : i32
    %sign3A_3 = arith.cmpi sgt, %select_n3A, %sign3A : i32
    %sign3A_4 = arith.extui %sign3A_3 : i1 to i32
    %sign3A_5 = arith.constant 0 : i32
    %sign3A_6 = arith.cmpi slt, %select_n3A, %sign3A_5 : i32
    %sign3A_7 = arith.extui %sign3A_6 : i1 to i32
    %sign3A_8 = arith.subi %sign3A_4, %sign3A_7 : i32
    %sign3A_9 = arith.constant 0 : i32
    %sign3A_10 = arith.cmpi sgt, %jit3A_2, %sign3A_9 : i32
    %sign3A_11 = arith.extui %sign3A_10 : i1 to i32
    %sign3A_12 = arith.constant 0 : i32
    %sign3A_13 = arith.cmpi slt, %jit3A_2, %sign3A_12 : i32
    %sign3A_14 = arith.extui %sign3A_13 : i1 to i32
    %sign3A_15 = arith.subi %sign3A_11, %sign3A_14 : i32
    %ne3A = arith.cmpi ne, %sign3A_8, %sign3A_15 : i32
    %rem3A = arith.remsi %select_n3A, %jit3A_2 : i32
    %ne3A_16 = arith.constant 0 : i32
    %ne3A_17 = arith.cmpi ne, %rem3A, %ne3A_16 : i32
    %and3A = arith.andi %ne3A, %ne3A_17 : i1
    %sub3A = arith.constant 1 : i32
    %sub3A_18 = arith.subi %div3A, %sub3A : i32
    %select_n3A_19 = arith.select %and3A, %sub3A_18, %div3A : i32
    %eq3A_20 = arith.constant 0 : i32
    %eq3A_21 = arith.cmpi eq, %arg0, %eq3A_20 : i32
    %mul3A = arith.constant 248 : i32
    %mul3A_22 = arith.muli %arg1, %mul3A : i32
    %mul3A_23 = arith.constant 72 : i32
    %mul3A_24 = arith.muli %arg1, %mul3A_23 : i32
    %add3A = arith.constant 3968 : i32
    %add3A_25 = arith.addi %add3A, %mul3A_24 : i32
    %select_n3A_26 = arith.select %eq3A_21, %mul3A_22, %add3A_25 : i32
    %scan3A = arith.constant 0 : i32
    %scan3A_27 = arith.constant 0 : i32
    %scan3A_28 = arith.constant 512 : i32
    %scan3A_29 = arith.addi %scan3A_27, %scan3A_28 : i32
    %scan3A_30 = arith.constant 1 : i32
    %scan3A_31 = scf.for %scan3A_316 = %scan3A_27 to %scan3A_29 step %scan3A_30 iter_args(%scan3A_317 = %scan3A) -> (i32)  : i32 {
      %jit3A_318 = arith.constant 8 : i32
      %div3A_319 = arith.divsi %scan3A_316, %jit3A_318 : i32
      %sign3A_320 = arith.constant 0 : i32
      %sign3A_321 = arith.cmpi sgt, %scan3A_316, %sign3A_320 : i32
      %sign3A_322 = arith.extui %sign3A_321 : i1 to i32
      %sign3A_323 = arith.constant 0 : i32
      %sign3A_324 = arith.cmpi slt, %scan3A_316, %sign3A_323 : i32
      %sign3A_325 = arith.extui %sign3A_324 : i1 to i32
      %sign3A_326 = arith.subi %sign3A_322, %sign3A_325 : i32
      %sign3A_327 = arith.constant 0 : i32
      %sign3A_328 = arith.cmpi sgt, %jit3A_318, %sign3A_327 : i32
      %sign3A_329 = arith.extui %sign3A_328 : i1 to i32
      %sign3A_330 = arith.constant 0 : i32
      %sign3A_331 = arith.cmpi slt, %jit3A_318, %sign3A_330 : i32
      %sign3A_332 = arith.extui %sign3A_331 : i1 to i32
      %sign3A_333 = arith.subi %sign3A_329, %sign3A_332 : i32
      %ne3A_334 = arith.cmpi ne, %sign3A_326, %sign3A_333 : i32
      %rem3A_335 = arith.remsi %scan3A_316, %jit3A_318 : i32
      %ne3A_336 = arith.constant 0 : i32
      %ne3A_337 = arith.cmpi ne, %rem3A_335, %ne3A_336 : i32
      %and3A_338 = arith.andi %ne3A_334, %ne3A_337 : i1
      %sub3A_339 = arith.constant 1 : i32
      %sub3A_340 = arith.subi %div3A_319, %sub3A_339 : i32
      %select_n3A_341 = arith.select %and3A_338, %sub3A_340, %div3A_319 : i32
      %jit3A_342 = arith.constant 8 : i32
      %eq3A_343 = arith.constant 0 : i32
      %eq3A_344 = arith.cmpi eq, %jit3A_342, %eq3A_343 : i32
      %jit3A_345 = arith.constant 1 : i32
      %select_n3A_346 = arith.select %eq3A_344, %jit3A_345, %jit3A_342 : i32
      %rem3A_347 = arith.remsi %scan3A_316, %select_n3A_346 : i32
      %ne3A_348 = arith.constant 0 : i32
      %ne3A_349 = arith.cmpi ne, %rem3A_347, %ne3A_348 : i32
      %lt3A = arith.constant 0 : i32
      %lt3A_350 = arith.cmpi slt, %rem3A_347, %lt3A : i32
      %lt3A_351 = arith.constant 0 : i32
      %lt3A_352 = arith.cmpi slt, %select_n3A_346, %lt3A_351 : i32
      %ne3A_353 = arith.xori %lt3A_350, %lt3A_352 : i1
      %and3A_354 = arith.andi %ne3A_353, %ne3A_349 : i1
      %add3A_355 = arith.addi %rem3A_347, %select_n3A_346 : i32
      %select_n3A_356 = arith.select %and3A_354, %add3A_355, %rem3A_347 : i32
      %broadcast_in_dim3A = arith.constant 0.000000e+00 : f32
      %broadcast_in_dim3A_357 = vector.broadcast %broadcast_in_dim3A : f32 to vector<16xf32>
      %mul3A_358 = arith.constant 16 : i32
      %mul3A_359 = arith.muli %select_n3A_356, %mul3A_358 : i32
      %swap3A = arith.index_cast %select_n3A_341 : i32 to index
      %swap3A_360 = arith.index_cast %mul3A_359 : i32 to index
      %swap3A_361 = tpu.vector_load %arg18[%swap3A, %swap3A_360] {strides = array<i32>} : memref<64x128xf32, #tpu.memory_space<vmem>>, vector<1x16xf32>,
      %swap3A_362 = vector.shape_cast %swap3A_361 : vector<1x16xf32> to vector<16xf32>
      %swap3A_363 = vector.shape_cast %broadcast_in_dim3A_357 : vector<16xf32> to vector<1x16xf32>
      tpu.vector_store %arg18[%swap3A, %swap3A_360], %swap3A_363 {strides = array<i32>} : memref<64x128xf32, #tpu.memory_space<vmem>>, vector<1x16xf32>,
      %scan3A_364 = arith.constant 0 : i32
      scf.yield %scan3A_364 : i32
    }
    %scan3A_32 = arith.constant 512 : i32
    %scan3A_33 = arith.constant 0 : i32
    %scan3A_34 = arith.constant 0 : i32
    %scan3A_35 = arith.constant 10 : i32
    %scan3A_36 = arith.addi %scan3A_34, %scan3A_35 : i32
    %scan3A_37 = arith.constant 1 : i32
    %scan3A_38 = scf.for %scan3A_316 = %scan3A_34 to %scan3A_36 step %scan3A_37 iter_args(%scan3A_317 = %scan3A_33) -> (i32)  : i32 {
      %mul3A_318 = arith.constant 640 : i32
      %mul3A_319 = arith.muli %arg1, %mul3A_318 : i32
      %mul3A_320 = arith.constant 64 : i32
      %mul3A_321 = arith.muli %scan3A_316, %mul3A_320 : i32
      %add3A_322 = arith.addi %mul3A_319, %mul3A_321 : i32
      "tpu.region"() ({
        %run_scoped3A = tpu.sem_alloc : memref<!tpu.dma_semaphore, #tpu.memory_space<semaphore_mem>>
        %dma_start3A_324 = arith.constant 0 : i32
        %dma_start3A_325 = tpu.memref_slice %arg19[%add3A_322, %dma_start3A_324] : memref<10240x128xf32, #tpu.memory_space<vmem_shared>> -> memref<64x128xf32, #tpu.memory_space<vmem_shared>>
        %dma_start3A_326 = arith.constant 0 : i32
        %dma_start3A_327 = tpu.memref_slice %arg19[%add3A_322, %dma_start3A_326] : memref<10240x128xf32, #tpu.memory_space<vmem_shared>> -> memref<64x128xf32, #tpu.memory_space<vmem_shared>>
        tpu.enqueue_dma source(%arg18 : memref<64x128xf32, #tpu.memory_space<vmem>>) target(%dma_start3A_327 : memref<64x128xf32, #tpu.memory_space<vmem_shared>>) target_semaphore(%run_scoped3A : memref<!tpu.dma_semaphore, #tpu.memory_space<semaphore_mem>>)
        %dma_wait3A_328 = arith.constant 0 : i32
        %dma_wait3A_329 = tpu.memref_slice %arg19[%add3A_322, %dma_wait3A_328] : memref<10240x128xf32, #tpu.memory_space<vmem_shared>> -> memref<64x128xf32, #tpu.memory_space<vmem_shared>>
        %dma_wait3A_330 = arith.constant 0 : i32
        %dma_wait3A_331 = tpu.memref_slice %arg19[%add3A_322, %dma_wait3A_330] : memref<10240x128xf32, #tpu.memory_space<vmem_shared>> -> memref<64x128xf32, #tpu.memory_space<vmem_shared>>
        tpu.wait_dma2 semaphore(%run_scoped3A : memref<!tpu.dma_semaphore, #tpu.memory_space<semaphore_mem>>) src(%arg18 : memref<64x128xf32, #tpu.memory_space<vmem>>) dst(%dma_wait3A_331 : memref<64x128xf32, #tpu.memory_space<vmem_shared>>)
        tpu.yield
      }) : () -> ()
      %scan3A_323 = arith.constant 0 : i32
      scf.yield %scan3A_323 : i32
    }
    %scan3A_39 = arith.constant 10 : i32
    %barrier3A = arith.constant 0 : index
    tpu.barrier barrier_id(%barrier3A)
    %add3A_40 = arith.constant 0 : i32
    %add3A_41 = arith.addi %select_n3A_26, %add3A_40 : i32
    %mul3A_42 = arith.constant 64 : i32
    %mul3A_43 = arith.muli %add3A_41, %mul3A_42 : i32
    %dma_start3A = arith.constant 0 : i32
    %dma_start3A_44 = tpu.memref_slice %arg3[%mul3A_43] : memref<327680xi32, #tpu.memory_space<hbm>> -> memref<64xi32, #tpu.memory_space<hbm>>
    %dma_start3A_45 = tpu.memref_slice %arg20[%dma_start3A] : memref<4x!tpu.dma_semaphore, #tpu.memory_space<semaphore_mem>> -> memref<1x!tpu.dma_semaphore, #tpu.memory_space<semaphore_mem>>
    %dma_start3A_46 = tpu.memref_squeeze %dma_start3A_45 : memref<1x!tpu.dma_semaphore, #tpu.memory_space<semaphore_mem>> -> memref<!tpu.dma_semaphore, #tpu.memory_space<semaphore_mem>>
    %dma_start3A_47 = tpu.memref_slice %arg3[%mul3A_43] : memref<327680xi32, #tpu.memory_space<hbm>> -> memref<64xi32, #tpu.memory_space<hbm>>
    tpu.enqueue_dma source(%dma_start3A_47 : memref<64xi32, #tpu.memory_space<hbm>>) target(%arg6 : memref<64xi32, #tpu.memory_space<vmem>>) target_semaphore(%dma_start3A_46 : memref<!tpu.dma_semaphore, #tpu.memory_space<semaphore_mem>>)
    %add3A_48 = arith.constant 0 : i32
    %add3A_49 = arith.addi %select_n3A_26, %add3A_48 : i32
    %mul3A_50 = arith.constant 64 : i32
    %mul3A_51 = arith.muli %add3A_49, %mul3A_50 : i32
    %dma_start3A_52 = arith.constant 0 : i32
    %dma_start3A_53 = tpu.memref_slice %arg4[%mul3A_51] : memref<327680xi32, #tpu.memory_space<hbm>> -> memref<64xi32, #tpu.memory_space<hbm>>
    %dma_start3A_54 = tpu.memref_slice %arg21[%dma_start3A_52] : memref<4x!tpu.dma_semaphore, #tpu.memory_space<semaphore_mem>> -> memref<1x!tpu.dma_semaphore, #tpu.memory_space<semaphore_mem>>
    %dma_start3A_55 = tpu.memref_squeeze %dma_start3A_54 : memref<1x!tpu.dma_semaphore, #tpu.memory_space<semaphore_mem>> -> memref<!tpu.dma_semaphore, #tpu.memory_space<semaphore_mem>>
    %dma_start3A_56 = tpu.memref_slice %arg4[%mul3A_51] : memref<327680xi32, #tpu.memory_space<hbm>> -> memref<64xi32, #tpu.memory_space<hbm>>
    tpu.enqueue_dma source(%dma_start3A_56 : memref<64xi32, #tpu.memory_space<hbm>>) target(%arg10 : memref<64xi32, #tpu.memory_space<vmem>>) target_semaphore(%dma_start3A_55 : memref<!tpu.dma_semaphore, #tpu.memory_space<semaphore_mem>>)
    %add3A_57 = arith.constant 1 : i32
    %add3A_58 = arith.addi %select_n3A_26, %add3A_57 : i32
    %mul3A_59 = arith.constant 64 : i32
    %mul3A_60 = arith.muli %add3A_58, %mul3A_59 : i32
    %dma_start3A_61 = arith.constant 1 : i32
    %dma_start3A_62 = tpu.memref_slice %arg3[%mul3A_60] : memref<327680xi32, #tpu.memory_space<hbm>> -> memref<64xi32, #tpu.memory_space<hbm>>
    %dma_start3A_63 = tpu.memref_slice %arg20[%dma_start3A_61] : memref<4x!tpu.dma_semaphore, #tpu.memory_space<semaphore_mem>> -> memref<1x!tpu.dma_semaphore, #tpu.memory_space<semaphore_mem>>
    %dma_start3A_64 = tpu.memref_squeeze %dma_start3A_63 : memref<1x!tpu.dma_semaphore, #tpu.memory_space<semaphore_mem>> -> memref<!tpu.dma_semaphore, #tpu.memory_space<semaphore_mem>>
    %dma_start3A_65 = tpu.memref_slice %arg3[%mul3A_60] : memref<327680xi32, #tpu.memory_space<hbm>> -> memref<64xi32, #tpu.memory_space<hbm>>
    tpu.enqueue_dma source(%dma_start3A_65 : memref<64xi32, #tpu.memory_space<hbm>>) target(%arg7 : memref<64xi32, #tpu.memory_space<vmem>>) target_semaphore(%dma_start3A_64 : memref<!tpu.dma_semaphore, #tpu.memory_space<semaphore_mem>>)
    %add3A_66 = arith.constant 1 : i32
    %add3A_67 = arith.addi %select_n3A_26, %add3A_66 : i32
    %mul3A_68 = arith.constant 64 : i32
    %mul3A_69 = arith.muli %add3A_67, %mul3A_68 : i32
    %dma_start3A_70 = arith.constant 1 : i32
    %dma_start3A_71 = tpu.memref_slice %arg4[%mul3A_69] : memref<327680xi32, #tpu.memory_space<hbm>> -> memref<64xi32, #tpu.memory_space<hbm>>
    %dma_start3A_72 = tpu.memref_slice %arg21[%dma_start3A_70] : memref<4x!tpu.dma_semaphore, #tpu.memory_space<semaphore_mem>> -> memref<1x!tpu.dma_semaphore, #tpu.memory_space<semaphore_mem>>
    %dma_start3A_73 = tpu.memref_squeeze %dma_start3A_72 : memref<1x!tpu.dma_semaphore, #tpu.memory_space<semaphore_mem>> -> memref<!tpu.dma_semaphore, #tpu.memory_space<semaphore_mem>>
    %dma_start3A_74 = tpu.memref_slice %arg4[%mul3A_69] : memref<327680xi32, #tpu.memory_space<hbm>> -> memref<64xi32, #tpu.memory_space<hbm>>
    tpu.enqueue_dma source(%dma_start3A_74 : memref<64xi32, #tpu.memory_space<hbm>>) target(%arg11 : memref<64xi32, #tpu.memory_space<vmem>>) target_semaphore(%dma_start3A_73 : memref<!tpu.dma_semaphore, #tpu.memory_space<semaphore_mem>>)
    %add3A_75 = arith.constant 2 : i32
    %add3A_76 = arith.addi %select_n3A_26, %add3A_75 : i32
    %mul3A_77 = arith.constant 64 : i32
    %mul3A_78 = arith.muli %add3A_76, %mul3A_77 : i32
    %dma_start3A_79 = arith.constant 2 : i32
    %dma_start3A_80 = tpu.memref_slice %arg3[%mul3A_78] : memref<327680xi32, #tpu.memory_space<hbm>> -> memref<64xi32, #tpu.memory_space<hbm>>
    %dma_start3A_81 = tpu.memref_slice %arg20[%dma_start3A_79] : memref<4x!tpu.dma_semaphore, #tpu.memory_space<semaphore_mem>> -> memref<1x!tpu.dma_semaphore, #tpu.memory_space<semaphore_mem>>
    %dma_start3A_82 = tpu.memref_squeeze %dma_start3A_81 : memref<1x!tpu.dma_semaphore, #tpu.memory_space<semaphore_mem>> -> memref<!tpu.dma_semaphore, #tpu.memory_space<semaphore_mem>>
    %dma_start3A_83 = tpu.memref_slice %arg3[%mul3A_78] : memref<327680xi32, #tpu.memory_space<hbm>> -> memref<64xi32, #tpu.memory_space<hbm>>
    tpu.enqueue_dma source(%dma_start3A_83 : memref<64xi32, #tpu.memory_space<hbm>>) target(%arg8 : memref<64xi32, #tpu.memory_space<vmem>>) target_semaphore(%dma_start3A_82 : memref<!tpu.dma_semaphore, #tpu.memory_space<semaphore_mem>>)
    %add3A_84 = arith.constant 2 : i32
    %add3A_85 = arith.addi %select_n3A_26, %add3A_84 : i32
    %mul3A_86 = arith.constant 64 : i32
    %mul3A_87 = arith.muli %add3A_85, %mul3A_86 : i32
    %dma_start3A_88 = arith.constant 2 : i32
    %dma_start3A_89 = tpu.memref_slice %arg4[%mul3A_87] : memref<327680xi32, #tpu.memory_space<hbm>> -> memref<64xi32, #tpu.memory_space<hbm>>
    %dma_start3A_90 = tpu.memref_slice %arg21[%dma_start3A_88] : memref<4x!tpu.dma_semaphore, #tpu.memory_space<semaphore_mem>> -> memref<1x!tpu.dma_semaphore, #tpu.memory_space<semaphore_mem>>
    %dma_start3A_91 = tpu.memref_squeeze %dma_start3A_90 : memref<1x!tpu.dma_semaphore, #tpu.memory_space<semaphore_mem>> -> memref<!tpu.dma_semaphore, #tpu.memory_space<semaphore_mem>>
    %dma_start3A_92 = tpu.memref_slice %arg4[%mul3A_87] : memref<327680xi32, #tpu.memory_space<hbm>> -> memref<64xi32, #tpu.memory_space<hbm>>
    tpu.enqueue_dma source(%dma_start3A_92 : memref<64xi32, #tpu.memory_space<hbm>>) target(%arg12 : memref<64xi32, #tpu.memory_space<vmem>>) target_semaphore(%dma_start3A_91 : memref<!tpu.dma_semaphore, #tpu.memory_space<semaphore_mem>>)
    %add3A_93 = arith.constant 3 : i32
    %add3A_94 = arith.addi %select_n3A_26, %add3A_93 : i32
    %mul3A_95 = arith.constant 64 : i32
    %mul3A_96 = arith.muli %add3A_94, %mul3A_95 : i32
    %dma_start3A_97 = arith.constant 3 : i32
    %dma_start3A_98 = tpu.memref_slice %arg3[%mul3A_96] : memref<327680xi32, #tpu.memory_space<hbm>> -> memref<64xi32, #tpu.memory_space<hbm>>
    %dma_start3A_99 = tpu.memref_slice %arg20[%dma_start3A_97] : memref<4x!tpu.dma_semaphore, #tpu.memory_space<semaphore_mem>> -> memref<1x!tpu.dma_semaphore, #tpu.memory_space<semaphore_mem>>
    %dma_start3A_100 = tpu.memref_squeeze %dma_start3A_99 : memref<1x!tpu.dma_semaphore, #tpu.memory_space<semaphore_mem>> -> memref<!tpu.dma_semaphore, #tpu.memory_space<semaphore_mem>>
    %dma_start3A_101 = tpu.memref_slice %arg3[%mul3A_96] : memref<327680xi32, #tpu.memory_space<hbm>> -> memref<64xi32, #tpu.memory_space<hbm>>
    tpu.enqueue_dma source(%dma_start3A_101 : memref<64xi32, #tpu.memory_space<hbm>>) target(%arg9 : memref<64xi32, #tpu.memory_space<vmem>>) target_semaphore(%dma_start3A_100 : memref<!tpu.dma_semaphore, #tpu.memory_space<semaphore_mem>>)
    %add3A_102 = arith.constant 3 : i32
    %add3A_103 = arith.addi %select_n3A_26, %add3A_102 : i32
    %mul3A_104 = arith.constant 64 : i32
    %mul3A_105 = arith.muli %add3A_103, %mul3A_104 : i32
    %dma_start3A_106 = arith.constant 3 : i32
    %dma_start3A_107 = tpu.memref_slice %arg4[%mul3A_105] : memref<327680xi32, #tpu.memory_space<hbm>> -> memref<64xi32, #tpu.memory_space<hbm>>
    %dma_start3A_108 = tpu.memref_slice %arg21[%dma_start3A_106] : memref<4x!tpu.dma_semaphore, #tpu.memory_space<semaphore_mem>> -> memref<1x!tpu.dma_semaphore, #tpu.memory_space<semaphore_mem>>
    %dma_start3A_109 = tpu.memref_squeeze %dma_start3A_108 : memref<1x!tpu.dma_semaphore, #tpu.memory_space<semaphore_mem>> -> memref<!tpu.dma_semaphore, #tpu.memory_space<semaphore_mem>>
    %dma_start3A_110 = tpu.memref_slice %arg4[%mul3A_105] : memref<327680xi32, #tpu.memory_space<hbm>> -> memref<64xi32, #tpu.memory_space<hbm>>
    tpu.enqueue_dma source(%dma_start3A_110 : memref<64xi32, #tpu.memory_space<hbm>>) target(%arg13 : memref<64xi32, #tpu.memory_space<vmem>>) target_semaphore(%dma_start3A_109 : memref<!tpu.dma_semaphore, #tpu.memory_space<semaphore_mem>>)
    %add3A_111 = arith.constant 0 : i32
    %add3A_112 = arith.addi %select_n3A_26, %add3A_111 : i32
    %mul3A_113 = arith.constant 64 : i32
    %mul3A_114 = arith.muli %add3A_112, %mul3A_113 : i32
    %dma_wait3A = arith.constant 0 : i32
    %dma_wait3A_115 = tpu.memref_slice %arg3[%mul3A_114] : memref<327680xi32, #tpu.memory_space<hbm>> -> memref<64xi32, #tpu.memory_space<hbm>>
    %dma_wait3A_116 = tpu.memref_slice %arg20[%dma_wait3A] : memref<4x!tpu.dma_semaphore, #tpu.memory_space<semaphore_mem>> -> memref<1x!tpu.dma_semaphore, #tpu.memory_space<semaphore_mem>>
    %dma_wait3A_117 = tpu.memref_squeeze %dma_wait3A_116 : memref<1x!tpu.dma_semaphore, #tpu.memory_space<semaphore_mem>> -> memref<!tpu.dma_semaphore, #tpu.memory_space<semaphore_mem>>
    %dma_wait3A_118 = tpu.memref_slice %arg3[%mul3A_114] : memref<327680xi32, #tpu.memory_space<hbm>> -> memref<64xi32, #tpu.memory_space<hbm>>
    tpu.wait_dma2 semaphore(%dma_wait3A_117 : memref<!tpu.dma_semaphore, #tpu.memory_space<semaphore_mem>>) src(%dma_wait3A_118 : memref<64xi32, #tpu.memory_space<hbm>>) dst(%arg6 : memref<64xi32, #tpu.memory_space<vmem>>)
    %dma_start3A_119 = arith.constant 0 : i32
    %dma_start3A_120 = arith.constant 0 : i32
    %dma_start3A_121 = arith.constant 0 : i32
    %dma_start3A_122 = tpu.memref_slice %arg2[%dma_start3A_120, %dma_start3A_121] : memref<10240x128xf32, #tpu.memory_space<hbm>> -> memref<10240x128xf32, #tpu.memory_space<hbm>>
    %dma_start3A_123 = tpu.memref_slice %arg22[%dma_start3A_119] : memref<4x!tpu.dma_semaphore, #tpu.memory_space<semaphore_mem>> -> memref<1x!tpu.dma_semaphore, #tpu.memory_space<semaphore_mem>>
    %dma_start3A_124 = tpu.memref_squeeze %dma_start3A_123 : memref<1x!tpu.dma_semaphore, #tpu.memory_space<semaphore_mem>> -> memref<!tpu.dma_semaphore, #tpu.memory_space<semaphore_mem>>
    tpu.enqueue_indirect_dma source(%dma_start3A_122 : memref<10240x128xf32, #tpu.memory_space<hbm>>) target(%arg14 : memref<64x128xf32, #tpu.memory_space<vmem>>) offsets(%arg6 : memref<64xi32, #tpu.memory_space<vmem>>) semaphore(%dma_start3A_124 : memref<!tpu.dma_semaphore, #tpu.memory_space<semaphore_mem>>)
    %add3A_125 = arith.constant 1 : i32
    %add3A_126 = arith.addi %select_n3A_26, %add3A_125 : i32
    %mul3A_127 = arith.constant 64 : i32
    %mul3A_128 = arith.muli %add3A_126, %mul3A_127 : i32
    %dma_wait3A_129 = arith.constant 1 : i32
    %dma_wait3A_130 = tpu.memref_slice %arg3[%mul3A_128] : memref<327680xi32, #tpu.memory_space<hbm>> -> memref<64xi32, #tpu.memory_space<hbm>>
    %dma_wait3A_131 = tpu.memref_slice %arg20[%dma_wait3A_129] : memref<4x!tpu.dma_semaphore, #tpu.memory_space<semaphore_mem>> -> memref<1x!tpu.dma_semaphore, #tpu.memory_space<semaphore_mem>>
    %dma_wait3A_132 = tpu.memref_squeeze %dma_wait3A_131 : memref<1x!tpu.dma_semaphore, #tpu.memory_space<semaphore_mem>> -> memref<!tpu.dma_semaphore, #tpu.memory_space<semaphore_mem>>
    %dma_wait3A_133 = tpu.memref_slice %arg3[%mul3A_128] : memref<327680xi32, #tpu.memory_space<hbm>> -> memref<64xi32, #tpu.memory_space<hbm>>
    tpu.wait_dma2 semaphore(%dma_wait3A_132 : memref<!tpu.dma_semaphore, #tpu.memory_space<semaphore_mem>>) src(%dma_wait3A_133 : memref<64xi32, #tpu.memory_space<hbm>>) dst(%arg7 : memref<64xi32, #tpu.memory_space<vmem>>)
    %dma_start3A_134 = arith.constant 1 : i32
    %dma_start3A_135 = arith.constant 0 : i32
    %dma_start3A_136 = arith.constant 0 : i32
    %dma_start3A_137 = tpu.memref_slice %arg2[%dma_start3A_135, %dma_start3A_136] : memref<10240x128xf32, #tpu.memory_space<hbm>> -> memref<10240x128xf32, #tpu.memory_space<hbm>>
    %dma_start3A_138 = tpu.memref_slice %arg22[%dma_start3A_134] : memref<4x!tpu.dma_semaphore, #tpu.memory_space<semaphore_mem>> -> memref<1x!tpu.dma_semaphore, #tpu.memory_space<semaphore_mem>>
    %dma_start3A_139 = tpu.memref_squeeze %dma_start3A_138 : memref<1x!tpu.dma_semaphore, #tpu.memory_space<semaphore_mem>> -> memref<!tpu.dma_semaphore, #tpu.memory_space<semaphore_mem>>
    tpu.enqueue_indirect_dma source(%dma_start3A_137 : memref<10240x128xf32, #tpu.memory_space<hbm>>) target(%arg15 : memref<64x128xf32, #tpu.memory_space<vmem>>) offsets(%arg7 : memref<64xi32, #tpu.memory_space<vmem>>) semaphore(%dma_start3A_139 : memref<!tpu.dma_semaphore, #tpu.memory_space<semaphore_mem>>)
    %add3A_140 = arith.constant 2 : i32
    %add3A_141 = arith.addi %select_n3A_26, %add3A_140 : i32
    %mul3A_142 = arith.constant 64 : i32
    %mul3A_143 = arith.muli %add3A_141, %mul3A_142 : i32
    %dma_wait3A_144 = arith.constant 2 : i32
    %dma_wait3A_145 = tpu.memref_slice %arg3[%mul3A_143] : memref<327680xi32, #tpu.memory_space<hbm>> -> memref<64xi32, #tpu.memory_space<hbm>>
    %dma_wait3A_146 = tpu.memref_slice %arg20[%dma_wait3A_144] : memref<4x!tpu.dma_semaphore, #tpu.memory_space<semaphore_mem>> -> memref<1x!tpu.dma_semaphore, #tpu.memory_space<semaphore_mem>>
    %dma_wait3A_147 = tpu.memref_squeeze %dma_wait3A_146 : memref<1x!tpu.dma_semaphore, #tpu.memory_space<semaphore_mem>> -> memref<!tpu.dma_semaphore, #tpu.memory_space<semaphore_mem>>
    %dma_wait3A_148 = tpu.memref_slice %arg3[%mul3A_143] : memref<327680xi32, #tpu.memory_space<hbm>> -> memref<64xi32, #tpu.memory_space<hbm>>
    tpu.wait_dma2 semaphore(%dma_wait3A_147 : memref<!tpu.dma_semaphore, #tpu.memory_space<semaphore_mem>>) src(%dma_wait3A_148 : memref<64xi32, #tpu.memory_space<hbm>>) dst(%arg8 : memref<64xi32, #tpu.memory_space<vmem>>)
    %dma_start3A_149 = arith.constant 2 : i32
    %dma_start3A_150 = arith.constant 0 : i32
    %dma_start3A_151 = arith.constant 0 : i32
    %dma_start3A_152 = tpu.memref_slice %arg2[%dma_start3A_150, %dma_start3A_151] : memref<10240x128xf32, #tpu.memory_space<hbm>> -> memref<10240x128xf32, #tpu.memory_space<hbm>>
    %dma_start3A_153 = tpu.memref_slice %arg22[%dma_start3A_149] : memref<4x!tpu.dma_semaphore, #tpu.memory_space<semaphore_mem>> -> memref<1x!tpu.dma_semaphore, #tpu.memory_space<semaphore_mem>>
    %dma_start3A_154 = tpu.memref_squeeze %dma_start3A_153 : memref<1x!tpu.dma_semaphore, #tpu.memory_space<semaphore_mem>> -> memref<!tpu.dma_semaphore, #tpu.memory_space<semaphore_mem>>
    tpu.enqueue_indirect_dma source(%dma_start3A_152 : memref<10240x128xf32, #tpu.memory_space<hbm>>) target(%arg16 : memref<64x128xf32, #tpu.memory_space<vmem>>) offsets(%arg8 : memref<64xi32, #tpu.memory_space<vmem>>) semaphore(%dma_start3A_154 : memref<!tpu.dma_semaphore, #tpu.memory_space<semaphore_mem>>)
    %add3A_155 = arith.constant 3 : i32
    %add3A_156 = arith.addi %select_n3A_26, %add3A_155 : i32
    %mul3A_157 = arith.constant 64 : i32
    %mul3A_158 = arith.muli %add3A_156, %mul3A_157 : i32
    %dma_wait3A_159 = arith.constant 3 : i32
    %dma_wait3A_160 = tpu.memref_slice %arg3[%mul3A_158] : memref<327680xi32, #tpu.memory_space<hbm>> -> memref<64xi32, #tpu.memory_space<hbm>>
    %dma_wait3A_161 = tpu.memref_slice %arg20[%dma_wait3A_159] : memref<4x!tpu.dma_semaphore, #tpu.memory_space<semaphore_mem>> -> memref<1x!tpu.dma_semaphore, #tpu.memory_space<semaphore_mem>>
    %dma_wait3A_162 = tpu.memref_squeeze %dma_wait3A_161 : memref<1x!tpu.dma_semaphore, #tpu.memory_space<semaphore_mem>> -> memref<!tpu.dma_semaphore, #tpu.memory_space<semaphore_mem>>
    %dma_wait3A_163 = tpu.memref_slice %arg3[%mul3A_158] : memref<327680xi32, #tpu.memory_space<hbm>> -> memref<64xi32, #tpu.memory_space<hbm>>
    tpu.wait_dma2 semaphore(%dma_wait3A_162 : memref<!tpu.dma_semaphore, #tpu.memory_space<semaphore_mem>>) src(%dma_wait3A_163 : memref<64xi32, #tpu.memory_space<hbm>>) dst(%arg9 : memref<64xi32, #tpu.memory_space<vmem>>)
    %dma_start3A_164 = arith.constant 3 : i32
    %dma_start3A_165 = arith.constant 0 : i32
    %dma_start3A_166 = arith.constant 0 : i32
    %dma_start3A_167 = tpu.memref_slice %arg2[%dma_start3A_165, %dma_start3A_166] : memref<10240x128xf32, #tpu.memory_space<hbm>> -> memref<10240x128xf32, #tpu.memory_space<hbm>>
    %dma_start3A_168 = tpu.memref_slice %arg22[%dma_start3A_164] : memref<4x!tpu.dma_semaphore, #tpu.memory_space<semaphore_mem>> -> memref<1x!tpu.dma_semaphore, #tpu.memory_space<semaphore_mem>>
    %dma_start3A_169 = tpu.memref_squeeze %dma_start3A_168 : memref<1x!tpu.dma_semaphore, #tpu.memory_space<semaphore_mem>> -> memref<!tpu.dma_semaphore, #tpu.memory_space<semaphore_mem>>
    tpu.enqueue_indirect_dma source(%dma_start3A_167 : memref<10240x128xf32, #tpu.memory_space<hbm>>) target(%arg17 : memref<64x128xf32, #tpu.memory_space<vmem>>) offsets(%arg9 : memref<64xi32, #tpu.memory_space<vmem>>) semaphore(%dma_start3A_169 : memref<!tpu.dma_semaphore, #tpu.memory_space<semaphore_mem>>)
    %sub3A_170 = arith.constant 1 : i32
    %sub3A_171 = arith.subi %select_n3A_19, %sub3A_170 : i32
    %while3A = arith.constant 0 : i32
    %while3A_172 = arith.constant 0 : i32
    %while3A_173 = arith.subi %sub3A_171, %while3A : i32
    %while3A_174 = arith.addi %while3A, %while3A_173 : i32
    %while3A_175 = arith.constant 1 : i32
    %while3A_176 = arith.divsi %while3A_173, %while3A_175 : i32
    %while3A_177 = arith.muli %while3A_176, %while3A_175 : i32
    %while3A_178 = arith.addi %while3A, %while3A_177 : i32
    %while3A_179 = arith.constant 1 : i32
    %while3A_180 = scf.for %while3A_316 = %while3A to %while3A_178 step %while3A_179 iter_args(%while3A_317 = %while3A_172) -> (i32)  : i32 {
      %dma_wait3A_318 = arith.constant 0 : i32
      %dma_wait3A_319 = arith.constant 0 : i32
      %dma_wait3A_320 = arith.constant 0 : i32
      %dma_wait3A_321 = tpu.memref_slice %arg2[%dma_wait3A_319, %dma_wait3A_320] : memref<10240x128xf32, #tpu.memory_space<hbm>> -> memref<10240x128xf32, #tpu.memory_space<hbm>>
      %dma_wait3A_322 = tpu.memref_slice %arg22[%dma_wait3A_318] : memref<4x!tpu.dma_semaphore, #tpu.memory_space<semaphore_mem>> -> memref<1x!tpu.dma_semaphore, #tpu.memory_space<semaphore_mem>>
      %dma_wait3A_323 = tpu.memref_squeeze %dma_wait3A_322 : memref<1x!tpu.dma_semaphore, #tpu.memory_space<semaphore_mem>> -> memref<!tpu.dma_semaphore, #tpu.memory_space<semaphore_mem>>
      tpu.wait_indirect_dma semaphore(%dma_wait3A_323 : memref<!tpu.dma_semaphore, #tpu.memory_space<semaphore_mem>>) src(%dma_wait3A_321 : memref<10240x128xf32, #tpu.memory_space<hbm>>) dst(%arg14 : memref<64x128xf32, #tpu.memory_space<vmem>>)
      %mul3A_324 = arith.constant 4 : i32
      %mul3A_325 = arith.muli %while3A_316, %mul3A_324 : i32
      %add3A_326 = arith.constant 0 : i32
      %add3A_327 = arith.addi %mul3A_325, %add3A_326 : i32
      %add3A_328 = arith.addi %select_n3A_26, %add3A_327 : i32
      %mul3A_329 = arith.constant 64 : i32
      %mul3A_330 = arith.muli %add3A_328, %mul3A_329 : i32
      %dma_wait3A_331 = arith.constant 0 : i32
      %dma_wait3A_332 = tpu.memref_slice %arg4[%mul3A_330] : memref<327680xi32, #tpu.memory_space<hbm>> -> memref<64xi32, #tpu.memory_space<hbm>>
      %dma_wait3A_333 = tpu.memref_slice %arg21[%dma_wait3A_331] : memref<4x!tpu.dma_semaphore, #tpu.memory_space<semaphore_mem>> -> memref<1x!tpu.dma_semaphore, #tpu.memory_space<semaphore_mem>>
      %dma_wait3A_334 = tpu.memref_squeeze %dma_wait3A_333 : memref<1x!tpu.dma_semaphore, #tpu.memory_space<semaphore_mem>> -> memref<!tpu.dma_semaphore, #tpu.memory_space<semaphore_mem>>
      %dma_wait3A_335 = tpu.memref_slice %arg4[%mul3A_330] : memref<327680xi32, #tpu.memory_space<hbm>> -> memref<64xi32, #tpu.memory_space<hbm>>
      tpu.wait_dma2 semaphore(%dma_wait3A_334 : memref<!tpu.dma_semaphore, #tpu.memory_space<semaphore_mem>>) src(%dma_wait3A_335 : memref<64xi32, #tpu.memory_space<hbm>>) dst(%arg10 : memref<64xi32, #tpu.memory_space<vmem>>)
      %dma_start3A_336 = arith.constant 0 : i32
      %dma_start3A_337 = arith.constant 0 : i32
      %dma_start3A_338 = arith.constant 0 : i32
      %dma_start3A_339 = tpu.memref_slice %arg19[%dma_start3A_337, %dma_start3A_338] : memref<10240x128xf32, #tpu.memory_space<vmem_shared>> -> memref<10240x128xf32, #tpu.memory_space<vmem_shared>>
      %dma_start3A_340 = tpu.memref_slice %arg23[%dma_start3A_336] : memref<4x!tpu.dma_semaphore, #tpu.memory_space<semaphore_mem>> -> memref<1x!tpu.dma_semaphore, #tpu.memory_space<semaphore_mem>>
      %dma_start3A_341 = tpu.memref_squeeze %dma_start3A_340 : memref<1x!tpu.dma_semaphore, #tpu.memory_space<semaphore_mem>> -> memref<!tpu.dma_semaphore, #tpu.memory_space<semaphore_mem>>
      tpu.enqueue_indirect_dma source(%arg14 : memref<64x128xf32, #tpu.memory_space<vmem>>) target(%dma_start3A_339 : memref<10240x128xf32, #tpu.memory_space<vmem_shared>>) offsets(%arg10 : memref<64xi32, #tpu.memory_space<vmem>>) semaphore(%dma_start3A_341 : memref<!tpu.dma_semaphore, #tpu.memory_space<semaphore_mem>>) {add = true}
      %dma_wait3A_342 = arith.constant 1 : i32
      %dma_wait3A_343 = arith.constant 0 : i32
      %dma_wait3A_344 = arith.constant 0 : i32
      %dma_wait3A_345 = tpu.memref_slice %arg2[%dma_wait3A_343, %dma_wait3A_344] : memref<10240x128xf32, #tpu.memory_space<hbm>> -> memref<10240x128xf32, #tpu.memory_space<hbm>>
      %dma_wait3A_346 = tpu.memref_slice %arg22[%dma_wait3A_342] : memref<4x!tpu.dma_semaphore, #tpu.memory_space<semaphore_mem>> -> memref<1x!tpu.dma_semaphore, #tpu.memory_space<semaphore_mem>>
      %dma_wait3A_347 = tpu.memref_squeeze %dma_wait3A_346 : memref<1x!tpu.dma_semaphore, #tpu.memory_space<semaphore_mem>> -> memref<!tpu.dma_semaphore, #tpu.memory_space<semaphore_mem>>
      tpu.wait_indirect_dma semaphore(%dma_wait3A_347 : memref<!tpu.dma_semaphore, #tpu.memory_space<semaphore_mem>>) src(%dma_wait3A_345 : memref<10240x128xf32, #tpu.memory_space<hbm>>) dst(%arg15 : memref<64x128xf32, #tpu.memory_space<vmem>>)
      %mul3A_348 = arith.constant 4 : i32
      %mul3A_349 = arith.muli %while3A_316, %mul3A_348 : i32
      %add3A_350 = arith.constant 1 : i32
      %add3A_351 = arith.addi %mul3A_349, %add3A_350 : i32
      %add3A_352 = arith.addi %select_n3A_26, %add3A_351 : i32
      %mul3A_353 = arith.constant 64 : i32
      %mul3A_354 = arith.muli %add3A_352, %mul3A_353 : i32
      %dma_wait3A_355 = arith.constant 1 : i32
      %dma_wait3A_356 = tpu.memref_slice %arg4[%mul3A_354] : memref<327680xi32, #tpu.memory_space<hbm>> -> memref<64xi32, #tpu.memory_space<hbm>>
      %dma_wait3A_357 = tpu.memref_slice %arg21[%dma_wait3A_355] : memref<4x!tpu.dma_semaphore, #tpu.memory_space<semaphore_mem>> -> memref<1x!tpu.dma_semaphore, #tpu.memory_space<semaphore_mem>>
      %dma_wait3A_358 = tpu.memref_squeeze %dma_wait3A_357 : memref<1x!tpu.dma_semaphore, #tpu.memory_space<semaphore_mem>> -> memref<!tpu.dma_semaphore, #tpu.memory_space<semaphore_mem>>
      %dma_wait3A_359 = tpu.memref_slice %arg4[%mul3A_354] : memref<327680xi32, #tpu.memory_space<hbm>> -> memref<64xi32, #tpu.memory_space<hbm>>
      tpu.wait_dma2 semaphore(%dma_wait3A_358 : memref<!tpu.dma_semaphore, #tpu.memory_space<semaphore_mem>>) src(%dma_wait3A_359 : memref<64xi32, #tpu.memory_space<hbm>>) dst(%arg11 : memref<64xi32, #tpu.memory_space<vmem>>)
      %dma_start3A_360 = arith.constant 1 : i32
      %dma_start3A_361 = arith.constant 0 : i32
      %dma_start3A_362 = arith.constant 0 : i32
      %dma_start3A_363 = tpu.memref_slice %arg19[%dma_start3A_361, %dma_start3A_362] : memref<10240x128xf32, #tpu.memory_space<vmem_shared>> -> memref<10240x128xf32, #tpu.memory_space<vmem_shared>>
      %dma_start3A_364 = tpu.memref_slice %arg23[%dma_start3A_360] : memref<4x!tpu.dma_semaphore, #tpu.memory_space<semaphore_mem>> -> memref<1x!tpu.dma_semaphore, #tpu.memory_space<semaphore_mem>>
      %dma_start3A_365 = tpu.memref_squeeze %dma_start3A_364 : memref<1x!tpu.dma_semaphore, #tpu.memory_space<semaphore_mem>> -> memref<!tpu.dma_semaphore, #tpu.memory_space<semaphore_mem>>
      tpu.enqueue_indirect_dma source(%arg15 : memref<64x128xf32, #tpu.memory_space<vmem>>) target(%dma_start3A_363 : memref<10240x128xf32, #tpu.memory_space<vmem_shared>>) offsets(%arg11 : memref<64xi32, #tpu.memory_space<vmem>>) semaphore(%dma_start3A_365 : memref<!tpu.dma_semaphore, #tpu.memory_space<semaphore_mem>>) {add = true}
      %dma_wait3A_366 = arith.constant 2 : i32
      %dma_wait3A_367 = arith.constant 0 : i32
      %dma_wait3A_368 = arith.constant 0 : i32
      %dma_wait3A_369 = tpu.memref_slice %arg2[%dma_wait3A_367, %dma_wait3A_368] : memref<10240x128xf32, #tpu.memory_space<hbm>> -> memref<10240x128xf32, #tpu.memory_space<hbm>>
      %dma_wait3A_370 = tpu.memref_slice %arg22[%dma_wait3A_366] : memref<4x!tpu.dma_semaphore, #tpu.memory_space<semaphore_mem>> -> memref<1x!tpu.dma_semaphore, #tpu.memory_space<semaphore_mem>>
      %dma_wait3A_371 = tpu.memref_squeeze %dma_wait3A_370 : memref<1x!tpu.dma_semaphore, #tpu.memory_space<semaphore_mem>> -> memref<!tpu.dma_semaphore, #tpu.memory_space<semaphore_mem>>
      tpu.wait_indirect_dma semaphore(%dma_wait3A_371 : memref<!tpu.dma_semaphore, #tpu.memory_space<semaphore_mem>>) src(%dma_wait3A_369 : memref<10240x128xf32, #tpu.memory_space<hbm>>) dst(%arg16 : memref<64x128xf32, #tpu.memory_space<vmem>>)
      %mul3A_372 = arith.constant 4 : i32
      %mul3A_373 = arith.muli %while3A_316, %mul3A_372 : i32
      %add3A_374 = arith.constant 2 : i32
      %add3A_375 = arith.addi %mul3A_373, %add3A_374 : i32
      %add3A_376 = arith.addi %select_n3A_26, %add3A_375 : i32
      %mul3A_377 = arith.constant 64 : i32
      %mul3A_378 = arith.muli %add3A_376, %mul3A_377 : i32
      %dma_wait3A_379 = arith.constant 2 : i32
      %dma_wait3A_380 = tpu.memref_slice %arg4[%mul3A_378] : memref<327680xi32, #tpu.memory_space<hbm>> -> memref<64xi32, #tpu.memory_space<hbm>>
      %dma_wait3A_381 = tpu.memref_slice %arg21[%dma_wait3A_379] : memref<4x!tpu.dma_semaphore, #tpu.memory_space<semaphore_mem>> -> memref<1x!tpu.dma_semaphore, #tpu.memory_space<semaphore_mem>>
      %dma_wait3A_382 = tpu.memref_squeeze %dma_wait3A_381 : memref<1x!tpu.dma_semaphore, #tpu.memory_space<semaphore_mem>> -> memref<!tpu.dma_semaphore, #tpu.memory_space<semaphore_mem>>
      %dma_wait3A_383 = tpu.memref_slice %arg4[%mul3A_378] : memref<327680xi32, #tpu.memory_space<hbm>> -> memref<64xi32, #tpu.memory_space<hbm>>
      tpu.wait_dma2 semaphore(%dma_wait3A_382 : memref<!tpu.dma_semaphore, #tpu.memory_space<semaphore_mem>>) src(%dma_wait3A_383 : memref<64xi32, #tpu.memory_space<hbm>>) dst(%arg12 : memref<64xi32, #tpu.memory_space<vmem>>)
      %dma_start3A_384 = arith.constant 2 : i32
      %dma_start3A_385 = arith.constant 0 : i32
      %dma_start3A_386 = arith.constant 0 : i32
      %dma_start3A_387 = tpu.memref_slice %arg19[%dma_start3A_385, %dma_start3A_386] : memref<10240x128xf32, #tpu.memory_space<vmem_shared>> -> memref<10240x128xf32, #tpu.memory_space<vmem_shared>>
      %dma_start3A_388 = tpu.memref_slice %arg23[%dma_start3A_384] : memref<4x!tpu.dma_semaphore, #tpu.memory_space<semaphore_mem>> -> memref<1x!tpu.dma_semaphore, #tpu.memory_space<semaphore_mem>>
      %dma_start3A_389 = tpu.memref_squeeze %dma_start3A_388 : memref<1x!tpu.dma_semaphore, #tpu.memory_space<semaphore_mem>> -> memref<!tpu.dma_semaphore, #tpu.memory_space<semaphore_mem>>
      tpu.enqueue_indirect_dma source(%arg16 : memref<64x128xf32, #tpu.memory_space<vmem>>) target(%dma_start3A_387 : memref<10240x128xf32, #tpu.memory_space<vmem_shared>>) offsets(%arg12 : memref<64xi32, #tpu.memory_space<vmem>>) semaphore(%dma_start3A_389 : memref<!tpu.dma_semaphore, #tpu.memory_space<semaphore_mem>>) {add = true}
      %dma_wait3A_390 = arith.constant 3 : i32
      %dma_wait3A_391 = arith.constant 0 : i32
      %dma_wait3A_392 = arith.constant 0 : i32
      %dma_wait3A_393 = tpu.memref_slice %arg2[%dma_wait3A_391, %dma_wait3A_392] : memref<10240x128xf32, #tpu.memory_space<hbm>> -> memref<10240x128xf32, #tpu.memory_space<hbm>>
      %dma_wait3A_394 = tpu.memref_slice %arg22[%dma_wait3A_390] : memref<4x!tpu.dma_semaphore, #tpu.memory_space<semaphore_mem>> -> memref<1x!tpu.dma_semaphore, #tpu.memory_space<semaphore_mem>>
      %dma_wait3A_395 = tpu.memref_squeeze %dma_wait3A_394 : memref<1x!tpu.dma_semaphore, #tpu.memory_space<semaphore_mem>> -> memref<!tpu.dma_semaphore, #tpu.memory_space<semaphore_mem>>
      tpu.wait_indirect_dma semaphore(%dma_wait3A_395 : memref<!tpu.dma_semaphore, #tpu.memory_space<semaphore_mem>>) src(%dma_wait3A_393 : memref<10240x128xf32, #tpu.memory_space<hbm>>) dst(%arg17 : memref<64x128xf32, #tpu.memory_space<vmem>>)
      %mul3A_396 = arith.constant 4 : i32
      %mul3A_397 = arith.muli %while3A_316, %mul3A_396 : i32
      %add3A_398 = arith.constant 3 : i32
      %add3A_399 = arith.addi %mul3A_397, %add3A_398 : i32
      %add3A_400 = arith.addi %select_n3A_26, %add3A_399 : i32
      %mul3A_401 = arith.constant 64 : i32
      %mul3A_402 = arith.muli %add3A_400, %mul3A_401 : i32
      %dma_wait3A_403 = arith.constant 3 : i32
      %dma_wait3A_404 = tpu.memref_slice %arg4[%mul3A_402] : memref<327680xi32, #tpu.memory_space<hbm>> -> memref<64xi32, #tpu.memory_space<hbm>>
      %dma_wait3A_405 = tpu.memref_slice %arg21[%dma_wait3A_403] : memref<4x!tpu.dma_semaphore, #tpu.memory_space<semaphore_mem>> -> memref<1x!tpu.dma_semaphore, #tpu.memory_space<semaphore_mem>>
      %dma_wait3A_406 = tpu.memref_squeeze %dma_wait3A_405 : memref<1x!tpu.dma_semaphore, #tpu.memory_space<semaphore_mem>> -> memref<!tpu.dma_semaphore, #tpu.memory_space<semaphore_mem>>
      %dma_wait3A_407 = tpu.memref_slice %arg4[%mul3A_402] : memref<327680xi32, #tpu.memory_space<hbm>> -> memref<64xi32, #tpu.memory_space<hbm>>
      tpu.wait_dma2 semaphore(%dma_wait3A_406 : memref<!tpu.dma_semaphore, #tpu.memory_space<semaphore_mem>>) src(%dma_wait3A_407 : memref<64xi32, #tpu.memory_space<hbm>>) dst(%arg13 : memref<64xi32, #tpu.memory_space<vmem>>)
      %dma_start3A_408 = arith.constant 3 : i32
      %dma_start3A_409 = arith.constant 0 : i32
      %dma_start3A_410 = arith.constant 0 : i32
      %dma_start3A_411 = tpu.memref_slice %arg19[%dma_start3A_409, %dma_start3A_410] : memref<10240x128xf32, #tpu.memory_space<vmem_shared>> -> memref<10240x128xf32, #tpu.memory_space<vmem_shared>>
      %dma_start3A_412 = tpu.memref_slice %arg23[%dma_start3A_408] : memref<4x!tpu.dma_semaphore, #tpu.memory_space<semaphore_mem>> -> memref<1x!tpu.dma_semaphore, #tpu.memory_space<semaphore_mem>>
      %dma_start3A_413 = tpu.memref_squeeze %dma_start3A_412 : memref<1x!tpu.dma_semaphore, #tpu.memory_space<semaphore_mem>> -> memref<!tpu.dma_semaphore, #tpu.memory_space<semaphore_mem>>
      tpu.enqueue_indirect_dma source(%arg17 : memref<64x128xf32, #tpu.memory_space<vmem>>) target(%dma_start3A_411 : memref<10240x128xf32, #tpu.memory_space<vmem_shared>>) offsets(%arg13 : memref<64xi32, #tpu.memory_space<vmem>>) semaphore(%dma_start3A_413 : memref<!tpu.dma_semaphore, #tpu.memory_space<semaphore_mem>>) {add = true}
      %dma_wait3A_414 = arith.constant 0 : i32
      %dma_wait3A_415 = arith.constant 0 : i32
      %dma_wait3A_416 = arith.constant 0 : i32
      %dma_wait3A_417 = tpu.memref_slice %arg19[%dma_wait3A_415, %dma_wait3A_416] : memref<10240x128xf32, #tpu.memory_space<vmem_shared>> -> memref<10240x128xf32, #tpu.memory_space<vmem_shared>>
      %dma_wait3A_418 = tpu.memref_slice %arg23[%dma_wait3A_414] : memref<4x!tpu.dma_semaphore, #tpu.memory_space<semaphore_mem>> -> memref<1x!tpu.dma_semaphore, #tpu.memory_space<semaphore_mem>>
      %dma_wait3A_419 = tpu.memref_squeeze %dma_wait3A_418 : memref<1x!tpu.dma_semaphore, #tpu.memory_space<semaphore_mem>> -> memref<!tpu.dma_semaphore, #tpu.memory_space<semaphore_mem>>
      tpu.wait_indirect_dma semaphore(%dma_wait3A_419 : memref<!tpu.dma_semaphore, #tpu.memory_space<semaphore_mem>>) src(%arg14 : memref<64x128xf32, #tpu.memory_space<vmem>>) dst(%dma_wait3A_417 : memref<10240x128xf32, #tpu.memory_space<vmem_shared>>)
      %add3A_420 = arith.constant 1 : i32
      %add3A_421 = arith.addi %while3A_316, %add3A_420 : i32
      %mul3A_422 = arith.constant 4 : i32
      %mul3A_423 = arith.muli %add3A_421, %mul3A_422 : i32
      %add3A_424 = arith.constant 0 : i32
      %add3A_425 = arith.addi %mul3A_423, %add3A_424 : i32
      %add3A_426 = arith.addi %select_n3A_26, %add3A_425 : i32
      %mul3A_427 = arith.constant 64 : i32
      %mul3A_428 = arith.muli %add3A_426, %mul3A_427 : i32
      %dma_start3A_429 = arith.constant 0 : i32
      %dma_start3A_430 = tpu.memref_slice %arg3[%mul3A_428] : memref<327680xi32, #tpu.memory_space<hbm>> -> memref<64xi32, #tpu.memory_space<hbm>>
      %dma_start3A_431 = tpu.memref_slice %arg20[%dma_start3A_429] : memref<4x!tpu.dma_semaphore, #tpu.memory_space<semaphore_mem>> -> memref<1x!tpu.dma_semaphore, #tpu.memory_space<semaphore_mem>>
      %dma_start3A_432 = tpu.memref_squeeze %dma_start3A_431 : memref<1x!tpu.dma_semaphore, #tpu.memory_space<semaphore_mem>> -> memref<!tpu.dma_semaphore, #tpu.memory_space<semaphore_mem>>
      %dma_start3A_433 = tpu.memref_slice %arg3[%mul3A_428] : memref<327680xi32, #tpu.memory_space<hbm>> -> memref<64xi32, #tpu.memory_space<hbm>>
      tpu.enqueue_dma source(%dma_start3A_433 : memref<64xi32, #tpu.memory_space<hbm>>) target(%arg6 : memref<64xi32, #tpu.memory_space<vmem>>) target_semaphore(%dma_start3A_432 : memref<!tpu.dma_semaphore, #tpu.memory_space<semaphore_mem>>)
      %add3A_434 = arith.constant 1 : i32
      %add3A_435 = arith.addi %while3A_316, %add3A_434 : i32
      %mul3A_436 = arith.constant 4 : i32
      %mul3A_437 = arith.muli %add3A_435, %mul3A_436 : i32
      %add3A_438 = arith.constant 0 : i32
      %add3A_439 = arith.addi %mul3A_437, %add3A_438 : i32
      %add3A_440 = arith.addi %select_n3A_26, %add3A_439 : i32
      %mul3A_441 = arith.constant 64 : i32
      %mul3A_442 = arith.muli %add3A_440, %mul3A_441 : i32
      %dma_start3A_443 = arith.constant 0 : i32
      %dma_start3A_444 = tpu.memref_slice %arg4[%mul3A_442] : memref<327680xi32, #tpu.memory_space<hbm>> -> memref<64xi32, #tpu.memory_space<hbm>>
      %dma_start3A_445 = tpu.memref_slice %arg21[%dma_start3A_443] : memref<4x!tpu.dma_semaphore, #tpu.memory_space<semaphore_mem>> -> memref<1x!tpu.dma_semaphore, #tpu.memory_space<semaphore_mem>>
      %dma_start3A_446 = tpu.memref_squeeze %dma_start3A_445 : memref<1x!tpu.dma_semaphore, #tpu.memory_space<semaphore_mem>> -> memref<!tpu.dma_semaphore, #tpu.memory_space<semaphore_mem>>
      %dma_start3A_447 = tpu.memref_slice %arg4[%mul3A_442] : memref<327680xi32, #tpu.memory_space<hbm>> -> memref<64xi32, #tpu.memory_space<hbm>>
      tpu.enqueue_dma source(%dma_start3A_447 : memref<64xi32, #tpu.memory_space<hbm>>) target(%arg10 : memref<64xi32, #tpu.memory_space<vmem>>) target_semaphore(%dma_start3A_446 : memref<!tpu.dma_semaphore, #tpu.memory_space<semaphore_mem>>)
      %dma_wait3A_448 = arith.constant 1 : i32
      %dma_wait3A_449 = arith.constant 0 : i32
      %dma_wait3A_450 = arith.constant 0 : i32
      %dma_wait3A_451 = tpu.memref_slice %arg19[%dma_wait3A_449, %dma_wait3A_450] : memref<10240x128xf32, #tpu.memory_space<vmem_shared>> -> memref<10240x128xf32, #tpu.memory_space<vmem_shared>>
      %dma_wait3A_452 = tpu.memref_slice %arg23[%dma_wait3A_448] : memref<4x!tpu.dma_semaphore, #tpu.memory_space<semaphore_mem>> -> memref<1x!tpu.dma_semaphore, #tpu.memory_space<semaphore_mem>>
      %dma_wait3A_453 = tpu.memref_squeeze %dma_wait3A_452 : memref<1x!tpu.dma_semaphore, #tpu.memory_space<semaphore_mem>> -> memref<!tpu.dma_semaphore, #tpu.memory_space<semaphore_mem>>
      tpu.wait_indirect_dma semaphore(%dma_wait3A_453 : memref<!tpu.dma_semaphore, #tpu.memory_space<semaphore_mem>>) src(%arg15 : memref<64x128xf32, #tpu.memory_space<vmem>>) dst(%dma_wait3A_451 : memref<10240x128xf32, #tpu.memory_space<vmem_shared>>)
      %add3A_454 = arith.constant 1 : i32
      %add3A_455 = arith.addi %while3A_316, %add3A_454 : i32
      %mul3A_456 = arith.constant 4 : i32
      %mul3A_457 = arith.muli %add3A_455, %mul3A_456 : i32
      %add3A_458 = arith.constant 1 : i32
      %add3A_459 = arith.addi %mul3A_457, %add3A_458 : i32
      %add3A_460 = arith.addi %select_n3A_26, %add3A_459 : i32
      %mul3A_461 = arith.constant 64 : i32
      %mul3A_462 = arith.muli %add3A_460, %mul3A_461 : i32
      %dma_start3A_463 = arith.constant 1 : i32
      %dma_start3A_464 = tpu.memref_slice %arg3[%mul3A_462] : memref<327680xi32, #tpu.memory_space<hbm>> -> memref<64xi32, #tpu.memory_space<hbm>>
      %dma_start3A_465 = tpu.memref_slice %arg20[%dma_start3A_463] : memref<4x!tpu.dma_semaphore, #tpu.memory_space<semaphore_mem>> -> memref<1x!tpu.dma_semaphore, #tpu.memory_space<semaphore_mem>>
      %dma_start3A_466 = tpu.memref_squeeze %dma_start3A_465 : memref<1x!tpu.dma_semaphore, #tpu.memory_space<semaphore_mem>> -> memref<!tpu.dma_semaphore, #tpu.memory_space<semaphore_mem>>
      %dma_start3A_467 = tpu.memref_slice %arg3[%mul3A_462] : memref<327680xi32, #tpu.memory_space<hbm>> -> memref<64xi32, #tpu.memory_space<hbm>>
      tpu.enqueue_dma source(%dma_start3A_467 : memref<64xi32, #tpu.memory_space<hbm>>) target(%arg7 : memref<64xi32, #tpu.memory_space<vmem>>) target_semaphore(%dma_start3A_466 : memref<!tpu.dma_semaphore, #tpu.memory_space<semaphore_mem>>)
      %add3A_468 = arith.constant 1 : i32
      %add3A_469 = arith.addi %while3A_316, %add3A_468 : i32
      %mul3A_470 = arith.constant 4 : i32
      %mul3A_471 = arith.muli %add3A_469, %mul3A_470 : i32
      %add3A_472 = arith.constant 1 : i32
      %add3A_473 = arith.addi %mul3A_471, %add3A_472 : i32
      %add3A_474 = arith.addi %select_n3A_26, %add3A_473 : i32
      %mul3A_475 = arith.constant 64 : i32
      %mul3A_476 = arith.muli %add3A_474, %mul3A_475 : i32
      %dma_start3A_477 = arith.constant 1 : i32
      %dma_start3A_478 = tpu.memref_slice %arg4[%mul3A_476] : memref<327680xi32, #tpu.memory_space<hbm>> -> memref<64xi32, #tpu.memory_space<hbm>>
      %dma_start3A_479 = tpu.memref_slice %arg21[%dma_start3A_477] : memref<4x!tpu.dma_semaphore, #tpu.memory_space<semaphore_mem>> -> memref<1x!tpu.dma_semaphore, #tpu.memory_space<semaphore_mem>>
      %dma_start3A_480 = tpu.memref_squeeze %dma_start3A_479 : memref<1x!tpu.dma_semaphore, #tpu.memory_space<semaphore_mem>> -> memref<!tpu.dma_semaphore, #tpu.memory_space<semaphore_mem>>
      %dma_start3A_481 = tpu.memref_slice %arg4[%mul3A_476] : memref<327680xi32, #tpu.memory_space<hbm>> -> memref<64xi32, #tpu.memory_space<hbm>>
      tpu.enqueue_dma source(%dma_start3A_481 : memref<64xi32, #tpu.memory_space<hbm>>) target(%arg11 : memref<64xi32, #tpu.memory_space<vmem>>) target_semaphore(%dma_start3A_480 : memref<!tpu.dma_semaphore, #tpu.memory_space<semaphore_mem>>)
      %dma_wait3A_482 = arith.constant 2 : i32
      %dma_wait3A_483 = arith.constant 0 : i32
      %dma_wait3A_484 = arith.constant 0 : i32
      %dma_wait3A_485 = tpu.memref_slice %arg19[%dma_wait3A_483, %dma_wait3A_484] : memref<10240x128xf32, #tpu.memory_space<vmem_shared>> -> memref<10240x128xf32, #tpu.memory_space<vmem_shared>>
      %dma_wait3A_486 = tpu.memref_slice %arg23[%dma_wait3A_482] : memref<4x!tpu.dma_semaphore, #tpu.memory_space<semaphore_mem>> -> memref<1x!tpu.dma_semaphore, #tpu.memory_space<semaphore_mem>>
      %dma_wait3A_487 = tpu.memref_squeeze %dma_wait3A_486 : memref<1x!tpu.dma_semaphore, #tpu.memory_space<semaphore_mem>> -> memref<!tpu.dma_semaphore, #tpu.memory_space<semaphore_mem>>
      tpu.wait_indirect_dma semaphore(%dma_wait3A_487 : memref<!tpu.dma_semaphore, #tpu.memory_space<semaphore_mem>>) src(%arg16 : memref<64x128xf32, #tpu.memory_space<vmem>>) dst(%dma_wait3A_485 : memref<10240x128xf32, #tpu.memory_space<vmem_shared>>)
      %add3A_488 = arith.constant 1 : i32
      %add3A_489 = arith.addi %while3A_316, %add3A_488 : i32
      %mul3A_490 = arith.constant 4 : i32
      %mul3A_491 = arith.muli %add3A_489, %mul3A_490 : i32
      %add3A_492 = arith.constant 2 : i32
      %add3A_493 = arith.addi %mul3A_491, %add3A_492 : i32
      %add3A_494 = arith.addi %select_n3A_26, %add3A_493 : i32
      %mul3A_495 = arith.constant 64 : i32
      %mul3A_496 = arith.muli %add3A_494, %mul3A_495 : i32
      %dma_start3A_497 = arith.constant 2 : i32
      %dma_start3A_498 = tpu.memref_slice %arg3[%mul3A_496] : memref<327680xi32, #tpu.memory_space<hbm>> -> memref<64xi32, #tpu.memory_space<hbm>>
      %dma_start3A_499 = tpu.memref_slice %arg20[%dma_start3A_497] : memref<4x!tpu.dma_semaphore, #tpu.memory_space<semaphore_mem>> -> memref<1x!tpu.dma_semaphore, #tpu.memory_space<semaphore_mem>>
      %dma_start3A_500 = tpu.memref_squeeze %dma_start3A_499 : memref<1x!tpu.dma_semaphore, #tpu.memory_space<semaphore_mem>> -> memref<!tpu.dma_semaphore, #tpu.memory_space<semaphore_mem>>
      %dma_start3A_501 = tpu.memref_slice %arg3[%mul3A_496] : memref<327680xi32, #tpu.memory_space<hbm>> -> memref<64xi32, #tpu.memory_space<hbm>>
      tpu.enqueue_dma source(%dma_start3A_501 : memref<64xi32, #tpu.memory_space<hbm>>) target(%arg8 : memref<64xi32, #tpu.memory_space<vmem>>) target_semaphore(%dma_start3A_500 : memref<!tpu.dma_semaphore, #tpu.memory_space<semaphore_mem>>)
      %add3A_502 = arith.constant 1 : i32
      %add3A_503 = arith.addi %while3A_316, %add3A_502 : i32
      %mul3A_504 = arith.constant 4 : i32
      %mul3A_505 = arith.muli %add3A_503, %mul3A_504 : i32
      %add3A_506 = arith.constant 2 : i32
      %add3A_507 = arith.addi %mul3A_505, %add3A_506 : i32
      %add3A_508 = arith.addi %select_n3A_26, %add3A_507 : i32
      %mul3A_509 = arith.constant 64 : i32
      %mul3A_510 = arith.muli %add3A_508, %mul3A_509 : i32
      %dma_start3A_511 = arith.constant 2 : i32
      %dma_start3A_512 = tpu.memref_slice %arg4[%mul3A_510] : memref<327680xi32, #tpu.memory_space<hbm>> -> memref<64xi32, #tpu.memory_space<hbm>>
      %dma_start3A_513 = tpu.memref_slice %arg21[%dma_start3A_511] : memref<4x!tpu.dma_semaphore, #tpu.memory_space<semaphore_mem>> -> memref<1x!tpu.dma_semaphore, #tpu.memory_space<semaphore_mem>>
      %dma_start3A_514 = tpu.memref_squeeze %dma_start3A_513 : memref<1x!tpu.dma_semaphore, #tpu.memory_space<semaphore_mem>> -> memref<!tpu.dma_semaphore, #tpu.memory_space<semaphore_mem>>
      %dma_start3A_515 = tpu.memref_slice %arg4[%mul3A_510] : memref<327680xi32, #tpu.memory_space<hbm>> -> memref<64xi32, #tpu.memory_space<hbm>>
      tpu.enqueue_dma source(%dma_start3A_515 : memref<64xi32, #tpu.memory_space<hbm>>) target(%arg12 : memref<64xi32, #tpu.memory_space<vmem>>) target_semaphore(%dma_start3A_514 : memref<!tpu.dma_semaphore, #tpu.memory_space<semaphore_mem>>)
      %dma_wait3A_516 = arith.constant 3 : i32
      %dma_wait3A_517 = arith.constant 0 : i32
      %dma_wait3A_518 = arith.constant 0 : i32
      %dma_wait3A_519 = tpu.memref_slice %arg19[%dma_wait3A_517, %dma_wait3A_518] : memref<10240x128xf32, #tpu.memory_space<vmem_shared>> -> memref<10240x128xf32, #tpu.memory_space<vmem_shared>>
      %dma_wait3A_520 = tpu.memref_slice %arg23[%dma_wait3A_516] : memref<4x!tpu.dma_semaphore, #tpu.memory_space<semaphore_mem>> -> memref<1x!tpu.dma_semaphore, #tpu.memory_space<semaphore_mem>>
      %dma_wait3A_521 = tpu.memref_squeeze %dma_wait3A_520 : memref<1x!tpu.dma_semaphore, #tpu.memory_space<semaphore_mem>> -> memref<!tpu.dma_semaphore, #tpu.memory_space<semaphore_mem>>
      tpu.wait_indirect_dma semaphore(%dma_wait3A_521 : memref<!tpu.dma_semaphore, #tpu.memory_space<semaphore_mem>>) src(%arg17 : memref<64x128xf32, #tpu.memory_space<vmem>>) dst(%dma_wait3A_519 : memref<10240x128xf32, #tpu.memory_space<vmem_shared>>)
      %add3A_522 = arith.constant 1 : i32
      %add3A_523 = arith.addi %while3A_316, %add3A_522 : i32
      %mul3A_524 = arith.constant 4 : i32
      %mul3A_525 = arith.muli %add3A_523, %mul3A_524 : i32
      %add3A_526 = arith.constant 3 : i32
      %add3A_527 = arith.addi %mul3A_525, %add3A_526 : i32
      %add3A_528 = arith.addi %select_n3A_26, %add3A_527 : i32
      %mul3A_529 = arith.constant 64 : i32
      %mul3A_530 = arith.muli %add3A_528, %mul3A_529 : i32
      %dma_start3A_531 = arith.constant 3 : i32
      %dma_start3A_532 = tpu.memref_slice %arg3[%mul3A_530] : memref<327680xi32, #tpu.memory_space<hbm>> -> memref<64xi32, #tpu.memory_space<hbm>>
      %dma_start3A_533 = tpu.memref_slice %arg20[%dma_start3A_531] : memref<4x!tpu.dma_semaphore, #tpu.memory_space<semaphore_mem>> -> memref<1x!tpu.dma_semaphore, #tpu.memory_space<semaphore_mem>>
      %dma_start3A_534 = tpu.memref_squeeze %dma_start3A_533 : memref<1x!tpu.dma_semaphore, #tpu.memory_space<semaphore_mem>> -> memref<!tpu.dma_semaphore, #tpu.memory_space<semaphore_mem>>
      %dma_start3A_535 = tpu.memref_slice %arg3[%mul3A_530] : memref<327680xi32, #tpu.memory_space<hbm>> -> memref<64xi32, #tpu.memory_space<hbm>>
      tpu.enqueue_dma source(%dma_start3A_535 : memref<64xi32, #tpu.memory_space<hbm>>) target(%arg9 : memref<64xi32, #tpu.memory_space<vmem>>) target_semaphore(%dma_start3A_534 : memref<!tpu.dma_semaphore, #tpu.memory_space<semaphore_mem>>)
      %add3A_536 = arith.constant 1 : i32
      %add3A_537 = arith.addi %while3A_316, %add3A_536 : i32
      %mul3A_538 = arith.constant 4 : i32
      %mul3A_539 = arith.muli %add3A_537, %mul3A_538 : i32
      %add3A_540 = arith.constant 3 : i32
      %add3A_541 = arith.addi %mul3A_539, %add3A_540 : i32
      %add3A_542 = arith.addi %select_n3A_26, %add3A_541 : i32
      %mul3A_543 = arith.constant 64 : i32
      %mul3A_544 = arith.muli %add3A_542, %mul3A_543 : i32
      %dma_start3A_545 = arith.constant 3 : i32
      %dma_start3A_546 = tpu.memref_slice %arg4[%mul3A_544] : memref<327680xi32, #tpu.memory_space<hbm>> -> memref<64xi32, #tpu.memory_space<hbm>>
      %dma_start3A_547 = tpu.memref_slice %arg21[%dma_start3A_545] : memref<4x!tpu.dma_semaphore, #tpu.memory_space<semaphore_mem>> -> memref<1x!tpu.dma_semaphore, #tpu.memory_space<semaphore_mem>>
      %dma_start3A_548 = tpu.memref_squeeze %dma_start3A_547 : memref<1x!tpu.dma_semaphore, #tpu.memory_space<semaphore_mem>> -> memref<!tpu.dma_semaphore, #tpu.memory_space<semaphore_mem>>
      %dma_start3A_549 = tpu.memref_slice %arg4[%mul3A_544] : memref<327680xi32, #tpu.memory_space<hbm>> -> memref<64xi32, #tpu.memory_space<hbm>>
      tpu.enqueue_dma source(%dma_start3A_549 : memref<64xi32, #tpu.memory_space<hbm>>) target(%arg13 : memref<64xi32, #tpu.memory_space<vmem>>) target_semaphore(%dma_start3A_548 : memref<!tpu.dma_semaphore, #tpu.memory_space<semaphore_mem>>)
      %add3A_550 = arith.constant 1 : i32
      %add3A_551 = arith.addi %while3A_316, %add3A_550 : i32
      %mul3A_552 = arith.constant 4 : i32
      %mul3A_553 = arith.muli %add3A_551, %mul3A_552 : i32
      %add3A_554 = arith.constant 0 : i32
      %add3A_555 = arith.addi %mul3A_553, %add3A_554 : i32
      %add3A_556 = arith.addi %select_n3A_26, %add3A_555 : i32
      %mul3A_557 = arith.constant 64 : i32
      %mul3A_558 = arith.muli %add3A_556, %mul3A_557 : i32
      %dma_wait3A_559 = arith.constant 0 : i32
      %dma_wait3A_560 = tpu.memref_slice %arg3[%mul3A_558] : memref<327680xi32, #tpu.memory_space<hbm>> -> memref<64xi32, #tpu.memory_space<hbm>>
      %dma_wait3A_561 = tpu.memref_slice %arg20[%dma_wait3A_559] : memref<4x!tpu.dma_semaphore, #tpu.memory_space<semaphore_mem>> -> memref<1x!tpu.dma_semaphore, #tpu.memory_space<semaphore_mem>>
      %dma_wait3A_562 = tpu.memref_squeeze %dma_wait3A_561 : memref<1x!tpu.dma_semaphore, #tpu.memory_space<semaphore_mem>> -> memref<!tpu.dma_semaphore, #tpu.memory_space<semaphore_mem>>
      %dma_wait3A_563 = tpu.memref_slice %arg3[%mul3A_558] : memref<327680xi32, #tpu.memory_space<hbm>> -> memref<64xi32, #tpu.memory_space<hbm>>
      tpu.wait_dma2 semaphore(%dma_wait3A_562 : memref<!tpu.dma_semaphore, #tpu.memory_space<semaphore_mem>>) src(%dma_wait3A_563 : memref<64xi32, #tpu.memory_space<hbm>>) dst(%arg6 : memref<64xi32, #tpu.memory_space<vmem>>)
      %dma_start3A_564 = arith.constant 0 : i32
      %dma_start3A_565 = arith.constant 0 : i32
      %dma_start3A_566 = arith.constant 0 : i32
      %dma_start3A_567 = tpu.memref_slice %arg2[%dma_start3A_565, %dma_start3A_566] : memref<10240x128xf32, #tpu.memory_space<hbm>> -> memref<10240x128xf32, #tpu.memory_space<hbm>>
      %dma_start3A_568 = tpu.memref_slice %arg22[%dma_start3A_564] : memref<4x!tpu.dma_semaphore, #tpu.memory_space<semaphore_mem>> -> memref<1x!tpu.dma_semaphore, #tpu.memory_space<semaphore_mem>>
      %dma_start3A_569 = tpu.memref_squeeze %dma_start3A_568 : memref<1x!tpu.dma_semaphore, #tpu.memory_space<semaphore_mem>> -> memref<!tpu.dma_semaphore, #tpu.memory_space<semaphore_mem>>
      tpu.enqueue_indirect_dma source(%dma_start3A_567 : memref<10240x128xf32, #tpu.memory_space<hbm>>) target(%arg14 : memref<64x128xf32, #tpu.memory_space<vmem>>) offsets(%arg6 : memref<64xi32, #tpu.memory_space<vmem>>) semaphore(%dma_start3A_569 : memref<!tpu.dma_semaphore, #tpu.memory_space<semaphore_mem>>)
      %add3A_570 = arith.constant 1 : i32
      %add3A_571 = arith.addi %while3A_316, %add3A_570 : i32
      %mul3A_572 = arith.constant 4 : i32
      %mul3A_573 = arith.muli %add3A_571, %mul3A_572 : i32
      %add3A_574 = arith.constant 1 : i32
      %add3A_575 = arith.addi %mul3A_573, %add3A_574 : i32
      %add3A_576 = arith.addi %select_n3A_26, %add3A_575 : i32
      %mul3A_577 = arith.constant 64 : i32
      %mul3A_578 = arith.muli %add3A_576, %mul3A_577 : i32
      %dma_wait3A_579 = arith.constant 1 : i32
      %dma_wait3A_580 = tpu.memref_slice %arg3[%mul3A_578] : memref<327680xi32, #tpu.memory_space<hbm>> -> memref<64xi32, #tpu.memory_space<hbm>>
      %dma_wait3A_581 = tpu.memref_slice %arg20[%dma_wait3A_579] : memref<4x!tpu.dma_semaphore, #tpu.memory_space<semaphore_mem>> -> memref<1x!tpu.dma_semaphore, #tpu.memory_space<semaphore_mem>>
      %dma_wait3A_582 = tpu.memref_squeeze %dma_wait3A_581 : memref<1x!tpu.dma_semaphore, #tpu.memory_space<semaphore_mem>> -> memref<!tpu.dma_semaphore, #tpu.memory_space<semaphore_mem>>
      %dma_wait3A_583 = tpu.memref_slice %arg3[%mul3A_578] : memref<327680xi32, #tpu.memory_space<hbm>> -> memref<64xi32, #tpu.memory_space<hbm>>
      tpu.wait_dma2 semaphore(%dma_wait3A_582 : memref<!tpu.dma_semaphore, #tpu.memory_space<semaphore_mem>>) src(%dma_wait3A_583 : memref<64xi32, #tpu.memory_space<hbm>>) dst(%arg7 : memref<64xi32, #tpu.memory_space<vmem>>)
      %dma_start3A_584 = arith.constant 1 : i32
      %dma_start3A_585 = arith.constant 0 : i32
      %dma_start3A_586 = arith.constant 0 : i32
      %dma_start3A_587 = tpu.memref_slice %arg2[%dma_start3A_585, %dma_start3A_586] : memref<10240x128xf32, #tpu.memory_space<hbm>> -> memref<10240x128xf32, #tpu.memory_space<hbm>>
      %dma_start3A_588 = tpu.memref_slice %arg22[%dma_start3A_584] : memref<4x!tpu.dma_semaphore, #tpu.memory_space<semaphore_mem>> -> memref<1x!tpu.dma_semaphore, #tpu.memory_space<semaphore_mem>>
      %dma_start3A_589 = tpu.memref_squeeze %dma_start3A_588 : memref<1x!tpu.dma_semaphore, #tpu.memory_space<semaphore_mem>> -> memref<!tpu.dma_semaphore, #tpu.memory_space<semaphore_mem>>
      tpu.enqueue_indirect_dma source(%dma_start3A_587 : memref<10240x128xf32, #tpu.memory_space<hbm>>) target(%arg15 : memref<64x128xf32, #tpu.memory_space<vmem>>) offsets(%arg7 : memref<64xi32, #tpu.memory_space<vmem>>) semaphore(%dma_start3A_589 : memref<!tpu.dma_semaphore, #tpu.memory_space<semaphore_mem>>)
      %add3A_590 = arith.constant 1 : i32
      %add3A_591 = arith.addi %while3A_316, %add3A_590 : i32
      %mul3A_592 = arith.constant 4 : i32
      %mul3A_593 = arith.muli %add3A_591, %mul3A_592 : i32
      %add3A_594 = arith.constant 2 : i32
      %add3A_595 = arith.addi %mul3A_593, %add3A_594 : i32
      %add3A_596 = arith.addi %select_n3A_26, %add3A_595 : i32
      %mul3A_597 = arith.constant 64 : i32
      %mul3A_598 = arith.muli %add3A_596, %mul3A_597 : i32
      %dma_wait3A_599 = arith.constant 2 : i32
      %dma_wait3A_600 = tpu.memref_slice %arg3[%mul3A_598] : memref<327680xi32, #tpu.memory_space<hbm>> -> memref<64xi32, #tpu.memory_space<hbm>>
      %dma_wait3A_601 = tpu.memref_slice %arg20[%dma_wait3A_599] : memref<4x!tpu.dma_semaphore, #tpu.memory_space<semaphore_mem>> -> memref<1x!tpu.dma_semaphore, #tpu.memory_space<semaphore_mem>>
      %dma_wait3A_602 = tpu.memref_squeeze %dma_wait3A_601 : memref<1x!tpu.dma_semaphore, #tpu.memory_space<semaphore_mem>> -> memref<!tpu.dma_semaphore, #tpu.memory_space<semaphore_mem>>
      %dma_wait3A_603 = tpu.memref_slice %arg3[%mul3A_598] : memref<327680xi32, #tpu.memory_space<hbm>> -> memref<64xi32, #tpu.memory_space<hbm>>
      tpu.wait_dma2 semaphore(%dma_wait3A_602 : memref<!tpu.dma_semaphore, #tpu.memory_space<semaphore_mem>>) src(%dma_wait3A_603 : memref<64xi32, #tpu.memory_space<hbm>>) dst(%arg8 : memref<64xi32, #tpu.memory_space<vmem>>)
      %dma_start3A_604 = arith.constant 2 : i32
      %dma_start3A_605 = arith.constant 0 : i32
      %dma_start3A_606 = arith.constant 0 : i32
      %dma_start3A_607 = tpu.memref_slice %arg2[%dma_start3A_605, %dma_start3A_606] : memref<10240x128xf32, #tpu.memory_space<hbm>> -> memref<10240x128xf32, #tpu.memory_space<hbm>>
      %dma_start3A_608 = tpu.memref_slice %arg22[%dma_start3A_604] : memref<4x!tpu.dma_semaphore, #tpu.memory_space<semaphore_mem>> -> memref<1x!tpu.dma_semaphore, #tpu.memory_space<semaphore_mem>>
      %dma_start3A_609 = tpu.memref_squeeze %dma_start3A_608 : memref<1x!tpu.dma_semaphore, #tpu.memory_space<semaphore_mem>> -> memref<!tpu.dma_semaphore, #tpu.memory_space<semaphore_mem>>
      tpu.enqueue_indirect_dma source(%dma_start3A_607 : memref<10240x128xf32, #tpu.memory_space<hbm>>) target(%arg16 : memref<64x128xf32, #tpu.memory_space<vmem>>) offsets(%arg8 : memref<64xi32, #tpu.memory_space<vmem>>) semaphore(%dma_start3A_609 : memref<!tpu.dma_semaphore, #tpu.memory_space<semaphore_mem>>)
      %add3A_610 = arith.constant 1 : i32
      %add3A_611 = arith.addi %while3A_316, %add3A_610 : i32
      %mul3A_612 = arith.constant 4 : i32
      %mul3A_613 = arith.muli %add3A_611, %mul3A_612 : i32
      %add3A_614 = arith.constant 3 : i32
      %add3A_615 = arith.addi %mul3A_613, %add3A_614 : i32
      %add3A_616 = arith.addi %select_n3A_26, %add3A_615 : i32
      %mul3A_617 = arith.constant 64 : i32
      %mul3A_618 = arith.muli %add3A_616, %mul3A_617 : i32
      %dma_wait3A_619 = arith.constant 3 : i32
      %dma_wait3A_620 = tpu.memref_slice %arg3[%mul3A_618] : memref<327680xi32, #tpu.memory_space<hbm>> -> memref<64xi32, #tpu.memory_space<hbm>>
      %dma_wait3A_621 = tpu.memref_slice %arg20[%dma_wait3A_619] : memref<4x!tpu.dma_semaphore, #tpu.memory_space<semaphore_mem>> -> memref<1x!tpu.dma_semaphore, #tpu.memory_space<semaphore_mem>>
      %dma_wait3A_622 = tpu.memref_squeeze %dma_wait3A_621 : memref<1x!tpu.dma_semaphore, #tpu.memory_space<semaphore_mem>> -> memref<!tpu.dma_semaphore, #tpu.memory_space<semaphore_mem>>
      %dma_wait3A_623 = tpu.memref_slice %arg3[%mul3A_618] : memref<327680xi32, #tpu.memory_space<hbm>> -> memref<64xi32, #tpu.memory_space<hbm>>
      tpu.wait_dma2 semaphore(%dma_wait3A_622 : memref<!tpu.dma_semaphore, #tpu.memory_space<semaphore_mem>>) src(%dma_wait3A_623 : memref<64xi32, #tpu.memory_space<hbm>>) dst(%arg9 : memref<64xi32, #tpu.memory_space<vmem>>)
      %dma_start3A_624 = arith.constant 3 : i32
      %dma_start3A_625 = arith.constant 0 : i32
      %dma_start3A_626 = arith.constant 0 : i32
      %dma_start3A_627 = tpu.memref_slice %arg2[%dma_start3A_625, %dma_start3A_626] : memref<10240x128xf32, #tpu.memory_space<hbm>> -> memref<10240x128xf32, #tpu.memory_space<hbm>>
      %dma_start3A_628 = tpu.memref_slice %arg22[%dma_start3A_624] : memref<4x!tpu.dma_semaphore, #tpu.memory_space<semaphore_mem>> -> memref<1x!tpu.dma_semaphore, #tpu.memory_space<semaphore_mem>>
      %dma_start3A_629 = tpu.memref_squeeze %dma_start3A_628 : memref<1x!tpu.dma_semaphore, #tpu.memory_space<semaphore_mem>> -> memref<!tpu.dma_semaphore, #tpu.memory_space<semaphore_mem>>
      tpu.enqueue_indirect_dma source(%dma_start3A_627 : memref<10240x128xf32, #tpu.memory_space<hbm>>) target(%arg17 : memref<64x128xf32, #tpu.memory_space<vmem>>) offsets(%arg9 : memref<64xi32, #tpu.memory_space<vmem>>) semaphore(%dma_start3A_629 : memref<!tpu.dma_semaphore, #tpu.memory_space<semaphore_mem>>)
      %while3A_630 = arith.constant 0 : i32
      scf.yield %while3A_630 : i32
    }
    %while3A_181 = arith.constant 1 : i32
    %while3A_182 = scf.for %while3A_316 = %while3A_178 to %while3A_174 step %while3A_181 iter_args(%while3A_317 = %while3A_180) -> (i32)  : i32 {
      %dma_wait3A_318 = arith.constant 0 : i32
      %dma_wait3A_319 = arith.constant 0 : i32
      %dma_wait3A_320 = arith.constant 0 : i32
      %dma_wait3A_321 = tpu.memref_slice %arg2[%dma_wait3A_319, %dma_wait3A_320] : memref<10240x128xf32, #tpu.memory_space<hbm>> -> memref<10240x128xf32, #tpu.memory_space<hbm>>
      %dma_wait3A_322 = tpu.memref_slice %arg22[%dma_wait3A_318] : memref<4x!tpu.dma_semaphore, #tpu.memory_space<semaphore_mem>> -> memref<1x!tpu.dma_semaphore, #tpu.memory_space<semaphore_mem>>
      %dma_wait3A_323 = tpu.memref_squeeze %dma_wait3A_322 : memref<1x!tpu.dma_semaphore, #tpu.memory_space<semaphore_mem>> -> memref<!tpu.dma_semaphore, #tpu.memory_space<semaphore_mem>>
      tpu.wait_indirect_dma semaphore(%dma_wait3A_323 : memref<!tpu.dma_semaphore, #tpu.memory_space<semaphore_mem>>) src(%dma_wait3A_321 : memref<10240x128xf32, #tpu.memory_space<hbm>>) dst(%arg14 : memref<64x128xf32, #tpu.memory_space<vmem>>)
      %mul3A_324 = arith.constant 4 : i32
      %mul3A_325 = arith.muli %while3A_316, %mul3A_324 : i32
      %add3A_326 = arith.constant 0 : i32
      %add3A_327 = arith.addi %mul3A_325, %add3A_326 : i32
      %add3A_328 = arith.addi %select_n3A_26, %add3A_327 : i32
      %mul3A_329 = arith.constant 64 : i32
      %mul3A_330 = arith.muli %add3A_328, %mul3A_329 : i32
      %dma_wait3A_331 = arith.constant 0 : i32
      %dma_wait3A_332 = tpu.memref_slice %arg4[%mul3A_330] : memref<327680xi32, #tpu.memory_space<hbm>> -> memref<64xi32, #tpu.memory_space<hbm>>
      %dma_wait3A_333 = tpu.memref_slice %arg21[%dma_wait3A_331] : memref<4x!tpu.dma_semaphore, #tpu.memory_space<semaphore_mem>> -> memref<1x!tpu.dma_semaphore, #tpu.memory_space<semaphore_mem>>
      %dma_wait3A_334 = tpu.memref_squeeze %dma_wait3A_333 : memref<1x!tpu.dma_semaphore, #tpu.memory_space<semaphore_mem>> -> memref<!tpu.dma_semaphore, #tpu.memory_space<semaphore_mem>>
      %dma_wait3A_335 = tpu.memref_slice %arg4[%mul3A_330] : memref<327680xi32, #tpu.memory_space<hbm>> -> memref<64xi32, #tpu.memory_space<hbm>>
      tpu.wait_dma2 semaphore(%dma_wait3A_334 : memref<!tpu.dma_semaphore, #tpu.memory_space<semaphore_mem>>) src(%dma_wait3A_335 : memref<64xi32, #tpu.memory_space<hbm>>) dst(%arg10 : memref<64xi32, #tpu.memory_space<vmem>>)
      %dma_start3A_336 = arith.constant 0 : i32
      %dma_start3A_337 = arith.constant 0 : i32
      %dma_start3A_338 = arith.constant 0 : i32
      %dma_start3A_339 = tpu.memref_slice %arg19[%dma_start3A_337, %dma_start3A_338] : memref<10240x128xf32, #tpu.memory_space<vmem_shared>> -> memref<10240x128xf32, #tpu.memory_space<vmem_shared>>
      %dma_start3A_340 = tpu.memref_slice %arg23[%dma_start3A_336] : memref<4x!tpu.dma_semaphore, #tpu.memory_space<semaphore_mem>> -> memref<1x!tpu.dma_semaphore, #tpu.memory_space<semaphore_mem>>
      %dma_start3A_341 = tpu.memref_squeeze %dma_start3A_340 : memref<1x!tpu.dma_semaphore, #tpu.memory_space<semaphore_mem>> -> memref<!tpu.dma_semaphore, #tpu.memory_space<semaphore_mem>>
      tpu.enqueue_indirect_dma source(%arg14 : memref<64x128xf32, #tpu.memory_space<vmem>>) target(%dma_start3A_339 : memref<10240x128xf32, #tpu.memory_space<vmem_shared>>) offsets(%arg10 : memref<64xi32, #tpu.memory_space<vmem>>) semaphore(%dma_start3A_341 : memref<!tpu.dma_semaphore, #tpu.memory_space<semaphore_mem>>) {add = true}
      %dma_wait3A_342 = arith.constant 1 : i32
      %dma_wait3A_343 = arith.constant 0 : i32
      %dma_wait3A_344 = arith.constant 0 : i32
      %dma_wait3A_345 = tpu.memref_slice %arg2[%dma_wait3A_343, %dma_wait3A_344] : memref<10240x128xf32, #tpu.memory_space<hbm>> -> memref<10240x128xf32, #tpu.memory_space<hbm>>
      %dma_wait3A_346 = tpu.memref_slice %arg22[%dma_wait3A_342] : memref<4x!tpu.dma_semaphore, #tpu.memory_space<semaphore_mem>> -> memref<1x!tpu.dma_semaphore, #tpu.memory_space<semaphore_mem>>
      %dma_wait3A_347 = tpu.memref_squeeze %dma_wait3A_346 : memref<1x!tpu.dma_semaphore, #tpu.memory_space<semaphore_mem>> -> memref<!tpu.dma_semaphore, #tpu.memory_space<semaphore_mem>>
      tpu.wait_indirect_dma semaphore(%dma_wait3A_347 : memref<!tpu.dma_semaphore, #tpu.memory_space<semaphore_mem>>) src(%dma_wait3A_345 : memref<10240x128xf32, #tpu.memory_space<hbm>>) dst(%arg15 : memref<64x128xf32, #tpu.memory_space<vmem>>)
      %mul3A_348 = arith.constant 4 : i32
      %mul3A_349 = arith.muli %while3A_316, %mul3A_348 : i32
      %add3A_350 = arith.constant 1 : i32
      %add3A_351 = arith.addi %mul3A_349, %add3A_350 : i32
      %add3A_352 = arith.addi %select_n3A_26, %add3A_351 : i32
      %mul3A_353 = arith.constant 64 : i32
      %mul3A_354 = arith.muli %add3A_352, %mul3A_353 : i32
      %dma_wait3A_355 = arith.constant 1 : i32
      %dma_wait3A_356 = tpu.memref_slice %arg4[%mul3A_354] : memref<327680xi32, #tpu.memory_space<hbm>> -> memref<64xi32, #tpu.memory_space<hbm>>
      %dma_wait3A_357 = tpu.memref_slice %arg21[%dma_wait3A_355] : memref<4x!tpu.dma_semaphore, #tpu.memory_space<semaphore_mem>> -> memref<1x!tpu.dma_semaphore, #tpu.memory_space<semaphore_mem>>
      %dma_wait3A_358 = tpu.memref_squeeze %dma_wait3A_357 : memref<1x!tpu.dma_semaphore, #tpu.memory_space<semaphore_mem>> -> memref<!tpu.dma_semaphore, #tpu.memory_space<semaphore_mem>>
      %dma_wait3A_359 = tpu.memref_slice %arg4[%mul3A_354] : memref<327680xi32, #tpu.memory_space<hbm>> -> memref<64xi32, #tpu.memory_space<hbm>>
      tpu.wait_dma2 semaphore(%dma_wait3A_358 : memref<!tpu.dma_semaphore, #tpu.memory_space<semaphore_mem>>) src(%dma_wait3A_359 : memref<64xi32, #tpu.memory_space<hbm>>) dst(%arg11 : memref<64xi32, #tpu.memory_space<vmem>>)
      %dma_start3A_360 = arith.constant 1 : i32
      %dma_start3A_361 = arith.constant 0 : i32
      %dma_start3A_362 = arith.constant 0 : i32
      %dma_start3A_363 = tpu.memref_slice %arg19[%dma_start3A_361, %dma_start3A_362] : memref<10240x128xf32, #tpu.memory_space<vmem_shared>> -> memref<10240x128xf32, #tpu.memory_space<vmem_shared>>
      %dma_start3A_364 = tpu.memref_slice %arg23[%dma_start3A_360] : memref<4x!tpu.dma_semaphore, #tpu.memory_space<semaphore_mem>> -> memref<1x!tpu.dma_semaphore, #tpu.memory_space<semaphore_mem>>
      %dma_start3A_365 = tpu.memref_squeeze %dma_start3A_364 : memref<1x!tpu.dma_semaphore, #tpu.memory_space<semaphore_mem>> -> memref<!tpu.dma_semaphore, #tpu.memory_space<semaphore_mem>>
      tpu.enqueue_indirect_dma source(%arg15 : memref<64x128xf32, #tpu.memory_space<vmem>>) target(%dma_start3A_363 : memref<10240x128xf32, #tpu.memory_space<vmem_shared>>) offsets(%arg11 : memref<64xi32, #tpu.memory_space<vmem>>) semaphore(%dma_start3A_365 : memref<!tpu.dma_semaphore, #tpu.memory_space<semaphore_mem>>) {add = true}
      %dma_wait3A_366 = arith.constant 2 : i32
      %dma_wait3A_367 = arith.constant 0 : i32
      %dma_wait3A_368 = arith.constant 0 : i32
      %dma_wait3A_369 = tpu.memref_slice %arg2[%dma_wait3A_367, %dma_wait3A_368] : memref<10240x128xf32, #tpu.memory_space<hbm>> -> memref<10240x128xf32, #tpu.memory_space<hbm>>
      %dma_wait3A_370 = tpu.memref_slice %arg22[%dma_wait3A_366] : memref<4x!tpu.dma_semaphore, #tpu.memory_space<semaphore_mem>> -> memref<1x!tpu.dma_semaphore, #tpu.memory_space<semaphore_mem>>
      %dma_wait3A_371 = tpu.memref_squeeze %dma_wait3A_370 : memref<1x!tpu.dma_semaphore, #tpu.memory_space<semaphore_mem>> -> memref<!tpu.dma_semaphore, #tpu.memory_space<semaphore_mem>>
      tpu.wait_indirect_dma semaphore(%dma_wait3A_371 : memref<!tpu.dma_semaphore, #tpu.memory_space<semaphore_mem>>) src(%dma_wait3A_369 : memref<10240x128xf32, #tpu.memory_space<hbm>>) dst(%arg16 : memref<64x128xf32, #tpu.memory_space<vmem>>)
      %mul3A_372 = arith.constant 4 : i32
      %mul3A_373 = arith.muli %while3A_316, %mul3A_372 : i32
      %add3A_374 = arith.constant 2 : i32
      %add3A_375 = arith.addi %mul3A_373, %add3A_374 : i32
      %add3A_376 = arith.addi %select_n3A_26, %add3A_375 : i32
      %mul3A_377 = arith.constant 64 : i32
      %mul3A_378 = arith.muli %add3A_376, %mul3A_377 : i32
      %dma_wait3A_379 = arith.constant 2 : i32
      %dma_wait3A_380 = tpu.memref_slice %arg4[%mul3A_378] : memref<327680xi32, #tpu.memory_space<hbm>> -> memref<64xi32, #tpu.memory_space<hbm>>
      %dma_wait3A_381 = tpu.memref_slice %arg21[%dma_wait3A_379] : memref<4x!tpu.dma_semaphore, #tpu.memory_space<semaphore_mem>> -> memref<1x!tpu.dma_semaphore, #tpu.memory_space<semaphore_mem>>
      %dma_wait3A_382 = tpu.memref_squeeze %dma_wait3A_381 : memref<1x!tpu.dma_semaphore, #tpu.memory_space<semaphore_mem>> -> memref<!tpu.dma_semaphore, #tpu.memory_space<semaphore_mem>>
      %dma_wait3A_383 = tpu.memref_slice %arg4[%mul3A_378] : memref<327680xi32, #tpu.memory_space<hbm>> -> memref<64xi32, #tpu.memory_space<hbm>>
      tpu.wait_dma2 semaphore(%dma_wait3A_382 : memref<!tpu.dma_semaphore, #tpu.memory_space<semaphore_mem>>) src(%dma_wait3A_383 : memref<64xi32, #tpu.memory_space<hbm>>) dst(%arg12 : memref<64xi32, #tpu.memory_space<vmem>>)
      %dma_start3A_384 = arith.constant 2 : i32
      %dma_start3A_385 = arith.constant 0 : i32
      %dma_start3A_386 = arith.constant 0 : i32
      %dma_start3A_387 = tpu.memref_slice %arg19[%dma_start3A_385, %dma_start3A_386] : memref<10240x128xf32, #tpu.memory_space<vmem_shared>> -> memref<10240x128xf32, #tpu.memory_space<vmem_shared>>
      %dma_start3A_388 = tpu.memref_slice %arg23[%dma_start3A_384] : memref<4x!tpu.dma_semaphore, #tpu.memory_space<semaphore_mem>> -> memref<1x!tpu.dma_semaphore, #tpu.memory_space<semaphore_mem>>
      %dma_start3A_389 = tpu.memref_squeeze %dma_start3A_388 : memref<1x!tpu.dma_semaphore, #tpu.memory_space<semaphore_mem>> -> memref<!tpu.dma_semaphore, #tpu.memory_space<semaphore_mem>>
      tpu.enqueue_indirect_dma source(%arg16 : memref<64x128xf32, #tpu.memory_space<vmem>>) target(%dma_start3A_387 : memref<10240x128xf32, #tpu.memory_space<vmem_shared>>) offsets(%arg12 : memref<64xi32, #tpu.memory_space<vmem>>) semaphore(%dma_start3A_389 : memref<!tpu.dma_semaphore, #tpu.memory_space<semaphore_mem>>) {add = true}
      %dma_wait3A_390 = arith.constant 3 : i32
      %dma_wait3A_391 = arith.constant 0 : i32
      %dma_wait3A_392 = arith.constant 0 : i32
      %dma_wait3A_393 = tpu.memref_slice %arg2[%dma_wait3A_391, %dma_wait3A_392] : memref<10240x128xf32, #tpu.memory_space<hbm>> -> memref<10240x128xf32, #tpu.memory_space<hbm>>
      %dma_wait3A_394 = tpu.memref_slice %arg22[%dma_wait3A_390] : memref<4x!tpu.dma_semaphore, #tpu.memory_space<semaphore_mem>> -> memref<1x!tpu.dma_semaphore, #tpu.memory_space<semaphore_mem>>
      %dma_wait3A_395 = tpu.memref_squeeze %dma_wait3A_394 : memref<1x!tpu.dma_semaphore, #tpu.memory_space<semaphore_mem>> -> memref<!tpu.dma_semaphore, #tpu.memory_space<semaphore_mem>>
      tpu.wait_indirect_dma semaphore(%dma_wait3A_395 : memref<!tpu.dma_semaphore, #tpu.memory_space<semaphore_mem>>) src(%dma_wait3A_393 : memref<10240x128xf32, #tpu.memory_space<hbm>>) dst(%arg17 : memref<64x128xf32, #tpu.memory_space<vmem>>)
      %mul3A_396 = arith.constant 4 : i32
      %mul3A_397 = arith.muli %while3A_316, %mul3A_396 : i32
      %add3A_398 = arith.constant 3 : i32
      %add3A_399 = arith.addi %mul3A_397, %add3A_398 : i32
      %add3A_400 = arith.addi %select_n3A_26, %add3A_399 : i32
      %mul3A_401 = arith.constant 64 : i32
      %mul3A_402 = arith.muli %add3A_400, %mul3A_401 : i32
      %dma_wait3A_403 = arith.constant 3 : i32
      %dma_wait3A_404 = tpu.memref_slice %arg4[%mul3A_402] : memref<327680xi32, #tpu.memory_space<hbm>> -> memref<64xi32, #tpu.memory_space<hbm>>
      %dma_wait3A_405 = tpu.memref_slice %arg21[%dma_wait3A_403] : memref<4x!tpu.dma_semaphore, #tpu.memory_space<semaphore_mem>> -> memref<1x!tpu.dma_semaphore, #tpu.memory_space<semaphore_mem>>
      %dma_wait3A_406 = tpu.memref_squeeze %dma_wait3A_405 : memref<1x!tpu.dma_semaphore, #tpu.memory_space<semaphore_mem>> -> memref<!tpu.dma_semaphore, #tpu.memory_space<semaphore_mem>>
      %dma_wait3A_407 = tpu.memref_slice %arg4[%mul3A_402] : memref<327680xi32, #tpu.memory_space<hbm>> -> memref<64xi32, #tpu.memory_space<hbm>>
      tpu.wait_dma2 semaphore(%dma_wait3A_406 : memref<!tpu.dma_semaphore, #tpu.memory_space<semaphore_mem>>) src(%dma_wait3A_407 : memref<64xi32, #tpu.memory_space<hbm>>) dst(%arg13 : memref<64xi32, #tpu.memory_space<vmem>>)
      %dma_start3A_408 = arith.constant 3 : i32
      %dma_start3A_409 = arith.constant 0 : i32
      %dma_start3A_410 = arith.constant 0 : i32
      %dma_start3A_411 = tpu.memref_slice %arg19[%dma_start3A_409, %dma_start3A_410] : memref<10240x128xf32, #tpu.memory_space<vmem_shared>> -> memref<10240x128xf32, #tpu.memory_space<vmem_shared>>
      %dma_start3A_412 = tpu.memref_slice %arg23[%dma_start3A_408] : memref<4x!tpu.dma_semaphore, #tpu.memory_space<semaphore_mem>> -> memref<1x!tpu.dma_semaphore, #tpu.memory_space<semaphore_mem>>
      %dma_start3A_413 = tpu.memref_squeeze %dma_start3A_412 : memref<1x!tpu.dma_semaphore, #tpu.memory_space<semaphore_mem>> -> memref<!tpu.dma_semaphore, #tpu.memory_space<semaphore_mem>>
      tpu.enqueue_indirect_dma source(%arg17 : memref<64x128xf32, #tpu.memory_space<vmem>>) target(%dma_start3A_411 : memref<10240x128xf32, #tpu.memory_space<vmem_shared>>) offsets(%arg13 : memref<64xi32, #tpu.memory_space<vmem>>) semaphore(%dma_start3A_413 : memref<!tpu.dma_semaphore, #tpu.memory_space<semaphore_mem>>) {add = true}
      %dma_wait3A_414 = arith.constant 0 : i32
      %dma_wait3A_415 = arith.constant 0 : i32
      %dma_wait3A_416 = arith.constant 0 : i32
      %dma_wait3A_417 = tpu.memref_slice %arg19[%dma_wait3A_415, %dma_wait3A_416] : memref<10240x128xf32, #tpu.memory_space<vmem_shared>> -> memref<10240x128xf32, #tpu.memory_space<vmem_shared>>
      %dma_wait3A_418 = tpu.memref_slice %arg23[%dma_wait3A_414] : memref<4x!tpu.dma_semaphore, #tpu.memory_space<semaphore_mem>> -> memref<1x!tpu.dma_semaphore, #tpu.memory_space<semaphore_mem>>
      %dma_wait3A_419 = tpu.memref_squeeze %dma_wait3A_418 : memref<1x!tpu.dma_semaphore, #tpu.memory_space<semaphore_mem>> -> memref<!tpu.dma_semaphore, #tpu.memory_space<semaphore_mem>>
      tpu.wait_indirect_dma semaphore(%dma_wait3A_419 : memref<!tpu.dma_semaphore, #tpu.memory_space<semaphore_mem>>) src(%arg14 : memref<64x128xf32, #tpu.memory_space<vmem>>) dst(%dma_wait3A_417 : memref<10240x128xf32, #tpu.memory_space<vmem_shared>>)
      %add3A_420 = arith.constant 1 : i32
      %add3A_421 = arith.addi %while3A_316, %add3A_420 : i32
      %mul3A_422 = arith.constant 4 : i32
      %mul3A_423 = arith.muli %add3A_421, %mul3A_422 : i32
      %add3A_424 = arith.constant 0 : i32
      %add3A_425 = arith.addi %mul3A_423, %add3A_424 : i32
      %add3A_426 = arith.addi %select_n3A_26, %add3A_425 : i32
      %mul3A_427 = arith.constant 64 : i32
      %mul3A_428 = arith.muli %add3A_426, %mul3A_427 : i32
      %dma_start3A_429 = arith.constant 0 : i32
      %dma_start3A_430 = tpu.memref_slice %arg3[%mul3A_428] : memref<327680xi32, #tpu.memory_space<hbm>> -> memref<64xi32, #tpu.memory_space<hbm>>
      %dma_start3A_431 = tpu.memref_slice %arg20[%dma_start3A_429] : memref<4x!tpu.dma_semaphore, #tpu.memory_space<semaphore_mem>> -> memref<1x!tpu.dma_semaphore, #tpu.memory_space<semaphore_mem>>
      %dma_start3A_432 = tpu.memref_squeeze %dma_start3A_431 : memref<1x!tpu.dma_semaphore, #tpu.memory_space<semaphore_mem>> -> memref<!tpu.dma_semaphore, #tpu.memory_space<semaphore_mem>>
      %dma_start3A_433 = tpu.memref_slice %arg3[%mul3A_428] : memref<327680xi32, #tpu.memory_space<hbm>> -> memref<64xi32, #tpu.memory_space<hbm>>
      tpu.enqueue_dma source(%dma_start3A_433 : memref<64xi32, #tpu.memory_space<hbm>>) target(%arg6 : memref<64xi32, #tpu.memory_space<vmem>>) target_semaphore(%dma_start3A_432 : memref<!tpu.dma_semaphore, #tpu.memory_space<semaphore_mem>>)
      %add3A_434 = arith.constant 1 : i32
      %add3A_435 = arith.addi %while3A_316, %add3A_434 : i32
      %mul3A_436 = arith.constant 4 : i32
      %mul3A_437 = arith.muli %add3A_435, %mul3A_436 : i32
      %add3A_438 = arith.constant 0 : i32
      %add3A_439 = arith.addi %mul3A_437, %add3A_438 : i32
      %add3A_440 = arith.addi %select_n3A_26, %add3A_439 : i32
      %mul3A_441 = arith.constant 64 : i32
      %mul3A_442 = arith.muli %add3A_440, %mul3A_441 : i32
      %dma_start3A_443 = arith.constant 0 : i32
      %dma_start3A_444 = tpu.memref_slice %arg4[%mul3A_442] : memref<327680xi32, #tpu.memory_space<hbm>> -> memref<64xi32, #tpu.memory_space<hbm>>
      %dma_start3A_445 = tpu.memref_slice %arg21[%dma_start3A_443] : memref<4x!tpu.dma_semaphore, #tpu.memory_space<semaphore_mem>> -> memref<1x!tpu.dma_semaphore, #tpu.memory_space<semaphore_mem>>
      %dma_start3A_446 = tpu.memref_squeeze %dma_start3A_445 : memref<1x!tpu.dma_semaphore, #tpu.memory_space<semaphore_mem>> -> memref<!tpu.dma_semaphore, #tpu.memory_space<semaphore_mem>>
      %dma_start3A_447 = tpu.memref_slice %arg4[%mul3A_442] : memref<327680xi32, #tpu.memory_space<hbm>> -> memref<64xi32, #tpu.memory_space<hbm>>
      tpu.enqueue_dma source(%dma_start3A_447 : memref<64xi32, #tpu.memory_space<hbm>>) target(%arg10 : memref<64xi32, #tpu.memory_space<vmem>>) target_semaphore(%dma_start3A_446 : memref<!tpu.dma_semaphore, #tpu.memory_space<semaphore_mem>>)
      %dma_wait3A_448 = arith.constant 1 : i32
      %dma_wait3A_449 = arith.constant 0 : i32
      %dma_wait3A_450 = arith.constant 0 : i32
      %dma_wait3A_451 = tpu.memref_slice %arg19[%dma_wait3A_449, %dma_wait3A_450] : memref<10240x128xf32, #tpu.memory_space<vmem_shared>> -> memref<10240x128xf32, #tpu.memory_space<vmem_shared>>
      %dma_wait3A_452 = tpu.memref_slice %arg23[%dma_wait3A_448] : memref<4x!tpu.dma_semaphore, #tpu.memory_space<semaphore_mem>> -> memref<1x!tpu.dma_semaphore, #tpu.memory_space<semaphore_mem>>
      %dma_wait3A_453 = tpu.memref_squeeze %dma_wait3A_452 : memref<1x!tpu.dma_semaphore, #tpu.memory_space<semaphore_mem>> -> memref<!tpu.dma_semaphore, #tpu.memory_space<semaphore_mem>>
      tpu.wait_indirect_dma semaphore(%dma_wait3A_453 : memref<!tpu.dma_semaphore, #tpu.memory_space<semaphore_mem>>) src(%arg15 : memref<64x128xf32, #tpu.memory_space<vmem>>) dst(%dma_wait3A_451 : memref<10240x128xf32, #tpu.memory_space<vmem_shared>>)
      %add3A_454 = arith.constant 1 : i32
      %add3A_455 = arith.addi %while3A_316, %add3A_454 : i32
      %mul3A_456 = arith.constant 4 : i32
      %mul3A_457 = arith.muli %add3A_455, %mul3A_456 : i32
      %add3A_458 = arith.constant 1 : i32
      %add3A_459 = arith.addi %mul3A_457, %add3A_458 : i32
      %add3A_460 = arith.addi %select_n3A_26, %add3A_459 : i32
      %mul3A_461 = arith.constant 64 : i32
      %mul3A_462 = arith.muli %add3A_460, %mul3A_461 : i32
      %dma_start3A_463 = arith.constant 1 : i32
      %dma_start3A_464 = tpu.memref_slice %arg3[%mul3A_462] : memref<327680xi32, #tpu.memory_space<hbm>> -> memref<64xi32, #tpu.memory_space<hbm>>
      %dma_start3A_465 = tpu.memref_slice %arg20[%dma_start3A_463] : memref<4x!tpu.dma_semaphore, #tpu.memory_space<semaphore_mem>> -> memref<1x!tpu.dma_semaphore, #tpu.memory_space<semaphore_mem>>
      %dma_start3A_466 = tpu.memref_squeeze %dma_start3A_465 : memref<1x!tpu.dma_semaphore, #tpu.memory_space<semaphore_mem>> -> memref<!tpu.dma_semaphore, #tpu.memory_space<semaphore_mem>>
      %dma_start3A_467 = tpu.memref_slice %arg3[%mul3A_462] : memref<327680xi32, #tpu.memory_space<hbm>> -> memref<64xi32, #tpu.memory_space<hbm>>
      tpu.enqueue_dma source(%dma_start3A_467 : memref<64xi32, #tpu.memory_space<hbm>>) target(%arg7 : memref<64xi32, #tpu.memory_space<vmem>>) target_semaphore(%dma_start3A_466 : memref<!tpu.dma_semaphore, #tpu.memory_space<semaphore_mem>>)
      %add3A_468 = arith.constant 1 : i32
      %add3A_469 = arith.addi %while3A_316, %add3A_468 : i32
      %mul3A_470 = arith.constant 4 : i32
      %mul3A_471 = arith.muli %add3A_469, %mul3A_470 : i32
      %add3A_472 = arith.constant 1 : i32
      %add3A_473 = arith.addi %mul3A_471, %add3A_472 : i32
      %add3A_474 = arith.addi %select_n3A_26, %add3A_473 : i32
      %mul3A_475 = arith.constant 64 : i32
      %mul3A_476 = arith.muli %add3A_474, %mul3A_475 : i32
      %dma_start3A_477 = arith.constant 1 : i32
      %dma_start3A_478 = tpu.memref_slice %arg4[%mul3A_476] : memref<327680xi32, #tpu.memory_space<hbm>> -> memref<64xi32, #tpu.memory_space<hbm>>
      %dma_start3A_479 = tpu.memref_slice %arg21[%dma_start3A_477] : memref<4x!tpu.dma_semaphore, #tpu.memory_space<semaphore_mem>> -> memref<1x!tpu.dma_semaphore, #tpu.memory_space<semaphore_mem>>
      %dma_start3A_480 = tpu.memref_squeeze %dma_start3A_479 : memref<1x!tpu.dma_semaphore, #tpu.memory_space<semaphore_mem>> -> memref<!tpu.dma_semaphore, #tpu.memory_space<semaphore_mem>>
      %dma_start3A_481 = tpu.memref_slice %arg4[%mul3A_476] : memref<327680xi32, #tpu.memory_space<hbm>> -> memref<64xi32, #tpu.memory_space<hbm>>
      tpu.enqueue_dma source(%dma_start3A_481 : memref<64xi32, #tpu.memory_space<hbm>>) target(%arg11 : memref<64xi32, #tpu.memory_space<vmem>>) target_semaphore(%dma_start3A_480 : memref<!tpu.dma_semaphore, #tpu.memory_space<semaphore_mem>>)
      %dma_wait3A_482 = arith.constant 2 : i32
      %dma_wait3A_483 = arith.constant 0 : i32
      %dma_wait3A_484 = arith.constant 0 : i32
      %dma_wait3A_485 = tpu.memref_slice %arg19[%dma_wait3A_483, %dma_wait3A_484] : memref<10240x128xf32, #tpu.memory_space<vmem_shared>> -> memref<10240x128xf32, #tpu.memory_space<vmem_shared>>
      %dma_wait3A_486 = tpu.memref_slice %arg23[%dma_wait3A_482] : memref<4x!tpu.dma_semaphore, #tpu.memory_space<semaphore_mem>> -> memref<1x!tpu.dma_semaphore, #tpu.memory_space<semaphore_mem>>
      %dma_wait3A_487 = tpu.memref_squeeze %dma_wait3A_486 : memref<1x!tpu.dma_semaphore, #tpu.memory_space<semaphore_mem>> -> memref<!tpu.dma_semaphore, #tpu.memory_space<semaphore_mem>>
      tpu.wait_indirect_dma semaphore(%dma_wait3A_487 : memref<!tpu.dma_semaphore, #tpu.memory_space<semaphore_mem>>) src(%arg16 : memref<64x128xf32, #tpu.memory_space<vmem>>) dst(%dma_wait3A_485 : memref<10240x128xf32, #tpu.memory_space<vmem_shared>>)
      %add3A_488 = arith.constant 1 : i32
      %add3A_489 = arith.addi %while3A_316, %add3A_488 : i32
      %mul3A_490 = arith.constant 4 : i32
      %mul3A_491 = arith.muli %add3A_489, %mul3A_490 : i32
      %add3A_492 = arith.constant 2 : i32
      %add3A_493 = arith.addi %mul3A_491, %add3A_492 : i32
      %add3A_494 = arith.addi %select_n3A_26, %add3A_493 : i32
      %mul3A_495 = arith.constant 64 : i32
      %mul3A_496 = arith.muli %add3A_494, %mul3A_495 : i32
      %dma_start3A_497 = arith.constant 2 : i32
      %dma_start3A_498 = tpu.memref_slice %arg3[%mul3A_496] : memref<327680xi32, #tpu.memory_space<hbm>> -> memref<64xi32, #tpu.memory_space<hbm>>
      %dma_start3A_499 = tpu.memref_slice %arg20[%dma_start3A_497] : memref<4x!tpu.dma_semaphore, #tpu.memory_space<semaphore_mem>> -> memref<1x!tpu.dma_semaphore, #tpu.memory_space<semaphore_mem>>
      %dma_start3A_500 = tpu.memref_squeeze %dma_start3A_499 : memref<1x!tpu.dma_semaphore, #tpu.memory_space<semaphore_mem>> -> memref<!tpu.dma_semaphore, #tpu.memory_space<semaphore_mem>>
      %dma_start3A_501 = tpu.memref_slice %arg3[%mul3A_496] : memref<327680xi32, #tpu.memory_space<hbm>> -> memref<64xi32, #tpu.memory_space<hbm>>
      tpu.enqueue_dma source(%dma_start3A_501 : memref<64xi32, #tpu.memory_space<hbm>>) target(%arg8 : memref<64xi32, #tpu.memory_space<vmem>>) target_semaphore(%dma_start3A_500 : memref<!tpu.dma_semaphore, #tpu.memory_space<semaphore_mem>>)
      %add3A_502 = arith.constant 1 : i32
      %add3A_503 = arith.addi %while3A_316, %add3A_502 : i32
      %mul3A_504 = arith.constant 4 : i32
      %mul3A_505 = arith.muli %add3A_503, %mul3A_504 : i32
      %add3A_506 = arith.constant 2 : i32
      %add3A_507 = arith.addi %mul3A_505, %add3A_506 : i32
      %add3A_508 = arith.addi %select_n3A_26, %add3A_507 : i32
      %mul3A_509 = arith.constant 64 : i32
      %mul3A_510 = arith.muli %add3A_508, %mul3A_509 : i32
      %dma_start3A_511 = arith.constant 2 : i32
      %dma_start3A_512 = tpu.memref_slice %arg4[%mul3A_510] : memref<327680xi32, #tpu.memory_space<hbm>> -> memref<64xi32, #tpu.memory_space<hbm>>
      %dma_start3A_513 = tpu.memref_slice %arg21[%dma_start3A_511] : memref<4x!tpu.dma_semaphore, #tpu.memory_space<semaphore_mem>> -> memref<1x!tpu.dma_semaphore, #tpu.memory_space<semaphore_mem>>
      %dma_start3A_514 = tpu.memref_squeeze %dma_start3A_513 : memref<1x!tpu.dma_semaphore, #tpu.memory_space<semaphore_mem>> -> memref<!tpu.dma_semaphore, #tpu.memory_space<semaphore_mem>>
      %dma_start3A_515 = tpu.memref_slice %arg4[%mul3A_510] : memref<327680xi32, #tpu.memory_space<hbm>> -> memref<64xi32, #tpu.memory_space<hbm>>
      tpu.enqueue_dma source(%dma_start3A_515 : memref<64xi32, #tpu.memory_space<hbm>>) target(%arg12 : memref<64xi32, #tpu.memory_space<vmem>>) target_semaphore(%dma_start3A_514 : memref<!tpu.dma_semaphore, #tpu.memory_space<semaphore_mem>>)
      %dma_wait3A_516 = arith.constant 3 : i32
      %dma_wait3A_517 = arith.constant 0 : i32
      %dma_wait3A_518 = arith.constant 0 : i32
      %dma_wait3A_519 = tpu.memref_slice %arg19[%dma_wait3A_517, %dma_wait3A_518] : memref<10240x128xf32, #tpu.memory_space<vmem_shared>> -> memref<10240x128xf32, #tpu.memory_space<vmem_shared>>
      %dma_wait3A_520 = tpu.memref_slice %arg23[%dma_wait3A_516] : memref<4x!tpu.dma_semaphore, #tpu.memory_space<semaphore_mem>> -> memref<1x!tpu.dma_semaphore, #tpu.memory_space<semaphore_mem>>
      %dma_wait3A_521 = tpu.memref_squeeze %dma_wait3A_520 : memref<1x!tpu.dma_semaphore, #tpu.memory_space<semaphore_mem>> -> memref<!tpu.dma_semaphore, #tpu.memory_space<semaphore_mem>>
      tpu.wait_indirect_dma semaphore(%dma_wait3A_521 : memref<!tpu.dma_semaphore, #tpu.memory_space<semaphore_mem>>) src(%arg17 : memref<64x128xf32, #tpu.memory_space<vmem>>) dst(%dma_wait3A_519 : memref<10240x128xf32, #tpu.memory_space<vmem_shared>>)
      %add3A_522 = arith.constant 1 : i32
      %add3A_523 = arith.addi %while3A_316, %add3A_522 : i32
      %mul3A_524 = arith.constant 4 : i32
      %mul3A_525 = arith.muli %add3A_523, %mul3A_524 : i32
      %add3A_526 = arith.constant 3 : i32
      %add3A_527 = arith.addi %mul3A_525, %add3A_526 : i32
      %add3A_528 = arith.addi %select_n3A_26, %add3A_527 : i32
      %mul3A_529 = arith.constant 64 : i32
      %mul3A_530 = arith.muli %add3A_528, %mul3A_529 : i32
      %dma_start3A_531 = arith.constant 3 : i32
      %dma_start3A_532 = tpu.memref_slice %arg3[%mul3A_530] : memref<327680xi32, #tpu.memory_space<hbm>> -> memref<64xi32, #tpu.memory_space<hbm>>
      %dma_start3A_533 = tpu.memref_slice %arg20[%dma_start3A_531] : memref<4x!tpu.dma_semaphore, #tpu.memory_space<semaphore_mem>> -> memref<1x!tpu.dma_semaphore, #tpu.memory_space<semaphore_mem>>
      %dma_start3A_534 = tpu.memref_squeeze %dma_start3A_533 : memref<1x!tpu.dma_semaphore, #tpu.memory_space<semaphore_mem>> -> memref<!tpu.dma_semaphore, #tpu.memory_space<semaphore_mem>>
      %dma_start3A_535 = tpu.memref_slice %arg3[%mul3A_530] : memref<327680xi32, #tpu.memory_space<hbm>> -> memref<64xi32, #tpu.memory_space<hbm>>
      tpu.enqueue_dma source(%dma_start3A_535 : memref<64xi32, #tpu.memory_space<hbm>>) target(%arg9 : memref<64xi32, #tpu.memory_space<vmem>>) target_semaphore(%dma_start3A_534 : memref<!tpu.dma_semaphore, #tpu.memory_space<semaphore_mem>>)
      %add3A_536 = arith.constant 1 : i32
      %add3A_537 = arith.addi %while3A_316, %add3A_536 : i32
      %mul3A_538 = arith.constant 4 : i32
      %mul3A_539 = arith.muli %add3A_537, %mul3A_538 : i32
      %add3A_540 = arith.constant 3 : i32
      %add3A_541 = arith.addi %mul3A_539, %add3A_540 : i32
      %add3A_542 = arith.addi %select_n3A_26, %add3A_541 : i32
      %mul3A_543 = arith.constant 64 : i32
      %mul3A_544 = arith.muli %add3A_542, %mul3A_543 : i32
      %dma_start3A_545 = arith.constant 3 : i32
      %dma_start3A_546 = tpu.memref_slice %arg4[%mul3A_544] : memref<327680xi32, #tpu.memory_space<hbm>> -> memref<64xi32, #tpu.memory_space<hbm>>
      %dma_start3A_547 = tpu.memref_slice %arg21[%dma_start3A_545] : memref<4x!tpu.dma_semaphore, #tpu.memory_space<semaphore_mem>> -> memref<1x!tpu.dma_semaphore, #tpu.memory_space<semaphore_mem>>
      %dma_start3A_548 = tpu.memref_squeeze %dma_start3A_547 : memref<1x!tpu.dma_semaphore, #tpu.memory_space<semaphore_mem>> -> memref<!tpu.dma_semaphore, #tpu.memory_space<semaphore_mem>>
      %dma_start3A_549 = tpu.memref_slice %arg4[%mul3A_544] : memref<327680xi32, #tpu.memory_space<hbm>> -> memref<64xi32, #tpu.memory_space<hbm>>
      tpu.enqueue_dma source(%dma_start3A_549 : memref<64xi32, #tpu.memory_space<hbm>>) target(%arg13 : memref<64xi32, #tpu.memory_space<vmem>>) target_semaphore(%dma_start3A_548 : memref<!tpu.dma_semaphore, #tpu.memory_space<semaphore_mem>>)
      %add3A_550 = arith.constant 1 : i32
      %add3A_551 = arith.addi %while3A_316, %add3A_550 : i32
      %mul3A_552 = arith.constant 4 : i32
      %mul3A_553 = arith.muli %add3A_551, %mul3A_552 : i32
      %add3A_554 = arith.constant 0 : i32
      %add3A_555 = arith.addi %mul3A_553, %add3A_554 : i32
      %add3A_556 = arith.addi %select_n3A_26, %add3A_555 : i32
      %mul3A_557 = arith.constant 64 : i32
      %mul3A_558 = arith.muli %add3A_556, %mul3A_557 : i32
      %dma_wait3A_559 = arith.constant 0 : i32
      %dma_wait3A_560 = tpu.memref_slice %arg3[%mul3A_558] : memref<327680xi32, #tpu.memory_space<hbm>> -> memref<64xi32, #tpu.memory_space<hbm>>
      %dma_wait3A_561 = tpu.memref_slice %arg20[%dma_wait3A_559] : memref<4x!tpu.dma_semaphore, #tpu.memory_space<semaphore_mem>> -> memref<1x!tpu.dma_semaphore, #tpu.memory_space<semaphore_mem>>
      %dma_wait3A_562 = tpu.memref_squeeze %dma_wait3A_561 : memref<1x!tpu.dma_semaphore, #tpu.memory_space<semaphore_mem>> -> memref<!tpu.dma_semaphore, #tpu.memory_space<semaphore_mem>>
      %dma_wait3A_563 = tpu.memref_slice %arg3[%mul3A_558] : memref<327680xi32, #tpu.memory_space<hbm>> -> memref<64xi32, #tpu.memory_space<hbm>>
      tpu.wait_dma2 semaphore(%dma_wait3A_562 : memref<!tpu.dma_semaphore, #tpu.memory_space<semaphore_mem>>) src(%dma_wait3A_563 : memref<64xi32, #tpu.memory_space<hbm>>) dst(%arg6 : memref<64xi32, #tpu.memory_space<vmem>>)
      %dma_start3A_564 = arith.constant 0 : i32
      %dma_start3A_565 = arith.constant 0 : i32
      %dma_start3A_566 = arith.constant 0 : i32
      %dma_start3A_567 = tpu.memref_slice %arg2[%dma_start3A_565, %dma_start3A_566] : memref<10240x128xf32, #tpu.memory_space<hbm>> -> memref<10240x128xf32, #tpu.memory_space<hbm>>
      %dma_start3A_568 = tpu.memref_slice %arg22[%dma_start3A_564] : memref<4x!tpu.dma_semaphore, #tpu.memory_space<semaphore_mem>> -> memref<1x!tpu.dma_semaphore, #tpu.memory_space<semaphore_mem>>
      %dma_start3A_569 = tpu.memref_squeeze %dma_start3A_568 : memref<1x!tpu.dma_semaphore, #tpu.memory_space<semaphore_mem>> -> memref<!tpu.dma_semaphore, #tpu.memory_space<semaphore_mem>>
      tpu.enqueue_indirect_dma source(%dma_start3A_567 : memref<10240x128xf32, #tpu.memory_space<hbm>>) target(%arg14 : memref<64x128xf32, #tpu.memory_space<vmem>>) offsets(%arg6 : memref<64xi32, #tpu.memory_space<vmem>>) semaphore(%dma_start3A_569 : memref<!tpu.dma_semaphore, #tpu.memory_space<semaphore_mem>>)
      %add3A_570 = arith.constant 1 : i32
      %add3A_571 = arith.addi %while3A_316, %add3A_570 : i32
      %mul3A_572 = arith.constant 4 : i32
      %mul3A_573 = arith.muli %add3A_571, %mul3A_572 : i32
      %add3A_574 = arith.constant 1 : i32
      %add3A_575 = arith.addi %mul3A_573, %add3A_574 : i32
      %add3A_576 = arith.addi %select_n3A_26, %add3A_575 : i32
      %mul3A_577 = arith.constant 64 : i32
      %mul3A_578 = arith.muli %add3A_576, %mul3A_577 : i32
      %dma_wait3A_579 = arith.constant 1 : i32
      %dma_wait3A_580 = tpu.memref_slice %arg3[%mul3A_578] : memref<327680xi32, #tpu.memory_space<hbm>> -> memref<64xi32, #tpu.memory_space<hbm>>
      %dma_wait3A_581 = tpu.memref_slice %arg20[%dma_wait3A_579] : memref<4x!tpu.dma_semaphore, #tpu.memory_space<semaphore_mem>> -> memref<1x!tpu.dma_semaphore, #tpu.memory_space<semaphore_mem>>
      %dma_wait3A_582 = tpu.memref_squeeze %dma_wait3A_581 : memref<1x!tpu.dma_semaphore, #tpu.memory_space<semaphore_mem>> -> memref<!tpu.dma_semaphore, #tpu.memory_space<semaphore_mem>>
      %dma_wait3A_583 = tpu.memref_slice %arg3[%mul3A_578] : memref<327680xi32, #tpu.memory_space<hbm>> -> memref<64xi32, #tpu.memory_space<hbm>>
      tpu.wait_dma2 semaphore(%dma_wait3A_582 : memref<!tpu.dma_semaphore, #tpu.memory_space<semaphore_mem>>) src(%dma_wait3A_583 : memref<64xi32, #tpu.memory_space<hbm>>) dst(%arg7 : memref<64xi32, #tpu.memory_space<vmem>>)
      %dma_start3A_584 = arith.constant 1 : i32
      %dma_start3A_585 = arith.constant 0 : i32
      %dma_start3A_586 = arith.constant 0 : i32
      %dma_start3A_587 = tpu.memref_slice %arg2[%dma_start3A_585, %dma_start3A_586] : memref<10240x128xf32, #tpu.memory_space<hbm>> -> memref<10240x128xf32, #tpu.memory_space<hbm>>
      %dma_start3A_588 = tpu.memref_slice %arg22[%dma_start3A_584] : memref<4x!tpu.dma_semaphore, #tpu.memory_space<semaphore_mem>> -> memref<1x!tpu.dma_semaphore, #tpu.memory_space<semaphore_mem>>
      %dma_start3A_589 = tpu.memref_squeeze %dma_start3A_588 : memref<1x!tpu.dma_semaphore, #tpu.memory_space<semaphore_mem>> -> memref<!tpu.dma_semaphore, #tpu.memory_space<semaphore_mem>>
      tpu.enqueue_indirect_dma source(%dma_start3A_587 : memref<10240x128xf32, #tpu.memory_space<hbm>>) target(%arg15 : memref<64x128xf32, #tpu.memory_space<vmem>>) offsets(%arg7 : memref<64xi32, #tpu.memory_space<vmem>>) semaphore(%dma_start3A_589 : memref<!tpu.dma_semaphore, #tpu.memory_space<semaphore_mem>>)
      %add3A_590 = arith.constant 1 : i32
      %add3A_591 = arith.addi %while3A_316, %add3A_590 : i32
      %mul3A_592 = arith.constant 4 : i32
      %mul3A_593 = arith.muli %add3A_591, %mul3A_592 : i32
      %add3A_594 = arith.constant 2 : i32
      %add3A_595 = arith.addi %mul3A_593, %add3A_594 : i32
      %add3A_596 = arith.addi %select_n3A_26, %add3A_595 : i32
      %mul3A_597 = arith.constant 64 : i32
      %mul3A_598 = arith.muli %add3A_596, %mul3A_597 : i32
      %dma_wait3A_599 = arith.constant 2 : i32
      %dma_wait3A_600 = tpu.memref_slice %arg3[%mul3A_598] : memref<327680xi32, #tpu.memory_space<hbm>> -> memref<64xi32, #tpu.memory_space<hbm>>
      %dma_wait3A_601 = tpu.memref_slice %arg20[%dma_wait3A_599] : memref<4x!tpu.dma_semaphore, #tpu.memory_space<semaphore_mem>> -> memref<1x!tpu.dma_semaphore, #tpu.memory_space<semaphore_mem>>
      %dma_wait3A_602 = tpu.memref_squeeze %dma_wait3A_601 : memref<1x!tpu.dma_semaphore, #tpu.memory_space<semaphore_mem>> -> memref<!tpu.dma_semaphore, #tpu.memory_space<semaphore_mem>>
      %dma_wait3A_603 = tpu.memref_slice %arg3[%mul3A_598] : memref<327680xi32, #tpu.memory_space<hbm>> -> memref<64xi32, #tpu.memory_space<hbm>>
      tpu.wait_dma2 semaphore(%dma_wait3A_602 : memref<!tpu.dma_semaphore, #tpu.memory_space<semaphore_mem>>) src(%dma_wait3A_603 : memref<64xi32, #tpu.memory_space<hbm>>) dst(%arg8 : memref<64xi32, #tpu.memory_space<vmem>>)
      %dma_start3A_604 = arith.constant 2 : i32
      %dma_start3A_605 = arith.constant 0 : i32
      %dma_start3A_606 = arith.constant 0 : i32
      %dma_start3A_607 = tpu.memref_slice %arg2[%dma_start3A_605, %dma_start3A_606] : memref<10240x128xf32, #tpu.memory_space<hbm>> -> memref<10240x128xf32, #tpu.memory_space<hbm>>
      %dma_start3A_608 = tpu.memref_slice %arg22[%dma_start3A_604] : memref<4x!tpu.dma_semaphore, #tpu.memory_space<semaphore_mem>> -> memref<1x!tpu.dma_semaphore, #tpu.memory_space<semaphore_mem>>
      %dma_start3A_609 = tpu.memref_squeeze %dma_start3A_608 : memref<1x!tpu.dma_semaphore, #tpu.memory_space<semaphore_mem>> -> memref<!tpu.dma_semaphore, #tpu.memory_space<semaphore_mem>>
      tpu.enqueue_indirect_dma source(%dma_start3A_607 : memref<10240x128xf32, #tpu.memory_space<hbm>>) target(%arg16 : memref<64x128xf32, #tpu.memory_space<vmem>>) offsets(%arg8 : memref<64xi32, #tpu.memory_space<vmem>>) semaphore(%dma_start3A_609 : memref<!tpu.dma_semaphore, #tpu.memory_space<semaphore_mem>>)
      %add3A_610 = arith.constant 1 : i32
      %add3A_611 = arith.addi %while3A_316, %add3A_610 : i32
      %mul3A_612 = arith.constant 4 : i32
      %mul3A_613 = arith.muli %add3A_611, %mul3A_612 : i32
      %add3A_614 = arith.constant 3 : i32
      %add3A_615 = arith.addi %mul3A_613, %add3A_614 : i32
      %add3A_616 = arith.addi %select_n3A_26, %add3A_615 : i32
      %mul3A_617 = arith.constant 64 : i32
      %mul3A_618 = arith.muli %add3A_616, %mul3A_617 : i32
      %dma_wait3A_619 = arith.constant 3 : i32
      %dma_wait3A_620 = tpu.memref_slice %arg3[%mul3A_618] : memref<327680xi32, #tpu.memory_space<hbm>> -> memref<64xi32, #tpu.memory_space<hbm>>
      %dma_wait3A_621 = tpu.memref_slice %arg20[%dma_wait3A_619] : memref<4x!tpu.dma_semaphore, #tpu.memory_space<semaphore_mem>> -> memref<1x!tpu.dma_semaphore, #tpu.memory_space<semaphore_mem>>
      %dma_wait3A_622 = tpu.memref_squeeze %dma_wait3A_621 : memref<1x!tpu.dma_semaphore, #tpu.memory_space<semaphore_mem>> -> memref<!tpu.dma_semaphore, #tpu.memory_space<semaphore_mem>>
      %dma_wait3A_623 = tpu.memref_slice %arg3[%mul3A_618] : memref<327680xi32, #tpu.memory_space<hbm>> -> memref<64xi32, #tpu.memory_space<hbm>>
      tpu.wait_dma2 semaphore(%dma_wait3A_622 : memref<!tpu.dma_semaphore, #tpu.memory_space<semaphore_mem>>) src(%dma_wait3A_623 : memref<64xi32, #tpu.memory_space<hbm>>) dst(%arg9 : memref<64xi32, #tpu.memory_space<vmem>>)
      %dma_start3A_624 = arith.constant 3 : i32
      %dma_start3A_625 = arith.constant 0 : i32
      %dma_start3A_626 = arith.constant 0 : i32
      %dma_start3A_627 = tpu.memref_slice %arg2[%dma_start3A_625, %dma_start3A_626] : memref<10240x128xf32, #tpu.memory_space<hbm>> -> memref<10240x128xf32, #tpu.memory_space<hbm>>
      %dma_start3A_628 = tpu.memref_slice %arg22[%dma_start3A_624] : memref<4x!tpu.dma_semaphore, #tpu.memory_space<semaphore_mem>> -> memref<1x!tpu.dma_semaphore, #tpu.memory_space<semaphore_mem>>
      %dma_start3A_629 = tpu.memref_squeeze %dma_start3A_628 : memref<1x!tpu.dma_semaphore, #tpu.memory_space<semaphore_mem>> -> memref<!tpu.dma_semaphore, #tpu.memory_space<semaphore_mem>>
      tpu.enqueue_indirect_dma source(%dma_start3A_627 : memref<10240x128xf32, #tpu.memory_space<hbm>>) target(%arg17 : memref<64x128xf32, #tpu.memory_space<vmem>>) offsets(%arg9 : memref<64xi32, #tpu.memory_space<vmem>>) semaphore(%dma_start3A_629 : memref<!tpu.dma_semaphore, #tpu.memory_space<semaphore_mem>>)
      %while3A_630 = arith.constant 0 : i32
      scf.yield %while3A_630 : i32
    }
    %dma_wait3A_183 = arith.constant 0 : i32
    %dma_wait3A_184 = arith.constant 0 : i32
    %dma_wait3A_185 = arith.constant 0 : i32
    %dma_wait3A_186 = tpu.memref_slice %arg2[%dma_wait3A_184, %dma_wait3A_185] : memref<10240x128xf32, #tpu.memory_space<hbm>> -> memref<10240x128xf32, #tpu.memory_space<hbm>>
    %dma_wait3A_187 = tpu.memref_slice %arg22[%dma_wait3A_183] : memref<4x!tpu.dma_semaphore, #tpu.memory_space<semaphore_mem>> -> memref<1x!tpu.dma_semaphore, #tpu.memory_space<semaphore_mem>>
    %dma_wait3A_188 = tpu.memref_squeeze %dma_wait3A_187 : memref<1x!tpu.dma_semaphore, #tpu.memory_space<semaphore_mem>> -> memref<!tpu.dma_semaphore, #tpu.memory_space<semaphore_mem>>
    tpu.wait_indirect_dma semaphore(%dma_wait3A_188 : memref<!tpu.dma_semaphore, #tpu.memory_space<semaphore_mem>>) src(%dma_wait3A_186 : memref<10240x128xf32, #tpu.memory_space<hbm>>) dst(%arg14 : memref<64x128xf32, #tpu.memory_space<vmem>>)
    %sub3A_189 = arith.constant 1 : i32
    %sub3A_190 = arith.subi %select_n3A_19, %sub3A_189 : i32
    %mul3A_191 = arith.constant 4 : i32
    %mul3A_192 = arith.muli %sub3A_190, %mul3A_191 : i32
    %add3A_193 = arith.constant 0 : i32
    %add3A_194 = arith.addi %mul3A_192, %add3A_193 : i32
    %add3A_195 = arith.addi %select_n3A_26, %add3A_194 : i32
    %mul3A_196 = arith.constant 64 : i32
    %mul3A_197 = arith.muli %add3A_195, %mul3A_196 : i32
    %dma_wait3A_198 = arith.constant 0 : i32
    %dma_wait3A_199 = tpu.memref_slice %arg4[%mul3A_197] : memref<327680xi32, #tpu.memory_space<hbm>> -> memref<64xi32, #tpu.memory_space<hbm>>
    %dma_wait3A_200 = tpu.memref_slice %arg21[%dma_wait3A_198] : memref<4x!tpu.dma_semaphore, #tpu.memory_space<semaphore_mem>> -> memref<1x!tpu.dma_semaphore, #tpu.memory_space<semaphore_mem>>
    %dma_wait3A_201 = tpu.memref_squeeze %dma_wait3A_200 : memref<1x!tpu.dma_semaphore, #tpu.memory_space<semaphore_mem>> -> memref<!tpu.dma_semaphore, #tpu.memory_space<semaphore_mem>>
    %dma_wait3A_202 = tpu.memref_slice %arg4[%mul3A_197] : memref<327680xi32, #tpu.memory_space<hbm>> -> memref<64xi32, #tpu.memory_space<hbm>>
    tpu.wait_dma2 semaphore(%dma_wait3A_201 : memref<!tpu.dma_semaphore, #tpu.memory_space<semaphore_mem>>) src(%dma_wait3A_202 : memref<64xi32, #tpu.memory_space<hbm>>) dst(%arg10 : memref<64xi32, #tpu.memory_space<vmem>>)
    %dma_start3A_203 = arith.constant 0 : i32
    %dma_start3A_204 = arith.constant 0 : i32
    %dma_start3A_205 = arith.constant 0 : i32
    %dma_start3A_206 = tpu.memref_slice %arg19[%dma_start3A_204, %dma_start3A_205] : memref<10240x128xf32, #tpu.memory_space<vmem_shared>> -> memref<10240x128xf32, #tpu.memory_space<vmem_shared>>
    %dma_start3A_207 = tpu.memref_slice %arg23[%dma_start3A_203] : memref<4x!tpu.dma_semaphore, #tpu.memory_space<semaphore_mem>> -> memref<1x!tpu.dma_semaphore, #tpu.memory_space<semaphore_mem>>
    %dma_start3A_208 = tpu.memref_squeeze %dma_start3A_207 : memref<1x!tpu.dma_semaphore, #tpu.memory_space<semaphore_mem>> -> memref<!tpu.dma_semaphore, #tpu.memory_space<semaphore_mem>>
    tpu.enqueue_indirect_dma source(%arg14 : memref<64x128xf32, #tpu.memory_space<vmem>>) target(%dma_start3A_206 : memref<10240x128xf32, #tpu.memory_space<vmem_shared>>) offsets(%arg10 : memref<64xi32, #tpu.memory_space<vmem>>) semaphore(%dma_start3A_208 : memref<!tpu.dma_semaphore, #tpu.memory_space<semaphore_mem>>) {add = true}
    %dma_wait3A_209 = arith.constant 1 : i32
    %dma_wait3A_210 = arith.constant 0 : i32
    %dma_wait3A_211 = arith.constant 0 : i32
    %dma_wait3A_212 = tpu.memref_slice %arg2[%dma_wait3A_210, %dma_wait3A_211] : memref<10240x128xf32, #tpu.memory_space<hbm>> -> memref<10240x128xf32, #tpu.memory_space<hbm>>
    %dma_wait3A_213 = tpu.memref_slice %arg22[%dma_wait3A_209] : memref<4x!tpu.dma_semaphore, #tpu.memory_space<semaphore_mem>> -> memref<1x!tpu.dma_semaphore, #tpu.memory_space<semaphore_mem>>
    %dma_wait3A_214 = tpu.memref_squeeze %dma_wait3A_213 : memref<1x!tpu.dma_semaphore, #tpu.memory_space<semaphore_mem>> -> memref<!tpu.dma_semaphore, #tpu.memory_space<semaphore_mem>>
    tpu.wait_indirect_dma semaphore(%dma_wait3A_214 : memref<!tpu.dma_semaphore, #tpu.memory_space<semaphore_mem>>) src(%dma_wait3A_212 : memref<10240x128xf32, #tpu.memory_space<hbm>>) dst(%arg15 : memref<64x128xf32, #tpu.memory_space<vmem>>)
    %sub3A_215 = arith.constant 1 : i32
    %sub3A_216 = arith.subi %select_n3A_19, %sub3A_215 : i32
    %mul3A_217 = arith.constant 4 : i32
    %mul3A_218 = arith.muli %sub3A_216, %mul3A_217 : i32
    %add3A_219 = arith.constant 1 : i32
    %add3A_220 = arith.addi %mul3A_218, %add3A_219 : i32
    %add3A_221 = arith.addi %select_n3A_26, %add3A_220 : i32
    %mul3A_222 = arith.constant 64 : i32
    %mul3A_223 = arith.muli %add3A_221, %mul3A_222 : i32
    %dma_wait3A_224 = arith.constant 1 : i32
    %dma_wait3A_225 = tpu.memref_slice %arg4[%mul3A_223] : memref<327680xi32, #tpu.memory_space<hbm>> -> memref<64xi32, #tpu.memory_space<hbm>>
    %dma_wait3A_226 = tpu.memref_slice %arg21[%dma_wait3A_224] : memref<4x!tpu.dma_semaphore, #tpu.memory_space<semaphore_mem>> -> memref<1x!tpu.dma_semaphore, #tpu.memory_space<semaphore_mem>>
    %dma_wait3A_227 = tpu.memref_squeeze %dma_wait3A_226 : memref<1x!tpu.dma_semaphore, #tpu.memory_space<semaphore_mem>> -> memref<!tpu.dma_semaphore, #tpu.memory_space<semaphore_mem>>
    %dma_wait3A_228 = tpu.memref_slice %arg4[%mul3A_223] : memref<327680xi32, #tpu.memory_space<hbm>> -> memref<64xi32, #tpu.memory_space<hbm>>
    tpu.wait_dma2 semaphore(%dma_wait3A_227 : memref<!tpu.dma_semaphore, #tpu.memory_space<semaphore_mem>>) src(%dma_wait3A_228 : memref<64xi32, #tpu.memory_space<hbm>>) dst(%arg11 : memref<64xi32, #tpu.memory_space<vmem>>)
    %dma_start3A_229 = arith.constant 1 : i32
    %dma_start3A_230 = arith.constant 0 : i32
    %dma_start3A_231 = arith.constant 0 : i32
    %dma_start3A_232 = tpu.memref_slice %arg19[%dma_start3A_230, %dma_start3A_231] : memref<10240x128xf32, #tpu.memory_space<vmem_shared>> -> memref<10240x128xf32, #tpu.memory_space<vmem_shared>>
    %dma_start3A_233 = tpu.memref_slice %arg23[%dma_start3A_229] : memref<4x!tpu.dma_semaphore, #tpu.memory_space<semaphore_mem>> -> memref<1x!tpu.dma_semaphore, #tpu.memory_space<semaphore_mem>>
    %dma_start3A_234 = tpu.memref_squeeze %dma_start3A_233 : memref<1x!tpu.dma_semaphore, #tpu.memory_space<semaphore_mem>> -> memref<!tpu.dma_semaphore, #tpu.memory_space<semaphore_mem>>
    tpu.enqueue_indirect_dma source(%arg15 : memref<64x128xf32, #tpu.memory_space<vmem>>) target(%dma_start3A_232 : memref<10240x128xf32, #tpu.memory_space<vmem_shared>>) offsets(%arg11 : memref<64xi32, #tpu.memory_space<vmem>>) semaphore(%dma_start3A_234 : memref<!tpu.dma_semaphore, #tpu.memory_space<semaphore_mem>>) {add = true}
    %dma_wait3A_235 = arith.constant 2 : i32
    %dma_wait3A_236 = arith.constant 0 : i32
    %dma_wait3A_237 = arith.constant 0 : i32
    %dma_wait3A_238 = tpu.memref_slice %arg2[%dma_wait3A_236, %dma_wait3A_237] : memref<10240x128xf32, #tpu.memory_space<hbm>> -> memref<10240x128xf32, #tpu.memory_space<hbm>>
    %dma_wait3A_239 = tpu.memref_slice %arg22[%dma_wait3A_235] : memref<4x!tpu.dma_semaphore, #tpu.memory_space<semaphore_mem>> -> memref<1x!tpu.dma_semaphore, #tpu.memory_space<semaphore_mem>>
    %dma_wait3A_240 = tpu.memref_squeeze %dma_wait3A_239 : memref<1x!tpu.dma_semaphore, #tpu.memory_space<semaphore_mem>> -> memref<!tpu.dma_semaphore, #tpu.memory_space<semaphore_mem>>
    tpu.wait_indirect_dma semaphore(%dma_wait3A_240 : memref<!tpu.dma_semaphore, #tpu.memory_space<semaphore_mem>>) src(%dma_wait3A_238 : memref<10240x128xf32, #tpu.memory_space<hbm>>) dst(%arg16 : memref<64x128xf32, #tpu.memory_space<vmem>>)
    %sub3A_241 = arith.constant 1 : i32
    %sub3A_242 = arith.subi %select_n3A_19, %sub3A_241 : i32
    %mul3A_243 = arith.constant 4 : i32
    %mul3A_244 = arith.muli %sub3A_242, %mul3A_243 : i32
    %add3A_245 = arith.constant 2 : i32
    %add3A_246 = arith.addi %mul3A_244, %add3A_245 : i32
    %add3A_247 = arith.addi %select_n3A_26, %add3A_246 : i32
    %mul3A_248 = arith.constant 64 : i32
    %mul3A_249 = arith.muli %add3A_247, %mul3A_248 : i32
    %dma_wait3A_250 = arith.constant 2 : i32
    %dma_wait3A_251 = tpu.memref_slice %arg4[%mul3A_249] : memref<327680xi32, #tpu.memory_space<hbm>> -> memref<64xi32, #tpu.memory_space<hbm>>
    %dma_wait3A_252 = tpu.memref_slice %arg21[%dma_wait3A_250] : memref<4x!tpu.dma_semaphore, #tpu.memory_space<semaphore_mem>> -> memref<1x!tpu.dma_semaphore, #tpu.memory_space<semaphore_mem>>
    %dma_wait3A_253 = tpu.memref_squeeze %dma_wait3A_252 : memref<1x!tpu.dma_semaphore, #tpu.memory_space<semaphore_mem>> -> memref<!tpu.dma_semaphore, #tpu.memory_space<semaphore_mem>>
    %dma_wait3A_254 = tpu.memref_slice %arg4[%mul3A_249] : memref<327680xi32, #tpu.memory_space<hbm>> -> memref<64xi32, #tpu.memory_space<hbm>>
    tpu.wait_dma2 semaphore(%dma_wait3A_253 : memref<!tpu.dma_semaphore, #tpu.memory_space<semaphore_mem>>) src(%dma_wait3A_254 : memref<64xi32, #tpu.memory_space<hbm>>) dst(%arg12 : memref<64xi32, #tpu.memory_space<vmem>>)
    %dma_start3A_255 = arith.constant 2 : i32
    %dma_start3A_256 = arith.constant 0 : i32
    %dma_start3A_257 = arith.constant 0 : i32
    %dma_start3A_258 = tpu.memref_slice %arg19[%dma_start3A_256, %dma_start3A_257] : memref<10240x128xf32, #tpu.memory_space<vmem_shared>> -> memref<10240x128xf32, #tpu.memory_space<vmem_shared>>
    %dma_start3A_259 = tpu.memref_slice %arg23[%dma_start3A_255] : memref<4x!tpu.dma_semaphore, #tpu.memory_space<semaphore_mem>> -> memref<1x!tpu.dma_semaphore, #tpu.memory_space<semaphore_mem>>
    %dma_start3A_260 = tpu.memref_squeeze %dma_start3A_259 : memref<1x!tpu.dma_semaphore, #tpu.memory_space<semaphore_mem>> -> memref<!tpu.dma_semaphore, #tpu.memory_space<semaphore_mem>>
    tpu.enqueue_indirect_dma source(%arg16 : memref<64x128xf32, #tpu.memory_space<vmem>>) target(%dma_start3A_258 : memref<10240x128xf32, #tpu.memory_space<vmem_shared>>) offsets(%arg12 : memref<64xi32, #tpu.memory_space<vmem>>) semaphore(%dma_start3A_260 : memref<!tpu.dma_semaphore, #tpu.memory_space<semaphore_mem>>) {add = true}
    %dma_wait3A_261 = arith.constant 3 : i32
    %dma_wait3A_262 = arith.constant 0 : i32
    %dma_wait3A_263 = arith.constant 0 : i32
    %dma_wait3A_264 = tpu.memref_slice %arg2[%dma_wait3A_262, %dma_wait3A_263] : memref<10240x128xf32, #tpu.memory_space<hbm>> -> memref<10240x128xf32, #tpu.memory_space<hbm>>
    %dma_wait3A_265 = tpu.memref_slice %arg22[%dma_wait3A_261] : memref<4x!tpu.dma_semaphore, #tpu.memory_space<semaphore_mem>> -> memref<1x!tpu.dma_semaphore, #tpu.memory_space<semaphore_mem>>
    %dma_wait3A_266 = tpu.memref_squeeze %dma_wait3A_265 : memref<1x!tpu.dma_semaphore, #tpu.memory_space<semaphore_mem>> -> memref<!tpu.dma_semaphore, #tpu.memory_space<semaphore_mem>>
    tpu.wait_indirect_dma semaphore(%dma_wait3A_266 : memref<!tpu.dma_semaphore, #tpu.memory_space<semaphore_mem>>) src(%dma_wait3A_264 : memref<10240x128xf32, #tpu.memory_space<hbm>>) dst(%arg17 : memref<64x128xf32, #tpu.memory_space<vmem>>)
    %sub3A_267 = arith.constant 1 : i32
    %sub3A_268 = arith.subi %select_n3A_19, %sub3A_267 : i32
    %mul3A_269 = arith.constant 4 : i32
    %mul3A_270 = arith.muli %sub3A_268, %mul3A_269 : i32
    %add3A_271 = arith.constant 3 : i32
    %add3A_272 = arith.addi %mul3A_270, %add3A_271 : i32
    %add3A_273 = arith.addi %select_n3A_26, %add3A_272 : i32
    %mul3A_274 = arith.constant 64 : i32
    %mul3A_275 = arith.muli %add3A_273, %mul3A_274 : i32
    %dma_wait3A_276 = arith.constant 3 : i32
    %dma_wait3A_277 = tpu.memref_slice %arg4[%mul3A_275] : memref<327680xi32, #tpu.memory_space<hbm>> -> memref<64xi32, #tpu.memory_space<hbm>>
    %dma_wait3A_278 = tpu.memref_slice %arg21[%dma_wait3A_276] : memref<4x!tpu.dma_semaphore, #tpu.memory_space<semaphore_mem>> -> memref<1x!tpu.dma_semaphore, #tpu.memory_space<semaphore_mem>>
    %dma_wait3A_279 = tpu.memref_squeeze %dma_wait3A_278 : memref<1x!tpu.dma_semaphore, #tpu.memory_space<semaphore_mem>> -> memref<!tpu.dma_semaphore, #tpu.memory_space<semaphore_mem>>
    %dma_wait3A_280 = tpu.memref_slice %arg4[%mul3A_275] : memref<327680xi32, #tpu.memory_space<hbm>> -> memref<64xi32, #tpu.memory_space<hbm>>
    tpu.wait_dma2 semaphore(%dma_wait3A_279 : memref<!tpu.dma_semaphore, #tpu.memory_space<semaphore_mem>>) src(%dma_wait3A_280 : memref<64xi32, #tpu.memory_space<hbm>>) dst(%arg13 : memref<64xi32, #tpu.memory_space<vmem>>)
    %dma_start3A_281 = arith.constant 3 : i32
    %dma_start3A_282 = arith.constant 0 : i32
    %dma_start3A_283 = arith.constant 0 : i32
    %dma_start3A_284 = tpu.memref_slice %arg19[%dma_start3A_282, %dma_start3A_283] : memref<10240x128xf32, #tpu.memory_space<vmem_shared>> -> memref<10240x128xf32, #tpu.memory_space<vmem_shared>>
    %dma_start3A_285 = tpu.memref_slice %arg23[%dma_start3A_281] : memref<4x!tpu.dma_semaphore, #tpu.memory_space<semaphore_mem>> -> memref<1x!tpu.dma_semaphore, #tpu.memory_space<semaphore_mem>>
    %dma_start3A_286 = tpu.memref_squeeze %dma_start3A_285 : memref<1x!tpu.dma_semaphore, #tpu.memory_space<semaphore_mem>> -> memref<!tpu.dma_semaphore, #tpu.memory_space<semaphore_mem>>
    tpu.enqueue_indirect_dma source(%arg17 : memref<64x128xf32, #tpu.memory_space<vmem>>) target(%dma_start3A_284 : memref<10240x128xf32, #tpu.memory_space<vmem_shared>>) offsets(%arg13 : memref<64xi32, #tpu.memory_space<vmem>>) semaphore(%dma_start3A_286 : memref<!tpu.dma_semaphore, #tpu.memory_space<semaphore_mem>>) {add = true}
    %dma_wait3A_287 = arith.constant 0 : i32
    %dma_wait3A_288 = arith.constant 0 : i32
    %dma_wait3A_289 = arith.constant 0 : i32
    %dma_wait3A_290 = tpu.memref_slice %arg19[%dma_wait3A_288, %dma_wait3A_289] : memref<10240x128xf32, #tpu.memory_space<vmem_shared>> -> memref<10240x128xf32, #tpu.memory_space<vmem_shared>>
    %dma_wait3A_291 = tpu.memref_slice %arg23[%dma_wait3A_287] : memref<4x!tpu.dma_semaphore, #tpu.memory_space<semaphore_mem>> -> memref<1x!tpu.dma_semaphore, #tpu.memory_space<semaphore_mem>>
    %dma_wait3A_292 = tpu.memref_squeeze %dma_wait3A_291 : memref<1x!tpu.dma_semaphore, #tpu.memory_space<semaphore_mem>> -> memref<!tpu.dma_semaphore, #tpu.memory_space<semaphore_mem>>
    tpu.wait_indirect_dma semaphore(%dma_wait3A_292 : memref<!tpu.dma_semaphore, #tpu.memory_space<semaphore_mem>>) src(%arg14 : memref<64x128xf32, #tpu.memory_space<vmem>>) dst(%dma_wait3A_290 : memref<10240x128xf32, #tpu.memory_space<vmem_shared>>)
    %dma_wait3A_293 = arith.constant 1 : i32
    %dma_wait3A_294 = arith.constant 0 : i32
    %dma_wait3A_295 = arith.constant 0 : i32
    %dma_wait3A_296 = tpu.memref_slice %arg19[%dma_wait3A_294, %dma_wait3A_295] : memref<10240x128xf32, #tpu.memory_space<vmem_shared>> -> memref<10240x128xf32, #tpu.memory_space<vmem_shared>>
    %dma_wait3A_297 = tpu.memref_slice %arg23[%dma_wait3A_293] : memref<4x!tpu.dma_semaphore, #tpu.memory_space<semaphore_mem>> -> memref<1x!tpu.dma_semaphore, #tpu.memory_space<semaphore_mem>>
    %dma_wait3A_298 = tpu.memref_squeeze %dma_wait3A_297 : memref<1x!tpu.dma_semaphore, #tpu.memory_space<semaphore_mem>> -> memref<!tpu.dma_semaphore, #tpu.memory_space<semaphore_mem>>
    tpu.wait_indirect_dma semaphore(%dma_wait3A_298 : memref<!tpu.dma_semaphore, #tpu.memory_space<semaphore_mem>>) src(%arg15 : memref<64x128xf32, #tpu.memory_space<vmem>>) dst(%dma_wait3A_296 : memref<10240x128xf32, #tpu.memory_space<vmem_shared>>)
    %dma_wait3A_299 = arith.constant 2 : i32
    %dma_wait3A_300 = arith.constant 0 : i32
    %dma_wait3A_301 = arith.constant 0 : i32
    %dma_wait3A_302 = tpu.memref_slice %arg19[%dma_wait3A_300, %dma_wait3A_301] : memref<10240x128xf32, #tpu.memory_space<vmem_shared>> -> memref<10240x128xf32, #tpu.memory_space<vmem_shared>>
    %dma_wait3A_303 = tpu.memref_slice %arg23[%dma_wait3A_299] : memref<4x!tpu.dma_semaphore, #tpu.memory_space<semaphore_mem>> -> memref<1x!tpu.dma_semaphore, #tpu.memory_space<semaphore_mem>>
    %dma_wait3A_304 = tpu.memref_squeeze %dma_wait3A_303 : memref<1x!tpu.dma_semaphore, #tpu.memory_space<semaphore_mem>> -> memref<!tpu.dma_semaphore, #tpu.memory_space<semaphore_mem>>
    tpu.wait_indirect_dma semaphore(%dma_wait3A_304 : memref<!tpu.dma_semaphore, #tpu.memory_space<semaphore_mem>>) src(%arg16 : memref<64x128xf32, #tpu.memory_space<vmem>>) dst(%dma_wait3A_302 : memref<10240x128xf32, #tpu.memory_space<vmem_shared>>)
    %dma_wait3A_305 = arith.constant 3 : i32
    %dma_wait3A_306 = arith.constant 0 : i32
    %dma_wait3A_307 = arith.constant 0 : i32
    %dma_wait3A_308 = tpu.memref_slice %arg19[%dma_wait3A_306, %dma_wait3A_307] : memref<10240x128xf32, #tpu.memory_space<vmem_shared>> -> memref<10240x128xf32, #tpu.memory_space<vmem_shared>>
    %dma_wait3A_309 = tpu.memref_slice %arg23[%dma_wait3A_305] : memref<4x!tpu.dma_semaphore, #tpu.memory_space<semaphore_mem>> -> memref<1x!tpu.dma_semaphore, #tpu.memory_space<semaphore_mem>>
    %dma_wait3A_310 = tpu.memref_squeeze %dma_wait3A_309 : memref<1x!tpu.dma_semaphore, #tpu.memory_space<semaphore_mem>> -> memref<!tpu.dma_semaphore, #tpu.memory_space<semaphore_mem>>
    tpu.wait_indirect_dma semaphore(%dma_wait3A_310 : memref<!tpu.dma_semaphore, #tpu.memory_space<semaphore_mem>>) src(%arg17 : memref<64x128xf32, #tpu.memory_space<vmem>>) dst(%dma_wait3A_308 : memref<10240x128xf32, #tpu.memory_space<vmem_shared>>)
    %barrier3A_311 = arith.constant 0 : index
    tpu.barrier barrier_id(%barrier3A_311)
    %mul3A_312 = arith.constant 640 : i32
    %mul3A_313 = arith.muli %arg1, %mul3A_312 : i32
    %mul3A_314 = arith.constant 640 : i32
    %mul3A_315 = arith.muli %arg1, %mul3A_314 : i32
    "tpu.region"() ({
      %run_scoped3A = tpu.sem_alloc : memref<!tpu.dma_semaphore, #tpu.memory_space<semaphore_mem>>
      %dma_start3A_316 = arith.constant 0 : i32
      %dma_start3A_317 = tpu.memref_slice %arg5[%arg0, %mul3A_315, %dma_start3A_316] : memref<2x10240x128xf32, #tpu.memory_space<hbm>> -> memref<1x640x128xf32, #tpu.memory_space<hbm>>
      %dma_start3A_318 = tpu.memref_squeeze %dma_start3A_317 : memref<1x640x128xf32, #tpu.memory_space<hbm>> -> memref<640x128xf32, #tpu.memory_space<hbm>>
      %dma_start3A_319 = arith.constant 0 : i32
      %dma_start3A_320 = tpu.memref_slice %arg19[%mul3A_313, %dma_start3A_319] : memref<10240x128xf32, #tpu.memory_space<vmem_shared>> -> memref<640x128xf32, #tpu.memory_space<vmem_shared>>
      tpu.enqueue_dma source(%dma_start3A_320 : memref<640x128xf32, #tpu.memory_space<vmem_shared>>) target(%dma_start3A_318 : memref<640x128xf32, #tpu.memory_space<hbm>>) target_semaphore(%run_scoped3A : memref<!tpu.dma_semaphore, #tpu.memory_space<semaphore_mem>>)
      %dma_wait3A_321 = arith.constant 0 : i32
      %dma_wait3A_322 = tpu.memref_slice %arg5[%arg0, %mul3A_315, %dma_wait3A_321] : memref<2x10240x128xf32, #tpu.memory_space<hbm>> -> memref<1x640x128xf32, #tpu.memory_space<hbm>>
      %dma_wait3A_323 = tpu.memref_squeeze %dma_wait3A_322 : memref<1x640x128xf32, #tpu.memory_space<hbm>> -> memref<640x128xf32, #tpu.memory_space<hbm>>
      %dma_wait3A_324 = arith.constant 0 : i32
      %dma_wait3A_325 = tpu.memref_slice %arg19[%mul3A_313, %dma_wait3A_324] : memref<10240x128xf32, #tpu.memory_space<vmem_shared>> -> memref<640x128xf32, #tpu.memory_space<vmem_shared>>
      tpu.wait_dma2 semaphore(%run_scoped3A : memref<!tpu.dma_semaphore, #tpu.memory_space<semaphore_mem>>) src(%dma_wait3A_325 : memref<640x128xf32, #tpu.memory_space<vmem_shared>>) dst(%dma_wait3A_323 : memref<640x128xf32, #tpu.memory_space<hbm>>)
      tpu.yield
    }) : () -> ()
    return
  }
}

#map = affine_map<(d0, d1) -> (0, 0)>
#map1 = affine_map<(d0, d1) -> (0)>
#map2 = affine_map<(d0, d1) -> (0, 0, 0)>
module attributes {stable_mosaic.version = 14 : i64} {
  func.func @k(%arg0: i32, %arg1: i32, %arg2: memref<10240x128xf32, #tpu.memory_space<hbm>>, %arg3: memref<327680xi32, #tpu.memory_space<hbm>>, %arg4: memref<327680xi32, #tpu.memory_space<hbm>>, %arg5: memref<2x10240x128xf32, #tpu.memory_space<hbm>>, %arg6: memref<64xi32, #tpu.memory_space<vmem>>, %arg7: memref<64xi32, #tpu.memory_space<vmem>>, %arg8: memref<64xi32, #tpu.memory_space<vmem>>, %arg9: memref<64xi32, #tpu.memory_space<vmem>>, %arg10: memref<64xi32, #tpu.memory_space<vmem>>, %arg11: memref<64xi32, #tpu.memory_space<vmem>>, %arg12: memref<64xi32, #tpu.memory_space<vmem>>, %arg13: memref<64xi32, #tpu.memory_space<vmem>>, %arg14: memref<64x128xf32, #tpu.memory_space<vmem>>, %arg15: memref<64x128xf32, #tpu.memory_space<vmem>>, %arg16: memref<64x128xf32, #tpu.memory_space<vmem>>, %arg17: memref<64x128xf32, #tpu.memory_space<vmem>>, %arg18: memref<64x128xf32, #tpu.memory_space<vmem>>, %arg19: memref<10240x128xf32, #tpu.memory_space<vmem_shared>>, %arg20: memref<4x!tpu.dma_semaphore, #tpu.memory_space<semaphore_mem>>, %arg21: memref<4x!tpu.dma_semaphore, #tpu.memory_space<semaphore_mem>>, %arg22: memref<4x!tpu.dma_semaphore, #tpu.memory_space<semaphore_mem>>, %arg23: memref<4x!tpu.dma_semaphore, #tpu.memory_space<semaphore_mem>>) attributes {dimension_semantics = [#tpu.dimension_semantics<core_parallel>, #tpu.dimension_semantics<subcore_parallel>], iteration_bounds = array<i64: 2, 16>, scalar_prefetch = 0 : i64, scratch_operands = 18 : i64, tpu.core_type = #tpu.core_type<sc_vector_subcore>, window_params = [{transform_indices = #map}, {transform_indices = #map1}, {transform_indices = #map1}, {transform_indices = #map2}]} {
    %eq3A = arith.constant 0 : i32
    %eq3A_0 = arith.cmpi eq, %arg0, %eq3A : i32
    %jit3A = arith.constant 248 : i32
    %jit3A_1 = arith.constant 72 : i32
    %select_n3A = arith.select %eq3A_0, %jit3A, %jit3A_1 : i32
    %jit3A_2 = arith.constant 4 : i32
    %div3A = arith.divsi %select_n3A, %jit3A_2 : i32
    %sign3A = arith.constant 0 : i32
    %sign3A_3 = arith.cmpi sgt, %select_n3A, %sign3A : i32
    %sign3A_4 = arith.extui %sign3A_3 : i1 to i32
    %sign3A_5 = arith.constant 0 : i32
    %sign3A_6 = arith.cmpi slt, %select_n3A, %sign3A_5 : i32
    %sign3A_7 = arith.extui %sign3A_6 : i1 to i32
    %sign3A_8 = arith.subi %sign3A_4, %sign3A_7 : i32
    %sign3A_9 = arith.constant 0 : i32
    %sign3A_10 = arith.cmpi sgt, %jit3A_2, %sign3A_9 : i32
    %sign3A_11 = arith.extui %sign3A_10 : i1 to i32
    %sign3A_12 = arith.constant 0 : i32
    %sign3A_13 = arith.cmpi slt, %jit3A_2, %sign3A_12 : i32
    %sign3A_14 = arith.extui %sign3A_13 : i1 to i32
    %sign3A_15 = arith.subi %sign3A_11, %sign3A_14 : i32
    %ne3A = arith.cmpi ne, %sign3A_8, %sign3A_15 : i32
    %rem3A = arith.remsi %select_n3A, %jit3A_2 : i32
    %ne3A_16 = arith.constant 0 : i32
    %ne3A_17 = arith.cmpi ne, %rem3A, %ne3A_16 : i32
    %and3A = arith.andi %ne3A, %ne3A_17 : i1
    %sub3A = arith.constant 1 : i32
    %sub3A_18 = arith.subi %div3A, %sub3A : i32
    %select_n3A_19 = arith.select %and3A, %sub3A_18, %div3A : i32
    %eq3A_20 = arith.constant 0 : i32
    %eq3A_21 = arith.cmpi eq, %arg0, %eq3A_20 : i32
    %mul3A = arith.constant 248 : i32
    %mul3A_22 = arith.muli %arg1, %mul3A : i32
    %mul3A_23 = arith.constant 72 : i32
    %mul3A_24 = arith.muli %arg1, %mul3A_23 : i32
    %add3A = arith.constant 3968 : i32
    %add3A_25 = arith.addi %add3A, %mul3A_24 : i32
    %select_n3A_26 = arith.select %eq3A_21, %mul3A_22, %add3A_25 : i32
    %scan3A = arith.constant 0 : i32
    %scan3A_27 = arith.constant 0 : i32
    %scan3A_28 = arith.constant 512 : i32
    %scan3A_29 = arith.addi %scan3A_27, %scan3A_28 : i32
    %scan3A_30 = arith.constant 1 : i32
    %scan3A_31 = scf.for %scan3A_316 = %scan3A_27 to %scan3A_29 step %scan3A_30 iter_args(%scan3A_317 = %scan3A) -> (i32)  : i32 {
      %jit3A_318 = arith.constant 8 : i32
      %div3A_319 = arith.divsi %scan3A_316, %jit3A_318 : i32
      %sign3A_320 = arith.constant 0 : i32
      %sign3A_321 = arith.cmpi sgt, %scan3A_316, %sign3A_320 : i32
      %sign3A_322 = arith.extui %sign3A_321 : i1 to i32
      %sign3A_323 = arith.constant 0 : i32
      %sign3A_324 = arith.cmpi slt, %scan3A_316, %sign3A_323 : i32
      %sign3A_325 = arith.extui %sign3A_324 : i1 to i32
      %sign3A_326 = arith.subi %sign3A_322, %sign3A_325 : i32
      %sign3A_327 = arith.constant 0 : i32
      %sign3A_328 = arith.cmpi sgt, %jit3A_318, %sign3A_327 : i32
      %sign3A_329 = arith.extui %sign3A_328 : i1 to i32
      %sign3A_330 = arith.constant 0 : i32
      %sign3A_331 = arith.cmpi slt, %jit3A_318, %sign3A_330 : i32
      %sign3A_332 = arith.extui %sign3A_331 : i1 to i32
      %sign3A_333 = arith.subi %sign3A_329, %sign3A_332 : i32
      %ne3A_334 = arith.cmpi ne, %sign3A_326, %sign3A_333 : i32
      %rem3A_335 = arith.remsi %scan3A_316, %jit3A_318 : i32
      %ne3A_336 = arith.constant 0 : i32
      %ne3A_337 = arith.cmpi ne, %rem3A_335, %ne3A_336 : i32
      %and3A_338 = arith.andi %ne3A_334, %ne3A_337 : i1
      %sub3A_339 = arith.constant 1 : i32
      %sub3A_340 = arith.subi %div3A_319, %sub3A_339 : i32
      %select_n3A_341 = arith.select %and3A_338, %sub3A_340, %div3A_319 : i32
      %jit3A_342 = arith.constant 8 : i32
      %eq3A_343 = arith.constant 0 : i32
      %eq3A_344 = arith.cmpi eq, %jit3A_342, %eq3A_343 : i32
      %jit3A_345 = arith.constant 1 : i32
      %select_n3A_346 = arith.select %eq3A_344, %jit3A_345, %jit3A_342 : i32
      %rem3A_347 = arith.remsi %scan3A_316, %select_n3A_346 : i32
      %ne3A_348 = arith.constant 0 : i32
      %ne3A_349 = arith.cmpi ne, %rem3A_347, %ne3A_348 : i32
      %lt3A = arith.constant 0 : i32
      %lt3A_350 = arith.cmpi slt, %rem3A_347, %lt3A : i32
      %lt3A_351 = arith.constant 0 : i32
      %lt3A_352 = arith.cmpi slt, %select_n3A_346, %lt3A_351 : i32
      %ne3A_353 = arith.xori %lt3A_350, %lt3A_352 : i1
      %and3A_354 = arith.andi %ne3A_353, %ne3A_349 : i1
      %add3A_355 = arith.addi %rem3A_347, %select_n3A_346 : i32
      %select_n3A_356 = arith.select %and3A_354, %add3A_355, %rem3A_347 : i32
      %broadcast_in_dim3A = arith.constant 0.000000e+00 : f32
      %broadcast_in_dim3A_357 = vector.broadcast %broadcast_in_dim3A : f32 to vector<16xf32>
      %mul3A_358 = arith.constant 16 : i32
      %mul3A_359 = arith.muli %select_n3A_356, %mul3A_358 : i32
      %swap3A = arith.index_cast %select_n3A_341 : i32 to index
      %swap3A_360 = arith.index_cast %mul3A_359 : i32 to index
      %swap3A_361 = tpu.vector_load %arg18[%swap3A, %swap3A_360] {strides = array<i32>} : memref<64x128xf32, #tpu.memory_space<vmem>>, vector<1x16xf32>,
      %swap3A_362 = vector.shape_cast %swap3A_361 : vector<1x16xf32> to vector<16xf32>
      %swap3A_363 = vector.shape_cast %broadcast_in_dim3A_357 : vector<16xf32> to vector<1x16xf32>
      tpu.vector_store %arg18[%swap3A, %swap3A_360], %swap3A_363 {strides = array<i32>} : memref<64x128xf32, #tpu.memory_space<vmem>>, vector<1x16xf32>,
      %scan3A_364 = arith.constant 0 : i32
      scf.yield %scan3A_364 : i32
    }
    %scan3A_32 = arith.constant 512 : i32
    %scan3A_33 = arith.constant 0 : i32
    %scan3A_34 = arith.constant 0 : i32
    %scan3A_35 = arith.constant 10 : i32
    %scan3A_36 = arith.addi %scan3A_34, %scan3A_35 : i32
    %scan3A_37 = arith.constant 1 : i32
    %scan3A_38 = scf.for %scan3A_316 = %scan3A_34 to %scan3A_36 step %scan3A_37 iter_args(%scan3A_317 = %scan3A_33) -> (i32)  : i32 {
      %mul3A_318 = arith.constant 640 : i32
      %mul3A_319 = arith.muli %arg1, %mul3A_318 : i32
      %mul3A_320 = arith.constant 64 : i32
      %mul3A_321 = arith.muli %scan3A_316, %mul3A_320 : i32
      %add3A_322 = arith.addi %mul3A_319, %mul3A_321 : i32
      "tpu.region"() ({
        %run_scoped3A = tpu.sem_alloc : memref<!tpu.dma_semaphore, #tpu.memory_space<semaphore_mem>>
        %dma_start3A_324 = arith.constant 0 : i32
        %dma_start3A_325 = tpu.memref_slice %arg19[%add3A_322, %dma_start3A_324] : memref<10240x128xf32, #tpu.memory_space<vmem_shared>> -> memref<64x128xf32, #tpu.memory_space<vmem_shared>>
        %dma_start3A_326 = arith.constant 0 : i32
        %dma_start3A_327 = tpu.memref_slice %arg19[%add3A_322, %dma_start3A_326] : memref<10240x128xf32, #tpu.memory_space<vmem_shared>> -> memref<64x128xf32, #tpu.memory_space<vmem_shared>>
        tpu.enqueue_dma source(%arg18 : memref<64x128xf32, #tpu.memory_space<vmem>>) target(%dma_start3A_327 : memref<64x128xf32, #tpu.memory_space<vmem_shared>>) target_semaphore(%run_scoped3A : memref<!tpu.dma_semaphore, #tpu.memory_space<semaphore_mem>>)
        %dma_wait3A_328 = arith.constant 0 : i32
        %dma_wait3A_329 = tpu.memref_slice %arg19[%add3A_322, %dma_wait3A_328] : memref<10240x128xf32, #tpu.memory_space<vmem_shared>> -> memref<64x128xf32, #tpu.memory_space<vmem_shared>>
        %dma_wait3A_330 = arith.constant 0 : i32
        %dma_wait3A_331 = tpu.memref_slice %arg19[%add3A_322, %dma_wait3A_330] : memref<10240x128xf32, #tpu.memory_space<vmem_shared>> -> memref<64x128xf32, #tpu.memory_space<vmem_shared>>
        tpu.wait_dma2 semaphore(%run_scoped3A : memref<!tpu.dma_semaphore, #tpu.memory_space<semaphore_mem>>) src(%arg18 : memref<64x128xf32, #tpu.memory_space<vmem>>) dst(%dma_wait3A_331 : memref<64x128xf32, #tpu.memory_space<vmem_shared>>)
        tpu.yield
      }) : () -> ()
      %scan3A_323 = arith.constant 0 : i32
      scf.yield %scan3A_323 : i32
    }
    %scan3A_39 = arith.constant 10 : i32
    %barrier3A = arith.constant 0 : index
    tpu.barrier barrier_id(%barrier3A)
    %add3A_40 = arith.constant 0 : i32
    %add3A_41 = arith.addi %select_n3A_26, %add3A_40 : i32
    %mul3A_42 = arith.constant 64 : i32
    %mul3A_43 = arith.muli %add3A_41, %mul3A_42 : i32
    %dma_start3A = arith.constant 0 : i32
    %dma_start3A_44 = tpu.memref_slice %arg3[%mul3A_43] : memref<327680xi32, #tpu.memory_space<hbm>> -> memref<64xi32, #tpu.memory_space<hbm>>
    %dma_start3A_45 = tpu.memref_slice %arg20[%dma_start3A] : memref<4x!tpu.dma_semaphore, #tpu.memory_space<semaphore_mem>> -> memref<1x!tpu.dma_semaphore, #tpu.memory_space<semaphore_mem>>
    %dma_start3A_46 = tpu.memref_squeeze %dma_start3A_45 : memref<1x!tpu.dma_semaphore, #tpu.memory_space<semaphore_mem>> -> memref<!tpu.dma_semaphore, #tpu.memory_space<semaphore_mem>>
    %dma_start3A_47 = tpu.memref_slice %arg3[%mul3A_43] : memref<327680xi32, #tpu.memory_space<hbm>> -> memref<64xi32, #tpu.memory_space<hbm>>
    tpu.enqueue_dma source(%dma_start3A_47 : memref<64xi32, #tpu.memory_space<hbm>>) target(%arg6 : memref<64xi32, #tpu.memory_space<vmem>>) target_semaphore(%dma_start3A_46 : memref<!tpu.dma_semaphore, #tpu.memory_space<semaphore_mem>>)
    %add3A_48 = arith.constant 0 : i32
    %add3A_49 = arith.addi %select_n3A_26, %add3A_48 : i32
    %mul3A_50 = arith.constant 64 : i32
    %mul3A_51 = arith.muli %add3A_49, %mul3A_50 : i32
    %dma_start3A_52 = arith.constant 0 : i32
    %dma_start3A_53 = tpu.memref_slice %arg4[%mul3A_51] : memref<327680xi32, #tpu.memory_space<hbm>> -> memref<64xi32, #tpu.memory_space<hbm>>
    %dma_start3A_54 = tpu.memref_slice %arg21[%dma_start3A_52] : memref<4x!tpu.dma_semaphore, #tpu.memory_space<semaphore_mem>> -> memref<1x!tpu.dma_semaphore, #tpu.memory_space<semaphore_mem>>
    %dma_start3A_55 = tpu.memref_squeeze %dma_start3A_54 : memref<1x!tpu.dma_semaphore, #tpu.memory_space<semaphore_mem>> -> memref<!tpu.dma_semaphore, #tpu.memory_space<semaphore_mem>>
    %dma_start3A_56 = tpu.memref_slice %arg4[%mul3A_51] : memref<327680xi32, #tpu.memory_space<hbm>> -> memref<64xi32, #tpu.memory_space<hbm>>
    tpu.enqueue_dma source(%dma_start3A_56 : memref<64xi32, #tpu.memory_space<hbm>>) target(%arg10 : memref<64xi32, #tpu.memory_space<vmem>>) target_semaphore(%dma_start3A_55 : memref<!tpu.dma_semaphore, #tpu.memory_space<semaphore_mem>>)
    %add3A_57 = arith.constant 1 : i32
    %add3A_58 = arith.addi %select_n3A_26, %add3A_57 : i32
    %mul3A_59 = arith.constant 64 : i32
    %mul3A_60 = arith.muli %add3A_58, %mul3A_59 : i32
    %dma_start3A_61 = arith.constant 1 : i32
    %dma_start3A_62 = tpu.memref_slice %arg3[%mul3A_60] : memref<327680xi32, #tpu.memory_space<hbm>> -> memref<64xi32, #tpu.memory_space<hbm>>
    %dma_start3A_63 = tpu.memref_slice %arg20[%dma_start3A_61] : memref<4x!tpu.dma_semaphore, #tpu.memory_space<semaphore_mem>> -> memref<1x!tpu.dma_semaphore, #tpu.memory_space<semaphore_mem>>
    %dma_start3A_64 = tpu.memref_squeeze %dma_start3A_63 : memref<1x!tpu.dma_semaphore, #tpu.memory_space<semaphore_mem>> -> memref<!tpu.dma_semaphore, #tpu.memory_space<semaphore_mem>>
    %dma_start3A_65 = tpu.memref_slice %arg3[%mul3A_60] : memref<327680xi32, #tpu.memory_space<hbm>> -> memref<64xi32, #tpu.memory_space<hbm>>
    tpu.enqueue_dma source(%dma_start3A_65 : memref<64xi32, #tpu.memory_space<hbm>>) target(%arg7 : memref<64xi32, #tpu.memory_space<vmem>>) target_semaphore(%dma_start3A_64 : memref<!tpu.dma_semaphore, #tpu.memory_space<semaphore_mem>>)
    %add3A_66 = arith.constant 1 : i32
    %add3A_67 = arith.addi %select_n3A_26, %add3A_66 : i32
    %mul3A_68 = arith.constant 64 : i32
    %mul3A_69 = arith.muli %add3A_67, %mul3A_68 : i32
    %dma_start3A_70 = arith.constant 1 : i32
    %dma_start3A_71 = tpu.memref_slice %arg4[%mul3A_69] : memref<327680xi32, #tpu.memory_space<hbm>> -> memref<64xi32, #tpu.memory_space<hbm>>
    %dma_start3A_72 = tpu.memref_slice %arg21[%dma_start3A_70] : memref<4x!tpu.dma_semaphore, #tpu.memory_space<semaphore_mem>> -> memref<1x!tpu.dma_semaphore, #tpu.memory_space<semaphore_mem>>
    %dma_start3A_73 = tpu.memref_squeeze %dma_start3A_72 : memref<1x!tpu.dma_semaphore, #tpu.memory_space<semaphore_mem>> -> memref<!tpu.dma_semaphore, #tpu.memory_space<semaphore_mem>>
    %dma_start3A_74 = tpu.memref_slice %arg4[%mul3A_69] : memref<327680xi32, #tpu.memory_space<hbm>> -> memref<64xi32, #tpu.memory_space<hbm>>
    tpu.enqueue_dma source(%dma_start3A_74 : memref<64xi32, #tpu.memory_space<hbm>>) target(%arg11 : memref<64xi32, #tpu.memory_space<vmem>>) target_semaphore(%dma_start3A_73 : memref<!tpu.dma_semaphore, #tpu.memory_space<semaphore_mem>>)
    %add3A_75 = arith.constant 2 : i32
    %add3A_76 = arith.addi %select_n3A_26, %add3A_75 : i32
    %mul3A_77 = arith.constant 64 : i32
    %mul3A_78 = arith.muli %add3A_76, %mul3A_77 : i32
    %dma_start3A_79 = arith.constant 2 : i32
    %dma_start3A_80 = tpu.memref_slice %arg3[%mul3A_78] : memref<327680xi32, #tpu.memory_space<hbm>> -> memref<64xi32, #tpu.memory_space<hbm>>
    %dma_start3A_81 = tpu.memref_slice %arg20[%dma_start3A_79] : memref<4x!tpu.dma_semaphore, #tpu.memory_space<semaphore_mem>> -> memref<1x!tpu.dma_semaphore, #tpu.memory_space<semaphore_mem>>
    %dma_start3A_82 = tpu.memref_squeeze %dma_start3A_81 : memref<1x!tpu.dma_semaphore, #tpu.memory_space<semaphore_mem>> -> memref<!tpu.dma_semaphore, #tpu.memory_space<semaphore_mem>>
    %dma_start3A_83 = tpu.memref_slice %arg3[%mul3A_78] : memref<327680xi32, #tpu.memory_space<hbm>> -> memref<64xi32, #tpu.memory_space<hbm>>
    tpu.enqueue_dma source(%dma_start3A_83 : memref<64xi32, #tpu.memory_space<hbm>>) target(%arg8 : memref<64xi32, #tpu.memory_space<vmem>>) target_semaphore(%dma_start3A_82 : memref<!tpu.dma_semaphore, #tpu.memory_space<semaphore_mem>>)
    %add3A_84 = arith.constant 2 : i32
    %add3A_85 = arith.addi %select_n3A_26, %add3A_84 : i32
    %mul3A_86 = arith.constant 64 : i32
    %mul3A_87 = arith.muli %add3A_85, %mul3A_86 : i32
    %dma_start3A_88 = arith.constant 2 : i32
    %dma_start3A_89 = tpu.memref_slice %arg4[%mul3A_87] : memref<327680xi32, #tpu.memory_space<hbm>> -> memref<64xi32, #tpu.memory_space<hbm>>
    %dma_start3A_90 = tpu.memref_slice %arg21[%dma_start3A_88] : memref<4x!tpu.dma_semaphore, #tpu.memory_space<semaphore_mem>> -> memref<1x!tpu.dma_semaphore, #tpu.memory_space<semaphore_mem>>
    %dma_start3A_91 = tpu.memref_squeeze %dma_start3A_90 : memref<1x!tpu.dma_semaphore, #tpu.memory_space<semaphore_mem>> -> memref<!tpu.dma_semaphore, #tpu.memory_space<semaphore_mem>>
    %dma_start3A_92 = tpu.memref_slice %arg4[%mul3A_87] : memref<327680xi32, #tpu.memory_space<hbm>> -> memref<64xi32, #tpu.memory_space<hbm>>
    tpu.enqueue_dma source(%dma_start3A_92 : memref<64xi32, #tpu.memory_space<hbm>>) target(%arg12 : memref<64xi32, #tpu.memory_space<vmem>>) target_semaphore(%dma_start3A_91 : memref<!tpu.dma_semaphore, #tpu.memory_space<semaphore_mem>>)
    %add3A_93 = arith.constant 3 : i32
    %add3A_94 = arith.addi %select_n3A_26, %add3A_93 : i32
    %mul3A_95 = arith.constant 64 : i32
    %mul3A_96 = arith.muli %add3A_94, %mul3A_95 : i32
    %dma_start3A_97 = arith.constant 3 : i32
    %dma_start3A_98 = tpu.memref_slice %arg3[%mul3A_96] : memref<327680xi32, #tpu.memory_space<hbm>> -> memref<64xi32, #tpu.memory_space<hbm>>
    %dma_start3A_99 = tpu.memref_slice %arg20[%dma_start3A_97] : memref<4x!tpu.dma_semaphore, #tpu.memory_space<semaphore_mem>> -> memref<1x!tpu.dma_semaphore, #tpu.memory_space<semaphore_mem>>
    %dma_start3A_100 = tpu.memref_squeeze %dma_start3A_99 : memref<1x!tpu.dma_semaphore, #tpu.memory_space<semaphore_mem>> -> memref<!tpu.dma_semaphore, #tpu.memory_space<semaphore_mem>>
    %dma_start3A_101 = tpu.memref_slice %arg3[%mul3A_96] : memref<327680xi32, #tpu.memory_space<hbm>> -> memref<64xi32, #tpu.memory_space<hbm>>
    tpu.enqueue_dma source(%dma_start3A_101 : memref<64xi32, #tpu.memory_space<hbm>>) target(%arg9 : memref<64xi32, #tpu.memory_space<vmem>>) target_semaphore(%dma_start3A_100 : memref<!tpu.dma_semaphore, #tpu.memory_space<semaphore_mem>>)
    %add3A_102 = arith.constant 3 : i32
    %add3A_103 = arith.addi %select_n3A_26, %add3A_102 : i32
    %mul3A_104 = arith.constant 64 : i32
    %mul3A_105 = arith.muli %add3A_103, %mul3A_104 : i32
    %dma_start3A_106 = arith.constant 3 : i32
    %dma_start3A_107 = tpu.memref_slice %arg4[%mul3A_105] : memref<327680xi32, #tpu.memory_space<hbm>> -> memref<64xi32, #tpu.memory_space<hbm>>
    %dma_start3A_108 = tpu.memref_slice %arg21[%dma_start3A_106] : memref<4x!tpu.dma_semaphore, #tpu.memory_space<semaphore_mem>> -> memref<1x!tpu.dma_semaphore, #tpu.memory_space<semaphore_mem>>
    %dma_start3A_109 = tpu.memref_squeeze %dma_start3A_108 : memref<1x!tpu.dma_semaphore, #tpu.memory_space<semaphore_mem>> -> memref<!tpu.dma_semaphore, #tpu.memory_space<semaphore_mem>>
    %dma_start3A_110 = tpu.memref_slice %arg4[%mul3A_105] : memref<327680xi32, #tpu.memory_space<hbm>> -> memref<64xi32, #tpu.memory_space<hbm>>
    tpu.enqueue_dma source(%dma_start3A_110 : memref<64xi32, #tpu.memory_space<hbm>>) target(%arg13 : memref<64xi32, #tpu.memory_space<vmem>>) target_semaphore(%dma_start3A_109 : memref<!tpu.dma_semaphore, #tpu.memory_space<semaphore_mem>>)
    %add3A_111 = arith.constant 0 : i32
    %add3A_112 = arith.addi %select_n3A_26, %add3A_111 : i32
    %mul3A_113 = arith.constant 64 : i32
    %mul3A_114 = arith.muli %add3A_112, %mul3A_113 : i32
    %dma_wait3A = arith.constant 0 : i32
    %dma_wait3A_115 = tpu.memref_slice %arg3[%mul3A_114] : memref<327680xi32, #tpu.memory_space<hbm>> -> memref<64xi32, #tpu.memory_space<hbm>>
    %dma_wait3A_116 = tpu.memref_slice %arg20[%dma_wait3A] : memref<4x!tpu.dma_semaphore, #tpu.memory_space<semaphore_mem>> -> memref<1x!tpu.dma_semaphore, #tpu.memory_space<semaphore_mem>>
    %dma_wait3A_117 = tpu.memref_squeeze %dma_wait3A_116 : memref<1x!tpu.dma_semaphore, #tpu.memory_space<semaphore_mem>> -> memref<!tpu.dma_semaphore, #tpu.memory_space<semaphore_mem>>
    %dma_wait3A_118 = tpu.memref_slice %arg3[%mul3A_114] : memref<327680xi32, #tpu.memory_space<hbm>> -> memref<64xi32, #tpu.memory_space<hbm>>
    tpu.wait_dma2 semaphore(%dma_wait3A_117 : memref<!tpu.dma_semaphore, #tpu.memory_space<semaphore_mem>>) src(%dma_wait3A_118 : memref<64xi32, #tpu.memory_space<hbm>>) dst(%arg6 : memref<64xi32, #tpu.memory_space<vmem>>)
    %dma_start3A_119 = arith.constant 0 : i32
    %dma_start3A_120 = arith.constant 0 : i32
    %dma_start3A_121 = arith.constant 0 : i32
    %dma_start3A_122 = tpu.memref_slice %arg2[%dma_start3A_120, %dma_start3A_121] : memref<10240x128xf32, #tpu.memory_space<hbm>> -> memref<10240x128xf32, #tpu.memory_space<hbm>>
    %dma_start3A_123 = tpu.memref_slice %arg22[%dma_start3A_119] : memref<4x!tpu.dma_semaphore, #tpu.memory_space<semaphore_mem>> -> memref<1x!tpu.dma_semaphore, #tpu.memory_space<semaphore_mem>>
    %dma_start3A_124 = tpu.memref_squeeze %dma_start3A_123 : memref<1x!tpu.dma_semaphore, #tpu.memory_space<semaphore_mem>> -> memref<!tpu.dma_semaphore, #tpu.memory_space<semaphore_mem>>
    tpu.enqueue_indirect_dma source(%dma_start3A_122 : memref<10240x128xf32, #tpu.memory_space<hbm>>) target(%arg14 : memref<64x128xf32, #tpu.memory_space<vmem>>) offsets(%arg6 : memref<64xi32, #tpu.memory_space<vmem>>) semaphore(%dma_start3A_124 : memref<!tpu.dma_semaphore, #tpu.memory_space<semaphore_mem>>)
    %add3A_125 = arith.constant 1 : i32
    %add3A_126 = arith.addi %select_n3A_26, %add3A_125 : i32
    %mul3A_127 = arith.constant 64 : i32
    %mul3A_128 = arith.muli %add3A_126, %mul3A_127 : i32
    %dma_wait3A_129 = arith.constant 1 : i32
    %dma_wait3A_130 = tpu.memref_slice %arg3[%mul3A_128] : memref<327680xi32, #tpu.memory_space<hbm>> -> memref<64xi32, #tpu.memory_space<hbm>>
    %dma_wait3A_131 = tpu.memref_slice %arg20[%dma_wait3A_129] : memref<4x!tpu.dma_semaphore, #tpu.memory_space<semaphore_mem>> -> memref<1x!tpu.dma_semaphore, #tpu.memory_space<semaphore_mem>>
    %dma_wait3A_132 = tpu.memref_squeeze %dma_wait3A_131 : memref<1x!tpu.dma_semaphore, #tpu.memory_space<semaphore_mem>> -> memref<!tpu.dma_semaphore, #tpu.memory_space<semaphore_mem>>
    %dma_wait3A_133 = tpu.memref_slice %arg3[%mul3A_128] : memref<327680xi32, #tpu.memory_space<hbm>> -> memref<64xi32, #tpu.memory_space<hbm>>
    tpu.wait_dma2 semaphore(%dma_wait3A_132 : memref<!tpu.dma_semaphore, #tpu.memory_space<semaphore_mem>>) src(%dma_wait3A_133 : memref<64xi32, #tpu.memory_space<hbm>>) dst(%arg7 : memref<64xi32, #tpu.memory_space<vmem>>)
    %dma_start3A_134 = arith.constant 1 : i32
    %dma_start3A_135 = arith.constant 0 : i32
    %dma_start3A_136 = arith.constant 0 : i32
    %dma_start3A_137 = tpu.memref_slice %arg2[%dma_start3A_135, %dma_start3A_136] : memref<10240x128xf32, #tpu.memory_space<hbm>> -> memref<10240x128xf32, #tpu.memory_space<hbm>>
    %dma_start3A_138 = tpu.memref_slice %arg22[%dma_start3A_134] : memref<4x!tpu.dma_semaphore, #tpu.memory_space<semaphore_mem>> -> memref<1x!tpu.dma_semaphore, #tpu.memory_space<semaphore_mem>>
    %dma_start3A_139 = tpu.memref_squeeze %dma_start3A_138 : memref<1x!tpu.dma_semaphore, #tpu.memory_space<semaphore_mem>> -> memref<!tpu.dma_semaphore, #tpu.memory_space<semaphore_mem>>
    tpu.enqueue_indirect_dma source(%dma_start3A_137 : memref<10240x128xf32, #tpu.memory_space<hbm>>) target(%arg15 : memref<64x128xf32, #tpu.memory_space<vmem>>) offsets(%arg7 : memref<64xi32, #tpu.memory_space<vmem>>) semaphore(%dma_start3A_139 : memref<!tpu.dma_semaphore, #tpu.memory_space<semaphore_mem>>)
    %add3A_140 = arith.constant 2 : i32
    %add3A_141 = arith.addi %select_n3A_26, %add3A_140 : i32
    %mul3A_142 = arith.constant 64 : i32
    %mul3A_143 = arith.muli %add3A_141, %mul3A_142 : i32
    %dma_wait3A_144 = arith.constant 2 : i32
    %dma_wait3A_145 = tpu.memref_slice %arg3[%mul3A_143] : memref<327680xi32, #tpu.memory_space<hbm>> -> memref<64xi32, #tpu.memory_space<hbm>>
    %dma_wait3A_146 = tpu.memref_slice %arg20[%dma_wait3A_144] : memref<4x!tpu.dma_semaphore, #tpu.memory_space<semaphore_mem>> -> memref<1x!tpu.dma_semaphore, #tpu.memory_space<semaphore_mem>>
    %dma_wait3A_147 = tpu.memref_squeeze %dma_wait3A_146 : memref<1x!tpu.dma_semaphore, #tpu.memory_space<semaphore_mem>> -> memref<!tpu.dma_semaphore, #tpu.memory_space<semaphore_mem>>
    %dma_wait3A_148 = tpu.memref_slice %arg3[%mul3A_143] : memref<327680xi32, #tpu.memory_space<hbm>> -> memref<64xi32, #tpu.memory_space<hbm>>
    tpu.wait_dma2 semaphore(%dma_wait3A_147 : memref<!tpu.dma_semaphore, #tpu.memory_space<semaphore_mem>>) src(%dma_wait3A_148 : memref<64xi32, #tpu.memory_space<hbm>>) dst(%arg8 : memref<64xi32, #tpu.memory_space<vmem>>)
    %dma_start3A_149 = arith.constant 2 : i32
    %dma_start3A_150 = arith.constant 0 : i32
    %dma_start3A_151 = arith.constant 0 : i32
    %dma_start3A_152 = tpu.memref_slice %arg2[%dma_start3A_150, %dma_start3A_151] : memref<10240x128xf32, #tpu.memory_space<hbm>> -> memref<10240x128xf32, #tpu.memory_space<hbm>>
    %dma_start3A_153 = tpu.memref_slice %arg22[%dma_start3A_149] : memref<4x!tpu.dma_semaphore, #tpu.memory_space<semaphore_mem>> -> memref<1x!tpu.dma_semaphore, #tpu.memory_space<semaphore_mem>>
    %dma_start3A_154 = tpu.memref_squeeze %dma_start3A_153 : memref<1x!tpu.dma_semaphore, #tpu.memory_space<semaphore_mem>> -> memref<!tpu.dma_semaphore, #tpu.memory_space<semaphore_mem>>
    tpu.enqueue_indirect_dma source(%dma_start3A_152 : memref<10240x128xf32, #tpu.memory_space<hbm>>) target(%arg16 : memref<64x128xf32, #tpu.memory_space<vmem>>) offsets(%arg8 : memref<64xi32, #tpu.memory_space<vmem>>) semaphore(%dma_start3A_154 : memref<!tpu.dma_semaphore, #tpu.memory_space<semaphore_mem>>)
    %add3A_155 = arith.constant 3 : i32
    %add3A_156 = arith.addi %select_n3A_26, %add3A_155 : i32
    %mul3A_157 = arith.constant 64 : i32
    %mul3A_158 = arith.muli %add3A_156, %mul3A_157 : i32
    %dma_wait3A_159 = arith.constant 3 : i32
    %dma_wait3A_160 = tpu.memref_slice %arg3[%mul3A_158] : memref<327680xi32, #tpu.memory_space<hbm>> -> memref<64xi32, #tpu.memory_space<hbm>>
    %dma_wait3A_161 = tpu.memref_slice %arg20[%dma_wait3A_159] : memref<4x!tpu.dma_semaphore, #tpu.memory_space<semaphore_mem>> -> memref<1x!tpu.dma_semaphore, #tpu.memory_space<semaphore_mem>>
    %dma_wait3A_162 = tpu.memref_squeeze %dma_wait3A_161 : memref<1x!tpu.dma_semaphore, #tpu.memory_space<semaphore_mem>> -> memref<!tpu.dma_semaphore, #tpu.memory_space<semaphore_mem>>
    %dma_wait3A_163 = tpu.memref_slice %arg3[%mul3A_158] : memref<327680xi32, #tpu.memory_space<hbm>> -> memref<64xi32, #tpu.memory_space<hbm>>
    tpu.wait_dma2 semaphore(%dma_wait3A_162 : memref<!tpu.dma_semaphore, #tpu.memory_space<semaphore_mem>>) src(%dma_wait3A_163 : memref<64xi32, #tpu.memory_space<hbm>>) dst(%arg9 : memref<64xi32, #tpu.memory_space<vmem>>)
    %dma_start3A_164 = arith.constant 3 : i32
    %dma_start3A_165 = arith.constant 0 : i32
    %dma_start3A_166 = arith.constant 0 : i32
    %dma_start3A_167 = tpu.memref_slice %arg2[%dma_start3A_165, %dma_start3A_166] : memref<10240x128xf32, #tpu.memory_space<hbm>> -> memref<10240x128xf32, #tpu.memory_space<hbm>>
    %dma_start3A_168 = tpu.memref_slice %arg22[%dma_start3A_164] : memref<4x!tpu.dma_semaphore, #tpu.memory_space<semaphore_mem>> -> memref<1x!tpu.dma_semaphore, #tpu.memory_space<semaphore_mem>>
    %dma_start3A_169 = tpu.memref_squeeze %dma_start3A_168 : memref<1x!tpu.dma_semaphore, #tpu.memory_space<semaphore_mem>> -> memref<!tpu.dma_semaphore, #tpu.memory_space<semaphore_mem>>
    tpu.enqueue_indirect_dma source(%dma_start3A_167 : memref<10240x128xf32, #tpu.memory_space<hbm>>) target(%arg17 : memref<64x128xf32, #tpu.memory_space<vmem>>) offsets(%arg9 : memref<64xi32, #tpu.memory_space<vmem>>) semaphore(%dma_start3A_169 : memref<!tpu.dma_semaphore, #tpu.memory_space<semaphore_mem>>)
    %sub3A_170 = arith.constant 1 : i32
    %sub3A_171 = arith.subi %select_n3A_19, %sub3A_170 : i32
    %while3A = arith.constant 0 : i32
    %while3A_172 = arith.constant 0 : i32
    %while3A_173 = arith.subi %sub3A_171, %while3A : i32
    %while3A_174 = arith.addi %while3A, %while3A_173 : i32
    %while3A_175 = arith.constant 1 : i32
    %while3A_176 = arith.divsi %while3A_173, %while3A_175 : i32
    %while3A_177 = arith.muli %while3A_176, %while3A_175 : i32
    %while3A_178 = arith.addi %while3A, %while3A_177 : i32
    %while3A_179 = arith.constant 1 : i32
    %while3A_180 = scf.for %while3A_316 = %while3A to %while3A_178 step %while3A_179 iter_args(%while3A_317 = %while3A_172) -> (i32)  : i32 {
      %dma_wait3A_318 = arith.constant 0 : i32
      %dma_wait3A_319 = arith.constant 0 : i32
      %dma_wait3A_320 = arith.constant 0 : i32
      %dma_wait3A_321 = tpu.memref_slice %arg2[%dma_wait3A_319, %dma_wait3A_320] : memref<10240x128xf32, #tpu.memory_space<hbm>> -> memref<10240x128xf32, #tpu.memory_space<hbm>>
      %dma_wait3A_322 = tpu.memref_slice %arg22[%dma_wait3A_318] : memref<4x!tpu.dma_semaphore, #tpu.memory_space<semaphore_mem>> -> memref<1x!tpu.dma_semaphore, #tpu.memory_space<semaphore_mem>>
      %dma_wait3A_323 = tpu.memref_squeeze %dma_wait3A_322 : memref<1x!tpu.dma_semaphore, #tpu.memory_space<semaphore_mem>> -> memref<!tpu.dma_semaphore, #tpu.memory_space<semaphore_mem>>
      tpu.wait_indirect_dma semaphore(%dma_wait3A_323 : memref<!tpu.dma_semaphore, #tpu.memory_space<semaphore_mem>>) src(%dma_wait3A_321 : memref<10240x128xf32, #tpu.memory_space<hbm>>) dst(%arg14 : memref<64x128xf32, #tpu.memory_space<vmem>>)
      %mul3A_324 = arith.constant 4 : i32
      %mul3A_325 = arith.muli %while3A_316, %mul3A_324 : i32
      %add3A_326 = arith.constant 0 : i32
      %add3A_327 = arith.addi %mul3A_325, %add3A_326 : i32
      %add3A_328 = arith.addi %select_n3A_26, %add3A_327 : i32
      %mul3A_329 = arith.constant 64 : i32
      %mul3A_330 = arith.muli %add3A_328, %mul3A_329 : i32
      %dma_wait3A_331 = arith.constant 0 : i32
      %dma_wait3A_332 = tpu.memref_slice %arg4[%mul3A_330] : memref<327680xi32, #tpu.memory_space<hbm>> -> memref<64xi32, #tpu.memory_space<hbm>>
      %dma_wait3A_333 = tpu.memref_slice %arg21[%dma_wait3A_331] : memref<4x!tpu.dma_semaphore, #tpu.memory_space<semaphore_mem>> -> memref<1x!tpu.dma_semaphore, #tpu.memory_space<semaphore_mem>>
      %dma_wait3A_334 = tpu.memref_squeeze %dma_wait3A_333 : memref<1x!tpu.dma_semaphore, #tpu.memory_space<semaphore_mem>> -> memref<!tpu.dma_semaphore, #tpu.memory_space<semaphore_mem>>
      %dma_wait3A_335 = tpu.memref_slice %arg4[%mul3A_330] : memref<327680xi32, #tpu.memory_space<hbm>> -> memref<64xi32, #tpu.memory_space<hbm>>
      tpu.wait_dma2 semaphore(%dma_wait3A_334 : memref<!tpu.dma_semaphore, #tpu.memory_space<semaphore_mem>>) src(%dma_wait3A_335 : memref<64xi32, #tpu.memory_space<hbm>>) dst(%arg10 : memref<64xi32, #tpu.memory_space<vmem>>)
      %dma_start3A_336 = arith.constant 0 : i32
      %dma_start3A_337 = arith.constant 0 : i32
      %dma_start3A_338 = arith.constant 0 : i32
      %dma_start3A_339 = tpu.memref_slice %arg19[%dma_start3A_337, %dma_start3A_338] : memref<10240x128xf32, #tpu.memory_space<vmem_shared>> -> memref<10240x128xf32, #tpu.memory_space<vmem_shared>>
      %dma_start3A_340 = tpu.memref_slice %arg23[%dma_start3A_336] : memref<4x!tpu.dma_semaphore, #tpu.memory_space<semaphore_mem>> -> memref<1x!tpu.dma_semaphore, #tpu.memory_space<semaphore_mem>>
      %dma_start3A_341 = tpu.memref_squeeze %dma_start3A_340 : memref<1x!tpu.dma_semaphore, #tpu.memory_space<semaphore_mem>> -> memref<!tpu.dma_semaphore, #tpu.memory_space<semaphore_mem>>
      tpu.enqueue_indirect_dma source(%arg14 : memref<64x128xf32, #tpu.memory_space<vmem>>) target(%dma_start3A_339 : memref<10240x128xf32, #tpu.memory_space<vmem_shared>>) offsets(%arg10 : memref<64xi32, #tpu.memory_space<vmem>>) semaphore(%dma_start3A_341 : memref<!tpu.dma_semaphore, #tpu.memory_space<semaphore_mem>>) {add = true}
      %dma_wait3A_342 = arith.constant 1 : i32
      %dma_wait3A_343 = arith.constant 0 : i32
      %dma_wait3A_344 = arith.constant 0 : i32
      %dma_wait3A_345 = tpu.memref_slice %arg2[%dma_wait3A_343, %dma_wait3A_344] : memref<10240x128xf32, #tpu.memory_space<hbm>> -> memref<10240x128xf32, #tpu.memory_space<hbm>>
      %dma_wait3A_346 = tpu.memref_slice %arg22[%dma_wait3A_342] : memref<4x!tpu.dma_semaphore, #tpu.memory_space<semaphore_mem>> -> memref<1x!tpu.dma_semaphore, #tpu.memory_space<semaphore_mem>>
      %dma_wait3A_347 = tpu.memref_squeeze %dma_wait3A_346 : memref<1x!tpu.dma_semaphore, #tpu.memory_space<semaphore_mem>> -> memref<!tpu.dma_semaphore, #tpu.memory_space<semaphore_mem>>
      tpu.wait_indirect_dma semaphore(%dma_wait3A_347 : memref<!tpu.dma_semaphore, #tpu.memory_space<semaphore_mem>>) src(%dma_wait3A_345 : memref<10240x128xf32, #tpu.memory_space<hbm>>) dst(%arg15 : memref<64x128xf32, #tpu.memory_space<vmem>>)
      %mul3A_348 = arith.constant 4 : i32
      %mul3A_349 = arith.muli %while3A_316, %mul3A_348 : i32
      %add3A_350 = arith.constant 1 : i32
      %add3A_351 = arith.addi %mul3A_349, %add3A_350 : i32
      %add3A_352 = arith.addi %select_n3A_26, %add3A_351 : i32
      %mul3A_353 = arith.constant 64 : i32
      %mul3A_354 = arith.muli %add3A_352, %mul3A_353 : i32
      %dma_wait3A_355 = arith.constant 1 : i32
      %dma_wait3A_356 = tpu.memref_slice %arg4[%mul3A_354] : memref<327680xi32, #tpu.memory_space<hbm>> -> memref<64xi32, #tpu.memory_space<hbm>>
      %dma_wait3A_357 = tpu.memref_slice %arg21[%dma_wait3A_355] : memref<4x!tpu.dma_semaphore, #tpu.memory_space<semaphore_mem>> -> memref<1x!tpu.dma_semaphore, #tpu.memory_space<semaphore_mem>>
      %dma_wait3A_358 = tpu.memref_squeeze %dma_wait3A_357 : memref<1x!tpu.dma_semaphore, #tpu.memory_space<semaphore_mem>> -> memref<!tpu.dma_semaphore, #tpu.memory_space<semaphore_mem>>
      %dma_wait3A_359 = tpu.memref_slice %arg4[%mul3A_354] : memref<327680xi32, #tpu.memory_space<hbm>> -> memref<64xi32, #tpu.memory_space<hbm>>
      tpu.wait_dma2 semaphore(%dma_wait3A_358 : memref<!tpu.dma_semaphore, #tpu.memory_space<semaphore_mem>>) src(%dma_wait3A_359 : memref<64xi32, #tpu.memory_space<hbm>>) dst(%arg11 : memref<64xi32, #tpu.memory_space<vmem>>)
      %dma_start3A_360 = arith.constant 1 : i32
      %dma_start3A_361 = arith.constant 0 : i32
      %dma_start3A_362 = arith.constant 0 : i32
      %dma_start3A_363 = tpu.memref_slice %arg19[%dma_start3A_361, %dma_start3A_362] : memref<10240x128xf32, #tpu.memory_space<vmem_shared>> -> memref<10240x128xf32, #tpu.memory_space<vmem_shared>>
      %dma_start3A_364 = tpu.memref_slice %arg23[%dma_start3A_360] : memref<4x!tpu.dma_semaphore, #tpu.memory_space<semaphore_mem>> -> memref<1x!tpu.dma_semaphore, #tpu.memory_space<semaphore_mem>>
      %dma_start3A_365 = tpu.memref_squeeze %dma_start3A_364 : memref<1x!tpu.dma_semaphore, #tpu.memory_space<semaphore_mem>> -> memref<!tpu.dma_semaphore, #tpu.memory_space<semaphore_mem>>
      tpu.enqueue_indirect_dma source(%arg15 : memref<64x128xf32, #tpu.memory_space<vmem>>) target(%dma_start3A_363 : memref<10240x128xf32, #tpu.memory_space<vmem_shared>>) offsets(%arg11 : memref<64xi32, #tpu.memory_space<vmem>>) semaphore(%dma_start3A_365 : memref<!tpu.dma_semaphore, #tpu.memory_space<semaphore_mem>>) {add = true}
      %dma_wait3A_366 = arith.constant 2 : i32
      %dma_wait3A_367 = arith.constant 0 : i32
      %dma_wait3A_368 = arith.constant 0 : i32
      %dma_wait3A_369 = tpu.memref_slice %arg2[%dma_wait3A_367, %dma_wait3A_368] : memref<10240x128xf32, #tpu.memory_space<hbm>> -> memref<10240x128xf32, #tpu.memory_space<hbm>>
      %dma_wait3A_370 = tpu.memref_slice %arg22[%dma_wait3A_366] : memref<4x!tpu.dma_semaphore, #tpu.memory_space<semaphore_mem>> -> memref<1x!tpu.dma_semaphore, #tpu.memory_space<semaphore_mem>>
      %dma_wait3A_371 = tpu.memref_squeeze %dma_wait3A_370 : memref<1x!tpu.dma_semaphore, #tpu.memory_space<semaphore_mem>> -> memref<!tpu.dma_semaphore, #tpu.memory_space<semaphore_mem>>
      tpu.wait_indirect_dma semaphore(%dma_wait3A_371 : memref<!tpu.dma_semaphore, #tpu.memory_space<semaphore_mem>>) src(%dma_wait3A_369 : memref<10240x128xf32, #tpu.memory_space<hbm>>) dst(%arg16 : memref<64x128xf32, #tpu.memory_space<vmem>>)
      %mul3A_372 = arith.constant 4 : i32
      %mul3A_373 = arith.muli %while3A_316, %mul3A_372 : i32
      %add3A_374 = arith.constant 2 : i32
      %add3A_375 = arith.addi %mul3A_373, %add3A_374 : i32
      %add3A_376 = arith.addi %select_n3A_26, %add3A_375 : i32
      %mul3A_377 = arith.constant 64 : i32
      %mul3A_378 = arith.muli %add3A_376, %mul3A_377 : i32
      %dma_wait3A_379 = arith.constant 2 : i32
      %dma_wait3A_380 = tpu.memref_slice %arg4[%mul3A_378] : memref<327680xi32, #tpu.memory_space<hbm>> -> memref<64xi32, #tpu.memory_space<hbm>>
      %dma_wait3A_381 = tpu.memref_slice %arg21[%dma_wait3A_379] : memref<4x!tpu.dma_semaphore, #tpu.memory_space<semaphore_mem>> -> memref<1x!tpu.dma_semaphore, #tpu.memory_space<semaphore_mem>>
      %dma_wait3A_382 = tpu.memref_squeeze %dma_wait3A_381 : memref<1x!tpu.dma_semaphore, #tpu.memory_space<semaphore_mem>> -> memref<!tpu.dma_semaphore, #tpu.memory_space<semaphore_mem>>
      %dma_wait3A_383 = tpu.memref_slice %arg4[%mul3A_378] : memref<327680xi32, #tpu.memory_space<hbm>> -> memref<64xi32, #tpu.memory_space<hbm>>
      tpu.wait_dma2 semaphore(%dma_wait3A_382 : memref<!tpu.dma_semaphore, #tpu.memory_space<semaphore_mem>>) src(%dma_wait3A_383 : memref<64xi32, #tpu.memory_space<hbm>>) dst(%arg12 : memref<64xi32, #tpu.memory_space<vmem>>)
      %dma_start3A_384 = arith.constant 2 : i32
      %dma_start3A_385 = arith.constant 0 : i32
      %dma_start3A_386 = arith.constant 0 : i32
      %dma_start3A_387 = tpu.memref_slice %arg19[%dma_start3A_385, %dma_start3A_386] : memref<10240x128xf32, #tpu.memory_space<vmem_shared>> -> memref<10240x128xf32, #tpu.memory_space<vmem_shared>>
      %dma_start3A_388 = tpu.memref_slice %arg23[%dma_start3A_384] : memref<4x!tpu.dma_semaphore, #tpu.memory_space<semaphore_mem>> -> memref<1x!tpu.dma_semaphore, #tpu.memory_space<semaphore_mem>>
      %dma_start3A_389 = tpu.memref_squeeze %dma_start3A_388 : memref<1x!tpu.dma_semaphore, #tpu.memory_space<semaphore_mem>> -> memref<!tpu.dma_semaphore, #tpu.memory_space<semaphore_mem>>
      tpu.enqueue_indirect_dma source(%arg16 : memref<64x128xf32, #tpu.memory_space<vmem>>) target(%dma_start3A_387 : memref<10240x128xf32, #tpu.memory_space<vmem_shared>>) offsets(%arg12 : memref<64xi32, #tpu.memory_space<vmem>>) semaphore(%dma_start3A_389 : memref<!tpu.dma_semaphore, #tpu.memory_space<semaphore_mem>>) {add = true}
      %dma_wait3A_390 = arith.constant 3 : i32
      %dma_wait3A_391 = arith.constant 0 : i32
      %dma_wait3A_392 = arith.constant 0 : i32
      %dma_wait3A_393 = tpu.memref_slice %arg2[%dma_wait3A_391, %dma_wait3A_392] : memref<10240x128xf32, #tpu.memory_space<hbm>> -> memref<10240x128xf32, #tpu.memory_space<hbm>>
      %dma_wait3A_394 = tpu.memref_slice %arg22[%dma_wait3A_390] : memref<4x!tpu.dma_semaphore, #tpu.memory_space<semaphore_mem>> -> memref<1x!tpu.dma_semaphore, #tpu.memory_space<semaphore_mem>>
      %dma_wait3A_395 = tpu.memref_squeeze %dma_wait3A_394 : memref<1x!tpu.dma_semaphore, #tpu.memory_space<semaphore_mem>> -> memref<!tpu.dma_semaphore, #tpu.memory_space<semaphore_mem>>
      tpu.wait_indirect_dma semaphore(%dma_wait3A_395 : memref<!tpu.dma_semaphore, #tpu.memory_space<semaphore_mem>>) src(%dma_wait3A_393 : memref<10240x128xf32, #tpu.memory_space<hbm>>) dst(%arg17 : memref<64x128xf32, #tpu.memory_space<vmem>>)
      %mul3A_396 = arith.constant 4 : i32
      %mul3A_397 = arith.muli %while3A_316, %mul3A_396 : i32
      %add3A_398 = arith.constant 3 : i32
      %add3A_399 = arith.addi %mul3A_397, %add3A_398 : i32
      %add3A_400 = arith.addi %select_n3A_26, %add3A_399 : i32
      %mul3A_401 = arith.constant 64 : i32
      %mul3A_402 = arith.muli %add3A_400, %mul3A_401 : i32
      %dma_wait3A_403 = arith.constant 3 : i32
      %dma_wait3A_404 = tpu.memref_slice %arg4[%mul3A_402] : memref<327680xi32, #tpu.memory_space<hbm>> -> memref<64xi32, #tpu.memory_space<hbm>>
      %dma_wait3A_405 = tpu.memref_slice %arg21[%dma_wait3A_403] : memref<4x!tpu.dma_semaphore, #tpu.memory_space<semaphore_mem>> -> memref<1x!tpu.dma_semaphore, #tpu.memory_space<semaphore_mem>>
      %dma_wait3A_406 = tpu.memref_squeeze %dma_wait3A_405 : memref<1x!tpu.dma_semaphore, #tpu.memory_space<semaphore_mem>> -> memref<!tpu.dma_semaphore, #tpu.memory_space<semaphore_mem>>
      %dma_wait3A_407 = tpu.memref_slice %arg4[%mul3A_402] : memref<327680xi32, #tpu.memory_space<hbm>> -> memref<64xi32, #tpu.memory_space<hbm>>
      tpu.wait_dma2 semaphore(%dma_wait3A_406 : memref<!tpu.dma_semaphore, #tpu.memory_space<semaphore_mem>>) src(%dma_wait3A_407 : memref<64xi32, #tpu.memory_space<hbm>>) dst(%arg13 : memref<64xi32, #tpu.memory_space<vmem>>)
      %dma_start3A_408 = arith.constant 3 : i32
      %dma_start3A_409 = arith.constant 0 : i32
      %dma_start3A_410 = arith.constant 0 : i32
      %dma_start3A_411 = tpu.memref_slice %arg19[%dma_start3A_409, %dma_start3A_410] : memref<10240x128xf32, #tpu.memory_space<vmem_shared>> -> memref<10240x128xf32, #tpu.memory_space<vmem_shared>>
      %dma_start3A_412 = tpu.memref_slice %arg23[%dma_start3A_408] : memref<4x!tpu.dma_semaphore, #tpu.memory_space<semaphore_mem>> -> memref<1x!tpu.dma_semaphore, #tpu.memory_space<semaphore_mem>>
      %dma_start3A_413 = tpu.memref_squeeze %dma_start3A_412 : memref<1x!tpu.dma_semaphore, #tpu.memory_space<semaphore_mem>> -> memref<!tpu.dma_semaphore, #tpu.memory_space<semaphore_mem>>
      tpu.enqueue_indirect_dma source(%arg17 : memref<64x128xf32, #tpu.memory_space<vmem>>) target(%dma_start3A_411 : memref<10240x128xf32, #tpu.memory_space<vmem_shared>>) offsets(%arg13 : memref<64xi32, #tpu.memory_space<vmem>>) semaphore(%dma_start3A_413 : memref<!tpu.dma_semaphore, #tpu.memory_space<semaphore_mem>>) {add = true}
      %dma_wait3A_414 = arith.constant 0 : i32
      %dma_wait3A_415 = arith.constant 0 : i32
      %dma_wait3A_416 = arith.constant 0 : i32
      %dma_wait3A_417 = tpu.memref_slice %arg19[%dma_wait3A_415, %dma_wait3A_416] : memref<10240x128xf32, #tpu.memory_space<vmem_shared>> -> memref<10240x128xf32, #tpu.memory_space<vmem_shared>>
      %dma_wait3A_418 = tpu.memref_slice %arg23[%dma_wait3A_414] : memref<4x!tpu.dma_semaphore, #tpu.memory_space<semaphore_mem>> -> memref<1x!tpu.dma_semaphore, #tpu.memory_space<semaphore_mem>>
      %dma_wait3A_419 = tpu.memref_squeeze %dma_wait3A_418 : memref<1x!tpu.dma_semaphore, #tpu.memory_space<semaphore_mem>> -> memref<!tpu.dma_semaphore, #tpu.memory_space<semaphore_mem>>
      tpu.wait_indirect_dma semaphore(%dma_wait3A_419 : memref<!tpu.dma_semaphore, #tpu.memory_space<semaphore_mem>>) src(%arg14 : memref<64x128xf32, #tpu.memory_space<vmem>>) dst(%dma_wait3A_417 : memref<10240x128xf32, #tpu.memory_space<vmem_shared>>)
      %add3A_420 = arith.constant 1 : i32
      %add3A_421 = arith.addi %while3A_316, %add3A_420 : i32
      %mul3A_422 = arith.constant 4 : i32
      %mul3A_423 = arith.muli %add3A_421, %mul3A_422 : i32
      %add3A_424 = arith.constant 0 : i32
      %add3A_425 = arith.addi %mul3A_423, %add3A_424 : i32
      %add3A_426 = arith.addi %select_n3A_26, %add3A_425 : i32
      %mul3A_427 = arith.constant 64 : i32
      %mul3A_428 = arith.muli %add3A_426, %mul3A_427 : i32
      %dma_start3A_429 = arith.constant 0 : i32
      %dma_start3A_430 = tpu.memref_slice %arg3[%mul3A_428] : memref<327680xi32, #tpu.memory_space<hbm>> -> memref<64xi32, #tpu.memory_space<hbm>>
      %dma_start3A_431 = tpu.memref_slice %arg20[%dma_start3A_429] : memref<4x!tpu.dma_semaphore, #tpu.memory_space<semaphore_mem>> -> memref<1x!tpu.dma_semaphore, #tpu.memory_space<semaphore_mem>>
      %dma_start3A_432 = tpu.memref_squeeze %dma_start3A_431 : memref<1x!tpu.dma_semaphore, #tpu.memory_space<semaphore_mem>> -> memref<!tpu.dma_semaphore, #tpu.memory_space<semaphore_mem>>
      %dma_start3A_433 = tpu.memref_slice %arg3[%mul3A_428] : memref<327680xi32, #tpu.memory_space<hbm>> -> memref<64xi32, #tpu.memory_space<hbm>>
      tpu.enqueue_dma source(%dma_start3A_433 : memref<64xi32, #tpu.memory_space<hbm>>) target(%arg6 : memref<64xi32, #tpu.memory_space<vmem>>) target_semaphore(%dma_start3A_432 : memref<!tpu.dma_semaphore, #tpu.memory_space<semaphore_mem>>)
      %add3A_434 = arith.constant 1 : i32
      %add3A_435 = arith.addi %while3A_316, %add3A_434 : i32
      %mul3A_436 = arith.constant 4 : i32
      %mul3A_437 = arith.muli %add3A_435, %mul3A_436 : i32
      %add3A_438 = arith.constant 0 : i32
      %add3A_439 = arith.addi %mul3A_437, %add3A_438 : i32
      %add3A_440 = arith.addi %select_n3A_26, %add3A_439 : i32
      %mul3A_441 = arith.constant 64 : i32
      %mul3A_442 = arith.muli %add3A_440, %mul3A_441 : i32
      %dma_start3A_443 = arith.constant 0 : i32
      %dma_start3A_444 = tpu.memref_slice %arg4[%mul3A_442] : memref<327680xi32, #tpu.memory_space<hbm>> -> memref<64xi32, #tpu.memory_space<hbm>>
      %dma_start3A_445 = tpu.memref_slice %arg21[%dma_start3A_443] : memref<4x!tpu.dma_semaphore, #tpu.memory_space<semaphore_mem>> -> memref<1x!tpu.dma_semaphore, #tpu.memory_space<semaphore_mem>>
      %dma_start3A_446 = tpu.memref_squeeze %dma_start3A_445 : memref<1x!tpu.dma_semaphore, #tpu.memory_space<semaphore_mem>> -> memref<!tpu.dma_semaphore, #tpu.memory_space<semaphore_mem>>
      %dma_start3A_447 = tpu.memref_slice %arg4[%mul3A_442] : memref<327680xi32, #tpu.memory_space<hbm>> -> memref<64xi32, #tpu.memory_space<hbm>>
      tpu.enqueue_dma source(%dma_start3A_447 : memref<64xi32, #tpu.memory_space<hbm>>) target(%arg10 : memref<64xi32, #tpu.memory_space<vmem>>) target_semaphore(%dma_start3A_446 : memref<!tpu.dma_semaphore, #tpu.memory_space<semaphore_mem>>)
      %dma_wait3A_448 = arith.constant 1 : i32
      %dma_wait3A_449 = arith.constant 0 : i32
      %dma_wait3A_450 = arith.constant 0 : i32
      %dma_wait3A_451 = tpu.memref_slice %arg19[%dma_wait3A_449, %dma_wait3A_450] : memref<10240x128xf32, #tpu.memory_space<vmem_shared>> -> memref<10240x128xf32, #tpu.memory_space<vmem_shared>>
      %dma_wait3A_452 = tpu.memref_slice %arg23[%dma_wait3A_448] : memref<4x!tpu.dma_semaphore, #tpu.memory_space<semaphore_mem>> -> memref<1x!tpu.dma_semaphore, #tpu.memory_space<semaphore_mem>>
      %dma_wait3A_453 = tpu.memref_squeeze %dma_wait3A_452 : memref<1x!tpu.dma_semaphore, #tpu.memory_space<semaphore_mem>> -> memref<!tpu.dma_semaphore, #tpu.memory_space<semaphore_mem>>
      tpu.wait_indirect_dma semaphore(%dma_wait3A_453 : memref<!tpu.dma_semaphore, #tpu.memory_space<semaphore_mem>>) src(%arg15 : memref<64x128xf32, #tpu.memory_space<vmem>>) dst(%dma_wait3A_451 : memref<10240x128xf32, #tpu.memory_space<vmem_shared>>)
      %add3A_454 = arith.constant 1 : i32
      %add3A_455 = arith.addi %while3A_316, %add3A_454 : i32
      %mul3A_456 = arith.constant 4 : i32
      %mul3A_457 = arith.muli %add3A_455, %mul3A_456 : i32
      %add3A_458 = arith.constant 1 : i32
      %add3A_459 = arith.addi %mul3A_457, %add3A_458 : i32
      %add3A_460 = arith.addi %select_n3A_26, %add3A_459 : i32
      %mul3A_461 = arith.constant 64 : i32
      %mul3A_462 = arith.muli %add3A_460, %mul3A_461 : i32
      %dma_start3A_463 = arith.constant 1 : i32
      %dma_start3A_464 = tpu.memref_slice %arg3[%mul3A_462] : memref<327680xi32, #tpu.memory_space<hbm>> -> memref<64xi32, #tpu.memory_space<hbm>>
      %dma_start3A_465 = tpu.memref_slice %arg20[%dma_start3A_463] : memref<4x!tpu.dma_semaphore, #tpu.memory_space<semaphore_mem>> -> memref<1x!tpu.dma_semaphore, #tpu.memory_space<semaphore_mem>>
      %dma_start3A_466 = tpu.memref_squeeze %dma_start3A_465 : memref<1x!tpu.dma_semaphore, #tpu.memory_space<semaphore_mem>> -> memref<!tpu.dma_semaphore, #tpu.memory_space<semaphore_mem>>
      %dma_start3A_467 = tpu.memref_slice %arg3[%mul3A_462] : memref<327680xi32, #tpu.memory_space<hbm>> -> memref<64xi32, #tpu.memory_space<hbm>>
      tpu.enqueue_dma source(%dma_start3A_467 : memref<64xi32, #tpu.memory_space<hbm>>) target(%arg7 : memref<64xi32, #tpu.memory_space<vmem>>) target_semaphore(%dma_start3A_466 : memref<!tpu.dma_semaphore, #tpu.memory_space<semaphore_mem>>)
      %add3A_468 = arith.constant 1 : i32
      %add3A_469 = arith.addi %while3A_316, %add3A_468 : i32
      %mul3A_470 = arith.constant 4 : i32
      %mul3A_471 = arith.muli %add3A_469, %mul3A_470 : i32
      %add3A_472 = arith.constant 1 : i32
      %add3A_473 = arith.addi %mul3A_471, %add3A_472 : i32
      %add3A_474 = arith.addi %select_n3A_26, %add3A_473 : i32
      %mul3A_475 = arith.constant 64 : i32
      %mul3A_476 = arith.muli %add3A_474, %mul3A_475 : i32
      %dma_start3A_477 = arith.constant 1 : i32
      %dma_start3A_478 = tpu.memref_slice %arg4[%mul3A_476] : memref<327680xi32, #tpu.memory_space<hbm>> -> memref<64xi32, #tpu.memory_space<hbm>>
      %dma_start3A_479 = tpu.memref_slice %arg21[%dma_start3A_477] : memref<4x!tpu.dma_semaphore, #tpu.memory_space<semaphore_mem>> -> memref<1x!tpu.dma_semaphore, #tpu.memory_space<semaphore_mem>>
      %dma_start3A_480 = tpu.memref_squeeze %dma_start3A_479 : memref<1x!tpu.dma_semaphore, #tpu.memory_space<semaphore_mem>> -> memref<!tpu.dma_semaphore, #tpu.memory_space<semaphore_mem>>
      %dma_start3A_481 = tpu.memref_slice %arg4[%mul3A_476] : memref<327680xi32, #tpu.memory_space<hbm>> -> memref<64xi32, #tpu.memory_space<hbm>>
      tpu.enqueue_dma source(%dma_start3A_481 : memref<64xi32, #tpu.memory_space<hbm>>) target(%arg11 : memref<64xi32, #tpu.memory_space<vmem>>) target_semaphore(%dma_start3A_480 : memref<!tpu.dma_semaphore, #tpu.memory_space<semaphore_mem>>)
      %dma_wait3A_482 = arith.constant 2 : i32
      %dma_wait3A_483 = arith.constant 0 : i32
      %dma_wait3A_484 = arith.constant 0 : i32
      %dma_wait3A_485 = tpu.memref_slice %arg19[%dma_wait3A_483, %dma_wait3A_484] : memref<10240x128xf32, #tpu.memory_space<vmem_shared>> -> memref<10240x128xf32, #tpu.memory_space<vmem_shared>>
      %dma_wait3A_486 = tpu.memref_slice %arg23[%dma_wait3A_482] : memref<4x!tpu.dma_semaphore, #tpu.memory_space<semaphore_mem>> -> memref<1x!tpu.dma_semaphore, #tpu.memory_space<semaphore_mem>>
      %dma_wait3A_487 = tpu.memref_squeeze %dma_wait3A_486 : memref<1x!tpu.dma_semaphore, #tpu.memory_space<semaphore_mem>> -> memref<!tpu.dma_semaphore, #tpu.memory_space<semaphore_mem>>
      tpu.wait_indirect_dma semaphore(%dma_wait3A_487 : memref<!tpu.dma_semaphore, #tpu.memory_space<semaphore_mem>>) src(%arg16 : memref<64x128xf32, #tpu.memory_space<vmem>>) dst(%dma_wait3A_485 : memref<10240x128xf32, #tpu.memory_space<vmem_shared>>)
      %add3A_488 = arith.constant 1 : i32
      %add3A_489 = arith.addi %while3A_316, %add3A_488 : i32
      %mul3A_490 = arith.constant 4 : i32
      %mul3A_491 = arith.muli %add3A_489, %mul3A_490 : i32
      %add3A_492 = arith.constant 2 : i32
      %add3A_493 = arith.addi %mul3A_491, %add3A_492 : i32
      %add3A_494 = arith.addi %select_n3A_26, %add3A_493 : i32
      %mul3A_495 = arith.constant 64 : i32
      %mul3A_496 = arith.muli %add3A_494, %mul3A_495 : i32
      %dma_start3A_497 = arith.constant 2 : i32
      %dma_start3A_498 = tpu.memref_slice %arg3[%mul3A_496] : memref<327680xi32, #tpu.memory_space<hbm>> -> memref<64xi32, #tpu.memory_space<hbm>>
      %dma_start3A_499 = tpu.memref_slice %arg20[%dma_start3A_497] : memref<4x!tpu.dma_semaphore, #tpu.memory_space<semaphore_mem>> -> memref<1x!tpu.dma_semaphore, #tpu.memory_space<semaphore_mem>>
      %dma_start3A_500 = tpu.memref_squeeze %dma_start3A_499 : memref<1x!tpu.dma_semaphore, #tpu.memory_space<semaphore_mem>> -> memref<!tpu.dma_semaphore, #tpu.memory_space<semaphore_mem>>
      %dma_start3A_501 = tpu.memref_slice %arg3[%mul3A_496] : memref<327680xi32, #tpu.memory_space<hbm>> -> memref<64xi32, #tpu.memory_space<hbm>>
      tpu.enqueue_dma source(%dma_start3A_501 : memref<64xi32, #tpu.memory_space<hbm>>) target(%arg8 : memref<64xi32, #tpu.memory_space<vmem>>) target_semaphore(%dma_start3A_500 : memref<!tpu.dma_semaphore, #tpu.memory_space<semaphore_mem>>)
      %add3A_502 = arith.constant 1 : i32
      %add3A_503 = arith.addi %while3A_316, %add3A_502 : i32
      %mul3A_504 = arith.constant 4 : i32
      %mul3A_505 = arith.muli %add3A_503, %mul3A_504 : i32
      %add3A_506 = arith.constant 2 : i32
      %add3A_507 = arith.addi %mul3A_505, %add3A_506 : i32
      %add3A_508 = arith.addi %select_n3A_26, %add3A_507 : i32
      %mul3A_509 = arith.constant 64 : i32
      %mul3A_510 = arith.muli %add3A_508, %mul3A_509 : i32
      %dma_start3A_511 = arith.constant 2 : i32
      %dma_start3A_512 = tpu.memref_slice %arg4[%mul3A_510] : memref<327680xi32, #tpu.memory_space<hbm>> -> memref<64xi32, #tpu.memory_space<hbm>>
      %dma_start3A_513 = tpu.memref_slice %arg21[%dma_start3A_511] : memref<4x!tpu.dma_semaphore, #tpu.memory_space<semaphore_mem>> -> memref<1x!tpu.dma_semaphore, #tpu.memory_space<semaphore_mem>>
      %dma_start3A_514 = tpu.memref_squeeze %dma_start3A_513 : memref<1x!tpu.dma_semaphore, #tpu.memory_space<semaphore_mem>> -> memref<!tpu.dma_semaphore, #tpu.memory_space<semaphore_mem>>
      %dma_start3A_515 = tpu.memref_slice %arg4[%mul3A_510] : memref<327680xi32, #tpu.memory_space<hbm>> -> memref<64xi32, #tpu.memory_space<hbm>>
      tpu.enqueue_dma source(%dma_start3A_515 : memref<64xi32, #tpu.memory_space<hbm>>) target(%arg12 : memref<64xi32, #tpu.memory_space<vmem>>) target_semaphore(%dma_start3A_514 : memref<!tpu.dma_semaphore, #tpu.memory_space<semaphore_mem>>)
      %dma_wait3A_516 = arith.constant 3 : i32
      %dma_wait3A_517 = arith.constant 0 : i32
      %dma_wait3A_518 = arith.constant 0 : i32
      %dma_wait3A_519 = tpu.memref_slice %arg19[%dma_wait3A_517, %dma_wait3A_518] : memref<10240x128xf32, #tpu.memory_space<vmem_shared>> -> memref<10240x128xf32, #tpu.memory_space<vmem_shared>>
      %dma_wait3A_520 = tpu.memref_slice %arg23[%dma_wait3A_516] : memref<4x!tpu.dma_semaphore, #tpu.memory_space<semaphore_mem>> -> memref<1x!tpu.dma_semaphore, #tpu.memory_space<semaphore_mem>>
      %dma_wait3A_521 = tpu.memref_squeeze %dma_wait3A_520 : memref<1x!tpu.dma_semaphore, #tpu.memory_space<semaphore_mem>> -> memref<!tpu.dma_semaphore, #tpu.memory_space<semaphore_mem>>
      tpu.wait_indirect_dma semaphore(%dma_wait3A_521 : memref<!tpu.dma_semaphore, #tpu.memory_space<semaphore_mem>>) src(%arg17 : memref<64x128xf32, #tpu.memory_space<vmem>>) dst(%dma_wait3A_519 : memref<10240x128xf32, #tpu.memory_space<vmem_shared>>)
      %add3A_522 = arith.constant 1 : i32
      %add3A_523 = arith.addi %while3A_316, %add3A_522 : i32
      %mul3A_524 = arith.constant 4 : i32
      %mul3A_525 = arith.muli %add3A_523, %mul3A_524 : i32
      %add3A_526 = arith.constant 3 : i32
      %add3A_527 = arith.addi %mul3A_525, %add3A_526 : i32
      %add3A_528 = arith.addi %select_n3A_26, %add3A_527 : i32
      %mul3A_529 = arith.constant 64 : i32
      %mul3A_530 = arith.muli %add3A_528, %mul3A_529 : i32
      %dma_start3A_531 = arith.constant 3 : i32
      %dma_start3A_532 = tpu.memref_slice %arg3[%mul3A_530] : memref<327680xi32, #tpu.memory_space<hbm>> -> memref<64xi32, #tpu.memory_space<hbm>>
      %dma_start3A_533 = tpu.memref_slice %arg20[%dma_start3A_531] : memref<4x!tpu.dma_semaphore, #tpu.memory_space<semaphore_mem>> -> memref<1x!tpu.dma_semaphore, #tpu.memory_space<semaphore_mem>>
      %dma_start3A_534 = tpu.memref_squeeze %dma_start3A_533 : memref<1x!tpu.dma_semaphore, #tpu.memory_space<semaphore_mem>> -> memref<!tpu.dma_semaphore, #tpu.memory_space<semaphore_mem>>
      %dma_start3A_535 = tpu.memref_slice %arg3[%mul3A_530] : memref<327680xi32, #tpu.memory_space<hbm>> -> memref<64xi32, #tpu.memory_space<hbm>>
      tpu.enqueue_dma source(%dma_start3A_535 : memref<64xi32, #tpu.memory_space<hbm>>) target(%arg9 : memref<64xi32, #tpu.memory_space<vmem>>) target_semaphore(%dma_start3A_534 : memref<!tpu.dma_semaphore, #tpu.memory_space<semaphore_mem>>)
      %add3A_536 = arith.constant 1 : i32
      %add3A_537 = arith.addi %while3A_316, %add3A_536 : i32
      %mul3A_538 = arith.constant 4 : i32
      %mul3A_539 = arith.muli %add3A_537, %mul3A_538 : i32
      %add3A_540 = arith.constant 3 : i32
      %add3A_541 = arith.addi %mul3A_539, %add3A_540 : i32
      %add3A_542 = arith.addi %select_n3A_26, %add3A_541 : i32
      %mul3A_543 = arith.constant 64 : i32
      %mul3A_544 = arith.muli %add3A_542, %mul3A_543 : i32
      %dma_start3A_545 = arith.constant 3 : i32
      %dma_start3A_546 = tpu.memref_slice %arg4[%mul3A_544] : memref<327680xi32, #tpu.memory_space<hbm>> -> memref<64xi32, #tpu.memory_space<hbm>>
      %dma_start3A_547 = tpu.memref_slice %arg21[%dma_start3A_545] : memref<4x!tpu.dma_semaphore, #tpu.memory_space<semaphore_mem>> -> memref<1x!tpu.dma_semaphore, #tpu.memory_space<semaphore_mem>>
      %dma_start3A_548 = tpu.memref_squeeze %dma_start3A_547 : memref<1x!tpu.dma_semaphore, #tpu.memory_space<semaphore_mem>> -> memref<!tpu.dma_semaphore, #tpu.memory_space<semaphore_mem>>
      %dma_start3A_549 = tpu.memref_slice %arg4[%mul3A_544] : memref<327680xi32, #tpu.memory_space<hbm>> -> memref<64xi32, #tpu.memory_space<hbm>>
      tpu.enqueue_dma source(%dma_start3A_549 : memref<64xi32, #tpu.memory_space<hbm>>) target(%arg13 : memref<64xi32, #tpu.memory_space<vmem>>) target_semaphore(%dma_start3A_548 : memref<!tpu.dma_semaphore, #tpu.memory_space<semaphore_mem>>)
      %add3A_550 = arith.constant 1 : i32
      %add3A_551 = arith.addi %while3A_316, %add3A_550 : i32
      %mul3A_552 = arith.constant 4 : i32
      %mul3A_553 = arith.muli %add3A_551, %mul3A_552 : i32
      %add3A_554 = arith.constant 0 : i32
      %add3A_555 = arith.addi %mul3A_553, %add3A_554 : i32
      %add3A_556 = arith.addi %select_n3A_26, %add3A_555 : i32
      %mul3A_557 = arith.constant 64 : i32
      %mul3A_558 = arith.muli %add3A_556, %mul3A_557 : i32
      %dma_wait3A_559 = arith.constant 0 : i32
      %dma_wait3A_560 = tpu.memref_slice %arg3[%mul3A_558] : memref<327680xi32, #tpu.memory_space<hbm>> -> memref<64xi32, #tpu.memory_space<hbm>>
      %dma_wait3A_561 = tpu.memref_slice %arg20[%dma_wait3A_559] : memref<4x!tpu.dma_semaphore, #tpu.memory_space<semaphore_mem>> -> memref<1x!tpu.dma_semaphore, #tpu.memory_space<semaphore_mem>>
      %dma_wait3A_562 = tpu.memref_squeeze %dma_wait3A_561 : memref<1x!tpu.dma_semaphore, #tpu.memory_space<semaphore_mem>> -> memref<!tpu.dma_semaphore, #tpu.memory_space<semaphore_mem>>
      %dma_wait3A_563 = tpu.memref_slice %arg3[%mul3A_558] : memref<327680xi32, #tpu.memory_space<hbm>> -> memref<64xi32, #tpu.memory_space<hbm>>
      tpu.wait_dma2 semaphore(%dma_wait3A_562 : memref<!tpu.dma_semaphore, #tpu.memory_space<semaphore_mem>>) src(%dma_wait3A_563 : memref<64xi32, #tpu.memory_space<hbm>>) dst(%arg6 : memref<64xi32, #tpu.memory_space<vmem>>)
      %dma_start3A_564 = arith.constant 0 : i32
      %dma_start3A_565 = arith.constant 0 : i32
      %dma_start3A_566 = arith.constant 0 : i32
      %dma_start3A_567 = tpu.memref_slice %arg2[%dma_start3A_565, %dma_start3A_566] : memref<10240x128xf32, #tpu.memory_space<hbm>> -> memref<10240x128xf32, #tpu.memory_space<hbm>>
      %dma_start3A_568 = tpu.memref_slice %arg22[%dma_start3A_564] : memref<4x!tpu.dma_semaphore, #tpu.memory_space<semaphore_mem>> -> memref<1x!tpu.dma_semaphore, #tpu.memory_space<semaphore_mem>>
      %dma_start3A_569 = tpu.memref_squeeze %dma_start3A_568 : memref<1x!tpu.dma_semaphore, #tpu.memory_space<semaphore_mem>> -> memref<!tpu.dma_semaphore, #tpu.memory_space<semaphore_mem>>
      tpu.enqueue_indirect_dma source(%dma_start3A_567 : memref<10240x128xf32, #tpu.memory_space<hbm>>) target(%arg14 : memref<64x128xf32, #tpu.memory_space<vmem>>) offsets(%arg6 : memref<64xi32, #tpu.memory_space<vmem>>) semaphore(%dma_start3A_569 : memref<!tpu.dma_semaphore, #tpu.memory_space<semaphore_mem>>)
      %add3A_570 = arith.constant 1 : i32
      %add3A_571 = arith.addi %while3A_316, %add3A_570 : i32
      %mul3A_572 = arith.constant 4 : i32
      %mul3A_573 = arith.muli %add3A_571, %mul3A_572 : i32
      %add3A_574 = arith.constant 1 : i32
      %add3A_575 = arith.addi %mul3A_573, %add3A_574 : i32
      %add3A_576 = arith.addi %select_n3A_26, %add3A_575 : i32
      %mul3A_577 = arith.constant 64 : i32
      %mul3A_578 = arith.muli %add3A_576, %mul3A_577 : i32
      %dma_wait3A_579 = arith.constant 1 : i32
      %dma_wait3A_580 = tpu.memref_slice %arg3[%mul3A_578] : memref<327680xi32, #tpu.memory_space<hbm>> -> memref<64xi32, #tpu.memory_space<hbm>>
      %dma_wait3A_581 = tpu.memref_slice %arg20[%dma_wait3A_579] : memref<4x!tpu.dma_semaphore, #tpu.memory_space<semaphore_mem>> -> memref<1x!tpu.dma_semaphore, #tpu.memory_space<semaphore_mem>>
      %dma_wait3A_582 = tpu.memref_squeeze %dma_wait3A_581 : memref<1x!tpu.dma_semaphore, #tpu.memory_space<semaphore_mem>> -> memref<!tpu.dma_semaphore, #tpu.memory_space<semaphore_mem>>
      %dma_wait3A_583 = tpu.memref_slice %arg3[%mul3A_578] : memref<327680xi32, #tpu.memory_space<hbm>> -> memref<64xi32, #tpu.memory_space<hbm>>
      tpu.wait_dma2 semaphore(%dma_wait3A_582 : memref<!tpu.dma_semaphore, #tpu.memory_space<semaphore_mem>>) src(%dma_wait3A_583 : memref<64xi32, #tpu.memory_space<hbm>>) dst(%arg7 : memref<64xi32, #tpu.memory_space<vmem>>)
      %dma_start3A_584 = arith.constant 1 : i32
      %dma_start3A_585 = arith.constant 0 : i32
      %dma_start3A_586 = arith.constant 0 : i32
      %dma_start3A_587 = tpu.memref_slice %arg2[%dma_start3A_585, %dma_start3A_586] : memref<10240x128xf32, #tpu.memory_space<hbm>> -> memref<10240x128xf32, #tpu.memory_space<hbm>>
      %dma_start3A_588 = tpu.memref_slice %arg22[%dma_start3A_584] : memref<4x!tpu.dma_semaphore, #tpu.memory_space<semaphore_mem>> -> memref<1x!tpu.dma_semaphore, #tpu.memory_space<semaphore_mem>>
      %dma_start3A_589 = tpu.memref_squeeze %dma_start3A_588 : memref<1x!tpu.dma_semaphore, #tpu.memory_space<semaphore_mem>> -> memref<!tpu.dma_semaphore, #tpu.memory_space<semaphore_mem>>
      tpu.enqueue_indirect_dma source(%dma_start3A_587 : memref<10240x128xf32, #tpu.memory_space<hbm>>) target(%arg15 : memref<64x128xf32, #tpu.memory_space<vmem>>) offsets(%arg7 : memref<64xi32, #tpu.memory_space<vmem>>) semaphore(%dma_start3A_589 : memref<!tpu.dma_semaphore, #tpu.memory_space<semaphore_mem>>)
      %add3A_590 = arith.constant 1 : i32
      %add3A_591 = arith.addi %while3A_316, %add3A_590 : i32
      %mul3A_592 = arith.constant 4 : i32
      %mul3A_593 = arith.muli %add3A_591, %mul3A_592 : i32
      %add3A_594 = arith.constant 2 : i32
      %add3A_595 = arith.addi %mul3A_593, %add3A_594 : i32
      %add3A_596 = arith.addi %select_n3A_26, %add3A_595 : i32
      %mul3A_597 = arith.constant 64 : i32
      %mul3A_598 = arith.muli %add3A_596, %mul3A_597 : i32
      %dma_wait3A_599 = arith.constant 2 : i32
      %dma_wait3A_600 = tpu.memref_slice %arg3[%mul3A_598] : memref<327680xi32, #tpu.memory_space<hbm>> -> memref<64xi32, #tpu.memory_space<hbm>>
      %dma_wait3A_601 = tpu.memref_slice %arg20[%dma_wait3A_599] : memref<4x!tpu.dma_semaphore, #tpu.memory_space<semaphore_mem>> -> memref<1x!tpu.dma_semaphore, #tpu.memory_space<semaphore_mem>>
      %dma_wait3A_602 = tpu.memref_squeeze %dma_wait3A_601 : memref<1x!tpu.dma_semaphore, #tpu.memory_space<semaphore_mem>> -> memref<!tpu.dma_semaphore, #tpu.memory_space<semaphore_mem>>
      %dma_wait3A_603 = tpu.memref_slice %arg3[%mul3A_598] : memref<327680xi32, #tpu.memory_space<hbm>> -> memref<64xi32, #tpu.memory_space<hbm>>
      tpu.wait_dma2 semaphore(%dma_wait3A_602 : memref<!tpu.dma_semaphore, #tpu.memory_space<semaphore_mem>>) src(%dma_wait3A_603 : memref<64xi32, #tpu.memory_space<hbm>>) dst(%arg8 : memref<64xi32, #tpu.memory_space<vmem>>)
      %dma_start3A_604 = arith.constant 2 : i32
      %dma_start3A_605 = arith.constant 0 : i32
      %dma_start3A_606 = arith.constant 0 : i32
      %dma_start3A_607 = tpu.memref_slice %arg2[%dma_start3A_605, %dma_start3A_606] : memref<10240x128xf32, #tpu.memory_space<hbm>> -> memref<10240x128xf32, #tpu.memory_space<hbm>>
      %dma_start3A_608 = tpu.memref_slice %arg22[%dma_start3A_604] : memref<4x!tpu.dma_semaphore, #tpu.memory_space<semaphore_mem>> -> memref<1x!tpu.dma_semaphore, #tpu.memory_space<semaphore_mem>>
      %dma_start3A_609 = tpu.memref_squeeze %dma_start3A_608 : memref<1x!tpu.dma_semaphore, #tpu.memory_space<semaphore_mem>> -> memref<!tpu.dma_semaphore, #tpu.memory_space<semaphore_mem>>
      tpu.enqueue_indirect_dma source(%dma_start3A_607 : memref<10240x128xf32, #tpu.memory_space<hbm>>) target(%arg16 : memref<64x128xf32, #tpu.memory_space<vmem>>) offsets(%arg8 : memref<64xi32, #tpu.memory_space<vmem>>) semaphore(%dma_start3A_609 : memref<!tpu.dma_semaphore, #tpu.memory_space<semaphore_mem>>)
      %add3A_610 = arith.constant 1 : i32
      %add3A_611 = arith.addi %while3A_316, %add3A_610 : i32
      %mul3A_612 = arith.constant 4 : i32
      %mul3A_613 = arith.muli %add3A_611, %mul3A_612 : i32
      %add3A_614 = arith.constant 3 : i32
      %add3A_615 = arith.addi %mul3A_613, %add3A_614 : i32
      %add3A_616 = arith.addi %select_n3A_26, %add3A_615 : i32
      %mul3A_617 = arith.constant 64 : i32
      %mul3A_618 = arith.muli %add3A_616, %mul3A_617 : i32
      %dma_wait3A_619 = arith.constant 3 : i32
      %dma_wait3A_620 = tpu.memref_slice %arg3[%mul3A_618] : memref<327680xi32, #tpu.memory_space<hbm>> -> memref<64xi32, #tpu.memory_space<hbm>>
      %dma_wait3A_621 = tpu.memref_slice %arg20[%dma_wait3A_619] : memref<4x!tpu.dma_semaphore, #tpu.memory_space<semaphore_mem>> -> memref<1x!tpu.dma_semaphore, #tpu.memory_space<semaphore_mem>>
      %dma_wait3A_622 = tpu.memref_squeeze %dma_wait3A_621 : memref<1x!tpu.dma_semaphore, #tpu.memory_space<semaphore_mem>> -> memref<!tpu.dma_semaphore, #tpu.memory_space<semaphore_mem>>
      %dma_wait3A_623 = tpu.memref_slice %arg3[%mul3A_618] : memref<327680xi32, #tpu.memory_space<hbm>> -> memref<64xi32, #tpu.memory_space<hbm>>
      tpu.wait_dma2 semaphore(%dma_wait3A_622 : memref<!tpu.dma_semaphore, #tpu.memory_space<semaphore_mem>>) src(%dma_wait3A_623 : memref<64xi32, #tpu.memory_space<hbm>>) dst(%arg9 : memref<64xi32, #tpu.memory_space<vmem>>)
      %dma_start3A_624 = arith.constant 3 : i32
      %dma_start3A_625 = arith.constant 0 : i32
      %dma_start3A_626 = arith.constant 0 : i32
      %dma_start3A_627 = tpu.memref_slice %arg2[%dma_start3A_625, %dma_start3A_626] : memref<10240x128xf32, #tpu.memory_space<hbm>> -> memref<10240x128xf32, #tpu.memory_space<hbm>>
      %dma_start3A_628 = tpu.memref_slice %arg22[%dma_start3A_624] : memref<4x!tpu.dma_semaphore, #tpu.memory_space<semaphore_mem>> -> memref<1x!tpu.dma_semaphore, #tpu.memory_space<semaphore_mem>>
      %dma_start3A_629 = tpu.memref_squeeze %dma_start3A_628 : memref<1x!tpu.dma_semaphore, #tpu.memory_space<semaphore_mem>> -> memref<!tpu.dma_semaphore, #tpu.memory_space<semaphore_mem>>
      tpu.enqueue_indirect_dma source(%dma_start3A_627 : memref<10240x128xf32, #tpu.memory_space<hbm>>) target(%arg17 : memref<64x128xf32, #tpu.memory_space<vmem>>) offsets(%arg9 : memref<64xi32, #tpu.memory_space<vmem>>) semaphore(%dma_start3A_629 : memref<!tpu.dma_semaphore, #tpu.memory_space<semaphore_mem>>)
      %while3A_630 = arith.constant 0 : i32
      scf.yield %while3A_630 : i32
    }
    %while3A_181 = arith.constant 1 : i32
    %while3A_182 = scf.for %while3A_316 = %while3A_178 to %while3A_174 step %while3A_181 iter_args(%while3A_317 = %while3A_180) -> (i32)  : i32 {
      %dma_wait3A_318 = arith.constant 0 : i32
      %dma_wait3A_319 = arith.constant 0 : i32
      %dma_wait3A_320 = arith.constant 0 : i32
      %dma_wait3A_321 = tpu.memref_slice %arg2[%dma_wait3A_319, %dma_wait3A_320] : memref<10240x128xf32, #tpu.memory_space<hbm>> -> memref<10240x128xf32, #tpu.memory_space<hbm>>
      %dma_wait3A_322 = tpu.memref_slice %arg22[%dma_wait3A_318] : memref<4x!tpu.dma_semaphore, #tpu.memory_space<semaphore_mem>> -> memref<1x!tpu.dma_semaphore, #tpu.memory_space<semaphore_mem>>
      %dma_wait3A_323 = tpu.memref_squeeze %dma_wait3A_322 : memref<1x!tpu.dma_semaphore, #tpu.memory_space<semaphore_mem>> -> memref<!tpu.dma_semaphore, #tpu.memory_space<semaphore_mem>>
      tpu.wait_indirect_dma semaphore(%dma_wait3A_323 : memref<!tpu.dma_semaphore, #tpu.memory_space<semaphore_mem>>) src(%dma_wait3A_321 : memref<10240x128xf32, #tpu.memory_space<hbm>>) dst(%arg14 : memref<64x128xf32, #tpu.memory_space<vmem>>)
      %mul3A_324 = arith.constant 4 : i32
      %mul3A_325 = arith.muli %while3A_316, %mul3A_324 : i32
      %add3A_326 = arith.constant 0 : i32
      %add3A_327 = arith.addi %mul3A_325, %add3A_326 : i32
      %add3A_328 = arith.addi %select_n3A_26, %add3A_327 : i32
      %mul3A_329 = arith.constant 64 : i32
      %mul3A_330 = arith.muli %add3A_328, %mul3A_329 : i32
      %dma_wait3A_331 = arith.constant 0 : i32
      %dma_wait3A_332 = tpu.memref_slice %arg4[%mul3A_330] : memref<327680xi32, #tpu.memory_space<hbm>> -> memref<64xi32, #tpu.memory_space<hbm>>
      %dma_wait3A_333 = tpu.memref_slice %arg21[%dma_wait3A_331] : memref<4x!tpu.dma_semaphore, #tpu.memory_space<semaphore_mem>> -> memref<1x!tpu.dma_semaphore, #tpu.memory_space<semaphore_mem>>
      %dma_wait3A_334 = tpu.memref_squeeze %dma_wait3A_333 : memref<1x!tpu.dma_semaphore, #tpu.memory_space<semaphore_mem>> -> memref<!tpu.dma_semaphore, #tpu.memory_space<semaphore_mem>>
      %dma_wait3A_335 = tpu.memref_slice %arg4[%mul3A_330] : memref<327680xi32, #tpu.memory_space<hbm>> -> memref<64xi32, #tpu.memory_space<hbm>>
      tpu.wait_dma2 semaphore(%dma_wait3A_334 : memref<!tpu.dma_semaphore, #tpu.memory_space<semaphore_mem>>) src(%dma_wait3A_335 : memref<64xi32, #tpu.memory_space<hbm>>) dst(%arg10 : memref<64xi32, #tpu.memory_space<vmem>>)
      %dma_start3A_336 = arith.constant 0 : i32
      %dma_start3A_337 = arith.constant 0 : i32
      %dma_start3A_338 = arith.constant 0 : i32
      %dma_start3A_339 = tpu.memref_slice %arg19[%dma_start3A_337, %dma_start3A_338] : memref<10240x128xf32, #tpu.memory_space<vmem_shared>> -> memref<10240x128xf32, #tpu.memory_space<vmem_shared>>
      %dma_start3A_340 = tpu.memref_slice %arg23[%dma_start3A_336] : memref<4x!tpu.dma_semaphore, #tpu.memory_space<semaphore_mem>> -> memref<1x!tpu.dma_semaphore, #tpu.memory_space<semaphore_mem>>
      %dma_start3A_341 = tpu.memref_squeeze %dma_start3A_340 : memref<1x!tpu.dma_semaphore, #tpu.memory_space<semaphore_mem>> -> memref<!tpu.dma_semaphore, #tpu.memory_space<semaphore_mem>>
      tpu.enqueue_indirect_dma source(%arg14 : memref<64x128xf32, #tpu.memory_space<vmem>>) target(%dma_start3A_339 : memref<10240x128xf32, #tpu.memory_space<vmem_shared>>) offsets(%arg10 : memref<64xi32, #tpu.memory_space<vmem>>) semaphore(%dma_start3A_341 : memref<!tpu.dma_semaphore, #tpu.memory_space<semaphore_mem>>) {add = true}
      %dma_wait3A_342 = arith.constant 1 : i32
      %dma_wait3A_343 = arith.constant 0 : i32
      %dma_wait3A_344 = arith.constant 0 : i32
      %dma_wait3A_345 = tpu.memref_slice %arg2[%dma_wait3A_343, %dma_wait3A_344] : memref<10240x128xf32, #tpu.memory_space<hbm>> -> memref<10240x128xf32, #tpu.memory_space<hbm>>
      %dma_wait3A_346 = tpu.memref_slice %arg22[%dma_wait3A_342] : memref<4x!tpu.dma_semaphore, #tpu.memory_space<semaphore_mem>> -> memref<1x!tpu.dma_semaphore, #tpu.memory_space<semaphore_mem>>
      %dma_wait3A_347 = tpu.memref_squeeze %dma_wait3A_346 : memref<1x!tpu.dma_semaphore, #tpu.memory_space<semaphore_mem>> -> memref<!tpu.dma_semaphore, #tpu.memory_space<semaphore_mem>>
      tpu.wait_indirect_dma semaphore(%dma_wait3A_347 : memref<!tpu.dma_semaphore, #tpu.memory_space<semaphore_mem>>) src(%dma_wait3A_345 : memref<10240x128xf32, #tpu.memory_space<hbm>>) dst(%arg15 : memref<64x128xf32, #tpu.memory_space<vmem>>)
      %mul3A_348 = arith.constant 4 : i32
      %mul3A_349 = arith.muli %while3A_316, %mul3A_348 : i32
      %add3A_350 = arith.constant 1 : i32
      %add3A_351 = arith.addi %mul3A_349, %add3A_350 : i32
      %add3A_352 = arith.addi %select_n3A_26, %add3A_351 : i32
      %mul3A_353 = arith.constant 64 : i32
      %mul3A_354 = arith.muli %add3A_352, %mul3A_353 : i32
      %dma_wait3A_355 = arith.constant 1 : i32
      %dma_wait3A_356 = tpu.memref_slice %arg4[%mul3A_354] : memref<327680xi32, #tpu.memory_space<hbm>> -> memref<64xi32, #tpu.memory_space<hbm>>
      %dma_wait3A_357 = tpu.memref_slice %arg21[%dma_wait3A_355] : memref<4x!tpu.dma_semaphore, #tpu.memory_space<semaphore_mem>> -> memref<1x!tpu.dma_semaphore, #tpu.memory_space<semaphore_mem>>
      %dma_wait3A_358 = tpu.memref_squeeze %dma_wait3A_357 : memref<1x!tpu.dma_semaphore, #tpu.memory_space<semaphore_mem>> -> memref<!tpu.dma_semaphore, #tpu.memory_space<semaphore_mem>>
      %dma_wait3A_359 = tpu.memref_slice %arg4[%mul3A_354] : memref<327680xi32, #tpu.memory_space<hbm>> -> memref<64xi32, #tpu.memory_space<hbm>>
      tpu.wait_dma2 semaphore(%dma_wait3A_358 : memref<!tpu.dma_semaphore, #tpu.memory_space<semaphore_mem>>) src(%dma_wait3A_359 : memref<64xi32, #tpu.memory_space<hbm>>) dst(%arg11 : memref<64xi32, #tpu.memory_space<vmem>>)
      %dma_start3A_360 = arith.constant 1 : i32
      %dma_start3A_361 = arith.constant 0 : i32
      %dma_start3A_362 = arith.constant 0 : i32
      %dma_start3A_363 = tpu.memref_slice %arg19[%dma_start3A_361, %dma_start3A_362] : memref<10240x128xf32, #tpu.memory_space<vmem_shared>> -> memref<10240x128xf32, #tpu.memory_space<vmem_shared>>
      %dma_start3A_364 = tpu.memref_slice %arg23[%dma_start3A_360] : memref<4x!tpu.dma_semaphore, #tpu.memory_space<semaphore_mem>> -> memref<1x!tpu.dma_semaphore, #tpu.memory_space<semaphore_mem>>
      %dma_start3A_365 = tpu.memref_squeeze %dma_start3A_364 : memref<1x!tpu.dma_semaphore, #tpu.memory_space<semaphore_mem>> -> memref<!tpu.dma_semaphore, #tpu.memory_space<semaphore_mem>>
      tpu.enqueue_indirect_dma source(%arg15 : memref<64x128xf32, #tpu.memory_space<vmem>>) target(%dma_start3A_363 : memref<10240x128xf32, #tpu.memory_space<vmem_shared>>) offsets(%arg11 : memref<64xi32, #tpu.memory_space<vmem>>) semaphore(%dma_start3A_365 : memref<!tpu.dma_semaphore, #tpu.memory_space<semaphore_mem>>) {add = true}
      %dma_wait3A_366 = arith.constant 2 : i32
      %dma_wait3A_367 = arith.constant 0 : i32
      %dma_wait3A_368 = arith.constant 0 : i32
      %dma_wait3A_369 = tpu.memref_slice %arg2[%dma_wait3A_367, %dma_wait3A_368] : memref<10240x128xf32, #tpu.memory_space<hbm>> -> memref<10240x128xf32, #tpu.memory_space<hbm>>
      %dma_wait3A_370 = tpu.memref_slice %arg22[%dma_wait3A_366] : memref<4x!tpu.dma_semaphore, #tpu.memory_space<semaphore_mem>> -> memref<1x!tpu.dma_semaphore, #tpu.memory_space<semaphore_mem>>
      %dma_wait3A_371 = tpu.memref_squeeze %dma_wait3A_370 : memref<1x!tpu.dma_semaphore, #tpu.memory_space<semaphore_mem>> -> memref<!tpu.dma_semaphore, #tpu.memory_space<semaphore_mem>>
      tpu.wait_indirect_dma semaphore(%dma_wait3A_371 : memref<!tpu.dma_semaphore, #tpu.memory_space<semaphore_mem>>) src(%dma_wait3A_369 : memref<10240x128xf32, #tpu.memory_space<hbm>>) dst(%arg16 : memref<64x128xf32, #tpu.memory_space<vmem>>)
      %mul3A_372 = arith.constant 4 : i32
      %mul3A_373 = arith.muli %while3A_316, %mul3A_372 : i32
      %add3A_374 = arith.constant 2 : i32
      %add3A_375 = arith.addi %mul3A_373, %add3A_374 : i32
      %add3A_376 = arith.addi %select_n3A_26, %add3A_375 : i32
      %mul3A_377 = arith.constant 64 : i32
      %mul3A_378 = arith.muli %add3A_376, %mul3A_377 : i32
      %dma_wait3A_379 = arith.constant 2 : i32
      %dma_wait3A_380 = tpu.memref_slice %arg4[%mul3A_378] : memref<327680xi32, #tpu.memory_space<hbm>> -> memref<64xi32, #tpu.memory_space<hbm>>
      %dma_wait3A_381 = tpu.memref_slice %arg21[%dma_wait3A_379] : memref<4x!tpu.dma_semaphore, #tpu.memory_space<semaphore_mem>> -> memref<1x!tpu.dma_semaphore, #tpu.memory_space<semaphore_mem>>
      %dma_wait3A_382 = tpu.memref_squeeze %dma_wait3A_381 : memref<1x!tpu.dma_semaphore, #tpu.memory_space<semaphore_mem>> -> memref<!tpu.dma_semaphore, #tpu.memory_space<semaphore_mem>>
      %dma_wait3A_383 = tpu.memref_slice %arg4[%mul3A_378] : memref<327680xi32, #tpu.memory_space<hbm>> -> memref<64xi32, #tpu.memory_space<hbm>>
      tpu.wait_dma2 semaphore(%dma_wait3A_382 : memref<!tpu.dma_semaphore, #tpu.memory_space<semaphore_mem>>) src(%dma_wait3A_383 : memref<64xi32, #tpu.memory_space<hbm>>) dst(%arg12 : memref<64xi32, #tpu.memory_space<vmem>>)
      %dma_start3A_384 = arith.constant 2 : i32
      %dma_start3A_385 = arith.constant 0 : i32
      %dma_start3A_386 = arith.constant 0 : i32
      %dma_start3A_387 = tpu.memref_slice %arg19[%dma_start3A_385, %dma_start3A_386] : memref<10240x128xf32, #tpu.memory_space<vmem_shared>> -> memref<10240x128xf32, #tpu.memory_space<vmem_shared>>
      %dma_start3A_388 = tpu.memref_slice %arg23[%dma_start3A_384] : memref<4x!tpu.dma_semaphore, #tpu.memory_space<semaphore_mem>> -> memref<1x!tpu.dma_semaphore, #tpu.memory_space<semaphore_mem>>
      %dma_start3A_389 = tpu.memref_squeeze %dma_start3A_388 : memref<1x!tpu.dma_semaphore, #tpu.memory_space<semaphore_mem>> -> memref<!tpu.dma_semaphore, #tpu.memory_space<semaphore_mem>>
      tpu.enqueue_indirect_dma source(%arg16 : memref<64x128xf32, #tpu.memory_space<vmem>>) target(%dma_start3A_387 : memref<10240x128xf32, #tpu.memory_space<vmem_shared>>) offsets(%arg12 : memref<64xi32, #tpu.memory_space<vmem>>) semaphore(%dma_start3A_389 : memref<!tpu.dma_semaphore, #tpu.memory_space<semaphore_mem>>) {add = true}
      %dma_wait3A_390 = arith.constant 3 : i32
      %dma_wait3A_391 = arith.constant 0 : i32
      %dma_wait3A_392 = arith.constant 0 : i32
      %dma_wait3A_393 = tpu.memref_slice %arg2[%dma_wait3A_391, %dma_wait3A_392] : memref<10240x128xf32, #tpu.memory_space<hbm>> -> memref<10240x128xf32, #tpu.memory_space<hbm>>
      %dma_wait3A_394 = tpu.memref_slice %arg22[%dma_wait3A_390] : memref<4x!tpu.dma_semaphore, #tpu.memory_space<semaphore_mem>> -> memref<1x!tpu.dma_semaphore, #tpu.memory_space<semaphore_mem>>
      %dma_wait3A_395 = tpu.memref_squeeze %dma_wait3A_394 : memref<1x!tpu.dma_semaphore, #tpu.memory_space<semaphore_mem>> -> memref<!tpu.dma_semaphore, #tpu.memory_space<semaphore_mem>>
      tpu.wait_indirect_dma semaphore(%dma_wait3A_395 : memref<!tpu.dma_semaphore, #tpu.memory_space<semaphore_mem>>) src(%dma_wait3A_393 : memref<10240x128xf32, #tpu.memory_space<hbm>>) dst(%arg17 : memref<64x128xf32, #tpu.memory_space<vmem>>)
      %mul3A_396 = arith.constant 4 : i32
      %mul3A_397 = arith.muli %while3A_316, %mul3A_396 : i32
      %add3A_398 = arith.constant 3 : i32
      %add3A_399 = arith.addi %mul3A_397, %add3A_398 : i32
      %add3A_400 = arith.addi %select_n3A_26, %add3A_399 : i32
      %mul3A_401 = arith.constant 64 : i32
      %mul3A_402 = arith.muli %add3A_400, %mul3A_401 : i32
      %dma_wait3A_403 = arith.constant 3 : i32
      %dma_wait3A_404 = tpu.memref_slice %arg4[%mul3A_402] : memref<327680xi32, #tpu.memory_space<hbm>> -> memref<64xi32, #tpu.memory_space<hbm>>
      %dma_wait3A_405 = tpu.memref_slice %arg21[%dma_wait3A_403] : memref<4x!tpu.dma_semaphore, #tpu.memory_space<semaphore_mem>> -> memref<1x!tpu.dma_semaphore, #tpu.memory_space<semaphore_mem>>
      %dma_wait3A_406 = tpu.memref_squeeze %dma_wait3A_405 : memref<1x!tpu.dma_semaphore, #tpu.memory_space<semaphore_mem>> -> memref<!tpu.dma_semaphore, #tpu.memory_space<semaphore_mem>>
      %dma_wait3A_407 = tpu.memref_slice %arg4[%mul3A_402] : memref<327680xi32, #tpu.memory_space<hbm>> -> memref<64xi32, #tpu.memory_space<hbm>>
      tpu.wait_dma2 semaphore(%dma_wait3A_406 : memref<!tpu.dma_semaphore, #tpu.memory_space<semaphore_mem>>) src(%dma_wait3A_407 : memref<64xi32, #tpu.memory_space<hbm>>) dst(%arg13 : memref<64xi32, #tpu.memory_space<vmem>>)
      %dma_start3A_408 = arith.constant 3 : i32
      %dma_start3A_409 = arith.constant 0 : i32
      %dma_start3A_410 = arith.constant 0 : i32
      %dma_start3A_411 = tpu.memref_slice %arg19[%dma_start3A_409, %dma_start3A_410] : memref<10240x128xf32, #tpu.memory_space<vmem_shared>> -> memref<10240x128xf32, #tpu.memory_space<vmem_shared>>
      %dma_start3A_412 = tpu.memref_slice %arg23[%dma_start3A_408] : memref<4x!tpu.dma_semaphore, #tpu.memory_space<semaphore_mem>> -> memref<1x!tpu.dma_semaphore, #tpu.memory_space<semaphore_mem>>
      %dma_start3A_413 = tpu.memref_squeeze %dma_start3A_412 : memref<1x!tpu.dma_semaphore, #tpu.memory_space<semaphore_mem>> -> memref<!tpu.dma_semaphore, #tpu.memory_space<semaphore_mem>>
      tpu.enqueue_indirect_dma source(%arg17 : memref<64x128xf32, #tpu.memory_space<vmem>>) target(%dma_start3A_411 : memref<10240x128xf32, #tpu.memory_space<vmem_shared>>) offsets(%arg13 : memref<64xi32, #tpu.memory_space<vmem>>) semaphore(%dma_start3A_413 : memref<!tpu.dma_semaphore, #tpu.memory_space<semaphore_mem>>) {add = true}
      %dma_wait3A_414 = arith.constant 0 : i32
      %dma_wait3A_415 = arith.constant 0 : i32
      %dma_wait3A_416 = arith.constant 0 : i32
      %dma_wait3A_417 = tpu.memref_slice %arg19[%dma_wait3A_415, %dma_wait3A_416] : memref<10240x128xf32, #tpu.memory_space<vmem_shared>> -> memref<10240x128xf32, #tpu.memory_space<vmem_shared>>
      %dma_wait3A_418 = tpu.memref_slice %arg23[%dma_wait3A_414] : memref<4x!tpu.dma_semaphore, #tpu.memory_space<semaphore_mem>> -> memref<1x!tpu.dma_semaphore, #tpu.memory_space<semaphore_mem>>
      %dma_wait3A_419 = tpu.memref_squeeze %dma_wait3A_418 : memref<1x!tpu.dma_semaphore, #tpu.memory_space<semaphore_mem>> -> memref<!tpu.dma_semaphore, #tpu.memory_space<semaphore_mem>>
      tpu.wait_indirect_dma semaphore(%dma_wait3A_419 : memref<!tpu.dma_semaphore, #tpu.memory_space<semaphore_mem>>) src(%arg14 : memref<64x128xf32, #tpu.memory_space<vmem>>) dst(%dma_wait3A_417 : memref<10240x128xf32, #tpu.memory_space<vmem_shared>>)
      %add3A_420 = arith.constant 1 : i32
      %add3A_421 = arith.addi %while3A_316, %add3A_420 : i32
      %mul3A_422 = arith.constant 4 : i32
      %mul3A_423 = arith.muli %add3A_421, %mul3A_422 : i32
      %add3A_424 = arith.constant 0 : i32
      %add3A_425 = arith.addi %mul3A_423, %add3A_424 : i32
      %add3A_426 = arith.addi %select_n3A_26, %add3A_425 : i32
      %mul3A_427 = arith.constant 64 : i32
      %mul3A_428 = arith.muli %add3A_426, %mul3A_427 : i32
      %dma_start3A_429 = arith.constant 0 : i32
      %dma_start3A_430 = tpu.memref_slice %arg3[%mul3A_428] : memref<327680xi32, #tpu.memory_space<hbm>> -> memref<64xi32, #tpu.memory_space<hbm>>
      %dma_start3A_431 = tpu.memref_slice %arg20[%dma_start3A_429] : memref<4x!tpu.dma_semaphore, #tpu.memory_space<semaphore_mem>> -> memref<1x!tpu.dma_semaphore, #tpu.memory_space<semaphore_mem>>
      %dma_start3A_432 = tpu.memref_squeeze %dma_start3A_431 : memref<1x!tpu.dma_semaphore, #tpu.memory_space<semaphore_mem>> -> memref<!tpu.dma_semaphore, #tpu.memory_space<semaphore_mem>>
      %dma_start3A_433 = tpu.memref_slice %arg3[%mul3A_428] : memref<327680xi32, #tpu.memory_space<hbm>> -> memref<64xi32, #tpu.memory_space<hbm>>
      tpu.enqueue_dma source(%dma_start3A_433 : memref<64xi32, #tpu.memory_space<hbm>>) target(%arg6 : memref<64xi32, #tpu.memory_space<vmem>>) target_semaphore(%dma_start3A_432 : memref<!tpu.dma_semaphore, #tpu.memory_space<semaphore_mem>>)
      %add3A_434 = arith.constant 1 : i32
      %add3A_435 = arith.addi %while3A_316, %add3A_434 : i32
      %mul3A_436 = arith.constant 4 : i32
      %mul3A_437 = arith.muli %add3A_435, %mul3A_436 : i32
      %add3A_438 = arith.constant 0 : i32
      %add3A_439 = arith.addi %mul3A_437, %add3A_438 : i32
      %add3A_440 = arith.addi %select_n3A_26, %add3A_439 : i32
      %mul3A_441 = arith.constant 64 : i32
      %mul3A_442 = arith.muli %add3A_440, %mul3A_441 : i32
      %dma_start3A_443 = arith.constant 0 : i32
      %dma_start3A_444 = tpu.memref_slice %arg4[%mul3A_442] : memref<327680xi32, #tpu.memory_space<hbm>> -> memref<64xi32, #tpu.memory_space<hbm>>
      %dma_start3A_445 = tpu.memref_slice %arg21[%dma_start3A_443] : memref<4x!tpu.dma_semaphore, #tpu.memory_space<semaphore_mem>> -> memref<1x!tpu.dma_semaphore, #tpu.memory_space<semaphore_mem>>
      %dma_start3A_446 = tpu.memref_squeeze %dma_start3A_445 : memref<1x!tpu.dma_semaphore, #tpu.memory_space<semaphore_mem>> -> memref<!tpu.dma_semaphore, #tpu.memory_space<semaphore_mem>>
      %dma_start3A_447 = tpu.memref_slice %arg4[%mul3A_442] : memref<327680xi32, #tpu.memory_space<hbm>> -> memref<64xi32, #tpu.memory_space<hbm>>
      tpu.enqueue_dma source(%dma_start3A_447 : memref<64xi32, #tpu.memory_space<hbm>>) target(%arg10 : memref<64xi32, #tpu.memory_space<vmem>>) target_semaphore(%dma_start3A_446 : memref<!tpu.dma_semaphore, #tpu.memory_space<semaphore_mem>>)
      %dma_wait3A_448 = arith.constant 1 : i32
      %dma_wait3A_449 = arith.constant 0 : i32
      %dma_wait3A_450 = arith.constant 0 : i32
      %dma_wait3A_451 = tpu.memref_slice %arg19[%dma_wait3A_449, %dma_wait3A_450] : memref<10240x128xf32, #tpu.memory_space<vmem_shared>> -> memref<10240x128xf32, #tpu.memory_space<vmem_shared>>
      %dma_wait3A_452 = tpu.memref_slice %arg23[%dma_wait3A_448] : memref<4x!tpu.dma_semaphore, #tpu.memory_space<semaphore_mem>> -> memref<1x!tpu.dma_semaphore, #tpu.memory_space<semaphore_mem>>
      %dma_wait3A_453 = tpu.memref_squeeze %dma_wait3A_452 : memref<1x!tpu.dma_semaphore, #tpu.memory_space<semaphore_mem>> -> memref<!tpu.dma_semaphore, #tpu.memory_space<semaphore_mem>>
      tpu.wait_indirect_dma semaphore(%dma_wait3A_453 : memref<!tpu.dma_semaphore, #tpu.memory_space<semaphore_mem>>) src(%arg15 : memref<64x128xf32, #tpu.memory_space<vmem>>) dst(%dma_wait3A_451 : memref<10240x128xf32, #tpu.memory_space<vmem_shared>>)
      %add3A_454 = arith.constant 1 : i32
      %add3A_455 = arith.addi %while3A_316, %add3A_454 : i32
      %mul3A_456 = arith.constant 4 : i32
      %mul3A_457 = arith.muli %add3A_455, %mul3A_456 : i32
      %add3A_458 = arith.constant 1 : i32
      %add3A_459 = arith.addi %mul3A_457, %add3A_458 : i32
      %add3A_460 = arith.addi %select_n3A_26, %add3A_459 : i32
      %mul3A_461 = arith.constant 64 : i32
      %mul3A_462 = arith.muli %add3A_460, %mul3A_461 : i32
      %dma_start3A_463 = arith.constant 1 : i32
      %dma_start3A_464 = tpu.memref_slice %arg3[%mul3A_462] : memref<327680xi32, #tpu.memory_space<hbm>> -> memref<64xi32, #tpu.memory_space<hbm>>
      %dma_start3A_465 = tpu.memref_slice %arg20[%dma_start3A_463] : memref<4x!tpu.dma_semaphore, #tpu.memory_space<semaphore_mem>> -> memref<1x!tpu.dma_semaphore, #tpu.memory_space<semaphore_mem>>
      %dma_start3A_466 = tpu.memref_squeeze %dma_start3A_465 : memref<1x!tpu.dma_semaphore, #tpu.memory_space<semaphore_mem>> -> memref<!tpu.dma_semaphore, #tpu.memory_space<semaphore_mem>>
      %dma_start3A_467 = tpu.memref_slice %arg3[%mul3A_462] : memref<327680xi32, #tpu.memory_space<hbm>> -> memref<64xi32, #tpu.memory_space<hbm>>
      tpu.enqueue_dma source(%dma_start3A_467 : memref<64xi32, #tpu.memory_space<hbm>>) target(%arg7 : memref<64xi32, #tpu.memory_space<vmem>>) target_semaphore(%dma_start3A_466 : memref<!tpu.dma_semaphore, #tpu.memory_space<semaphore_mem>>)
      %add3A_468 = arith.constant 1 : i32
      %add3A_469 = arith.addi %while3A_316, %add3A_468 : i32
      %mul3A_470 = arith.constant 4 : i32
      %mul3A_471 = arith.muli %add3A_469, %mul3A_470 : i32
      %add3A_472 = arith.constant 1 : i32
      %add3A_473 = arith.addi %mul3A_471, %add3A_472 : i32
      %add3A_474 = arith.addi %select_n3A_26, %add3A_473 : i32
      %mul3A_475 = arith.constant 64 : i32
      %mul3A_476 = arith.muli %add3A_474, %mul3A_475 : i32
      %dma_start3A_477 = arith.constant 1 : i32
      %dma_start3A_478 = tpu.memref_slice %arg4[%mul3A_476] : memref<327680xi32, #tpu.memory_space<hbm>> -> memref<64xi32, #tpu.memory_space<hbm>>
      %dma_start3A_479 = tpu.memref_slice %arg21[%dma_start3A_477] : memref<4x!tpu.dma_semaphore, #tpu.memory_space<semaphore_mem>> -> memref<1x!tpu.dma_semaphore, #tpu.memory_space<semaphore_mem>>
      %dma_start3A_480 = tpu.memref_squeeze %dma_start3A_479 : memref<1x!tpu.dma_semaphore, #tpu.memory_space<semaphore_mem>> -> memref<!tpu.dma_semaphore, #tpu.memory_space<semaphore_mem>>
      %dma_start3A_481 = tpu.memref_slice %arg4[%mul3A_476] : memref<327680xi32, #tpu.memory_space<hbm>> -> memref<64xi32, #tpu.memory_space<hbm>>
      tpu.enqueue_dma source(%dma_start3A_481 : memref<64xi32, #tpu.memory_space<hbm>>) target(%arg11 : memref<64xi32, #tpu.memory_space<vmem>>) target_semaphore(%dma_start3A_480 : memref<!tpu.dma_semaphore, #tpu.memory_space<semaphore_mem>>)
      %dma_wait3A_482 = arith.constant 2 : i32
      %dma_wait3A_483 = arith.constant 0 : i32
      %dma_wait3A_484 = arith.constant 0 : i32
      %dma_wait3A_485 = tpu.memref_slice %arg19[%dma_wait3A_483, %dma_wait3A_484] : memref<10240x128xf32, #tpu.memory_space<vmem_shared>> -> memref<10240x128xf32, #tpu.memory_space<vmem_shared>>
      %dma_wait3A_486 = tpu.memref_slice %arg23[%dma_wait3A_482] : memref<4x!tpu.dma_semaphore, #tpu.memory_space<semaphore_mem>> -> memref<1x!tpu.dma_semaphore, #tpu.memory_space<semaphore_mem>>
      %dma_wait3A_487 = tpu.memref_squeeze %dma_wait3A_486 : memref<1x!tpu.dma_semaphore, #tpu.memory_space<semaphore_mem>> -> memref<!tpu.dma_semaphore, #tpu.memory_space<semaphore_mem>>
      tpu.wait_indirect_dma semaphore(%dma_wait3A_487 : memref<!tpu.dma_semaphore, #tpu.memory_space<semaphore_mem>>) src(%arg16 : memref<64x128xf32, #tpu.memory_space<vmem>>) dst(%dma_wait3A_485 : memref<10240x128xf32, #tpu.memory_space<vmem_shared>>)
      %add3A_488 = arith.constant 1 : i32
      %add3A_489 = arith.addi %while3A_316, %add3A_488 : i32
      %mul3A_490 = arith.constant 4 : i32
      %mul3A_491 = arith.muli %add3A_489, %mul3A_490 : i32
      %add3A_492 = arith.constant 2 : i32
      %add3A_493 = arith.addi %mul3A_491, %add3A_492 : i32
      %add3A_494 = arith.addi %select_n3A_26, %add3A_493 : i32
      %mul3A_495 = arith.constant 64 : i32
      %mul3A_496 = arith.muli %add3A_494, %mul3A_495 : i32
      %dma_start3A_497 = arith.constant 2 : i32
      %dma_start3A_498 = tpu.memref_slice %arg3[%mul3A_496] : memref<327680xi32, #tpu.memory_space<hbm>> -> memref<64xi32, #tpu.memory_space<hbm>>
      %dma_start3A_499 = tpu.memref_slice %arg20[%dma_start3A_497] : memref<4x!tpu.dma_semaphore, #tpu.memory_space<semaphore_mem>> -> memref<1x!tpu.dma_semaphore, #tpu.memory_space<semaphore_mem>>
      %dma_start3A_500 = tpu.memref_squeeze %dma_start3A_499 : memref<1x!tpu.dma_semaphore, #tpu.memory_space<semaphore_mem>> -> memref<!tpu.dma_semaphore, #tpu.memory_space<semaphore_mem>>
      %dma_start3A_501 = tpu.memref_slice %arg3[%mul3A_496] : memref<327680xi32, #tpu.memory_space<hbm>> -> memref<64xi32, #tpu.memory_space<hbm>>
      tpu.enqueue_dma source(%dma_start3A_501 : memref<64xi32, #tpu.memory_space<hbm>>) target(%arg8 : memref<64xi32, #tpu.memory_space<vmem>>) target_semaphore(%dma_start3A_500 : memref<!tpu.dma_semaphore, #tpu.memory_space<semaphore_mem>>)
      %add3A_502 = arith.constant 1 : i32
      %add3A_503 = arith.addi %while3A_316, %add3A_502 : i32
      %mul3A_504 = arith.constant 4 : i32
      %mul3A_505 = arith.muli %add3A_503, %mul3A_504 : i32
      %add3A_506 = arith.constant 2 : i32
      %add3A_507 = arith.addi %mul3A_505, %add3A_506 : i32
      %add3A_508 = arith.addi %select_n3A_26, %add3A_507 : i32
      %mul3A_509 = arith.constant 64 : i32
      %mul3A_510 = arith.muli %add3A_508, %mul3A_509 : i32
      %dma_start3A_511 = arith.constant 2 : i32
      %dma_start3A_512 = tpu.memref_slice %arg4[%mul3A_510] : memref<327680xi32, #tpu.memory_space<hbm>> -> memref<64xi32, #tpu.memory_space<hbm>>
      %dma_start3A_513 = tpu.memref_slice %arg21[%dma_start3A_511] : memref<4x!tpu.dma_semaphore, #tpu.memory_space<semaphore_mem>> -> memref<1x!tpu.dma_semaphore, #tpu.memory_space<semaphore_mem>>
      %dma_start3A_514 = tpu.memref_squeeze %dma_start3A_513 : memref<1x!tpu.dma_semaphore, #tpu.memory_space<semaphore_mem>> -> memref<!tpu.dma_semaphore, #tpu.memory_space<semaphore_mem>>
      %dma_start3A_515 = tpu.memref_slice %arg4[%mul3A_510] : memref<327680xi32, #tpu.memory_space<hbm>> -> memref<64xi32, #tpu.memory_space<hbm>>
      tpu.enqueue_dma source(%dma_start3A_515 : memref<64xi32, #tpu.memory_space<hbm>>) target(%arg12 : memref<64xi32, #tpu.memory_space<vmem>>) target_semaphore(%dma_start3A_514 : memref<!tpu.dma_semaphore, #tpu.memory_space<semaphore_mem>>)
      %dma_wait3A_516 = arith.constant 3 : i32
      %dma_wait3A_517 = arith.constant 0 : i32
      %dma_wait3A_518 = arith.constant 0 : i32
      %dma_wait3A_519 = tpu.memref_slice %arg19[%dma_wait3A_517, %dma_wait3A_518] : memref<10240x128xf32, #tpu.memory_space<vmem_shared>> -> memref<10240x128xf32, #tpu.memory_space<vmem_shared>>
      %dma_wait3A_520 = tpu.memref_slice %arg23[%dma_wait3A_516] : memref<4x!tpu.dma_semaphore, #tpu.memory_space<semaphore_mem>> -> memref<1x!tpu.dma_semaphore, #tpu.memory_space<semaphore_mem>>
      %dma_wait3A_521 = tpu.memref_squeeze %dma_wait3A_520 : memref<1x!tpu.dma_semaphore, #tpu.memory_space<semaphore_mem>> -> memref<!tpu.dma_semaphore, #tpu.memory_space<semaphore_mem>>
      tpu.wait_indirect_dma semaphore(%dma_wait3A_521 : memref<!tpu.dma_semaphore, #tpu.memory_space<semaphore_mem>>) src(%arg17 : memref<64x128xf32, #tpu.memory_space<vmem>>) dst(%dma_wait3A_519 : memref<10240x128xf32, #tpu.memory_space<vmem_shared>>)
      %add3A_522 = arith.constant 1 : i32
      %add3A_523 = arith.addi %while3A_316, %add3A_522 : i32
      %mul3A_524 = arith.constant 4 : i32
      %mul3A_525 = arith.muli %add3A_523, %mul3A_524 : i32
      %add3A_526 = arith.constant 3 : i32
      %add3A_527 = arith.addi %mul3A_525, %add3A_526 : i32
      %add3A_528 = arith.addi %select_n3A_26, %add3A_527 : i32
      %mul3A_529 = arith.constant 64 : i32
      %mul3A_530 = arith.muli %add3A_528, %mul3A_529 : i32
      %dma_start3A_531 = arith.constant 3 : i32
      %dma_start3A_532 = tpu.memref_slice %arg3[%mul3A_530] : memref<327680xi32, #tpu.memory_space<hbm>> -> memref<64xi32, #tpu.memory_space<hbm>>
      %dma_start3A_533 = tpu.memref_slice %arg20[%dma_start3A_531] : memref<4x!tpu.dma_semaphore, #tpu.memory_space<semaphore_mem>> -> memref<1x!tpu.dma_semaphore, #tpu.memory_space<semaphore_mem>>
      %dma_start3A_534 = tpu.memref_squeeze %dma_start3A_533 : memref<1x!tpu.dma_semaphore, #tpu.memory_space<semaphore_mem>> -> memref<!tpu.dma_semaphore, #tpu.memory_space<semaphore_mem>>
      %dma_start3A_535 = tpu.memref_slice %arg3[%mul3A_530] : memref<327680xi32, #tpu.memory_space<hbm>> -> memref<64xi32, #tpu.memory_space<hbm>>
      tpu.enqueue_dma source(%dma_start3A_535 : memref<64xi32, #tpu.memory_space<hbm>>) target(%arg9 : memref<64xi32, #tpu.memory_space<vmem>>) target_semaphore(%dma_start3A_534 : memref<!tpu.dma_semaphore, #tpu.memory_space<semaphore_mem>>)
      %add3A_536 = arith.constant 1 : i32
      %add3A_537 = arith.addi %while3A_316, %add3A_536 : i32
      %mul3A_538 = arith.constant 4 : i32
      %mul3A_539 = arith.muli %add3A_537, %mul3A_538 : i32
      %add3A_540 = arith.constant 3 : i32
      %add3A_541 = arith.addi %mul3A_539, %add3A_540 : i32
      %add3A_542 = arith.addi %select_n3A_26, %add3A_541 : i32
      %mul3A_543 = arith.constant 64 : i32
      %mul3A_544 = arith.muli %add3A_542, %mul3A_543 : i32
      %dma_start3A_545 = arith.constant 3 : i32
      %dma_start3A_546 = tpu.memref_slice %arg4[%mul3A_544] : memref<327680xi32, #tpu.memory_space<hbm>> -> memref<64xi32, #tpu.memory_space<hbm>>
      %dma_start3A_547 = tpu.memref_slice %arg21[%dma_start3A_545] : memref<4x!tpu.dma_semaphore, #tpu.memory_space<semaphore_mem>> -> memref<1x!tpu.dma_semaphore, #tpu.memory_space<semaphore_mem>>
      %dma_start3A_548 = tpu.memref_squeeze %dma_start3A_547 : memref<1x!tpu.dma_semaphore, #tpu.memory_space<semaphore_mem>> -> memref<!tpu.dma_semaphore, #tpu.memory_space<semaphore_mem>>
      %dma_start3A_549 = tpu.memref_slice %arg4[%mul3A_544] : memref<327680xi32, #tpu.memory_space<hbm>> -> memref<64xi32, #tpu.memory_space<hbm>>
      tpu.enqueue_dma source(%dma_start3A_549 : memref<64xi32, #tpu.memory_space<hbm>>) target(%arg13 : memref<64xi32, #tpu.memory_space<vmem>>) target_semaphore(%dma_start3A_548 : memref<!tpu.dma_semaphore, #tpu.memory_space<semaphore_mem>>)
      %add3A_550 = arith.constant 1 : i32
      %add3A_551 = arith.addi %while3A_316, %add3A_550 : i32
      %mul3A_552 = arith.constant 4 : i32
      %mul3A_553 = arith.muli %add3A_551, %mul3A_552 : i32
      %add3A_554 = arith.constant 0 : i32
      %add3A_555 = arith.addi %mul3A_553, %add3A_554 : i32
      %add3A_556 = arith.addi %select_n3A_26, %add3A_555 : i32
      %mul3A_557 = arith.constant 64 : i32
      %mul3A_558 = arith.muli %add3A_556, %mul3A_557 : i32
      %dma_wait3A_559 = arith.constant 0 : i32
      %dma_wait3A_560 = tpu.memref_slice %arg3[%mul3A_558] : memref<327680xi32, #tpu.memory_space<hbm>> -> memref<64xi32, #tpu.memory_space<hbm>>
      %dma_wait3A_561 = tpu.memref_slice %arg20[%dma_wait3A_559] : memref<4x!tpu.dma_semaphore, #tpu.memory_space<semaphore_mem>> -> memref<1x!tpu.dma_semaphore, #tpu.memory_space<semaphore_mem>>
      %dma_wait3A_562 = tpu.memref_squeeze %dma_wait3A_561 : memref<1x!tpu.dma_semaphore, #tpu.memory_space<semaphore_mem>> -> memref<!tpu.dma_semaphore, #tpu.memory_space<semaphore_mem>>
      %dma_wait3A_563 = tpu.memref_slice %arg3[%mul3A_558] : memref<327680xi32, #tpu.memory_space<hbm>> -> memref<64xi32, #tpu.memory_space<hbm>>
      tpu.wait_dma2 semaphore(%dma_wait3A_562 : memref<!tpu.dma_semaphore, #tpu.memory_space<semaphore_mem>>) src(%dma_wait3A_563 : memref<64xi32, #tpu.memory_space<hbm>>) dst(%arg6 : memref<64xi32, #tpu.memory_space<vmem>>)
      %dma_start3A_564 = arith.constant 0 : i32
      %dma_start3A_565 = arith.constant 0 : i32
      %dma_start3A_566 = arith.constant 0 : i32
      %dma_start3A_567 = tpu.memref_slice %arg2[%dma_start3A_565, %dma_start3A_566] : memref<10240x128xf32, #tpu.memory_space<hbm>> -> memref<10240x128xf32, #tpu.memory_space<hbm>>
      %dma_start3A_568 = tpu.memref_slice %arg22[%dma_start3A_564] : memref<4x!tpu.dma_semaphore, #tpu.memory_space<semaphore_mem>> -> memref<1x!tpu.dma_semaphore, #tpu.memory_space<semaphore_mem>>
      %dma_start3A_569 = tpu.memref_squeeze %dma_start3A_568 : memref<1x!tpu.dma_semaphore, #tpu.memory_space<semaphore_mem>> -> memref<!tpu.dma_semaphore, #tpu.memory_space<semaphore_mem>>
      tpu.enqueue_indirect_dma source(%dma_start3A_567 : memref<10240x128xf32, #tpu.memory_space<hbm>>) target(%arg14 : memref<64x128xf32, #tpu.memory_space<vmem>>) offsets(%arg6 : memref<64xi32, #tpu.memory_space<vmem>>) semaphore(%dma_start3A_569 : memref<!tpu.dma_semaphore, #tpu.memory_space<semaphore_mem>>)
      %add3A_570 = arith.constant 1 : i32
      %add3A_571 = arith.addi %while3A_316, %add3A_570 : i32
      %mul3A_572 = arith.constant 4 : i32
      %mul3A_573 = arith.muli %add3A_571, %mul3A_572 : i32
      %add3A_574 = arith.constant 1 : i32
      %add3A_575 = arith.addi %mul3A_573, %add3A_574 : i32
      %add3A_576 = arith.addi %select_n3A_26, %add3A_575 : i32
      %mul3A_577 = arith.constant 64 : i32
      %mul3A_578 = arith.muli %add3A_576, %mul3A_577 : i32
      %dma_wait3A_579 = arith.constant 1 : i32
      %dma_wait3A_580 = tpu.memref_slice %arg3[%mul3A_578] : memref<327680xi32, #tpu.memory_space<hbm>> -> memref<64xi32, #tpu.memory_space<hbm>>
      %dma_wait3A_581 = tpu.memref_slice %arg20[%dma_wait3A_579] : memref<4x!tpu.dma_semaphore, #tpu.memory_space<semaphore_mem>> -> memref<1x!tpu.dma_semaphore, #tpu.memory_space<semaphore_mem>>
      %dma_wait3A_582 = tpu.memref_squeeze %dma_wait3A_581 : memref<1x!tpu.dma_semaphore, #tpu.memory_space<semaphore_mem>> -> memref<!tpu.dma_semaphore, #tpu.memory_space<semaphore_mem>>
      %dma_wait3A_583 = tpu.memref_slice %arg3[%mul3A_578] : memref<327680xi32, #tpu.memory_space<hbm>> -> memref<64xi32, #tpu.memory_space<hbm>>
      tpu.wait_dma2 semaphore(%dma_wait3A_582 : memref<!tpu.dma_semaphore, #tpu.memory_space<semaphore_mem>>) src(%dma_wait3A_583 : memref<64xi32, #tpu.memory_space<hbm>>) dst(%arg7 : memref<64xi32, #tpu.memory_space<vmem>>)
      %dma_start3A_584 = arith.constant 1 : i32
      %dma_start3A_585 = arith.constant 0 : i32
      %dma_start3A_586 = arith.constant 0 : i32
      %dma_start3A_587 = tpu.memref_slice %arg2[%dma_start3A_585, %dma_start3A_586] : memref<10240x128xf32, #tpu.memory_space<hbm>> -> memref<10240x128xf32, #tpu.memory_space<hbm>>
      %dma_start3A_588 = tpu.memref_slice %arg22[%dma_start3A_584] : memref<4x!tpu.dma_semaphore, #tpu.memory_space<semaphore_mem>> -> memref<1x!tpu.dma_semaphore, #tpu.memory_space<semaphore_mem>>
      %dma_start3A_589 = tpu.memref_squeeze %dma_start3A_588 : memref<1x!tpu.dma_semaphore, #tpu.memory_space<semaphore_mem>> -> memref<!tpu.dma_semaphore, #tpu.memory_space<semaphore_mem>>
      tpu.enqueue_indirect_dma source(%dma_start3A_587 : memref<10240x128xf32, #tpu.memory_space<hbm>>) target(%arg15 : memref<64x128xf32, #tpu.memory_space<vmem>>) offsets(%arg7 : memref<64xi32, #tpu.memory_space<vmem>>) semaphore(%dma_start3A_589 : memref<!tpu.dma_semaphore, #tpu.memory_space<semaphore_mem>>)
      %add3A_590 = arith.constant 1 : i32
      %add3A_591 = arith.addi %while3A_316, %add3A_590 : i32
      %mul3A_592 = arith.constant 4 : i32
      %mul3A_593 = arith.muli %add3A_591, %mul3A_592 : i32
      %add3A_594 = arith.constant 2 : i32
      %add3A_595 = arith.addi %mul3A_593, %add3A_594 : i32
      %add3A_596 = arith.addi %select_n3A_26, %add3A_595 : i32
      %mul3A_597 = arith.constant 64 : i32
      %mul3A_598 = arith.muli %add3A_596, %mul3A_597 : i32
      %dma_wait3A_599 = arith.constant 2 : i32
      %dma_wait3A_600 = tpu.memref_slice %arg3[%mul3A_598] : memref<327680xi32, #tpu.memory_space<hbm>> -> memref<64xi32, #tpu.memory_space<hbm>>
      %dma_wait3A_601 = tpu.memref_slice %arg20[%dma_wait3A_599] : memref<4x!tpu.dma_semaphore, #tpu.memory_space<semaphore_mem>> -> memref<1x!tpu.dma_semaphore, #tpu.memory_space<semaphore_mem>>
      %dma_wait3A_602 = tpu.memref_squeeze %dma_wait3A_601 : memref<1x!tpu.dma_semaphore, #tpu.memory_space<semaphore_mem>> -> memref<!tpu.dma_semaphore, #tpu.memory_space<semaphore_mem>>
      %dma_wait3A_603 = tpu.memref_slice %arg3[%mul3A_598] : memref<327680xi32, #tpu.memory_space<hbm>> -> memref<64xi32, #tpu.memory_space<hbm>>
      tpu.wait_dma2 semaphore(%dma_wait3A_602 : memref<!tpu.dma_semaphore, #tpu.memory_space<semaphore_mem>>) src(%dma_wait3A_603 : memref<64xi32, #tpu.memory_space<hbm>>) dst(%arg8 : memref<64xi32, #tpu.memory_space<vmem>>)
      %dma_start3A_604 = arith.constant 2 : i32
      %dma_start3A_605 = arith.constant 0 : i32
      %dma_start3A_606 = arith.constant 0 : i32
      %dma_start3A_607 = tpu.memref_slice %arg2[%dma_start3A_605, %dma_start3A_606] : memref<10240x128xf32, #tpu.memory_space<hbm>> -> memref<10240x128xf32, #tpu.memory_space<hbm>>
      %dma_start3A_608 = tpu.memref_slice %arg22[%dma_start3A_604] : memref<4x!tpu.dma_semaphore, #tpu.memory_space<semaphore_mem>> -> memref<1x!tpu.dma_semaphore, #tpu.memory_space<semaphore_mem>>
      %dma_start3A_609 = tpu.memref_squeeze %dma_start3A_608 : memref<1x!tpu.dma_semaphore, #tpu.memory_space<semaphore_mem>> -> memref<!tpu.dma_semaphore, #tpu.memory_space<semaphore_mem>>
      tpu.enqueue_indirect_dma source(%dma_start3A_607 : memref<10240x128xf32, #tpu.memory_space<hbm>>) target(%arg16 : memref<64x128xf32, #tpu.memory_space<vmem>>) offsets(%arg8 : memref<64xi32, #tpu.memory_space<vmem>>) semaphore(%dma_start3A_609 : memref<!tpu.dma_semaphore, #tpu.memory_space<semaphore_mem>>)
      %add3A_610 = arith.constant 1 : i32
      %add3A_611 = arith.addi %while3A_316, %add3A_610 : i32
      %mul3A_612 = arith.constant 4 : i32
      %mul3A_613 = arith.muli %add3A_611, %mul3A_612 : i32
      %add3A_614 = arith.constant 3 : i32
      %add3A_615 = arith.addi %mul3A_613, %add3A_614 : i32
      %add3A_616 = arith.addi %select_n3A_26, %add3A_615 : i32
      %mul3A_617 = arith.constant 64 : i32
      %mul3A_618 = arith.muli %add3A_616, %mul3A_617 : i32
      %dma_wait3A_619 = arith.constant 3 : i32
      %dma_wait3A_620 = tpu.memref_slice %arg3[%mul3A_618] : memref<327680xi32, #tpu.memory_space<hbm>> -> memref<64xi32, #tpu.memory_space<hbm>>
      %dma_wait3A_621 = tpu.memref_slice %arg20[%dma_wait3A_619] : memref<4x!tpu.dma_semaphore, #tpu.memory_space<semaphore_mem>> -> memref<1x!tpu.dma_semaphore, #tpu.memory_space<semaphore_mem>>
      %dma_wait3A_622 = tpu.memref_squeeze %dma_wait3A_621 : memref<1x!tpu.dma_semaphore, #tpu.memory_space<semaphore_mem>> -> memref<!tpu.dma_semaphore, #tpu.memory_space<semaphore_mem>>
      %dma_wait3A_623 = tpu.memref_slice %arg3[%mul3A_618] : memref<327680xi32, #tpu.memory_space<hbm>> -> memref<64xi32, #tpu.memory_space<hbm>>
      tpu.wait_dma2 semaphore(%dma_wait3A_622 : memref<!tpu.dma_semaphore, #tpu.memory_space<semaphore_mem>>) src(%dma_wait3A_623 : memref<64xi32, #tpu.memory_space<hbm>>) dst(%arg9 : memref<64xi32, #tpu.memory_space<vmem>>)
      %dma_start3A_624 = arith.constant 3 : i32
      %dma_start3A_625 = arith.constant 0 : i32
      %dma_start3A_626 = arith.constant 0 : i32
      %dma_start3A_627 = tpu.memref_slice %arg2[%dma_start3A_625, %dma_start3A_626] : memref<10240x128xf32, #tpu.memory_space<hbm>> -> memref<10240x128xf32, #tpu.memory_space<hbm>>
      %dma_start3A_628 = tpu.memref_slice %arg22[%dma_start3A_624] : memref<4x!tpu.dma_semaphore, #tpu.memory_space<semaphore_mem>> -> memref<1x!tpu.dma_semaphore, #tpu.memory_space<semaphore_mem>>
      %dma_start3A_629 = tpu.memref_squeeze %dma_start3A_628 : memref<1x!tpu.dma_semaphore, #tpu.memory_space<semaphore_mem>> -> memref<!tpu.dma_semaphore, #tpu.memory_space<semaphore_mem>>
      tpu.enqueue_indirect_dma source(%dma_start3A_627 : memref<10240x128xf32, #tpu.memory_space<hbm>>) target(%arg17 : memref<64x128xf32, #tpu.memory_space<vmem>>) offsets(%arg9 : memref<64xi32, #tpu.memory_space<vmem>>) semaphore(%dma_start3A_629 : memref<!tpu.dma_semaphore, #tpu.memory_space<semaphore_mem>>)
      %while3A_630 = arith.constant 0 : i32
      scf.yield %while3A_630 : i32
    }
    %dma_wait3A_183 = arith.constant 0 : i32
    %dma_wait3A_184 = arith.constant 0 : i32
    %dma_wait3A_185 = arith.constant 0 : i32
    %dma_wait3A_186 = tpu.memref_slice %arg2[%dma_wait3A_184, %dma_wait3A_185] : memref<10240x128xf32, #tpu.memory_space<hbm>> -> memref<10240x128xf32, #tpu.memory_space<hbm>>
    %dma_wait3A_187 = tpu.memref_slice %arg22[%dma_wait3A_183] : memref<4x!tpu.dma_semaphore, #tpu.memory_space<semaphore_mem>> -> memref<1x!tpu.dma_semaphore, #tpu.memory_space<semaphore_mem>>
    %dma_wait3A_188 = tpu.memref_squeeze %dma_wait3A_187 : memref<1x!tpu.dma_semaphore, #tpu.memory_space<semaphore_mem>> -> memref<!tpu.dma_semaphore, #tpu.memory_space<semaphore_mem>>
    tpu.wait_indirect_dma semaphore(%dma_wait3A_188 : memref<!tpu.dma_semaphore, #tpu.memory_space<semaphore_mem>>) src(%dma_wait3A_186 : memref<10240x128xf32, #tpu.memory_space<hbm>>) dst(%arg14 : memref<64x128xf32, #tpu.memory_space<vmem>>)
    %sub3A_189 = arith.constant 1 : i32
    %sub3A_190 = arith.subi %select_n3A_19, %sub3A_189 : i32
    %mul3A_191 = arith.constant 4 : i32
    %mul3A_192 = arith.muli %sub3A_190, %mul3A_191 : i32
    %add3A_193 = arith.constant 0 : i32
    %add3A_194 = arith.addi %mul3A_192, %add3A_193 : i32
    %add3A_195 = arith.addi %select_n3A_26, %add3A_194 : i32
    %mul3A_196 = arith.constant 64 : i32
    %mul3A_197 = arith.muli %add3A_195, %mul3A_196 : i32
    %dma_wait3A_198 = arith.constant 0 : i32
    %dma_wait3A_199 = tpu.memref_slice %arg4[%mul3A_197] : memref<327680xi32, #tpu.memory_space<hbm>> -> memref<64xi32, #tpu.memory_space<hbm>>
    %dma_wait3A_200 = tpu.memref_slice %arg21[%dma_wait3A_198] : memref<4x!tpu.dma_semaphore, #tpu.memory_space<semaphore_mem>> -> memref<1x!tpu.dma_semaphore, #tpu.memory_space<semaphore_mem>>
    %dma_wait3A_201 = tpu.memref_squeeze %dma_wait3A_200 : memref<1x!tpu.dma_semaphore, #tpu.memory_space<semaphore_mem>> -> memref<!tpu.dma_semaphore, #tpu.memory_space<semaphore_mem>>
    %dma_wait3A_202 = tpu.memref_slice %arg4[%mul3A_197] : memref<327680xi32, #tpu.memory_space<hbm>> -> memref<64xi32, #tpu.memory_space<hbm>>
    tpu.wait_dma2 semaphore(%dma_wait3A_201 : memref<!tpu.dma_semaphore, #tpu.memory_space<semaphore_mem>>) src(%dma_wait3A_202 : memref<64xi32, #tpu.memory_space<hbm>>) dst(%arg10 : memref<64xi32, #tpu.memory_space<vmem>>)
    %dma_start3A_203 = arith.constant 0 : i32
    %dma_start3A_204 = arith.constant 0 : i32
    %dma_start3A_205 = arith.constant 0 : i32
    %dma_start3A_206 = tpu.memref_slice %arg19[%dma_start3A_204, %dma_start3A_205] : memref<10240x128xf32, #tpu.memory_space<vmem_shared>> -> memref<10240x128xf32, #tpu.memory_space<vmem_shared>>
    %dma_start3A_207 = tpu.memref_slice %arg23[%dma_start3A_203] : memref<4x!tpu.dma_semaphore, #tpu.memory_space<semaphore_mem>> -> memref<1x!tpu.dma_semaphore, #tpu.memory_space<semaphore_mem>>
    %dma_start3A_208 = tpu.memref_squeeze %dma_start3A_207 : memref<1x!tpu.dma_semaphore, #tpu.memory_space<semaphore_mem>> -> memref<!tpu.dma_semaphore, #tpu.memory_space<semaphore_mem>>
    tpu.enqueue_indirect_dma source(%arg14 : memref<64x128xf32, #tpu.memory_space<vmem>>) target(%dma_start3A_206 : memref<10240x128xf32, #tpu.memory_space<vmem_shared>>) offsets(%arg10 : memref<64xi32, #tpu.memory_space<vmem>>) semaphore(%dma_start3A_208 : memref<!tpu.dma_semaphore, #tpu.memory_space<semaphore_mem>>) {add = true}
    %dma_wait3A_209 = arith.constant 1 : i32
    %dma_wait3A_210 = arith.constant 0 : i32
    %dma_wait3A_211 = arith.constant 0 : i32
    %dma_wait3A_212 = tpu.memref_slice %arg2[%dma_wait3A_210, %dma_wait3A_211] : memref<10240x128xf32, #tpu.memory_space<hbm>> -> memref<10240x128xf32, #tpu.memory_space<hbm>>
    %dma_wait3A_213 = tpu.memref_slice %arg22[%dma_wait3A_209] : memref<4x!tpu.dma_semaphore, #tpu.memory_space<semaphore_mem>> -> memref<1x!tpu.dma_semaphore, #tpu.memory_space<semaphore_mem>>
    %dma_wait3A_214 = tpu.memref_squeeze %dma_wait3A_213 : memref<1x!tpu.dma_semaphore, #tpu.memory_space<semaphore_mem>> -> memref<!tpu.dma_semaphore, #tpu.memory_space<semaphore_mem>>
    tpu.wait_indirect_dma semaphore(%dma_wait3A_214 : memref<!tpu.dma_semaphore, #tpu.memory_space<semaphore_mem>>) src(%dma_wait3A_212 : memref<10240x128xf32, #tpu.memory_space<hbm>>) dst(%arg15 : memref<64x128xf32, #tpu.memory_space<vmem>>)
    %sub3A_215 = arith.constant 1 : i32
    %sub3A_216 = arith.subi %select_n3A_19, %sub3A_215 : i32
    %mul3A_217 = arith.constant 4 : i32
    %mul3A_218 = arith.muli %sub3A_216, %mul3A_217 : i32
    %add3A_219 = arith.constant 1 : i32
    %add3A_220 = arith.addi %mul3A_218, %add3A_219 : i32
    %add3A_221 = arith.addi %select_n3A_26, %add3A_220 : i32
    %mul3A_222 = arith.constant 64 : i32
    %mul3A_223 = arith.muli %add3A_221, %mul3A_222 : i32
    %dma_wait3A_224 = arith.constant 1 : i32
    %dma_wait3A_225 = tpu.memref_slice %arg4[%mul3A_223] : memref<327680xi32, #tpu.memory_space<hbm>> -> memref<64xi32, #tpu.memory_space<hbm>>
    %dma_wait3A_226 = tpu.memref_slice %arg21[%dma_wait3A_224] : memref<4x!tpu.dma_semaphore, #tpu.memory_space<semaphore_mem>> -> memref<1x!tpu.dma_semaphore, #tpu.memory_space<semaphore_mem>>
    %dma_wait3A_227 = tpu.memref_squeeze %dma_wait3A_226 : memref<1x!tpu.dma_semaphore, #tpu.memory_space<semaphore_mem>> -> memref<!tpu.dma_semaphore, #tpu.memory_space<semaphore_mem>>
    %dma_wait3A_228 = tpu.memref_slice %arg4[%mul3A_223] : memref<327680xi32, #tpu.memory_space<hbm>> -> memref<64xi32, #tpu.memory_space<hbm>>
    tpu.wait_dma2 semaphore(%dma_wait3A_227 : memref<!tpu.dma_semaphore, #tpu.memory_space<semaphore_mem>>) src(%dma_wait3A_228 : memref<64xi32, #tpu.memory_space<hbm>>) dst(%arg11 : memref<64xi32, #tpu.memory_space<vmem>>)
    %dma_start3A_229 = arith.constant 1 : i32
    %dma_start3A_230 = arith.constant 0 : i32
    %dma_start3A_231 = arith.constant 0 : i32
    %dma_start3A_232 = tpu.memref_slice %arg19[%dma_start3A_230, %dma_start3A_231] : memref<10240x128xf32, #tpu.memory_space<vmem_shared>> -> memref<10240x128xf32, #tpu.memory_space<vmem_shared>>
    %dma_start3A_233 = tpu.memref_slice %arg23[%dma_start3A_229] : memref<4x!tpu.dma_semaphore, #tpu.memory_space<semaphore_mem>> -> memref<1x!tpu.dma_semaphore, #tpu.memory_space<semaphore_mem>>
    %dma_start3A_234 = tpu.memref_squeeze %dma_start3A_233 : memref<1x!tpu.dma_semaphore, #tpu.memory_space<semaphore_mem>> -> memref<!tpu.dma_semaphore, #tpu.memory_space<semaphore_mem>>
    tpu.enqueue_indirect_dma source(%arg15 : memref<64x128xf32, #tpu.memory_space<vmem>>) target(%dma_start3A_232 : memref<10240x128xf32, #tpu.memory_space<vmem_shared>>) offsets(%arg11 : memref<64xi32, #tpu.memory_space<vmem>>) semaphore(%dma_start3A_234 : memref<!tpu.dma_semaphore, #tpu.memory_space<semaphore_mem>>) {add = true}
    %dma_wait3A_235 = arith.constant 2 : i32
    %dma_wait3A_236 = arith.constant 0 : i32
    %dma_wait3A_237 = arith.constant 0 : i32
    %dma_wait3A_238 = tpu.memref_slice %arg2[%dma_wait3A_236, %dma_wait3A_237] : memref<10240x128xf32, #tpu.memory_space<hbm>> -> memref<10240x128xf32, #tpu.memory_space<hbm>>
    %dma_wait3A_239 = tpu.memref_slice %arg22[%dma_wait3A_235] : memref<4x!tpu.dma_semaphore, #tpu.memory_space<semaphore_mem>> -> memref<1x!tpu.dma_semaphore, #tpu.memory_space<semaphore_mem>>
    %dma_wait3A_240 = tpu.memref_squeeze %dma_wait3A_239 : memref<1x!tpu.dma_semaphore, #tpu.memory_space<semaphore_mem>> -> memref<!tpu.dma_semaphore, #tpu.memory_space<semaphore_mem>>
    tpu.wait_indirect_dma semaphore(%dma_wait3A_240 : memref<!tpu.dma_semaphore, #tpu.memory_space<semaphore_mem>>) src(%dma_wait3A_238 : memref<10240x128xf32, #tpu.memory_space<hbm>>) dst(%arg16 : memref<64x128xf32, #tpu.memory_space<vmem>>)
    %sub3A_241 = arith.constant 1 : i32
    %sub3A_242 = arith.subi %select_n3A_19, %sub3A_241 : i32
    %mul3A_243 = arith.constant 4 : i32
    %mul3A_244 = arith.muli %sub3A_242, %mul3A_243 : i32
    %add3A_245 = arith.constant 2 : i32
    %add3A_246 = arith.addi %mul3A_244, %add3A_245 : i32
    %add3A_247 = arith.addi %select_n3A_26, %add3A_246 : i32
    %mul3A_248 = arith.constant 64 : i32
    %mul3A_249 = arith.muli %add3A_247, %mul3A_248 : i32
    %dma_wait3A_250 = arith.constant 2 : i32
    %dma_wait3A_251 = tpu.memref_slice %arg4[%mul3A_249] : memref<327680xi32, #tpu.memory_space<hbm>> -> memref<64xi32, #tpu.memory_space<hbm>>
    %dma_wait3A_252 = tpu.memref_slice %arg21[%dma_wait3A_250] : memref<4x!tpu.dma_semaphore, #tpu.memory_space<semaphore_mem>> -> memref<1x!tpu.dma_semaphore, #tpu.memory_space<semaphore_mem>>
    %dma_wait3A_253 = tpu.memref_squeeze %dma_wait3A_252 : memref<1x!tpu.dma_semaphore, #tpu.memory_space<semaphore_mem>> -> memref<!tpu.dma_semaphore, #tpu.memory_space<semaphore_mem>>
    %dma_wait3A_254 = tpu.memref_slice %arg4[%mul3A_249] : memref<327680xi32, #tpu.memory_space<hbm>> -> memref<64xi32, #tpu.memory_space<hbm>>
    tpu.wait_dma2 semaphore(%dma_wait3A_253 : memref<!tpu.dma_semaphore, #tpu.memory_space<semaphore_mem>>) src(%dma_wait3A_254 : memref<64xi32, #tpu.memory_space<hbm>>) dst(%arg12 : memref<64xi32, #tpu.memory_space<vmem>>)
    %dma_start3A_255 = arith.constant 2 : i32
    %dma_start3A_256 = arith.constant 0 : i32
    %dma_start3A_257 = arith.constant 0 : i32
    %dma_start3A_258 = tpu.memref_slice %arg19[%dma_start3A_256, %dma_start3A_257] : memref<10240x128xf32, #tpu.memory_space<vmem_shared>> -> memref<10240x128xf32, #tpu.memory_space<vmem_shared>>
    %dma_start3A_259 = tpu.memref_slice %arg23[%dma_start3A_255] : memref<4x!tpu.dma_semaphore, #tpu.memory_space<semaphore_mem>> -> memref<1x!tpu.dma_semaphore, #tpu.memory_space<semaphore_mem>>
    %dma_start3A_260 = tpu.memref_squeeze %dma_start3A_259 : memref<1x!tpu.dma_semaphore, #tpu.memory_space<semaphore_mem>> -> memref<!tpu.dma_semaphore, #tpu.memory_space<semaphore_mem>>
    tpu.enqueue_indirect_dma source(%arg16 : memref<64x128xf32, #tpu.memory_space<vmem>>) target(%dma_start3A_258 : memref<10240x128xf32, #tpu.memory_space<vmem_shared>>) offsets(%arg12 : memref<64xi32, #tpu.memory_space<vmem>>) semaphore(%dma_start3A_260 : memref<!tpu.dma_semaphore, #tpu.memory_space<semaphore_mem>>) {add = true}
    %dma_wait3A_261 = arith.constant 3 : i32
    %dma_wait3A_262 = arith.constant 0 : i32
    %dma_wait3A_263 = arith.constant 0 : i32
    %dma_wait3A_264 = tpu.memref_slice %arg2[%dma_wait3A_262, %dma_wait3A_263] : memref<10240x128xf32, #tpu.memory_space<hbm>> -> memref<10240x128xf32, #tpu.memory_space<hbm>>
    %dma_wait3A_265 = tpu.memref_slice %arg22[%dma_wait3A_261] : memref<4x!tpu.dma_semaphore, #tpu.memory_space<semaphore_mem>> -> memref<1x!tpu.dma_semaphore, #tpu.memory_space<semaphore_mem>>
    %dma_wait3A_266 = tpu.memref_squeeze %dma_wait3A_265 : memref<1x!tpu.dma_semaphore, #tpu.memory_space<semaphore_mem>> -> memref<!tpu.dma_semaphore, #tpu.memory_space<semaphore_mem>>
    tpu.wait_indirect_dma semaphore(%dma_wait3A_266 : memref<!tpu.dma_semaphore, #tpu.memory_space<semaphore_mem>>) src(%dma_wait3A_264 : memref<10240x128xf32, #tpu.memory_space<hbm>>) dst(%arg17 : memref<64x128xf32, #tpu.memory_space<vmem>>)
    %sub3A_267 = arith.constant 1 : i32
    %sub3A_268 = arith.subi %select_n3A_19, %sub3A_267 : i32
    %mul3A_269 = arith.constant 4 : i32
    %mul3A_270 = arith.muli %sub3A_268, %mul3A_269 : i32
    %add3A_271 = arith.constant 3 : i32
    %add3A_272 = arith.addi %mul3A_270, %add3A_271 : i32
    %add3A_273 = arith.addi %select_n3A_26, %add3A_272 : i32
    %mul3A_274 = arith.constant 64 : i32
    %mul3A_275 = arith.muli %add3A_273, %mul3A_274 : i32
    %dma_wait3A_276 = arith.constant 3 : i32
    %dma_wait3A_277 = tpu.memref_slice %arg4[%mul3A_275] : memref<327680xi32, #tpu.memory_space<hbm>> -> memref<64xi32, #tpu.memory_space<hbm>>
    %dma_wait3A_278 = tpu.memref_slice %arg21[%dma_wait3A_276] : memref<4x!tpu.dma_semaphore, #tpu.memory_space<semaphore_mem>> -> memref<1x!tpu.dma_semaphore, #tpu.memory_space<semaphore_mem>>
    %dma_wait3A_279 = tpu.memref_squeeze %dma_wait3A_278 : memref<1x!tpu.dma_semaphore, #tpu.memory_space<semaphore_mem>> -> memref<!tpu.dma_semaphore, #tpu.memory_space<semaphore_mem>>
    %dma_wait3A_280 = tpu.memref_slice %arg4[%mul3A_275] : memref<327680xi32, #tpu.memory_space<hbm>> -> memref<64xi32, #tpu.memory_space<hbm>>
    tpu.wait_dma2 semaphore(%dma_wait3A_279 : memref<!tpu.dma_semaphore, #tpu.memory_space<semaphore_mem>>) src(%dma_wait3A_280 : memref<64xi32, #tpu.memory_space<hbm>>) dst(%arg13 : memref<64xi32, #tpu.memory_space<vmem>>)
    %dma_start3A_281 = arith.constant 3 : i32
    %dma_start3A_282 = arith.constant 0 : i32
    %dma_start3A_283 = arith.constant 0 : i32
    %dma_start3A_284 = tpu.memref_slice %arg19[%dma_start3A_282, %dma_start3A_283] : memref<10240x128xf32, #tpu.memory_space<vmem_shared>> -> memref<10240x128xf32, #tpu.memory_space<vmem_shared>>
    %dma_start3A_285 = tpu.memref_slice %arg23[%dma_start3A_281] : memref<4x!tpu.dma_semaphore, #tpu.memory_space<semaphore_mem>> -> memref<1x!tpu.dma_semaphore, #tpu.memory_space<semaphore_mem>>
    %dma_start3A_286 = tpu.memref_squeeze %dma_start3A_285 : memref<1x!tpu.dma_semaphore, #tpu.memory_space<semaphore_mem>> -> memref<!tpu.dma_semaphore, #tpu.memory_space<semaphore_mem>>
    tpu.enqueue_indirect_dma source(%arg17 : memref<64x128xf32, #tpu.memory_space<vmem>>) target(%dma_start3A_284 : memref<10240x128xf32, #tpu.memory_space<vmem_shared>>) offsets(%arg13 : memref<64xi32, #tpu.memory_space<vmem>>) semaphore(%dma_start3A_286 : memref<!tpu.dma_semaphore, #tpu.memory_space<semaphore_mem>>) {add = true}
    %dma_wait3A_287 = arith.constant 0 : i32
    %dma_wait3A_288 = arith.constant 0 : i32
    %dma_wait3A_289 = arith.constant 0 : i32
    %dma_wait3A_290 = tpu.memref_slice %arg19[%dma_wait3A_288, %dma_wait3A_289] : memref<10240x128xf32, #tpu.memory_space<vmem_shared>> -> memref<10240x128xf32, #tpu.memory_space<vmem_shared>>
    %dma_wait3A_291 = tpu.memref_slice %arg23[%dma_wait3A_287] : memref<4x!tpu.dma_semaphore, #tpu.memory_space<semaphore_mem>> -> memref<1x!tpu.dma_semaphore, #tpu.memory_space<semaphore_mem>>
    %dma_wait3A_292 = tpu.memref_squeeze %dma_wait3A_291 : memref<1x!tpu.dma_semaphore, #tpu.memory_space<semaphore_mem>> -> memref<!tpu.dma_semaphore, #tpu.memory_space<semaphore_mem>>
    tpu.wait_indirect_dma semaphore(%dma_wait3A_292 : memref<!tpu.dma_semaphore, #tpu.memory_space<semaphore_mem>>) src(%arg14 : memref<64x128xf32, #tpu.memory_space<vmem>>) dst(%dma_wait3A_290 : memref<10240x128xf32, #tpu.memory_space<vmem_shared>>)
    %dma_wait3A_293 = arith.constant 1 : i32
    %dma_wait3A_294 = arith.constant 0 : i32
    %dma_wait3A_295 = arith.constant 0 : i32
    %dma_wait3A_296 = tpu.memref_slice %arg19[%dma_wait3A_294, %dma_wait3A_295] : memref<10240x128xf32, #tpu.memory_space<vmem_shared>> -> memref<10240x128xf32, #tpu.memory_space<vmem_shared>>
    %dma_wait3A_297 = tpu.memref_slice %arg23[%dma_wait3A_293] : memref<4x!tpu.dma_semaphore, #tpu.memory_space<semaphore_mem>> -> memref<1x!tpu.dma_semaphore, #tpu.memory_space<semaphore_mem>>
    %dma_wait3A_298 = tpu.memref_squeeze %dma_wait3A_297 : memref<1x!tpu.dma_semaphore, #tpu.memory_space<semaphore_mem>> -> memref<!tpu.dma_semaphore, #tpu.memory_space<semaphore_mem>>
    tpu.wait_indirect_dma semaphore(%dma_wait3A_298 : memref<!tpu.dma_semaphore, #tpu.memory_space<semaphore_mem>>) src(%arg15 : memref<64x128xf32, #tpu.memory_space<vmem>>) dst(%dma_wait3A_296 : memref<10240x128xf32, #tpu.memory_space<vmem_shared>>)
    %dma_wait3A_299 = arith.constant 2 : i32
    %dma_wait3A_300 = arith.constant 0 : i32
    %dma_wait3A_301 = arith.constant 0 : i32
    %dma_wait3A_302 = tpu.memref_slice %arg19[%dma_wait3A_300, %dma_wait3A_301] : memref<10240x128xf32, #tpu.memory_space<vmem_shared>> -> memref<10240x128xf32, #tpu.memory_space<vmem_shared>>
    %dma_wait3A_303 = tpu.memref_slice %arg23[%dma_wait3A_299] : memref<4x!tpu.dma_semaphore, #tpu.memory_space<semaphore_mem>> -> memref<1x!tpu.dma_semaphore, #tpu.memory_space<semaphore_mem>>
    %dma_wait3A_304 = tpu.memref_squeeze %dma_wait3A_303 : memref<1x!tpu.dma_semaphore, #tpu.memory_space<semaphore_mem>> -> memref<!tpu.dma_semaphore, #tpu.memory_space<semaphore_mem>>
    tpu.wait_indirect_dma semaphore(%dma_wait3A_304 : memref<!tpu.dma_semaphore, #tpu.memory_space<semaphore_mem>>) src(%arg16 : memref<64x128xf32, #tpu.memory_space<vmem>>) dst(%dma_wait3A_302 : memref<10240x128xf32, #tpu.memory_space<vmem_shared>>)
    %dma_wait3A_305 = arith.constant 3 : i32
    %dma_wait3A_306 = arith.constant 0 : i32
    %dma_wait3A_307 = arith.constant 0 : i32
    %dma_wait3A_308 = tpu.memref_slice %arg19[%dma_wait3A_306, %dma_wait3A_307] : memref<10240x128xf32, #tpu.memory_space<vmem_shared>> -> memref<10240x128xf32, #tpu.memory_space<vmem_shared>>
    %dma_wait3A_309 = tpu.memref_slice %arg23[%dma_wait3A_305] : memref<4x!tpu.dma_semaphore, #tpu.memory_space<semaphore_mem>> -> memref<1x!tpu.dma_semaphore, #tpu.memory_space<semaphore_mem>>
    %dma_wait3A_310 = tpu.memref_squeeze %dma_wait3A_309 : memref<1x!tpu.dma_semaphore, #tpu.memory_space<semaphore_mem>> -> memref<!tpu.dma_semaphore, #tpu.memory_space<semaphore_mem>>
    tpu.wait_indirect_dma semaphore(%dma_wait3A_310 : memref<!tpu.dma_semaphore, #tpu.memory_space<semaphore_mem>>) src(%arg17 : memref<64x128xf32, #tpu.memory_space<vmem>>) dst(%dma_wait3A_308 : memref<10240x128xf32, #tpu.memory_space<vmem_shared>>)
    %barrier3A_311 = arith.constant 0 : index
    tpu.barrier barrier_id(%barrier3A_311)
    %mul3A_312 = arith.constant 640 : i32
    %mul3A_313 = arith.muli %arg1, %mul3A_312 : i32
    %mul3A_314 = arith.constant 640 : i32
    %mul3A_315 = arith.muli %arg1, %mul3A_314 : i32
    "tpu.region"() ({
      %run_scoped3A = tpu.sem_alloc : memref<!tpu.dma_semaphore, #tpu.memory_space<semaphore_mem>>
      %dma_start3A_316 = arith.constant 0 : i32
      %dma_start3A_317 = tpu.memref_slice %arg5[%arg0, %mul3A_315, %dma_start3A_316] : memref<2x10240x128xf32, #tpu.memory_space<hbm>> -> memref<1x640x128xf32, #tpu.memory_space<hbm>>
      %dma_start3A_318 = tpu.memref_squeeze %dma_start3A_317 : memref<1x640x128xf32, #tpu.memory_space<hbm>> -> memref<640x128xf32, #tpu.memory_space<hbm>>
      %dma_start3A_319 = arith.constant 0 : i32
      %dma_start3A_320 = tpu.memref_slice %arg19[%mul3A_313, %dma_start3A_319] : memref<10240x128xf32, #tpu.memory_space<vmem_shared>> -> memref<640x128xf32, #tpu.memory_space<vmem_shared>>
      tpu.enqueue_dma source(%dma_start3A_320 : memref<640x128xf32, #tpu.memory_space<vmem_shared>>) target(%dma_start3A_318 : memref<640x128xf32, #tpu.memory_space<hbm>>) target_semaphore(%run_scoped3A : memref<!tpu.dma_semaphore, #tpu.memory_space<semaphore_mem>>)
      %dma_wait3A_321 = arith.constant 0 : i32
      %dma_wait3A_322 = tpu.memref_slice %arg5[%arg0, %mul3A_315, %dma_wait3A_321] : memref<2x10240x128xf32, #tpu.memory_space<hbm>> -> memref<1x640x128xf32, #tpu.memory_space<hbm>>
      %dma_wait3A_323 = tpu.memref_squeeze %dma_wait3A_322 : memref<1x640x128xf32, #tpu.memory_space<hbm>> -> memref<640x128xf32, #tpu.memory_space<hbm>>
      %dma_wait3A_324 = arith.constant 0 : i32
      %dma_wait3A_325 = tpu.memref_slice %arg19[%mul3A_313, %dma_wait3A_324] : memref<10240x128xf32, #tpu.memory_space<vmem_shared>> -> memref<640x128xf32, #tpu.memory_space<vmem_shared>>
      tpu.wait_dma2 semaphore(%run_scoped3A : memref<!tpu.dma_semaphore, #tpu.memory_space<semaphore_mem>>) src(%dma_wait3A_325 : memref<640x128xf32, #tpu.memory_space<vmem_shared>>) dst(%dma_wait3A_323 : memref<640x128xf32, #tpu.memory_space<hbm>>)
      tpu.yield
    }) : () -> ()
    return
  }
}

#map = affine_map<(d0, d1) -> (0, 0)>
#map1 = affine_map<(d0, d1) -> (0)>
#map2 = affine_map<(d0, d1) -> (0, 0, 0)>
module attributes {stable_mosaic.version = 14 : i64} {
  func.func @k(%arg0: i32, %arg1: i32, %arg2: memref<10240x128xf32, #tpu.memory_space<hbm>>, %arg3: memref<10240xi32, #tpu.memory_space<hbm>>, %arg4: memref<2x128x128xf32, #tpu.memory_space<hbm>>, %arg5: memref<64xi32, #tpu.memory_space<vmem>>, %arg6: memref<64x128xf32, #tpu.memory_space<vmem>>, %arg7: memref<128x128xf32, #tpu.memory_space<vmem>>, %arg8: memref<256x128xf32, #tpu.memory_space<vmem_shared>>) attributes {dimension_semantics = [#tpu.dimension_semantics<core_parallel>, #tpu.dimension_semantics<subcore_parallel>], iteration_bounds = array<i64: 2, 16>, scalar_prefetch = 0 : i64, scratch_operands = 4 : i64, tpu.core_type = #tpu.core_type<sc_vector_subcore>, window_params = [{transform_indices = #map}, {transform_indices = #map1}, {transform_indices = #map2}]} {
    %mul3A = arith.constant 16 : i32
    %mul3A_0 = arith.muli %arg0, %mul3A : i32
    %add3A = arith.addi %mul3A_0, %arg1 : i32
    %scan3A = arith.constant 0 : i32
    %scan3A_1 = arith.constant 0 : i32
    %scan3A_2 = arith.constant 1024 : i32
    %scan3A_3 = arith.addi %scan3A_1, %scan3A_2 : i32
    %scan3A_4 = arith.constant 1 : i32
    %scan3A_5 = scf.for %scan3A_22 = %scan3A_1 to %scan3A_3 step %scan3A_4 iter_args(%scan3A_23 = %scan3A) -> (i32)  : i32 {
      %jit3A = arith.constant 8 : i32
      %div3A = arith.divsi %scan3A_22, %jit3A : i32
      %sign3A = arith.constant 0 : i32
      %sign3A_24 = arith.cmpi sgt, %scan3A_22, %sign3A : i32
      %sign3A_25 = arith.extui %sign3A_24 : i1 to i32
      %sign3A_26 = arith.constant 0 : i32
      %sign3A_27 = arith.cmpi slt, %scan3A_22, %sign3A_26 : i32
      %sign3A_28 = arith.extui %sign3A_27 : i1 to i32
      %sign3A_29 = arith.subi %sign3A_25, %sign3A_28 : i32
      %sign3A_30 = arith.constant 0 : i32
      %sign3A_31 = arith.cmpi sgt, %jit3A, %sign3A_30 : i32
      %sign3A_32 = arith.extui %sign3A_31 : i1 to i32
      %sign3A_33 = arith.constant 0 : i32
      %sign3A_34 = arith.cmpi slt, %jit3A, %sign3A_33 : i32
      %sign3A_35 = arith.extui %sign3A_34 : i1 to i32
      %sign3A_36 = arith.subi %sign3A_32, %sign3A_35 : i32
      %ne3A = arith.cmpi ne, %sign3A_29, %sign3A_36 : i32
      %rem3A = arith.remsi %scan3A_22, %jit3A : i32
      %ne3A_37 = arith.constant 0 : i32
      %ne3A_38 = arith.cmpi ne, %rem3A, %ne3A_37 : i32
      %and3A = arith.andi %ne3A, %ne3A_38 : i1
      %sub3A = arith.constant 1 : i32
      %sub3A_39 = arith.subi %div3A, %sub3A : i32
      %select_n3A = arith.select %and3A, %sub3A_39, %div3A : i32
      %jit3A_40 = arith.constant 8 : i32
      %eq3A = arith.constant 0 : i32
      %eq3A_41 = arith.cmpi eq, %jit3A_40, %eq3A : i32
      %jit3A_42 = arith.constant 1 : i32
      %select_n3A_43 = arith.select %eq3A_41, %jit3A_42, %jit3A_40 : i32
      %rem3A_44 = arith.remsi %scan3A_22, %select_n3A_43 : i32
      %ne3A_45 = arith.constant 0 : i32
      %ne3A_46 = arith.cmpi ne, %rem3A_44, %ne3A_45 : i32
      %lt3A_47 = arith.constant 0 : i32
      %lt3A_48 = arith.cmpi slt, %rem3A_44, %lt3A_47 : i32
      %lt3A_49 = arith.constant 0 : i32
      %lt3A_50 = arith.cmpi slt, %select_n3A_43, %lt3A_49 : i32
      %ne3A_51 = arith.xori %lt3A_48, %lt3A_50 : i1
      %and3A_52 = arith.andi %ne3A_51, %ne3A_46 : i1
      %add3A_53 = arith.addi %rem3A_44, %select_n3A_43 : i32
      %select_n3A_54 = arith.select %and3A_52, %add3A_53, %rem3A_44 : i32
      %broadcast_in_dim3A = arith.constant 0.000000e+00 : f32
      %broadcast_in_dim3A_55 = vector.broadcast %broadcast_in_dim3A : f32 to vector<16xf32>
      %mul3A_56 = arith.constant 16 : i32
      %mul3A_57 = arith.muli %select_n3A_54, %mul3A_56 : i32
      %swap3A = arith.index_cast %select_n3A : i32 to index
      %swap3A_58 = arith.index_cast %mul3A_57 : i32 to index
      %swap3A_59 = tpu.vector_load %arg7[%swap3A, %swap3A_58] {strides = array<i32>} : memref<128x128xf32, #tpu.memory_space<vmem>>, vector<1x16xf32>,
      %swap3A_60 = vector.shape_cast %swap3A_59 : vector<1x16xf32> to vector<16xf32>
      %swap3A_61 = vector.shape_cast %broadcast_in_dim3A_55 : vector<16xf32> to vector<1x16xf32>
      tpu.vector_store %arg7[%swap3A, %swap3A_58], %swap3A_61 {strides = array<i32>} : memref<128x128xf32, #tpu.memory_space<vmem>>, vector<1x16xf32>,
      %scan3A_62 = arith.constant 0 : i32
      scf.yield %scan3A_62 : i32
    }
    %scan3A_6 = arith.constant 1024 : i32
    %lt3A = arith.constant 2 : i32
    %lt3A_7 = arith.cmpi slt, %arg1, %lt3A : i32
    %convert_element_type3A = arith.extui %lt3A_7 : i1 to i32
    %cond3A = arith.constant 0 : i32
    %cond3A_8 = arith.cmpi ne, %convert_element_type3A, %cond3A : i32
    scf.if %cond3A_8 {
      %mul3A_22 = arith.constant 128 : i32
      %mul3A_23 = arith.muli %arg1, %mul3A_22 : i32
      "tpu.region"() ({
        %run_scoped3A = tpu.sem_alloc : memref<!tpu.dma_semaphore, #tpu.memory_space<semaphore_mem>>
        %dma_start3A = arith.constant 0 : i32
        %dma_start3A_24 = tpu.memref_slice %arg8[%mul3A_23, %dma_start3A] : memref<256x128xf32, #tpu.memory_space<vmem_shared>> -> memref<128x128xf32, #tpu.memory_space<vmem_shared>>
        %dma_start3A_25 = arith.constant 0 : i32
        %dma_start3A_26 = tpu.memref_slice %arg8[%mul3A_23, %dma_start3A_25] : memref<256x128xf32, #tpu.memory_space<vmem_shared>> -> memref<128x128xf32, #tpu.memory_space<vmem_shared>>
        tpu.enqueue_dma source(%arg7 : memref<128x128xf32, #tpu.memory_space<vmem>>) target(%dma_start3A_26 : memref<128x128xf32, #tpu.memory_space<vmem_shared>>) target_semaphore(%run_scoped3A : memref<!tpu.dma_semaphore, #tpu.memory_space<semaphore_mem>>)
        %dma_wait3A = arith.constant 0 : i32
        %dma_wait3A_27 = tpu.memref_slice %arg8[%mul3A_23, %dma_wait3A] : memref<256x128xf32, #tpu.memory_space<vmem_shared>> -> memref<128x128xf32, #tpu.memory_space<vmem_shared>>
        %dma_wait3A_28 = arith.constant 0 : i32
        %dma_wait3A_29 = tpu.memref_slice %arg8[%mul3A_23, %dma_wait3A_28] : memref<256x128xf32, #tpu.memory_space<vmem_shared>> -> memref<128x128xf32, #tpu.memory_space<vmem_shared>>
        tpu.wait_dma2 semaphore(%run_scoped3A : memref<!tpu.dma_semaphore, #tpu.memory_space<semaphore_mem>>) src(%arg7 : memref<128x128xf32, #tpu.memory_space<vmem>>) dst(%dma_wait3A_29 : memref<128x128xf32, #tpu.memory_space<vmem_shared>>)
        tpu.yield
      }) : () -> ()
    } else {
    }
    %barrier3A = arith.constant 0 : index
    tpu.barrier barrier_id(%barrier3A)
    %scan3A_9 = arith.constant 0 : i32
    %scan3A_10 = arith.constant 0 : i32
    %scan3A_11 = arith.constant 5 : i32
    %scan3A_12 = arith.addi %scan3A_10, %scan3A_11 : i32
    %scan3A_13 = arith.constant 1 : i32
    %scan3A_14 = scf.for %scan3A_22 = %scan3A_10 to %scan3A_12 step %scan3A_13 iter_args(%scan3A_23 = %scan3A_9) -> (i32)  : i32 {
      %mul3A_24 = arith.constant 5 : i32
      %mul3A_25 = arith.muli %add3A, %mul3A_24 : i32
      %add3A_26 = arith.addi %mul3A_25, %scan3A_22 : i32
      %mul3A_27 = arith.constant 64 : i32
      %mul3A_28 = arith.muli %add3A_26, %mul3A_27 : i32
      "tpu.region"() ({
        %run_scoped3A = tpu.sem_alloc : memref<!tpu.dma_semaphore, #tpu.memory_space<semaphore_mem>>
        %dma_start3A = tpu.memref_slice %arg3[%mul3A_28] : memref<10240xi32, #tpu.memory_space<hbm>> -> memref<64xi32, #tpu.memory_space<hbm>>
        %dma_start3A_30 = tpu.memref_slice %arg3[%mul3A_28] : memref<10240xi32, #tpu.memory_space<hbm>> -> memref<64xi32, #tpu.memory_space<hbm>>
        tpu.enqueue_dma source(%dma_start3A_30 : memref<64xi32, #tpu.memory_space<hbm>>) target(%arg5 : memref<64xi32, #tpu.memory_space<vmem>>) target_semaphore(%run_scoped3A : memref<!tpu.dma_semaphore, #tpu.memory_space<semaphore_mem>>)
        %dma_wait3A = tpu.memref_slice %arg3[%mul3A_28] : memref<10240xi32, #tpu.memory_space<hbm>> -> memref<64xi32, #tpu.memory_space<hbm>>
        %dma_wait3A_31 = tpu.memref_slice %arg3[%mul3A_28] : memref<10240xi32, #tpu.memory_space<hbm>> -> memref<64xi32, #tpu.memory_space<hbm>>
        tpu.wait_dma2 semaphore(%run_scoped3A : memref<!tpu.dma_semaphore, #tpu.memory_space<semaphore_mem>>) src(%dma_wait3A_31 : memref<64xi32, #tpu.memory_space<hbm>>) dst(%arg5 : memref<64xi32, #tpu.memory_space<vmem>>)
        tpu.yield
      }) : () -> ()
      "tpu.region"() ({
        %run_scoped3A = tpu.sem_alloc : memref<!tpu.dma_semaphore, #tpu.memory_space<semaphore_mem>>
        %dma_start3A = arith.constant 0 : i32
        %dma_start3A_30 = tpu.memref_slice %arg2[%mul3A_28, %dma_start3A] : memref<10240x128xf32, #tpu.memory_space<hbm>> -> memref<64x128xf32, #tpu.memory_space<hbm>>
        %dma_start3A_31 = arith.constant 0 : i32
        %dma_start3A_32 = tpu.memref_slice %arg2[%mul3A_28, %dma_start3A_31] : memref<10240x128xf32, #tpu.memory_space<hbm>> -> memref<64x128xf32, #tpu.memory_space<hbm>>
        tpu.enqueue_dma source(%dma_start3A_32 : memref<64x128xf32, #tpu.memory_space<hbm>>) target(%arg6 : memref<64x128xf32, #tpu.memory_space<vmem>>) target_semaphore(%run_scoped3A : memref<!tpu.dma_semaphore, #tpu.memory_space<semaphore_mem>>)
        %dma_wait3A = arith.constant 0 : i32
        %dma_wait3A_33 = tpu.memref_slice %arg2[%mul3A_28, %dma_wait3A] : memref<10240x128xf32, #tpu.memory_space<hbm>> -> memref<64x128xf32, #tpu.memory_space<hbm>>
        %dma_wait3A_34 = arith.constant 0 : i32
        %dma_wait3A_35 = tpu.memref_slice %arg2[%mul3A_28, %dma_wait3A_34] : memref<10240x128xf32, #tpu.memory_space<hbm>> -> memref<64x128xf32, #tpu.memory_space<hbm>>
        tpu.wait_dma2 semaphore(%run_scoped3A : memref<!tpu.dma_semaphore, #tpu.memory_space<semaphore_mem>>) src(%dma_wait3A_35 : memref<64x128xf32, #tpu.memory_space<hbm>>) dst(%arg6 : memref<64x128xf32, #tpu.memory_space<vmem>>)
        tpu.yield
      }) : () -> ()
      "tpu.region"() ({
        %run_scoped3A = tpu.sem_alloc : memref<!tpu.dma_semaphore, #tpu.memory_space<semaphore_mem>>
        %dma_start3A = arith.constant 0 : i32
        %dma_start3A_30 = arith.constant 0 : i32
        %dma_start3A_31 = tpu.memref_slice %arg8[%dma_start3A, %dma_start3A_30] : memref<256x128xf32, #tpu.memory_space<vmem_shared>> -> memref<256x128xf32, #tpu.memory_space<vmem_shared>>
        tpu.enqueue_indirect_dma source(%arg6 : memref<64x128xf32, #tpu.memory_space<vmem>>) target(%dma_start3A_31 : memref<256x128xf32, #tpu.memory_space<vmem_shared>>) offsets(%arg5 : memref<64xi32, #tpu.memory_space<vmem>>) semaphore(%run_scoped3A : memref<!tpu.dma_semaphore, #tpu.memory_space<semaphore_mem>>) {add = true}
        %dma_wait3A = arith.constant 0 : i32
        %dma_wait3A_32 = arith.constant 0 : i32
        %dma_wait3A_33 = tpu.memref_slice %arg8[%dma_wait3A, %dma_wait3A_32] : memref<256x128xf32, #tpu.memory_space<vmem_shared>> -> memref<256x128xf32, #tpu.memory_space<vmem_shared>>
        tpu.wait_indirect_dma semaphore(%run_scoped3A : memref<!tpu.dma_semaphore, #tpu.memory_space<semaphore_mem>>) src(%arg6 : memref<64x128xf32, #tpu.memory_space<vmem>>) dst(%dma_wait3A_33 : memref<256x128xf32, #tpu.memory_space<vmem_shared>>)
        tpu.yield
      }) : () -> ()
      %scan3A_29 = arith.constant 0 : i32
      scf.yield %scan3A_29 : i32
    }
    %scan3A_15 = arith.constant 5 : i32
    %barrier3A_16 = arith.constant 0 : index
    tpu.barrier barrier_id(%barrier3A_16)
    %lt3A_17 = arith.constant 8 : i32
    %lt3A_18 = arith.cmpi slt, %arg1, %lt3A_17 : i32
    %convert_element_type3A_19 = arith.extui %lt3A_18 : i1 to i32
    %cond3A_20 = arith.constant 0 : i32
    %cond3A_21 = arith.cmpi ne, %convert_element_type3A_19, %cond3A_20 : i32
    scf.if %cond3A_21 {
      %mul3A_22 = arith.constant 16 : i32
      %mul3A_23 = arith.muli %arg1, %mul3A_22 : i32
      %mul3A_24 = arith.constant 16 : i32
      %mul3A_25 = arith.muli %arg1, %mul3A_24 : i32
      "tpu.region"() ({
        %run_scoped3A = tpu.sem_alloc : memref<!tpu.dma_semaphore, #tpu.memory_space<semaphore_mem>>
        %dma_start3A = arith.constant 0 : i32
        %dma_start3A_26 = tpu.memref_slice %arg4[%arg0, %mul3A_25, %dma_start3A] : memref<2x128x128xf32, #tpu.memory_space<hbm>> -> memref<1x16x128xf32, #tpu.memory_space<hbm>>
        %dma_start3A_27 = tpu.memref_squeeze %dma_start3A_26 : memref<1x16x128xf32, #tpu.memory_space<hbm>> -> memref<16x128xf32, #tpu.memory_space<hbm>>
        %dma_start3A_28 = arith.constant 0 : i32
        %dma_start3A_29 = tpu.memref_slice %arg8[%mul3A_23, %dma_start3A_28] : memref<256x128xf32, #tpu.memory_space<vmem_shared>> -> memref<16x128xf32, #tpu.memory_space<vmem_shared>>
        tpu.enqueue_dma source(%dma_start3A_29 : memref<16x128xf32, #tpu.memory_space<vmem_shared>>) target(%dma_start3A_27 : memref<16x128xf32, #tpu.memory_space<hbm>>) target_semaphore(%run_scoped3A : memref<!tpu.dma_semaphore, #tpu.memory_space<semaphore_mem>>)
        %dma_wait3A = arith.constant 0 : i32
        %dma_wait3A_30 = tpu.memref_slice %arg4[%arg0, %mul3A_25, %dma_wait3A] : memref<2x128x128xf32, #tpu.memory_space<hbm>> -> memref<1x16x128xf32, #tpu.memory_space<hbm>>
        %dma_wait3A_31 = tpu.memref_squeeze %dma_wait3A_30 : memref<1x16x128xf32, #tpu.memory_space<hbm>> -> memref<16x128xf32, #tpu.memory_space<hbm>>
        %dma_wait3A_32 = arith.constant 0 : i32
        %dma_wait3A_33 = tpu.memref_slice %arg8[%mul3A_23, %dma_wait3A_32] : memref<256x128xf32, #tpu.memory_space<vmem_shared>> -> memref<16x128xf32, #tpu.memory_space<vmem_shared>>
        tpu.wait_dma2 semaphore(%run_scoped3A : memref<!tpu.dma_semaphore, #tpu.memory_space<semaphore_mem>>) src(%dma_wait3A_33 : memref<16x128xf32, #tpu.memory_space<vmem_shared>>) dst(%dma_wait3A_31 : memref<16x128xf32, #tpu.memory_space<hbm>>)
        tpu.yield
      }) : () -> ()
    } else {
    }
    return
  }
}

module attributes {stable_mosaic.version = 14 : i64} {
  func.func @_mm_body(%arg0: i32, %arg1: memref<1024x128xf32, #tpu.memory_space<vmem>>, %arg2: memref<128x128xf32, #tpu.memory_space<vmem>>, %arg3: memref<1024x128xf32, #tpu.memory_space<vmem>>) attributes {dimension_semantics = [#tpu.dimension_semantics<arbitrary>], iteration_bounds = array<i64: 10>, scalar_prefetch = 0 : i64, scratch_operands = 0 : i64, tpu.core_type = #tpu.core_type<tc>, window_params = [{transform_indices = @transform_0, window_bounds = array<i64: 1024, 128>}, {pipeline_mode = #tpu.pipeline_mode<synchronous>, transform_indices = @transform_1, window_bounds = array<i64: 128, 128>}, {transform_indices = @transform_2, window_bounds = array<i64: 1024, 128>}]} {
    %get3A = arith.constant 0 : index
    %get3A_0 = arith.constant 0 : index
    %get3A_1 = vector.load %arg1[%get3A, %get3A_0] : memref<1024x128xf32, #tpu.memory_space<vmem>>, vector<1024x128xf32>
    %get3A_2 = arith.constant 0 : index
    %get3A_3 = arith.constant 0 : index
    %get3A_4 = vector.load %arg2[%get3A_2, %get3A_3] : memref<128x128xf32, #tpu.memory_space<vmem>>, vector<128x128xf32>
    %dot_general3A = arith.constant dense<0.000000e+00> : vector<1024x128xf32>
    %dot_general3A_5 = tpu.matmul %get3A_1, %get3A_4, %dot_general3A {dimension_numbers = #tpu.dot_dimension_numbers<[1], [0], [0], [1], [0, 0, 1, 1], [], []>, transpose_lhs_hint = false} : vector<1024x128xf32>, vector<128x128xf32>, vector<1024x128xf32> -> vector<1024x128xf32>
    %swap3A = arith.constant 0 : index
    %swap3A_6 = arith.constant 0 : index
    %swap3A_7 = vector.load %arg3[%swap3A, %swap3A_6] : memref<1024x128xf32, #tpu.memory_space<vmem>>, vector<1024x128xf32>
    tpu.vector_store %arg3[%swap3A, %swap3A_6], %dot_general3A_5 {strides = array<i32>} : memref<1024x128xf32, #tpu.memory_space<vmem>>, vector<1024x128xf32>,
    return
  }
  func.func @transform_0(%arg0: i32) -> (i32, i32) {
    %c0_i32 = arith.constant 0 : i32
    %c0_i32_0 = arith.constant 0 : i32
    return %arg0, %c0_i32 : i32, i32
  }
  func.func @transform_1(%arg0: i32) -> (i32, i32) {
    %c0_i32 = arith.constant 0 : i32
    %c0_i32_0 = arith.constant 0 : i32
    %c0_i32_1 = arith.constant 0 : i32
    return %c0_i32, %c0_i32_0 : i32, i32
  }
  func.func @transform_2(%arg0: i32) -> (i32, i32) {
    %c0_i32 = arith.constant 0 : i32
    %c0_i32_0 = arith.constant 0 : i32
    return %arg0, %c0_i32 : i32, i32
  }
}

module attributes {stable_mosaic.version = 14 : i64} {
  func.func @_k3_body(%arg0: i32, %arg1: memref<1024x128xf32, #tpu.memory_space<vmem>>, %arg2: memref<1x1024x128xf32, #tpu.memory_space<vmem>>, %arg3: memref<1x1024x128xf32, #tpu.memory_space<vmem>>, %arg4: memref<1024x1xf32, #tpu.memory_space<vmem>>, %arg5: memref<1024x128xf32, #tpu.memory_space<vmem>>) attributes {dimension_semantics = [#tpu.dimension_semantics<arbitrary>], iteration_bounds = array<i64: 10>, scalar_prefetch = 0 : i64, scratch_operands = 0 : i64, tpu.core_type = #tpu.core_type<tc>, window_params = [{transform_indices = @transform_0, window_bounds = array<i64: 1024, 128>}, {transform_indices = @transform_1, window_bounds = array<i64: 1, 1024, 128>}, {transform_indices = @transform_2, window_bounds = array<i64: 1, 1024, 128>}, {transform_indices = @transform_3, window_bounds = array<i64: 1024, 1>}, {transform_indices = @transform_4, window_bounds = array<i64: 1024, 128>}]} {
    %get3A = arith.constant 0 : index
    %get3A_0 = arith.constant 0 : index
    %get3A_1 = arith.constant 0 : index
    %get3A_2 = vector.load %arg2[%get3A, %get3A_0, %get3A_1] : memref<1x1024x128xf32, #tpu.memory_space<vmem>>, vector<1x1024x1xf32>
    %get3A_3 = vector.shape_cast %get3A_2 : vector<1x1024x1xf32> to vector<1024x1xf32>
    %get3A_4 = arith.constant 0 : index
    %get3A_5 = arith.constant 0 : index
    %get3A_6 = arith.constant 0 : index
    %get3A_7 = vector.load %arg3[%get3A_4, %get3A_5, %get3A_6] : memref<1x1024x128xf32, #tpu.memory_space<vmem>>, vector<1x1024x1xf32>
    %get3A_8 = vector.shape_cast %get3A_7 : vector<1x1024x1xf32> to vector<1024x1xf32>
    %add3A = arith.addf %get3A_3, %get3A_8 : vector<1024x1xf32>
    %add3A_9 = arith.constant 1.000000e+00 : f32
    %add3A_10 = vector.broadcast %add3A_9 : f32 to vector<1024x1xf32>
    %add3A_11 = arith.addf %add3A, %add3A_10 : vector<1024x1xf32>
    %rsqrt3A = math.rsqrt %add3A_11 : vector<1024x1xf32>
    %swap3A = arith.constant 0 : index
    %swap3A_12 = arith.constant 0 : index
    %swap3A_13 = vector.load %arg4[%swap3A, %swap3A_12] : memref<1024x1xf32, #tpu.memory_space<vmem>>, vector<1024x1xf32>
    tpu.vector_store %arg4[%swap3A, %swap3A_12], %rsqrt3A {strides = array<i32>} : memref<1024x1xf32, #tpu.memory_space<vmem>>, vector<1024x1xf32>,
    %get3A_14 = arith.constant 0 : index
    %get3A_15 = arith.constant 0 : index
    %get3A_16 = vector.load %arg1[%get3A_14, %get3A_15] : memref<1024x128xf32, #tpu.memory_space<vmem>>, vector<1024x128xf32>
    %mul3A = vector.broadcast %rsqrt3A : vector<1024x1xf32> to vector<1024x128xf32>
    %mul3A_17 = arith.mulf %get3A_16, %mul3A : vector<1024x128xf32>
    %swap3A_18 = arith.constant 0 : index
    %swap3A_19 = arith.constant 0 : index
    %swap3A_20 = vector.load %arg5[%swap3A_18, %swap3A_19] : memref<1024x128xf32, #tpu.memory_space<vmem>>, vector<1024x128xf32>
    tpu.vector_store %arg5[%swap3A_18, %swap3A_19], %mul3A_17 {strides = array<i32>} : memref<1024x128xf32, #tpu.memory_space<vmem>>, vector<1024x128xf32>,
    return
  }
  func.func @transform_0(%arg0: i32) -> (i32, i32) {
    %c0_i32 = arith.constant 0 : i32
    %c0_i32_0 = arith.constant 0 : i32
    return %arg0, %c0_i32 : i32, i32
  }
  func.func @transform_1(%arg0: i32) -> (i32, i32, i32) {
    %c0_i32 = arith.constant 0 : i32
    %c0_i32_0 = arith.constant 0 : i32
    %c0_i32_1 = arith.constant 0 : i32
    return %c0_i32, %arg0, %c0_i32_0 : i32, i32, i32
  }
  func.func @transform_2(%arg0: i32) -> (i32, i32, i32) {
    %c1_i32 = arith.constant 1 : i32
    %c0_i32 = arith.constant 0 : i32
    %c0_i32_0 = arith.constant 0 : i32
    return %c1_i32, %arg0, %c0_i32 : i32, i32, i32
  }
  func.func @transform_3(%arg0: i32) -> (i32, i32) {
    %c0_i32 = arith.constant 0 : i32
    %c0_i32_0 = arith.constant 0 : i32
    return %arg0, %c0_i32 : i32, i32
  }
  func.func @transform_4(%arg0: i32) -> (i32, i32) {
    %c0_i32 = arith.constant 0 : i32
    %c0_i32_0 = arith.constant 0 : i32
    return %arg0, %c0_i32 : i32, i32
  }
}

module attributes {stable_mosaic.version = 14 : i64} {
  func.func @_k5_body(%arg0: i32, %arg1: memref<1x1024x128xf32, #tpu.memory_space<vmem>>, %arg2: memref<1x1024x128xf32, #tpu.memory_space<vmem>>, %arg3: memref<1024x128xf32, #tpu.memory_space<vmem>>, %arg4: memref<1024x1xf32, #tpu.memory_space<vmem>>, %arg5: memref<1x128xf32, #tpu.memory_space<vmem>>, %arg6: memref<128x128xf32, #tpu.memory_space<vmem>>, %arg7: memref<1024x128xf32, #tpu.memory_space<vmem>>) attributes {dimension_semantics = [#tpu.dimension_semantics<arbitrary>], iteration_bounds = array<i64: 10>, scalar_prefetch = 0 : i64, scratch_operands = 0 : i64, tpu.core_type = #tpu.core_type<tc>, window_params = [{transform_indices = @transform_0, window_bounds = array<i64: 1, 1024, 128>}, {transform_indices = @transform_1, window_bounds = array<i64: 1, 1024, 128>}, {transform_indices = @transform_2, window_bounds = array<i64: 1024, 128>}, {transform_indices = @transform_3, window_bounds = array<i64: 1024, 1>}, {pipeline_mode = #tpu.pipeline_mode<synchronous>, transform_indices = @transform_4, window_bounds = array<i64: 1, 128>}, {pipeline_mode = #tpu.pipeline_mode<synchronous>, transform_indices = @transform_5, window_bounds = array<i64: 128, 128>}, {transform_indices = @transform_6, window_bounds = array<i64: 1024, 128>}]} {
    %get3A = arith.constant 0 : index
    %get3A_0 = arith.constant 0 : index
    %get3A_1 = arith.constant 0 : index
    %get3A_2 = vector.load %arg1[%get3A, %get3A_0, %get3A_1] : memref<1x1024x128xf32, #tpu.memory_space<vmem>>, vector<1x1024x128xf32>
    %get3A_3 = vector.shape_cast %get3A_2 : vector<1x1024x128xf32> to vector<1024x128xf32>
    %get3A_4 = arith.constant 0 : index
    %get3A_5 = arith.constant 0 : index
    %get3A_6 = arith.constant 0 : index
    %get3A_7 = vector.load %arg2[%get3A_4, %get3A_5, %get3A_6] : memref<1x1024x128xf32, #tpu.memory_space<vmem>>, vector<1x1024x128xf32>
    %get3A_8 = vector.shape_cast %get3A_7 : vector<1x1024x128xf32> to vector<1024x128xf32>
    %add3A = arith.addf %get3A_3, %get3A_8 : vector<1024x128xf32>
    %get3A_9 = arith.constant 0 : index
    %get3A_10 = arith.constant 0 : index
    %get3A_11 = vector.load %arg4[%get3A_9, %get3A_10] : memref<1024x1xf32, #tpu.memory_space<vmem>>, vector<1024x1xf32>
    %get3A_12 = arith.constant 0 : index
    %get3A_13 = arith.constant 0 : index
    %get3A_14 = vector.load %arg3[%get3A_12, %get3A_13] : memref<1024x128xf32, #tpu.memory_space<vmem>>, vector<1024x128xf32>
    %add3A_15 = arith.addf %add3A, %get3A_14 : vector<1024x128xf32>
    %mul3A = vector.broadcast %get3A_11 : vector<1024x1xf32> to vector<1024x128xf32>
    %mul3A_16 = arith.mulf %mul3A, %add3A_15 : vector<1024x128xf32>
    %get3A_17 = arith.constant 0 : index
    %get3A_18 = arith.constant 0 : index
    %get3A_19 = vector.load %arg5[%get3A_17, %get3A_18] : memref<1x128xf32, #tpu.memory_space<vmem>>, vector<1x128xf32>
    %add3A_20 = vector.broadcast %get3A_19 : vector<1x128xf32> to vector<1024x128xf32>
    %add3A_21 = arith.addf %mul3A_16, %add3A_20 : vector<1024x128xf32>
    %max3A = arith.constant 0.000000e+00 : f32
    %max3A_22 = vector.broadcast %max3A : f32 to vector<1024x128xf32>
    %max3A_23 = arith.maximumf %add3A_21, %max3A_22 : vector<1024x128xf32>
    %get3A_24 = arith.constant 0 : index
    %get3A_25 = arith.constant 0 : index
    %get3A_26 = vector.load %arg6[%get3A_24, %get3A_25] : memref<128x128xf32, #tpu.memory_space<vmem>>, vector<128x128xf32>
    %dot_general3A = arith.constant dense<0.000000e+00> : vector<1024x128xf32>
    %dot_general3A_27 = tpu.matmul %max3A_23, %get3A_26, %dot_general3A {dimension_numbers = #tpu.dot_dimension_numbers<[1], [0], [0], [1], [0, 0, 1, 1], [], []>, transpose_lhs_hint = false} : vector<1024x128xf32>, vector<128x128xf32>, vector<1024x128xf32> -> vector<1024x128xf32>
    %mul3A_28 = vector.broadcast %get3A_11 : vector<1024x1xf32> to vector<1024x128xf32>
    %mul3A_29 = arith.mulf %dot_general3A_27, %mul3A_28 : vector<1024x128xf32>
    %swap3A = arith.constant 0 : index
    %swap3A_30 = arith.constant 0 : index
    %swap3A_31 = vector.load %arg7[%swap3A, %swap3A_30] : memref<1024x128xf32, #tpu.memory_space<vmem>>, vector<1024x128xf32>
    tpu.vector_store %arg7[%swap3A, %swap3A_30], %mul3A_29 {strides = array<i32>} : memref<1024x128xf32, #tpu.memory_space<vmem>>, vector<1024x128xf32>,
    return
  }
  func.func @transform_0(%arg0: i32) -> (i32, i32, i32) {
    %c0_i32 = arith.constant 0 : i32
    %c0_i32_0 = arith.constant 0 : i32
    %c0_i32_1 = arith.constant 0 : i32
    return %c0_i32, %arg0, %c0_i32_0 : i32, i32, i32
  }
  func.func @transform_1(%arg0: i32) -> (i32, i32, i32) {
    %c1_i32 = arith.constant 1 : i32
    %c0_i32 = arith.constant 0 : i32
    %c0_i32_0 = arith.constant 0 : i32
    return %c1_i32, %arg0, %c0_i32 : i32, i32, i32
  }
  func.func @transform_2(%arg0: i32) -> (i32, i32) {
    %c0_i32 = arith.constant 0 : i32
    %c0_i32_0 = arith.constant 0 : i32
    return %arg0, %c0_i32 : i32, i32
  }
  func.func @transform_3(%arg0: i32) -> (i32, i32) {
    %c0_i32 = arith.constant 0 : i32
    %c0_i32_0 = arith.constant 0 : i32
    return %arg0, %c0_i32 : i32, i32
  }
  func.func @transform_4(%arg0: i32) -> (i32, i32) {
    %c0_i32 = arith.constant 0 : i32
    %c0_i32_0 = arith.constant 0 : i32
    %c0_i32_1 = arith.constant 0 : i32
    return %c0_i32, %c0_i32_0 : i32, i32
  }
  func.func @transform_5(%arg0: i32) -> (i32, i32) {
    %c0_i32 = arith.constant 0 : i32
    %c0_i32_0 = arith.constant 0 : i32
    %c0_i32_1 = arith.constant 0 : i32
    return %c0_i32, %c0_i32_0 : i32, i32
  }
  func.func @transform_6(%arg0: i32) -> (i32, i32) {
    %c0_i32 = arith.constant 0 : i32
    %c0_i32_0 = arith.constant 0 : i32
    return %arg0, %c0_i32 : i32, i32
  }
}

module attributes {stable_mosaic.version = 14 : i64} {
  func.func @_k7_body(%arg0: i32, %arg1: memref<1x1024x128xf32, #tpu.memory_space<vmem>>, %arg2: memref<1x1024x128xf32, #tpu.memory_space<vmem>>, %arg3: memref<1024x128xf32, #tpu.memory_space<vmem>>, %arg4: memref<1024x1xf32, #tpu.memory_space<vmem>>, %arg5: memref<1x128xf32, #tpu.memory_space<vmem>>, %arg6: memref<1024x128xf32, #tpu.memory_space<vmem>>) attributes {dimension_semantics = [#tpu.dimension_semantics<arbitrary>], iteration_bounds = array<i64: 10>, scalar_prefetch = 0 : i64, scratch_operands = 0 : i64, tpu.core_type = #tpu.core_type<tc>, window_params = [{transform_indices = @transform_0, window_bounds = array<i64: 1, 1024, 128>}, {transform_indices = @transform_1, window_bounds = array<i64: 1, 1024, 128>}, {transform_indices = @transform_2, window_bounds = array<i64: 1024, 128>}, {transform_indices = @transform_3, window_bounds = array<i64: 1024, 1>}, {pipeline_mode = #tpu.pipeline_mode<synchronous>, transform_indices = @transform_4, window_bounds = array<i64: 1, 128>}, {transform_indices = @transform_5, window_bounds = array<i64: 1024, 128>}]} {
    %get3A = arith.constant 0 : index
    %get3A_0 = arith.constant 0 : index
    %get3A_1 = arith.constant 0 : index
    %get3A_2 = vector.load %arg1[%get3A, %get3A_0, %get3A_1] : memref<1x1024x128xf32, #tpu.memory_space<vmem>>, vector<1x1024x128xf32>
    %get3A_3 = vector.shape_cast %get3A_2 : vector<1x1024x128xf32> to vector<1024x128xf32>
    %get3A_4 = arith.constant 0 : index
    %get3A_5 = arith.constant 0 : index
    %get3A_6 = arith.constant 0 : index
    %get3A_7 = vector.load %arg2[%get3A_4, %get3A_5, %get3A_6] : memref<1x1024x128xf32, #tpu.memory_space<vmem>>, vector<1x1024x128xf32>
    %get3A_8 = vector.shape_cast %get3A_7 : vector<1x1024x128xf32> to vector<1024x128xf32>
    %add3A = arith.addf %get3A_3, %get3A_8 : vector<1024x128xf32>
    %get3A_9 = arith.constant 0 : index
    %get3A_10 = arith.constant 0 : index
    %get3A_11 = vector.load %arg4[%get3A_9, %get3A_10] : memref<1024x1xf32, #tpu.memory_space<vmem>>, vector<1024x1xf32>
    %get3A_12 = arith.constant 0 : index
    %get3A_13 = arith.constant 0 : index
    %get3A_14 = vector.load %arg3[%get3A_12, %get3A_13] : memref<1024x128xf32, #tpu.memory_space<vmem>>, vector<1024x128xf32>
    %add3A_15 = arith.addf %add3A, %get3A_14 : vector<1024x128xf32>
    %mul3A = vector.broadcast %get3A_11 : vector<1024x1xf32> to vector<1024x128xf32>
    %mul3A_16 = arith.mulf %mul3A, %add3A_15 : vector<1024x128xf32>
    %get3A_17 = arith.constant 0 : index
    %get3A_18 = arith.constant 0 : index
    %get3A_19 = vector.load %arg5[%get3A_17, %get3A_18] : memref<1x128xf32, #tpu.memory_space<vmem>>, vector<1x128xf32>
    %add3A_20 = vector.broadcast %get3A_19 : vector<1x128xf32> to vector<1024x128xf32>
    %add3A_21 = arith.addf %mul3A_16, %add3A_20 : vector<1024x128xf32>
    %max3A = arith.constant 0.000000e+00 : f32
    %max3A_22 = vector.broadcast %max3A : f32 to vector<1024x128xf32>
    %max3A_23 = arith.maximumf %add3A_21, %max3A_22 : vector<1024x128xf32>
    %swap3A = arith.constant 0 : index
    %swap3A_24 = arith.constant 0 : index
    %swap3A_25 = vector.load %arg6[%swap3A, %swap3A_24] : memref<1024x128xf32, #tpu.memory_space<vmem>>, vector<1024x128xf32>
    tpu.vector_store %arg6[%swap3A, %swap3A_24], %max3A_23 {strides = array<i32>} : memref<1024x128xf32, #tpu.memory_space<vmem>>, vector<1024x128xf32>,
    return
  }
  func.func @transform_0(%arg0: i32) -> (i32, i32, i32) {
    %c0_i32 = arith.constant 0 : i32
    %c0_i32_0 = arith.constant 0 : i32
    %c0_i32_1 = arith.constant 0 : i32
    return %c0_i32, %arg0, %c0_i32_0 : i32, i32, i32
  }
  func.func @transform_1(%arg0: i32) -> (i32, i32, i32) {
    %c1_i32 = arith.constant 1 : i32
    %c0_i32 = arith.constant 0 : i32
    %c0_i32_0 = arith.constant 0 : i32
    return %c1_i32, %arg0, %c0_i32 : i32, i32, i32
  }
  func.func @transform_2(%arg0: i32) -> (i32, i32) {
    %c0_i32 = arith.constant 0 : i32
    %c0_i32_0 = arith.constant 0 : i32
    return %arg0, %c0_i32 : i32, i32
  }
  func.func @transform_3(%arg0: i32) -> (i32, i32) {
    %c0_i32 = arith.constant 0 : i32
    %c0_i32_0 = arith.constant 0 : i32
    return %arg0, %c0_i32 : i32, i32
  }
  func.func @transform_4(%arg0: i32) -> (i32, i32) {
    %c0_i32 = arith.constant 0 : i32
    %c0_i32_0 = arith.constant 0 : i32
    %c0_i32_1 = arith.constant 0 : i32
    return %c0_i32, %c0_i32_0 : i32, i32
  }
  func.func @transform_5(%arg0: i32) -> (i32, i32) {
    %c0_i32 = arith.constant 0 : i32
    %c0_i32_0 = arith.constant 0 : i32
    return %arg0, %c0_i32 : i32, i32
  }
}

module attributes {stable_mosaic.version = 14 : i64} {
  func.func @_k9_body(%arg0: i32, %arg1: memref<2x128x128xf32, #tpu.memory_space<vmem>>, %arg2: memref<1x128x128xf32, #tpu.memory_space<vmem>>, %arg3: memref<1x128x128xf32, #tpu.memory_space<vmem>>, %arg4: memref<128x1xf32, #tpu.memory_space<vmem>>, %arg5: memref<1x1xf32, #tpu.memory_space<vmem>>, %arg6: memref<128x1xf32, #tpu.memory_space<vmem>>) attributes {dimension_semantics = [#tpu.dimension_semantics<arbitrary>], iteration_bounds = array<i64: 1>, scalar_prefetch = 0 : i64, scratch_operands = 0 : i64, tpu.core_type = #tpu.core_type<tc>, window_params = [{pipeline_mode = #tpu.pipeline_mode<synchronous>, transform_indices = @transform_0, window_bounds = array<i64: 2, 128, 128>}, {transform_indices = @transform_1, window_bounds = array<i64: 1, 128, 128>}, {transform_indices = @transform_2, window_bounds = array<i64: 1, 128, 128>}, {pipeline_mode = #tpu.pipeline_mode<synchronous>, transform_indices = @transform_3, window_bounds = array<i64: 128, 1>}, {pipeline_mode = #tpu.pipeline_mode<synchronous>, transform_indices = @transform_4, window_bounds = array<i64: 1, 1>}, {pipeline_mode = #tpu.pipeline_mode<synchronous>, transform_indices = @transform_5, window_bounds = array<i64: 128, 1>}]} {
    %get3A = arith.constant 0 : index
    %get3A_0 = arith.constant 0 : index
    %get3A_1 = arith.constant 0 : index
    %get3A_2 = vector.load %arg1[%get3A, %get3A_0, %get3A_1] : memref<2x128x128xf32, #tpu.memory_space<vmem>>, vector<1x128x128xf32>
    %get3A_3 = vector.shape_cast %get3A_2 : vector<1x128x128xf32> to vector<128x128xf32>
    %get3A_4 = arith.constant 1 : index
    %get3A_5 = arith.constant 0 : index
    %get3A_6 = arith.constant 0 : index
    %get3A_7 = vector.load %arg1[%get3A_4, %get3A_5, %get3A_6] : memref<2x128x128xf32, #tpu.memory_space<vmem>>, vector<1x128x128xf32>
    %get3A_8 = vector.shape_cast %get3A_7 : vector<1x128x128xf32> to vector<128x128xf32>
    %add3A = arith.addf %get3A_3, %get3A_8 : vector<128x128xf32>
    %get3A_9 = arith.constant 0 : index
    %get3A_10 = arith.constant 0 : index
    %get3A_11 = arith.constant 0 : index
    %get3A_12 = vector.load %arg2[%get3A_9, %get3A_10, %get3A_11] : memref<1x128x128xf32, #tpu.memory_space<vmem>>, vector<1x128x1xf32>
    %get3A_13 = vector.shape_cast %get3A_12 : vector<1x128x1xf32> to vector<128x1xf32>
    %get3A_14 = arith.constant 0 : index
    %get3A_15 = arith.constant 0 : index
    %get3A_16 = arith.constant 0 : index
    %get3A_17 = vector.load %arg3[%get3A_14, %get3A_15, %get3A_16] : memref<1x128x128xf32, #tpu.memory_space<vmem>>, vector<1x128x1xf32>
    %get3A_18 = vector.shape_cast %get3A_17 : vector<1x128x1xf32> to vector<128x1xf32>
    %add3A_19 = arith.addf %get3A_13, %get3A_18 : vector<128x1xf32>
    %jit3A = arith.constant 1.000000e+00 : f32
    %max3A = vector.broadcast %jit3A : f32 to vector<128x1xf32>
    %max3A_20 = arith.maximumf %max3A, %add3A_19 : vector<128x1xf32>
    %div3A = vector.broadcast %max3A_20 : vector<128x1xf32> to vector<128x128xf32>
    %div3A_21 = arith.divf %add3A, %div3A : vector<128x128xf32>
    %get3A_22 = arith.constant 0 : index
    %get3A_23 = arith.constant 0 : index
    %get3A_24 = vector.load %arg4[%get3A_22, %get3A_23] : memref<128x1xf32, #tpu.memory_space<vmem>>, vector<128x1xf32>
    %dot_general3A = arith.constant dense<0.000000e+00> : vector<128x1xf32>
    %dot_general3A_25 = tpu.matmul %div3A_21, %get3A_24, %dot_general3A {dimension_numbers = #tpu.dot_dimension_numbers<[1], [0], [0], [1], [0, 0, 1, 1], [], []>, transpose_lhs_hint = false} : vector<128x128xf32>, vector<128x1xf32>, vector<128x1xf32> -> vector<128x1xf32>
    %get3A_26 = arith.constant 0 : index
    %get3A_27 = arith.constant 0 : index
    %get3A_28 = vector.load %arg5[%get3A_26, %get3A_27] : memref<1x1xf32, #tpu.memory_space<vmem>>, vector<1x1xf32>
    %add3A_29 = vector.broadcast %get3A_28 : vector<1x1xf32> to vector<128x1xf32>
    %add3A_30 = arith.addf %dot_general3A_25, %add3A_29 : vector<128x1xf32>
    %swap3A = arith.constant 0 : index
    %swap3A_31 = arith.constant 0 : index
    %swap3A_32 = vector.load %arg6[%swap3A, %swap3A_31] : memref<128x1xf32, #tpu.memory_space<vmem>>, vector<128x1xf32>
    tpu.vector_store %arg6[%swap3A, %swap3A_31], %add3A_30 {strides = array<i32>} : memref<128x1xf32, #tpu.memory_space<vmem>>, vector<128x1xf32>,
    return
  }
  func.func @transform_0(%arg0: i32) -> (i32, i32, i32) {
    %c0_i32 = arith.constant 0 : i32
    %c0_i32_0 = arith.constant 0 : i32
    %c0_i32_1 = arith.constant 0 : i32
    %c0_i32_2 = arith.constant 0 : i32
    return %c0_i32, %c0_i32_0, %c0_i32_1 : i32, i32, i32
  }
  func.func @transform_1(%arg0: i32) -> (i32, i32, i32) {
    %c0_i32 = arith.constant 0 : i32
    %c0_i32_0 = arith.constant 0 : i32
    %c0_i32_1 = arith.constant 0 : i32
    %c0_i32_2 = arith.constant 0 : i32
    return %c0_i32, %c0_i32_0, %c0_i32_1 : i32, i32, i32
  }
  func.func @transform_2(%arg0: i32) -> (i32, i32, i32) {
    %c1_i32 = arith.constant 1 : i32
    %c0_i32 = arith.constant 0 : i32
    %c0_i32_0 = arith.constant 0 : i32
    %c0_i32_1 = arith.constant 0 : i32
    return %c1_i32, %c0_i32, %c0_i32_0 : i32, i32, i32
  }
  func.func @transform_3(%arg0: i32) -> (i32, i32) {
    %c0_i32 = arith.constant 0 : i32
    %c0_i32_0 = arith.constant 0 : i32
    %c0_i32_1 = arith.constant 0 : i32
    return %c0_i32, %c0_i32_0 : i32, i32
  }
  func.func @transform_4(%arg0: i32) -> (i32, i32) {
    %c0_i32 = arith.constant 0 : i32
    %c0_i32_0 = arith.constant 0 : i32
    %c0_i32_1 = arith.constant 0 : i32
    return %c0_i32, %c0_i32_0 : i32, i32
  }
  func.func @transform_5(%arg0: i32) -> (i32, i32) {
    %c0_i32 = arith.constant 0 : i32
    %c0_i32_0 = arith.constant 0 : i32
    %c0_i32_1 = arith.constant 0 : i32
    return %c0_i32, %c0_i32_0 : i32, i32
  }
}

</mosaic_0001>

<sc_bundles>
// kernel: kernel.11.cloned.1.call-start
scs
__scs_entry_jumppad:
0x0: {  	(pc) =	sbr.rel $0x88, $3  }
0x1: {  	(tag) =	ssettag $0x0;
	lr =	simm.s32 $0x1  }
0x2: {  	[smem:$0x3F98] =	sst lr;
	_ =	strace $0xD0000000  }
0x3: {  	_ = 	snop  }
0x4: {  	_ = 	snop  }
0x5: {  	_ = 	snop  }
0x6: {  	_ = 	snop  }
0x7: {  	_ = 	snop  }
__scs_overlays_trampoline_lowered:
0x8: {  	[smem:$0x3FA7] =	sst s0  }
0x9: {  	[smem:$0x3FA8] =	sst s1  }
0xa: {  	[smem:$0x3FA9] =	sst s2  }
0xb: {  	[smem:$0x3FAA] =	sst s3  }
0xc: {  	[smem:$0x3FAB] =	sst s4  }
0xd: {  	[smem:$0x3FAC] =	sst s5  }
0xe: {  	[smem:$0x3FAD] =	sst s6  }
0xf: {  	[smem:$0x3FAE] =	sst s7  }
0x10: {  	[smem:$0x3FAF] =	sst s8  }
0x11: {  	[smem:$0x3FB0] =	sst s9;
	s0 =	simm.s32 @!p0 $0x0  }
0x12: {  	s1 =	sld [smem:$0x3F96];
	s0 =	simm.s32 @p0 $0x1  }
0x13: {  	[smem:$0x3FB1] =	sst s0;
	s0 =	simm.s32 @!p1 $0x0  }
0x14: {  	s2 =	sld [smem:$0x3F95];
	s0 =	simm.s32 @p1 $0x1  }
0x15: {  	[smem:$0x3FB2] =	sst s0;
	s0 =	simm.s32 @!p2 $0x0  }
0x16: {  	s3 =	sld [smem:$0x3FDB];
	s0 =	simm.s32 @p2 $0x1  }
0x17: {  	s4 =	simm.s32 $0x1BF5;
	[smem:$0x3FB4] =	sst s0  }
0x18: {  	s0 =	sld [smem:$0x3F97];
	_ =	swait.ge [sflag:s4], $0x0  }
0x19: {  	s7 =	sld [smem:$0x3F98]  }
0x1a: {  	s8 =	sadd.s32 $0xFFFFE003, lr  }
0x1b: {  	s9 =	sadd.s32 $0xFFFFFEF7, lr;
	s5 =	simm.s32 $0xFFFFFFFF;
	p2 =	slt.u32 s8, $0xFFFFF086  }
0x1c: {  	p1 =	slt.u32 s9, $0xF7A;
	s5 =	simm.s32 @!p2 $0x0  }
0x1d: {  	s5 =	simm.s32 @p1 $0x1;
	p0 =	seq.s32 s7, s2  }
0x1e: {  	s7 =	smul.u32 @!p0 $0xF7A, s2;
	p2 =	seq.s32 @!p0 s5, $0x0  }
0x1f: {  	s9 =	smul.u32 $0xF7A, s1;
	s8 =	simm.s32 @!p0 $0x1BF5;
	p2 =	por !p2, p0  }
0x20: {  	[sflag:s8] =	ssyncset.s32 @!p0 $0xFFFFF086;
	s6 =	sadd.s32 @!p0 s3, s7;
	s7 =	simm.s32 @!p0 $0x108  }
0x21: {  	s3 =	sadd.s32 s3, s9;
	s6 =	sadd.s32 @!p0 $0x88, s6;
	s7 =	simm.s32 @p2 $0x1082  }
0x22: {  	[simem:s7], [sflag:s8] =	dma.local @!p0 [hbm:s6], $0xF7A  }
0x23: {  	s9 =	sor.u32 $0xD0000000, s2;
	s6 =	simm.s32 $0x108;
	_ =	swait.ge @!p0 [sflag:s8], $0x0  }
0x24: {  	s3 =	sadd.s32 $0x88, s3;
	s6 =	simm.s32 @!p1 $0x1082;
	[sflag:s4] =	ssyncset.s32 $0xFFFFF086  }
0x25: {  	[simem:s6], [sflag:s4] =	dma.local [hbm:s3], $0xF7A  }
0x26: {  	[smem:$0x3F98] =	sst s1;
	(tag) =	ssettag s2;
	_ =	strace s9  }
0x27: {  	s1 =	sld [smem:$0x3FA8]  }
0x28: {  	s2 =	sld [smem:$0x3FA9]  }
0x29: {  	s4 =	sld [smem:$0x3FAB]  }
0x2a: {  	p0 =	seq.s32 s5, $0x0;
	s5 =	sld [smem:$0x3FAC]  }
0x2b: {  	s6 =	sld [smem:$0x3FAD]  }
0x2c: {  	s7 =	sld [smem:$0x3FAE]  }
0x2d: {  	s3 =	simm.s32 $0x108;
	s8 =	sld [smem:$0x3FAF]  }
0x2e: {  	s3 =	simm.s32 @!p0 $0x1082;
	s9 =	sld [smem:$0x3FB0]  }
0x2f: {  	lr =	sadd.s32 s0, s3;
	s0 =	sld [smem:$0x3FA7]  }
0x30: {  	s3 =	sld [smem:$0x3FAA]  }
0x31: {  	[smem:$0x3FB3] =	sst s10  }
0x32: {  	s10 =	sld [smem:$0x3FB1];
	_ =	sdelay $0x3  }
0x33: {  	p0 =	seq.s32 s10, $0x1;
	s10 =	sld [smem:$0x3FB3];
	_ =	sdelay $0x3  }
0x34: {  	[smem:$0x3FB3] =	sst s10  }
0x35: {  	s10 =	sld [smem:$0x3FB2];
	_ =	sdelay $0x3  }
0x36: {  	p1 =	seq.s32 s10, $0x1;
	s10 =	sld [smem:$0x3FB3];
	_ =	sdelay $0x3  }
0x37: {  	[smem:$0x3FB3] =	sst s10  }
0x38: {  	s10 =	sld [smem:$0x3FB4]  }
0x39: {  	_ = 	snop;
	(pc) =	sbr.ind lr, $3  }
0x3a: {  	_ = 	snop  }
0x3b: {  	_ = 	snop  }
0x3c: {  	p2 =	seq.s32 s10, $0x1;
	s10 =	sld [smem:$0x3FB3]  }
0x3d: {  	_ =	shalt  }
0x3e: {  	_ =	shalt  }
0x3f: {  	_ =	shalt  }
0x40: {  	_ =	shalt  }
0x41: {  	_ =	shalt  }
0x42: {  	_ =	shalt  }
0x43: {  	_ =	shalt  }
0x44: {  	_ =	shalt  }
0x45: {  	_ =	shalt  }
0x46: {  	_ =	shalt  }
0x47: {  	_ =	shalt  }
0x48: {  	_ =	shalt  }
0x49: {  	_ =	shalt  }
0x4a: {  	_ =	shalt  }
0x4b: {  	_ =	shalt  }
0x4c: {  	_ =	shalt  }
0x4d: {  	_ =	shalt  }
0x4e: {  	_ =	shalt  }
0x4f: {  	_ =	shalt  }
0x50: {  	_ =	shalt  }
0x51: {  	_ =	shalt  }
0x52: {  	_ =	shalt  }
0x53: {  	_ =	shalt  }
0x54: {  	_ =	shalt  }
0x55: {  	_ =	shalt  }
0x56: {  	_ =	shalt  }
0x57: {  	_ =	shalt  }
0x58: {  	_ =	shalt  }
0x59: {  	_ =	shalt  }
0x5a: {  	_ =	shalt  }
0x5b: {  	_ =	shalt  }
0x5c: {  	_ =	shalt  }
0x5d: {  	_ =	shalt  }
0x5e: {  	_ =	shalt  }
0x5f: {  	_ =	shalt  }
0x60: {  	_ =	shalt  }
0x61: {  	_ =	shalt  }
0x62: {  	_ =	shalt  }
0x63: {  	_ =	shalt  }
0x64: {  	_ =	shalt  }
0x65: {  	_ =	shalt  }
0x66: {  	_ =	shalt  }
0x67: {  	_ =	shalt  }
0x68: {  	_ =	shalt  }
0x69: {  	_ =	shalt  }
0x6a: {  	_ =	shalt  }
0x6b: {  	_ =	shalt  }
0x6c: {  	_ =	shalt  }
0x6d: {  	_ =	shalt  }
0x6e: {  	_ =	shalt  }
0x6f: {  	_ =	shalt  }
0x70: {  	_ =	shalt  }
0x71: {  	_ =	shalt  }
0x72: {  	_ =	shalt  }
0x73: {  	_ =	shalt  }
0x74: {  	_ =	shalt  }
0x75: {  	_ =	shalt  }
0x76: {  	_ =	shalt  }
0x77: {  	_ =	shalt  }
0x78: {  	_ =	shalt  }
0x79: {  	_ =	shalt  }
0x7a: {  	_ =	shalt  }
0x7b: {  	_ =	shalt  }
0x7c: {  	_ =	shalt  }
0x7d: {  	_ =	shalt  }
0x7e: {  	_ =	shalt  }
0x7f: {  	_ =	shalt  }
0x80: {  	_ =	shalt  }
0x81: {  	_ =	shalt  }
0x82: {  	_ =	shalt  }
0x83: {  	_ =	shalt  }
0x84: {  	_ =	shalt  }
0x85: {  	_ =	shalt  }
0x86: {  	_ =	shalt  }
0x87: {  	_ =	shalt  }
.Lfunc_end0:
.L_simem_size_0:
called_computation_lowered:
.L_overlay_start_0:
0x88: {  	s2 =	sld [smem:$0x3FD9]  }
0x89: {  	s3 =	sld [smem:$0x3FFE];
	_ =	sdelay $0x1  }
0x8a: {  	s1 =	srdreg.scid  }
0x8b: {  	s0 =	sand.u32 $0x1, s1  }
0x8c: {  	s16 =	sshll.u32 s0, $0xA;
	s2 =	sadd.s32 s3, s2  }
0x8d: {  	s2 =	sadd.s32 s2, s16  }
0x8e: {  	[smem:$0x3FBF] =	sst s2  }
0x8f: {  	_ = 	snop  }
0x90: {  	(tm) =	ssettm $0x1  }
0x91: {  	s17 =	sld [smem:$0x3FFB];
	_ =	sdelay $0x3  }
0x92: {  	_ =	strace s17  }
0x93: {  	s2 =	sld [smem:$0x3FFC];
	_ =	sdelay $0x3  }
0x94: {  	_ =	strace s2  }
0x95: {  	s2 =	sld [smem:$0x3FFD];
	_ =	sdelay $0x3  }
0x96: {  	_ =	strace s2  }
0x97: {  	_ =	strace $0x8FFFFFFF  }
0x98: {  	s18 =	sld [smem:$0x3FDB];
	_ =	sdelay $0x1  }
0x99: {  	s19 =	simm.s32 $_scs_section_size  }
0x9a: {  	s4 =	simm.s32 $_size__tile_overlayer_lowered;
	s5 =	simm.s32 $_tile_overlayer_lowered  }
0x9b: {  	s22 =	simm.s32 $0x1BFF;
	s21 =	sshll.u32 s5, $0x1;
	s2 =	sadd.s32 s19, s18  }
0x9c: {  	s6 =	simm.s32 $0x0;
	s20 =	sshll.u32 s4, $0x1;
	s4 =	sadd.s32 s21, s2  }
0x9d: {  	[timem:s6], [sflag:s22] =	dma.local [hbm:s4], s20  }
0x9e: {  	_ =	swait.ge [sflag:s22], s20  }
0x9f: {  	s3 =	ssub.s32 $0x0, s20;
	[sflag:s22] =	ssyncset.done $0x0  }
0xa0: {  	[sflag:s22] =	ssyncadd.s32 s3;
	_ =	sdelay $0x1  }
0xa1: {  	s23 =	simm.s32 $0x1B8B  }
0xa2: {  	_ =	swait.ge [sflag:s23], $0x1  }
0xa3: {  	[sflag:s23] =	ssyncset.done $0x0  }
0xa4: {  	s25 =	simm.s32 $0x1B8E;
	s24 =	sld [smem:$0x3FFE];
	[sflag:s23] =	ssyncadd.s32 $0xFFFFFFFF  }
0xa5: {  	s26 =	simm.s32 $execute0_lowered;
	[smem:$0x3FD2] =	sst s25  }
0xa6: {  	s4 =	sshll.u32 s26, $0x1;
	_ =	strace $0x80000046;
	[dreg:$0x1] =	wrdreg $0xFFFFFFFF  }
0xa7: {  	s28 =	simm.s32 $_size_execute0_lowered;
	s2 =	sadd.s32 s2, s4;
	[dreg:$0x0] =	wrdreg $0x0  }
0xa8: {  	s4 =	sshll.u32 s28, $0x1;
	[dreg:$0x2] =	wrdreg s2  }
0xa9: {  	[dreg:$0x3] =	wrdreg s4  }
0xaa: {  	[dreg:$0x4] =	wrdreg $0xC0  }
0xab: {  	_ =	task [dreg:s6], $0x5FFFF  }
0xac: {  	[dreg:$0x1] =	wrdreg $0xFFFFFFFF  }
0xad: {  	[dreg:$0x0] =	wrdreg $0x60  }
0xae: {  	[dreg:$0x2] =	wrdreg s24  }
0xaf: {  	[dreg:$0x3] =	wrdreg $0x82800  }
0xb0: {  	[dreg:$0x4] =	wrdreg $0x1C2800  }
0xb1: {  	[dreg:$0x5] =	wrdreg $0x9  }
0xb2: {  	_ =	task.clear_ibuf [dreg:s6], $0x6FFFF;
	_ =	strace $0x90000046  }
0xb3: {  	s29 =	simm.s32 $0x9;
	_ =	strace $0x80000048  }
0xb4: {  	_ =	swait.ge [sflag:s29], $0x1  }
0xb5: {  	[sflag:s29] =	ssyncadd.s32 $0xFFFFFFFF  }
0xb6: {  	_ =	strace $0x90000048  }
0xb7: {  	_ =	sfence  }
0xb8: {  	s30 =	sld [smem:$0x0];
	_ =	sdelay $0x2  }
0xb9: {  	s31 =	sshll.u32 s1, $0xD;
	s1 =	sshrl.u32 s1, $0x2  }
0xba: {  	s3 =	sand.u32 $0x4000, s31;
	s1 =	sadd.s32 s1, s30  }
0xbb: {  	s0 =	sor.u32 s3, s0;
	s1 =	sshll.u32 s1, $0x11  }
0xbc: {  	s0 =	sor.u32 s1, s0  }
0xbd: {  	s0 =	sadd.s32 $0x8F2B, s0  }
0xbe: {  	[sflag:s0] =	ssyncadd.remote.s32 $0x1  }
0xbf: {  	_ =	sfence.sel $0xFFFF  }
0xc0: {  	[dreg:$0x0] =	wrdreg $0xFFFFFFFF;
	(pc) =	sbr.abs _section_cstart, $3  }
0xc1: {  	[dreg:$0x1] =	wrdreg $0xFFFFFFFF  }
0xc2: {  	_ =	task.clear_ibuf [dreg:s6], $0x2FFFF;
	_ =	strace $0x9FFFFFFF  }
0xc3: {  	(tm) =	ssettm $0x7FFFFFFF  }
tec
execute0_lowered:
.L_overlay_start_1:
0x0: {  	(tag) =	ssettag $0x1  }
0x1: {  	s0 =	rddreg [dreg:$0x0]  }
0x2: {  	s1 =	rddreg [dreg:$0x1]  }
0x3: {  	s2 =	rddreg [dreg:$0x2]  }
0x4: {  	s3 =	srdreg.scid;
	s14 =	stileid.u32  }
0x5: {  	s4 =	simm.s32 $0x0;
	s28 =	simm.s32 $0x9;
	s29 =	simm.s32 $0x80  }
0x6: {  	s30 =	simm.s32 $0x100;
	s31 =	simm.s32 $0x180;
	s7 =	smul.u32 $0x14000, s14  }
0x7: {  	s3 =	sand.u32 $0x1, s3;
	[smem:$0x7FF] =	sst s4;
	s10 =	smul.u32 $0x50000, s14  }
0x8: {  	s19 =	smul.u32 $0x50, s14;
	p1 =	sgt.u32 s14, $0x1;
	p0 =	sne.s32 s14, $0x0  }
0x9: {  	s5 =	sshll.u32 s3, $0x4;
	s6 =	smul.u32 $0x140000, s3;
	_ =	strace $0x80000047  }
0xa: {  	s25 =	ssub.s32 $0x2, s3;
	s11 =	sshll.u32 s3, $0xB;
	s3 =	smul.u32 $0x500, s3  }
0xb: {  	s5 =	sor.u32 s14, s5;
	s12 =	sshrl.u32 s25, $0x1;
	s10 =	sshrl.u32 s10, $0x2  }
0xc: {  	s8 =	smul.u32 $0x28, s5;
	s6 =	sadd.s32 s7, s6;
	s7 =	sadd.s32 $0x3000, s0  }
0xd: {  	s13 =	smul.u32 $0x500, s5;
	s26 =	ssub.s32 s25, s12;
	s12 =	sshll.u32 s14, $0xE  }
0xe: {  	s5 =	sadd.s32 s10, s1;
	s14 =	simm.s32 $0x200;
	s10 =	sadd.s32 s12, s2  }
0xf: {  	s6 =	sshrl.u32 s6, $0x3;
	s18 =	smax.u32 s26, $0x1;
	[dreg:$0x4] =	wrdreg s10  }
0x10: {  	s20 =	sadd.s32 $0x4000, s5;
	s21 =	sadd.s32 $0x8000, s5;
	[dreg:$0xa] =	wrdreg s18  }
0x11: {  	s22 =	sadd.s32 $0xC000, s5;
	s23 =	sadd.s32 $0x10000, s5;
	[dreg:$0xb] =	wrdreg s20  }
0x12: {  	s12 =	simm.s32 $0x7;
	s8 =	sadd.s32 s8, s0;
	[dreg:$0xc] =	wrdreg s21  }
0x13: {  	s9 =	sadd.s32 s6, s0;
	s6 =	sadd.s32 s7, s13;
	[dreg:$0xd] =	wrdreg s22  }
0x14: {  	s0 =	sadd.s32 s11, s0;
	[dreg:$0xe] =	wrdreg s23;
	s15 =	sadd.s32 $0x10, s6  }
0x15: {  	s10 =	simm.s32 $0x5;
	s16 =	sadd.s32 $0x20, s6;
	[dreg:$0x5] =	wrdreg s15  }
0x16: {  	s11 =	simm.s32 $0x6;
	s17 =	sadd.s32 $0x30, s6;
	[dreg:$0x6] =	wrdreg s16  }
0x17: {  	s13 =	simm.s32 $0x8;
	s9 =	sadd.s32 $0xD600, s9;
	[dreg:$0x7] =	wrdreg s17  }
0x18: {  	s0 =	sadd.s32 $0x5D600, s0;
	s24 =	sadd.s32 $0xD000, s8;
	[dreg:$0x8] =	wrdreg s9  }
0x19: {  	s25 =	sadd.s32 $0xD008, s8;
	s26 =	sadd.s32 $0xD010, s8;
	[dreg:$0x9] =	wrdreg s0  }
0x1a: {  	s21 =	sadd.s32 $0xD018, s8;
	s22 =	sadd.s32 $0xD020, s8;
	[dreg:$0xf] =	wrdreg s24  }
0x1b: {  	s8 =	simm.s32 $0x3;
	s0 =	sadd.s32 s19, s3;
	[dreg:$0x10] =	wrdreg s25  }
0x1c: {  	[dreg:$0x11] =	wrdreg s26;
	s26 =	simm.s32 $0x4280;
	s3 =	simm.s32 $0x280  }
0x1d: {  	s9 =	simm.s32 $0x4;
	s15 =	simm.s32 $0x40;
	s0 =	sshll.u32 s0, $0x4  }
0x1e: {  	s16 =	simm.s32 $0x0;
	s23 =	sadd.s32 s0, s7;
	s0 =	simm.s32 $0x1  }
0x1f: {  	v0 =	vimm.f32 $1.000000000e+00;
	v1 =	vimm.f32 $0.0e+00;
	s7 =	simm.s32 $0x2;
	s24 =	sadd.s32 $0x60, s23;
	s25 =	sadd.s32 $0x40, s23  }
.LBB2_1:
0x20: {  	s17 =	simm.s32 $0x40;
	s18 =	simm.s32 $0x0  }
.LBB2_2:
0x21: {  	p2 =	sne.s32 s17, $0xFFC0;
	[tilespmem:s18+$0x280] =	vst v0;
	s19 =	smov.u32 s17;
	s17 =	sadd.s32 $0x40, s17  }
.Ltmp0:
0x22: {  	[tilespmem:s18+$0x4280] =	vst v1;
	(pc) =	sbr.rel @p2 .LBB2_2-.Ltmp0, $2  }
0x23: {  	_ =	sdelay $0x2  }
0x24: {  	s18 =	sshra.s32 s19, $0x2  }
0x25: {  	[tilespmem:s18+$0x280] =	vst v0  }
0x26: {  	[tilespmem:s18+$0x4280] =	vst v1  }
0x27: {  	[spmem:s5] =	stream.linear.scatter [tilespmem:s26], [sflag:$0x9], $0x4000, $0x38;
	[tilespmem:$0x1CA80] =	vst v63  }
0x28: {  	_ =	swait.ge [sflag:s28], $0x4000  }
0x29: {  	[sflag:s28] =	ssyncset.done $0x0  }
0x2a: {  	s17 =	rddreg [dreg:$0xb];
	[sflag:s28] =	ssyncadd.s32 $0xFFFFC000  }
0x2b: {  	[spmem:s17] =	stream.linear.scatter [tilespmem:s26], [sflag:$0x9], $0x4000, $0x38;
	[tilespmem:$0x1CA80] =	vst v63  }
0x2c: {  	_ =	swait.ge [sflag:s28], $0x4000  }
0x2d: {  	[sflag:s28] =	ssyncset.done $0x0  }
0x2e: {  	s20 =	rddreg [dreg:$0xc];
	[sflag:s28] =	ssyncadd.s32 $0xFFFFC000  }
0x2f: {  	[spmem:s20] =	stream.linear.scatter [tilespmem:s26], [sflag:$0x9], $0x4000, $0x38;
	[tilespmem:$0x1CA80] =	vst v63  }
0x30: {  	_ =	swait.ge [sflag:s28], $0x4000  }
0x31: {  	[sflag:s28] =	ssyncset.done $0x0  }
0x32: {  	s18 =	rddreg [dreg:$0xd];
	[sflag:s28] =	ssyncadd.s32 $0xFFFFC000  }
0x33: {  	[spmem:s18] =	stream.linear.scatter [tilespmem:s26], [sflag:$0x9], $0x4000, $0x38;
	[tilespmem:$0x1CA80] =	vst v63  }
0x34: {  	_ =	swait.ge [sflag:s28], $0x4000  }
0x35: {  	[sflag:s28] =	ssyncset.done $0x0  }
0x36: {  	s19 =	rddreg [dreg:$0xe];
	[sflag:s28] =	ssyncadd.s32 $0xFFFFC000  }
0x37: {  	[spmem:s19] =	stream.linear.scatter [tilespmem:s26], [sflag:$0x9], $0x4000, $0x38;
	[tilespmem:$0x1CA80] =	vst v63  }
0x38: {  	_ =	swait.ge [sflag:s28], $0x4000  }
0x39: {  	[sflag:s28] =	ssyncset.done $0x0  }
0x3a: {  	s17 =	simm.s32 @!p1 $0x4280;
	s18 =	rddreg [dreg:$0x4];
	[sflag:s28] =	ssyncadd.s32 $0xFFFFC000  }
0x3b: {  	[spmem:s18] =	stream.linear.scatter @!p1 [tilespmem:s17], [sflag:$0x9], $0x4000, $0x38;
	[tilespmem:$0x1CA80] =	vst v63  }
0x3c: {  	s17 =	simm.s32 @!p1 $0x9  }
0x3d: {  	_ =	swait.ge @!p1 [sflag:s17], $0x4000  }
0x3e: {  	[sflag:s17] =	ssyncset.done @!p1 $0x0  }
0x3f: {  	[sflag:s17] =	ssyncadd.s32 @!p1 $0xFFFFC000  }
0x40: {  	s17 =	simm.s32 $0x0;
	[bflag:$0x0] =	sbarrier.arrive $0xFFFF  }
0x41: {  	[tilespmem:s17], [sflag:$0x1] =	stream.linear.gather [hbm4b:s6+s17], $0x80, $0x38;
	[tilespmem:$0x1CA80] =	vst v63  }
0x42: {  	s20 =	rddreg [dreg:$0x5]  }
0x43: {  	[tilespmem:s29], [sflag:$0x2] =	stream.linear.gather [hbm4b:s20+s17], $0x80, $0x38;
	[tilespmem:$0x1CA80] =	vst v63  }
0x44: {  	s19 =	rddreg [dreg:$0x6]  }
0x45: {  	[tilespmem:s30], [sflag:$0x3] =	stream.linear.gather [hbm4b:s19+s17], $0x80, $0x38;
	[tilespmem:$0x1CA80] =	vst v63  }
0x46: {  	s20 =	rddreg [dreg:$0x7]  }
0x47: {  	[tilespmem:s31], [sflag:$0x4] =	stream.linear.gather [hbm4b:s20+s17], $0x80, $0x38;
	[tilespmem:$0x1CA80] =	vst v63  }
0x48: {  	_ =	swait.ge [sflag:s0], $0x80  }
0x49: {  	[sflag:s0] =	ssyncset.done $0x0  }
0x4a: {  	[sflag:s0] =	ssyncadd.s32 $0xFFFFFF80  }
0x4b: {  	[spmem:s1] =	stream.indirect.scatter.add.f32 [tilespmem:s3], [sflag:$0x5], $0x80, s4, s29, $0xb8;
	[tilespmem:$0x1CA80] =	vst v63  }
0x4c: {  	_ =	swait.ge [sflag:s7], $0x80  }
0x4d: {  	[sflag:s7] =	ssyncset.done $0x0  }
0x4e: {  	[sflag:s7] =	ssyncadd.s32 $0xFFFFFF80  }
0x4f: {  	[spmem:s1] =	stream.indirect.scatter.add.f32 [tilespmem:s3], [sflag:$0x6], $0x80, s29, s29, $0xb8;
	[tilespmem:$0x1CA80] =	vst v63  }
0x50: {  	_ =	swait.ge [sflag:s8], $0x80  }
0x51: {  	[sflag:s8] =	ssyncset.done $0x0  }
0x52: {  	[sflag:s8] =	ssyncadd.s32 $0xFFFFFF80  }
0x53: {  	[spmem:s1] =	stream.indirect.scatter.add.f32 [tilespmem:s3], [sflag:$0x7], $0x80, s30, s29, $0xb8;
	[tilespmem:$0x1CA80] =	vst v63  }
0x54: {  	_ =	swait.ge [sflag:s9], $0x80  }
0x55: {  	[sflag:s9] =	ssyncset.done $0x0  }
0x56: {  	[sflag:s9] =	ssyncadd.s32 $0xFFFFFF80  }
0x57: {  	[spmem:s1] =	stream.indirect.scatter.add.f32 [tilespmem:s3], [sflag:$0x8], $0x80, s31, s29, $0xb8;
	[tilespmem:$0x1CA80] =	vst v63  }
0x58: {  	_ =	swait.ge [sflag:s10], $0x4000  }
0x59: {  	[sflag:s10] =	ssyncset.done $0x0  }
0x5a: {  	s18 =	sadd.s32 $0x0, s25;
	[sflag:s10] =	ssyncadd.s32 $0xFFFFC000  }
0x5b: {  	[tilespmem:s4], [sflag:$0x1] =	stream.linear.gather [hbm4b:s18+s4], $0x80, $0x38;
	[tilespmem:$0x1CA80] =	vst v63  }
0x5c: {  	_ =	swait.ge [sflag:s11], $0x4000  }
0x5d: {  	s18 =	sadd.s32 $0x0, s23;
	[sflag:s11] =	ssyncset.done $0x0  }
0x5e: {  	s19 =	sadd.s32 $0x50, s18;
	[sflag:s11] =	ssyncadd.s32 $0xFFFFC000  }
0x5f: {  	[tilespmem:s29], [sflag:$0x2] =	stream.linear.gather [hbm4b:s19+s4], $0x80, $0x38;
	[tilespmem:$0x1CA80] =	vst v63  }
0x60: {  	_ =	swait.ge [sflag:s12], $0x4000  }
0x61: {  	[sflag:s12] =	ssyncset.done $0x0  }
0x62: {  	s20 =	sadd.s32 $0x0, s24;
	[sflag:s12] =	ssyncadd.s32 $0xFFFFC000  }
0x63: {  	[tilespmem:s30], [sflag:$0x3] =	stream.linear.gather [hbm4b:s20+s4], $0x80, $0x38;
	[tilespmem:$0x1CA80] =	vst v63  }
0x64: {  	_ =	swait.ge [sflag:s13], $0x4000  }
0x65: {  	[sflag:s13] =	ssyncset.done $0x0  }
0x66: {  	s17 =	simm.s32 $0x40;
	s18 =	sadd.s32 $0x70, s18;
	[sflag:s13] =	ssyncadd.s32 $0xFFFFC000  }
.LBB2_4:
0x67: {  	[tilespmem:s31], [sflag:$0x4] =	stream.linear.gather [hbm4b:s18+s4], $0x80, $0x38;
	[tilespmem:$0x1CA80] =	vst v63  }
0x68: {  	s18 =	smov.u32 s17  }
0x69: {  	p2 =	sne.s32 s17, $0x480;
	s17 =	sadd.s32 $0x40, s17;
	_ =	swait.ge [sflag:s0], $0x80  }
0x6a: {  	[sflag:s0] =	ssyncset.done $0x0  }
0x6b: {  	[sflag:s0] =	ssyncadd.s32 $0xFFFFFF80  }
0x6c: {  	[spmem:s1] =	stream.indirect.scatter.add.f32 [tilespmem:s3], [sflag:$0x5], $0x80, s4, s29, $0xb8;
	[tilespmem:$0x1CA80] =	vst v63  }
0x6d: {  	_ =	swait.ge [sflag:s7], $0x80  }
0x6e: {  	[sflag:s7] =	ssyncset.done $0x0  }
0x6f: {  	[sflag:s7] =	ssyncadd.s32 $0xFFFFFF80  }
0x70: {  	[spmem:s1] =	stream.indirect.scatter.add.f32 [tilespmem:s3], [sflag:$0x6], $0x80, s29, s29, $0xb8;
	[tilespmem:$0x1CA80] =	vst v63  }
0x71: {  	_ =	swait.ge [sflag:s8], $0x80  }
0x72: {  	[sflag:s8] =	ssyncset.done $0x0  }
0x73: {  	[sflag:s8] =	ssyncadd.s32 $0xFFFFFF80  }
0x74: {  	[spmem:s1] =	stream.indirect.scatter.add.f32 [tilespmem:s3], [sflag:$0x7], $0x80, s30, s29, $0xb8;
	[tilespmem:$0x1CA80] =	vst v63  }
0x75: {  	_ =	swait.ge [sflag:s9], $0x80  }
0x76: {  	[sflag:s9] =	ssyncset.done $0x0  }
0x77: {  	[sflag:s9] =	ssyncadd.s32 $0xFFFFFF80  }
0x78: {  	[spmem:s1] =	stream.indirect.scatter.add.f32 [tilespmem:s3], [sflag:$0x8], $0x80, s31, s29, $0xb8;
	[tilespmem:$0x1CA80] =	vst v63  }
0x79: {  	_ =	swait.ge [sflag:s10], $0x4000  }
0x7a: {  	[sflag:s10] =	ssyncset.done $0x0  }
0x7b: {  	s19 =	sadd.s32 s18, s25;
	[sflag:s10] =	ssyncadd.s32 $0xFFFFC000  }
0x7c: {  	[tilespmem:s4], [sflag:$0x1] =	stream.linear.gather [hbm4b:s19+s4], $0x80, $0x38;
	[tilespmem:$0x1CA80] =	vst v63  }
0x7d: {  	_ =	swait.ge [sflag:s11], $0x4000  }
0x7e: {  	s19 =	sadd.s32 s18, s23;
	[sflag:s11] =	ssyncset.done $0x0  }
0x7f: {  	s20 =	sadd.s32 $0x50, s19;
	[sflag:s11] =	ssyncadd.s32 $0xFFFFC000  }
0x80: {  	[tilespmem:s29], [sflag:$0x2] =	stream.linear.gather [hbm4b:s20+s4], $0x80, $0x38;
	[tilespmem:$0x1CA80] =	vst v63  }
0x81: {  	_ =	swait.ge [sflag:s12], $0x4000  }
0x82: {  	[sflag:s12] =	ssyncset.done $0x0  }
.Ltmp1:
0x83: {  	s18 =	sadd.s32 s18, s24;
	[sflag:s12] =	ssyncadd.s32 $0xFFFFC000;
	(pc) =	sbr.rel @p2 .LBB2_4-.Ltmp1, $4  }
0x84: {  	[tilespmem:s30], [sflag:$0x3] =	stream.linear.gather [hbm4b:s18+s4], $0x80, $0x38;
	[tilespmem:$0x1CA80] =	vst v63  }
0x85: {  	_ =	swait.ge [sflag:s13], $0x4000  }
0x86: {  	[sflag:s13] =	ssyncset.done $0x0  }
0x87: {  	s18 =	sadd.s32 $0x70, s19;
	[sflag:s13] =	ssyncadd.s32 $0xFFFFC000  }
0x88: {  	[tilespmem:s31], [sflag:$0x4] =	stream.linear.gather [hbm4b:s18+s4], $0x80, $0x38;
	[tilespmem:$0x1CA80] =	vst v63  }
0x89: {  	_ =	swait.ge [sflag:s0], $0x80  }
0x8a: {  	[sflag:s0] =	ssyncset.done $0x0  }
0x8b: {  	[sflag:s0] =	ssyncadd.s32 $0xFFFFFF80  }
0x8c: {  	[spmem:s1] =	stream.indirect.scatter.add.f32 [tilespmem:s3], [sflag:$0x5], $0x80, s4, s29, $0xb8;
	[tilespmem:$0x1CA80] =	vst v63  }
0x8d: {  	_ =	swait.ge [sflag:s7], $0x80  }
0x8e: {  	[sflag:s7] =	ssyncset.done $0x0  }
0x8f: {  	[sflag:s7] =	ssyncadd.s32 $0xFFFFFF80  }
0x90: {  	[spmem:s1] =	stream.indirect.scatter.add.f32 [tilespmem:s3], [sflag:$0x6], $0x80, s29, s29, $0xb8;
	[tilespmem:$0x1CA80] =	vst v63  }
0x91: {  	_ =	swait.ge [sflag:s8], $0x80  }
0x92: {  	[sflag:s8] =	ssyncset.done $0x0  }
0x93: {  	[sflag:s8] =	ssyncadd.s32 $0xFFFFFF80  }
0x94: {  	[spmem:s1] =	stream.indirect.scatter.add.f32 [tilespmem:s3], [sflag:$0x7], $0x80, s30, s29, $0xb8;
	[tilespmem:$0x1CA80] =	vst v63  }
0x95: {  	_ =	swait.ge [sflag:s9], $0x80  }
0x96: {  	[sflag:s9] =	ssyncset.done $0x0  }
0x97: {  	[sflag:s9] =	ssyncadd.s32 $0xFFFFFF80  }
0x98: {  	[spmem:s1] =	stream.indirect.scatter.add.f32 [tilespmem:s3], [sflag:$0x8], $0x80, s31, s29, $0xb8;
	[tilespmem:$0x1CA80] =	vst v63  }
0x99: {  	_ =	swait.ge [sflag:s10], $0x4000  }
0x9a: {  	[sflag:s10] =	ssyncset.done $0x0  }
0x9b: {  	[sflag:s10] =	ssyncadd.s32 $0xFFFFC000  }
0x9c: {  	_ =	swait.ge [sflag:s11], $0x4000  }
0x9d: {  	[sflag:s11] =	ssyncset.done $0x0  }
0x9e: {  	[sflag:s11] =	ssyncadd.s32 $0xFFFFC000  }
0x9f: {  	_ =	swait.ge [sflag:s12], $0x4000  }
0xa0: {  	[sflag:s12] =	ssyncset.done $0x0  }
0xa1: {  	[sflag:s12] =	ssyncadd.s32 $0xFFFFC000  }
0xa2: {  	_ =	swait.ge [sflag:s13], $0x4000  }
0xa3: {  	[sflag:s13] =	ssyncset.done $0x0  }
0xa4: {  	s17 =	rddreg [dreg:$0xf];
	[sflag:s13] =	ssyncadd.s32 $0xFFFFC000  }
0xa5: {  	[tilespmem:s14], [sflag:$0x9] =	stream.linear.gather [hbm4b:s17+s4], $0x40, $0x38;
	[tilespmem:$0x1CA80] =	vst v63  }
0xa6: {  	_ =	swait.ge [sflag:s28], $0x40  }
0xa7: {  	[sflag:s28] =	ssyncset.done $0x0  }
0xa8: {  	[sflag:s28] =	ssyncadd.s32 $0xFFFFFFC0  }
0xa9: {  	[spmem:s2] =	stream.indirect.scatter.add.f32 [tilespmem:s3], [sflag:$0x9], $0x80, s14, s15, $0xb8;
	[tilespmem:$0x1CA80] =	vst v63  }
0xaa: {  	_ =	swait.ge [sflag:s28], $0x2000  }
0xab: {  	[sflag:s28] =	ssyncset.done $0x0  }
0xac: {  	s20 =	rddreg [dreg:$0x10];
	[sflag:s28] =	ssyncadd.s32 $0xFFFFE000  }
0xad: {  	[tilespmem:s14], [sflag:$0x9] =	stream.linear.gather [hbm4b:s20+s4], $0x40, $0x38;
	[tilespmem:$0x1CA80] =	vst v63  }
0xae: {  	_ =	swait.ge [sflag:s28], $0x40  }
0xaf: {  	[sflag:s28] =	ssyncset.done $0x0  }
0xb0: {  	[sflag:s28] =	ssyncadd.s32 $0xFFFFFFC0  }
0xb1: {  	[spmem:s2] =	stream.indirect.scatter.add.f32 [tilespmem:s3], [sflag:$0x9], $0x80, s14, s15, $0xb8;
	[tilespmem:$0x1CA80] =	vst v63  }
0xb2: {  	_ =	swait.ge [sflag:s28], $0x2000  }
0xb3: {  	[sflag:s28] =	ssyncset.done $0x0  }
0xb4: {  	s18 =	rddreg [dreg:$0x11];
	[sflag:s28] =	ssyncadd.s32 $0xFFFFE000  }
0xb5: {  	[tilespmem:s14], [sflag:$0x9] =	stream.linear.gather [hbm4b:s18+s4], $0x40, $0x38;
	[tilespmem:$0x1CA80] =	vst v63  }
0xb6: {  	_ =	swait.ge [sflag:s28], $0x40  }
0xb7: {  	[sflag:s28] =	ssyncset.done $0x0  }
0xb8: {  	[sflag:s28] =	ssyncadd.s32 $0xFFFFFFC0  }
0xb9: {  	[spmem:s2] =	stream.indirect.scatter.add.f32 [tilespmem:s3], [sflag:$0x9], $0x80, s14, s15, $0xb8;
	[tilespmem:$0x1CA80] =	vst v63  }
0xba: {  	_ =	swait.ge [sflag:s28], $0x2000  }
0xbb: {  	[sflag:s28] =	ssyncset.done $0x0  }
0xbc: {  	[sflag:s28] =	ssyncadd.s32 $0xFFFFE000  }
0xbd: {  	[tilespmem:s14], [sflag:$0x9] =	stream.linear.gather [hbm4b:s21+s4], $0x40, $0x38;
	[tilespmem:$0x1CA80] =	vst v63  }
0xbe: {  	_ =	swait.ge [sflag:s28], $0x40  }
0xbf: {  	[sflag:s28] =	ssyncset.done $0x0  }
0xc0: {  	[sflag:s28] =	ssyncadd.s32 $0xFFFFFFC0  }
0xc1: {  	[spmem:s2] =	stream.indirect.scatter.add.f32 [tilespmem:s3], [sflag:$0x9], $0x80, s14, s15, $0xb8;
	[tilespmem:$0x1CA80] =	vst v63  }
0xc2: {  	_ =	swait.ge [sflag:s28], $0x2000  }
0xc3: {  	[sflag:s28] =	ssyncset.done $0x0  }
0xc4: {  	[sflag:s28] =	ssyncadd.s32 $0xFFFFE000  }
0xc5: {  	[tilespmem:s14], [sflag:$0x9] =	stream.linear.gather [hbm4b:s22+s4], $0x40, $0x38;
	[tilespmem:$0x1CA80] =	vst v63  }
0xc6: {  	_ =	swait.ge [sflag:s28], $0x40  }
0xc7: {  	[sflag:s28] =	ssyncset.done $0x0  }
0xc8: {  	[sflag:s28] =	ssyncadd.s32 $0xFFFFFFC0  }
0xc9: {  	[spmem:s2] =	stream.indirect.scatter.add.f32 [tilespmem:s3], [sflag:$0x9], $0x80, s14, s15, $0xb8;
	[tilespmem:$0x1CA80] =	vst v63  }
0xca: {  	_ =	swait.ge [sflag:s28], $0x2000  }
0xcb: {  	[sflag:s28] =	ssyncset.done $0x0  }
0xcc: {  	s19 =	stileid.u32;
	[sflag:s28] =	ssyncadd.s32 $0xFFFFE000  }
0xcd: {  	s17 =	sshll.u32 s19, $0x6;
	[bflag:$0x0] =	sbarrier.arrive $0xFFFF  }
0xce: {  	s17 =	sor.u32 $0x1C09, s17;
	s20 =	sshrl.u32 s5, $0x3;
	s19 =	rddreg [dreg:$0x8]  }
0xcf: {  	[hbm:s19], [sflag:s17] =	dma.local [spmem:s20], $0x2800  }
0xd0: {  	_ =	swait.ge [sflag:s28], $0x2800  }
0xd1: {  	[sflag:s28] =	ssyncset.done $0x0  }
0xd2: {  	s18 =	sshrl.u32 @!p0 s2, $0x3;
	s19 =	rddreg [dreg:$0x9];
	[sflag:s28] =	ssyncadd.s32 $0xFFFFD800  }
0xd3: {  	[hbm:s19], [sflag:s17] =	dma.local @!p0 [spmem:s18], $0x800  }
0xd4: {  	s17 =	simm.s32 @!p0 $0x9  }
0xd5: {  	_ =	swait.ge @!p0 [sflag:s17], $0x800  }
0xd6: {  	s16 =	sadd.s32 $0x1, s16;
	s20 =	rddreg [dreg:$0xa]  }
0xd7: {  	p2 =	sne.s32 s16, s20  }
.Ltmp2:
0xd8: {  	_ = 	snop;
	(pc) =	sbr.rel @p2 .LBB2_1-.Ltmp2, $3  }
0xd9: {  	_ =	sdelay $0x1  }
0xda: {  	[sflag:s17] =	ssyncset.done @!p0 $0x0  }
0xdb: {  	[sflag:s17] =	ssyncadd.s32 @!p0 $0xFFFFF800  }
0xdc: {  	_ =	sfence.sel $0x180000  }
0xdd: {  	[bflag:$0x0] =	sbarrier.arrive $0xFFFF  }
0xde: {  	_ =	strace $0x90000047  }
0xdf: {  	[bflag:$0x2] =	sbarrier.arrive $0xFFFF  }
0xe0: {  	s0 =	rddreg [dreg:$0x3]  }
0xe1: {  	s0 =	sadd.s32 @!p0 $0x100000, s0  }
0xe2: {  	[sflag:s0] =	ssyncadd.tile.s32 @!p0 $0x1;
	_ =	shalt  }
.Lfunc_end2:
_tile_overlayer_lowered:
.L_overlay_start_2:
0xe3: {  	(tag) =	ssettag $0x2  }
0xe4: {  	s0 =	rddreg [dreg:$0x0];
	s2 =	stileid.u32  }
0xe5: {  	s1 =	rddreg [dreg:$0x1];
	p0 =	sne.s32 s2, $0x0  }
0xe6: {  	s3 =	rddreg [dreg:$0x2];
	[bflag:$0x3] =	sbarrier.arrive $0xFFFF;
	s2 =	simm.s32 @!p0 $0x1C09  }
0xe7: {  	[timem:s3], [sflag:s2] =	dma.local @!p0 [hbm:s0], s1  }
0xe8: {  	s0 =	simm.s32 @!p0 $0x9  }
0xe9: {  	_ =	swait.ge @!p0 [sflag:s0], s1  }
0xea: {  	s1 =	ssub.s32 @!p0 $0x0, s1;
	[sflag:s0] =	ssyncset.done @!p0 $0x0  }
0xeb: {  	[sflag:s0] =	ssyncadd.s32 @!p0 s1  }
0xec: {  	[bflag:$0x3] =	sbarrier.arrive $0xFFFF  }
0xed: {  	_ =	shalt  }

// kernel: kernel.14.cloned.1.call-start
scs
__scs_entry_jumppad:
0x0: {  	(pc) =	sbr.rel $0x88, $3  }
0x1: {  	(tag) =	ssettag $0x0;
	lr =	simm.s32 $0x1  }
0x2: {  	[smem:$0x3F98] =	sst lr;
	_ =	strace $0xD0000000  }
0x3: {  	_ = 	snop  }
0x4: {  	_ = 	snop  }
0x5: {  	_ = 	snop  }
0x6: {  	_ = 	snop  }
0x7: {  	_ = 	snop  }
__scs_overlays_trampoline_lowered:
0x8: {  	[smem:$0x3FA7] =	sst s0  }
0x9: {  	[smem:$0x3FA8] =	sst s1  }
0xa: {  	[smem:$0x3FA9] =	sst s2  }
0xb: {  	[smem:$0x3FAA] =	sst s3  }
0xc: {  	[smem:$0x3FAB] =	sst s4  }
0xd: {  	[smem:$0x3FAC] =	sst s5  }
0xe: {  	[smem:$0x3FAD] =	sst s6  }
0xf: {  	[smem:$0x3FAE] =	sst s7  }
0x10: {  	[smem:$0x3FAF] =	sst s8  }
0x11: {  	[smem:$0x3FB0] =	sst s9;
	s0 =	simm.s32 @!p0 $0x0  }
0x12: {  	s1 =	sld [smem:$0x3F96];
	s0 =	simm.s32 @p0 $0x1  }
0x13: {  	[smem:$0x3FB1] =	sst s0;
	s0 =	simm.s32 @!p1 $0x0  }
0x14: {  	s2 =	sld [smem:$0x3F95];
	s0 =	simm.s32 @p1 $0x1  }
0x15: {  	[smem:$0x3FB2] =	sst s0;
	s0 =	simm.s32 @!p2 $0x0  }
0x16: {  	s3 =	sld [smem:$0x3FDB];
	s0 =	simm.s32 @p2 $0x1  }
0x17: {  	s4 =	simm.s32 $0x1BF5;
	[smem:$0x3FB4] =	sst s0  }
0x18: {  	s0 =	sld [smem:$0x3F97];
	_ =	swait.ge [sflag:s4], $0x0  }
0x19: {  	s7 =	sld [smem:$0x3F98]  }
0x1a: {  	s8 =	sadd.s32 $0xFFFFE003, lr  }
0x1b: {  	s9 =	sadd.s32 $0xFFFFFEF7, lr;
	s5 =	simm.s32 $0xFFFFFFFF;
	p2 =	slt.u32 s8, $0xFFFFF086  }
0x1c: {  	p1 =	slt.u32 s9, $0xF7A;
	s5 =	simm.s32 @!p2 $0x0  }
0x1d: {  	s5 =	simm.s32 @p1 $0x1;
	p0 =	seq.s32 s7, s2  }
0x1e: {  	s7 =	smul.u32 @!p0 $0xF7A, s2;
	p2 =	seq.s32 @!p0 s5, $0x0  }
0x1f: {  	s9 =	smul.u32 $0xF7A, s1;
	s8 =	simm.s32 @!p0 $0x1BF5;
	p2 =	por !p2, p0  }
0x20: {  	[sflag:s8] =	ssyncset.s32 @!p0 $0xFFFFF086;
	s6 =	sadd.s32 @!p0 s3, s7;
	s7 =	simm.s32 @!p0 $0x108  }
0x21: {  	s3 =	sadd.s32 s3, s9;
	s6 =	sadd.s32 @!p0 $0x88, s6;
	s7 =	simm.s32 @p2 $0x1082  }
0x22: {  	[simem:s7], [sflag:s8] =	dma.local @!p0 [hbm:s6], $0xF7A  }
0x23: {  	s9 =	sor.u32 $0xD0000000, s2;
	s6 =	simm.s32 $0x108;
	_ =	swait.ge @!p0 [sflag:s8], $0x0  }
0x24: {  	s3 =	sadd.s32 $0x88, s3;
	s6 =	simm.s32 @!p1 $0x1082;
	[sflag:s4] =	ssyncset.s32 $0xFFFFF086  }
0x25: {  	[simem:s6], [sflag:s4] =	dma.local [hbm:s3], $0xF7A  }
0x26: {  	[smem:$0x3F98] =	sst s1;
	(tag) =	ssettag s2;
	_ =	strace s9  }
0x27: {  	s1 =	sld [smem:$0x3FA8]  }
0x28: {  	s2 =	sld [smem:$0x3FA9]  }
0x29: {  	s4 =	sld [smem:$0x3FAB]  }
0x2a: {  	p0 =	seq.s32 s5, $0x0;
	s5 =	sld [smem:$0x3FAC]  }
0x2b: {  	s6 =	sld [smem:$0x3FAD]  }
0x2c: {  	s7 =	sld [smem:$0x3FAE]  }
0x2d: {  	s3 =	simm.s32 $0x108;
	s8 =	sld [smem:$0x3FAF]  }
0x2e: {  	s3 =	simm.s32 @!p0 $0x1082;
	s9 =	sld [smem:$0x3FB0]  }
0x2f: {  	lr =	sadd.s32 s0, s3;
	s0 =	sld [smem:$0x3FA7]  }
0x30: {  	s3 =	sld [smem:$0x3FAA]  }
0x31: {  	[smem:$0x3FB3] =	sst s10  }
0x32: {  	s10 =	sld [smem:$0x3FB1];
	_ =	sdelay $0x3  }
0x33: {  	p0 =	seq.s32 s10, $0x1;
	s10 =	sld [smem:$0x3FB3];
	_ =	sdelay $0x3  }
0x34: {  	[smem:$0x3FB3] =	sst s10  }
0x35: {  	s10 =	sld [smem:$0x3FB2];
	_ =	sdelay $0x3  }
0x36: {  	p1 =	seq.s32 s10, $0x1;
	s10 =	sld [smem:$0x3FB3];
	_ =	sdelay $0x3  }
0x37: {  	[smem:$0x3FB3] =	sst s10  }
0x38: {  	s10 =	sld [smem:$0x3FB4]  }
0x39: {  	_ = 	snop;
	(pc) =	sbr.ind lr, $3  }
0x3a: {  	_ = 	snop  }
0x3b: {  	_ = 	snop  }
0x3c: {  	p2 =	seq.s32 s10, $0x1;
	s10 =	sld [smem:$0x3FB3]  }
0x3d: {  	_ =	shalt  }
0x3e: {  	_ =	shalt  }
0x3f: {  	_ =	shalt  }
0x40: {  	_ =	shalt  }
0x41: {  	_ =	shalt  }
0x42: {  	_ =	shalt  }
0x43: {  	_ =	shalt  }
0x44: {  	_ =	shalt  }
0x45: {  	_ =	shalt  }
0x46: {  	_ =	shalt  }
0x47: {  	_ =	shalt  }
0x48: {  	_ =	shalt  }
0x49: {  	_ =	shalt  }
0x4a: {  	_ =	shalt  }
0x4b: {  	_ =	shalt  }
0x4c: {  	_ =	shalt  }
0x4d: {  	_ =	shalt  }
0x4e: {  	_ =	shalt  }
0x4f: {  	_ =	shalt  }
0x50: {  	_ =	shalt  }
0x51: {  	_ =	shalt  }
0x52: {  	_ =	shalt  }
0x53: {  	_ =	shalt  }
0x54: {  	_ =	shalt  }
0x55: {  	_ =	shalt  }
0x56: {  	_ =	shalt  }
0x57: {  	_ =	shalt  }
0x58: {  	_ =	shalt  }
0x59: {  	_ =	shalt  }
0x5a: {  	_ =	shalt  }
0x5b: {  	_ =	shalt  }
0x5c: {  	_ =	shalt  }
0x5d: {  	_ =	shalt  }
0x5e: {  	_ =	shalt  }
0x5f: {  	_ =	shalt  }
0x60: {  	_ =	shalt  }
0x61: {  	_ =	shalt  }
0x62: {  	_ =	shalt  }
0x63: {  	_ =	shalt  }
0x64: {  	_ =	shalt  }
0x65: {  	_ =	shalt  }
0x66: {  	_ =	shalt  }
0x67: {  	_ =	shalt  }
0x68: {  	_ =	shalt  }
0x69: {  	_ =	shalt  }
0x6a: {  	_ =	shalt  }
0x6b: {  	_ =	shalt  }
0x6c: {  	_ =	shalt  }
0x6d: {  	_ =	shalt  }
0x6e: {  	_ =	shalt  }
0x6f: {  	_ =	shalt  }
0x70: {  	_ =	shalt  }
0x71: {  	_ =	shalt  }
0x72: {  	_ =	shalt  }
0x73: {  	_ =	shalt  }
0x74: {  	_ =	shalt  }
0x75: {  	_ =	shalt  }
0x76: {  	_ =	shalt  }
0x77: {  	_ =	shalt  }
0x78: {  	_ =	shalt  }
0x79: {  	_ =	shalt  }
0x7a: {  	_ =	shalt  }
0x7b: {  	_ =	shalt  }
0x7c: {  	_ =	shalt  }
0x7d: {  	_ =	shalt  }
0x7e: {  	_ =	shalt  }
0x7f: {  	_ =	shalt  }
0x80: {  	_ =	shalt  }
0x81: {  	_ =	shalt  }
0x82: {  	_ =	shalt  }
0x83: {  	_ =	shalt  }
0x84: {  	_ =	shalt  }
0x85: {  	_ =	shalt  }
0x86: {  	_ =	shalt  }
0x87: {  	_ =	shalt  }
.Lfunc_end0:
.L_simem_size_0:
called_computation.1_lowered:
.L_overlay_start_0:
0x88: {  	s2 =	sld [smem:$0x3FD9]  }
0x89: {  	s3 =	sld [smem:$0x3FFE];
	_ =	sdelay $0x1  }
0x8a: {  	s1 =	srdreg.scid  }
0x8b: {  	s0 =	sand.u32 $0x1, s1  }
0x8c: {  	s16 =	sshll.u32 s0, $0xA;
	s2 =	sadd.s32 s3, s2  }
0x8d: {  	s2 =	sadd.s32 s2, s16  }
0x8e: {  	[smem:$0x3FBF] =	sst s2  }
0x8f: {  	_ = 	snop  }
0x90: {  	(tm) =	ssettm $0x1  }
0x91: {  	s17 =	sld [smem:$0x3FFB];
	_ =	sdelay $0x3  }
0x92: {  	_ =	strace s17  }
0x93: {  	s2 =	sld [smem:$0x3FFC];
	_ =	sdelay $0x3  }
0x94: {  	_ =	strace s2  }
0x95: {  	s2 =	sld [smem:$0x3FFD];
	_ =	sdelay $0x3  }
0x96: {  	_ =	strace s2  }
0x97: {  	_ =	strace $0x8FFFFFFF  }
0x98: {  	s18 =	sld [smem:$0x3FDB];
	_ =	sdelay $0x1  }
0x99: {  	s19 =	simm.s32 $_scs_section_size  }
0x9a: {  	s4 =	simm.s32 $_size__tile_overlayer_lowered;
	s5 =	simm.s32 $_tile_overlayer_lowered  }
0x9b: {  	s22 =	simm.s32 $0x1BFF;
	s21 =	sshll.u32 s5, $0x1;
	s2 =	sadd.s32 s19, s18  }
0x9c: {  	s6 =	simm.s32 $0x0;
	s20 =	sshll.u32 s4, $0x1;
	s4 =	sadd.s32 s21, s2  }
0x9d: {  	[timem:s6], [sflag:s22] =	dma.local [hbm:s4], s20  }
0x9e: {  	_ =	swait.ge [sflag:s22], s20  }
0x9f: {  	s3 =	ssub.s32 $0x0, s20;
	[sflag:s22] =	ssyncset.done $0x0  }
0xa0: {  	[sflag:s22] =	ssyncadd.s32 s3;
	_ =	sdelay $0x1  }
0xa1: {  	s23 =	simm.s32 $0x1B8B  }
0xa2: {  	_ =	swait.ge [sflag:s23], $0x1  }
0xa3: {  	[sflag:s23] =	ssyncset.done $0x0  }
0xa4: {  	s25 =	simm.s32 $0x1B8E;
	s24 =	sld [smem:$0x3FFE];
	[sflag:s23] =	ssyncadd.s32 $0xFFFFFFFF  }
0xa5: {  	s26 =	simm.s32 $execute0_lowered;
	[smem:$0x3FD2] =	sst s25  }
0xa6: {  	s4 =	sshll.u32 s26, $0x1;
	_ =	strace $0x80000049;
	[dreg:$0x1] =	wrdreg $0xFFFFFFFF  }
0xa7: {  	s28 =	simm.s32 $_size_execute0_lowered;
	s2 =	sadd.s32 s2, s4;
	[dreg:$0x0] =	wrdreg $0x0  }
0xa8: {  	s4 =	sshll.u32 s28, $0x1;
	[dreg:$0x2] =	wrdreg s2  }
0xa9: {  	[dreg:$0x3] =	wrdreg s4  }
0xaa: {  	[dreg:$0x4] =	wrdreg $0xC0  }
0xab: {  	_ =	task [dreg:s6], $0x5FFFF  }
0xac: {  	[dreg:$0x1] =	wrdreg $0xFFFFFFFF  }
0xad: {  	[dreg:$0x0] =	wrdreg $0x60  }
0xae: {  	[dreg:$0x2] =	wrdreg s24  }
0xaf: {  	[dreg:$0x3] =	wrdreg $0xA4000  }
0xb0: {  	[dreg:$0x4] =	wrdreg $0x9  }
0xb1: {  	_ =	task.clear_ibuf [dreg:s6], $0x5FFFF;
	_ =	strace $0x90000049  }
0xb2: {  	s29 =	simm.s32 $0x9;
	_ =	strace $0x8000004B  }
0xb3: {  	_ =	swait.ge [sflag:s29], $0x1  }
0xb4: {  	[sflag:s29] =	ssyncadd.s32 $0xFFFFFFFF  }
0xb5: {  	_ =	strace $0x9000004B  }
0xb6: {  	_ =	sfence  }
0xb7: {  	s30 =	sld [smem:$0x0];
	_ =	sdelay $0x2  }
0xb8: {  	s31 =	sshll.u32 s1, $0xD;
	s1 =	sshrl.u32 s1, $0x2  }
0xb9: {  	s3 =	sand.u32 $0x4000, s31;
	s1 =	sadd.s32 s1, s30  }
0xba: {  	s0 =	sor.u32 s3, s0;
	s1 =	sshll.u32 s1, $0x11  }
0xbb: {  	s0 =	sor.u32 s1, s0  }
0xbc: {  	s0 =	sadd.s32 $0x8F2B, s0  }
0xbd: {  	[sflag:s0] =	ssyncadd.remote.s32 $0x1  }
0xbe: {  	_ =	sfence.sel $0xFFFF  }
0xbf: {  	[dreg:$0x0] =	wrdreg $0xFFFFFFFF;
	(pc) =	sbr.abs _section_cstart, $3  }
0xc0: {  	[dreg:$0x1] =	wrdreg $0xFFFFFFFF  }
0xc1: {  	_ =	task.clear_ibuf [dreg:s6], $0x2FFFF;
	_ =	strace $0x9FFFFFFF  }
0xc2: {  	(tm) =	ssettm $0x7FFFFFFF  }
0xc3: {  	_ =	shalt  }
tec
execute0_lowered:
.L_overlay_start_1:
0x0: {  	(tag) =	ssettag $0x1  }
0x1: {  	s0 =	rddreg [dreg:$0x0];
	s1 =	srdreg.scid  }
0x2: {  	s17 =	rddreg [dreg:$0x1];
	s11 =	stileid.u32;
	s3 =	simm.s32 $0x0  }
0x3: {  	s10 =	simm.s32 $0x7A0;
	s1 =	sand.u32 $0x1, s1;
	s6 =	smul.u32 $0x14000, s11  }
0x4: {  	[smem:$0x7FF] =	sst s3;
	s4 =	sadd.s32 $0xD600, s0;
	s8 =	smul.u32 $0x48, s11  }
0x5: {  	s29 =	sadd.s32 $0x5E600, s0;
	s7 =	sadd.s32 $0x3000, s0;
	s5 =	smul.u32 $0x140000, s1  }
0x6: {  	s2 =	ssub.s32 $0x2, s1;
	p0 =	seq.s32 s1, $0x0;
	s1 =	smul.u32 $0xF8, s11  }
0x7: {  	_ =	strace $0x8000004A;
	s11 =	smul.u32 $0x50000, s11;
	s9 =	sshrl.u32 s2, $0x1  }
0x8: {  	s8 =	sadd.s32 $0xF80, s8;
	s10 =	simm.s32 @!p0 $0x220;
	s5 =	sadd.s32 s6, s5  }
0x9: {  	s8 =	smov.u32 @p0 s1;
	[dreg:$0x3] =	wrdreg s10;
	s10 =	sshrl.u32 s11, $0x2  }
0xa: {  	s5 =	sshrl.u32 s5, $0x3;
	s8 =	sshll.u32 s8, $0x3;
	s11 =	sadd.s32 s10, s17  }
0xb: {  	s10 =	simm.s32 $0x40;
	s20 =	sadd.s32 $0x2000, s11;
	[dreg:$0x4] =	wrdreg s11  }
0xc: {  	s0 =	sadd.s32 s5, s0;
	s21 =	sadd.s32 $0x4000, s11;
	[dreg:$0xd] =	wrdreg s20  }
0xd: {  	s5 =	ssub.s32 s2, s9;
	s22 =	sadd.s32 $0x6000, s11;
	[dreg:$0xe] =	wrdreg s21  }
0xe: {  	s30 =	sadd.s32 s29, s8;
	s23 =	sadd.s32 $0x8000, s11;
	[dreg:$0xf] =	wrdreg s22  }
0xf: {  	s12 =	sor.u32 $0x8, s8;
	s24 =	sadd.s32 $0xA000, s11;
	[dreg:$0x10] =	wrdreg s23  }
0x10: {  	s31 =	sadd.s32 s7, s8;
	s25 =	sadd.s32 $0xC000, s11;
	[dreg:$0x11] =	wrdreg s24  }
0x11: {  	s14 =	sor.u32 $0x10, s8;
	s26 =	sadd.s32 $0xE000, s11;
	[dreg:$0x12] =	wrdreg s25  }
0x12: {  	s16 =	sor.u32 $0x18, s8;
	s28 =	sadd.s32 $0x10000, s11;
	[dreg:$0x13] =	wrdreg s26  }
0x13: {  	s9 =	simm.s32 $0x1;
	s2 =	simm.s32 $0x0;
	[dreg:$0x14] =	wrdreg s28  }
0x14: {  	s8 =	simm.s32 $0x4400;
	s13 =	sadd.s32 s29, s12;
	[dreg:$0x16] =	wrdreg s31  }
0x15: {  	s1 =	sadd.s32 s7, s12;
	s15 =	sadd.s32 s29, s14;
	[dreg:$0x17] =	wrdreg s30  }
0x16: {  	s18 =	sadd.s32 s7, s14;
	s6 =	sadd.s32 s29, s16;
	[dreg:$0x5] =	wrdreg s13  }
0x17: {  	s0 =	sadd.s32 $0x68600, s0;
	s19 =	smax.u32 s5, $0x1;
	[dreg:$0x6] =	wrdreg s1  }
0x18: {  	s29 =	sadd.s32 $0x12000, s11;
	s12 =	simm.s32 $0x1;
	[dreg:$0x7] =	wrdreg s15  }
0x19: {  	s14 =	simm.s32 $0x2;
	s20 =	simm.s32 $0x4;
	[dreg:$0x8] =	wrdreg s18  }
0x1a: {  	s22 =	simm.s32 $0x9;
	s23 =	simm.s32 $0x5;
	[dreg:$0x9] =	wrdreg s6  }
0x1b: {  	s24 =	simm.s32 $0xA;
	s25 =	simm.s32 $0xB;
	[dreg:$0xb] =	wrdreg s0  }
0x1c: {  	s26 =	simm.s32 $0x180;
	s1 =	sadd.s32 s7, s16;
	[dreg:$0xc] =	wrdreg s19  }
0x1d: {  	[dreg:$0x15] =	wrdreg s29;
	s18 =	simm.s32 $0x3;
	s15 =	simm.s32 $0x6400  }
0x1e: {  	v0 =	vimm.f32 $0.0e+00;
	s7 =	simm.s32 $0x100;
	s6 =	simm.s32 $0x400;
	[dreg:$0xa] =	wrdreg s1  }
.LBB2_1:
0x1f: {  	s28 =	sand.u32 $0x7E00, s3  }
0x20: {  	[dreg:$0x18] =	wrdreg s2;
	s29 =	sand.u32 $0x70, s3;
	s30 =	sshrl.u32 s28, $0x2  }
0x21: {  	s28 =	simm.s32 $0x40;
	s30 =	sor.u32 s29, s30;
	s29 =	simm.s32 $0x0  }
.LBB2_2:
0x22: {  	p0 =	sne.s32 s28, $0x7FC0  }
0x23: {  	[tilespmem:s30+$0x8400] =	vst v0;
	s29 =	sadd.s32 $0x10, s29;
	s30 =	smov.u32 s28;
	s28 =	sadd.s32 $0x40, s28  }
.Ltmp0:
0x24: {  	(pc) =	sbr.rel @p0 .LBB2_2-.Ltmp0, $4  }
0x25: {  	_ = 	snop  }
0x26: {  	s30 =	sand.u32 $0x7E00, s30  }
0x27: {  	s31 =	sand.u32 $0x70, s29;
	s30 =	sshrl.u32 s30, $0x2  }
0x28: {  	s30 =	sor.u32 s31, s30  }
0x29: {  	[tilespmem:s30+$0x8400] =	vst v0;
	s28 =	rddreg [dreg:$0x4];
	s29 =	simm.s32 $0x8400;
	s30 =	simm.s32 $0x11  }
0x2a: {  	[spmem:s28] =	stream.linear.scatter [tilespmem:s29], [sflag:$0x11], $0x2000, $0x38;
	[tilespmem:$0x1E400] =	vst v63  }
0x2b: {  	_ =	swait.ge [sflag:s30], $0x2000  }
0x2c: {  	[sflag:s30] =	ssyncset.done $0x0  }
0x2d: {  	s28 =	rddreg [dreg:$0xd];
	[sflag:s30] =	ssyncadd.s32 $0xFFFFE000  }
0x2e: {  	[spmem:s28] =	stream.linear.scatter [tilespmem:s29], [sflag:$0x11], $0x2000, $0x38;
	[tilespmem:$0x1E400] =	vst v63  }
0x2f: {  	_ =	swait.ge [sflag:s30], $0x2000  }
0x30: {  	[sflag:s30] =	ssyncset.done $0x0  }
0x31: {  	s28 =	rddreg [dreg:$0xe];
	[sflag:s30] =	ssyncadd.s32 $0xFFFFE000  }
0x32: {  	[spmem:s28] =	stream.linear.scatter [tilespmem:s29], [sflag:$0x11], $0x2000, $0x38;
	[tilespmem:$0x1E400] =	vst v63  }
0x33: {  	_ =	swait.ge [sflag:s30], $0x2000  }
0x34: {  	[sflag:s30] =	ssyncset.done $0x0  }
0x35: {  	s28 =	rddreg [dreg:$0xf];
	[sflag:s30] =	ssyncadd.s32 $0xFFFFE000  }
0x36: {  	[spmem:s28] =	stream.linear.scatter [tilespmem:s29], [sflag:$0x11], $0x2000, $0x38;
	[tilespmem:$0x1E400] =	vst v63  }
0x37: {  	_ =	swait.ge [sflag:s30], $0x2000  }
0x38: {  	[sflag:s30] =	ssyncset.done $0x0  }
0x39: {  	s28 =	rddreg [dreg:$0x10];
	[sflag:s30] =	ssyncadd.s32 $0xFFFFE000  }
0x3a: {  	[spmem:s28] =	stream.linear.scatter [tilespmem:s29], [sflag:$0x11], $0x2000, $0x38;
	[tilespmem:$0x1E400] =	vst v63  }
0x3b: {  	_ =	swait.ge [sflag:s30], $0x2000  }
0x3c: {  	[sflag:s30] =	ssyncset.done $0x0  }
0x3d: {  	s28 =	rddreg [dreg:$0x11];
	[sflag:s30] =	ssyncadd.s32 $0xFFFFE000  }
0x3e: {  	[spmem:s28] =	stream.linear.scatter [tilespmem:s29], [sflag:$0x11], $0x2000, $0x38;
	[tilespmem:$0x1E400] =	vst v63  }
0x3f: {  	_ =	swait.ge [sflag:s30], $0x2000  }
0x40: {  	[sflag:s30] =	ssyncset.done $0x0  }
0x41: {  	s28 =	rddreg [dreg:$0x12];
	[sflag:s30] =	ssyncadd.s32 $0xFFFFE000  }
0x42: {  	[spmem:s28] =	stream.linear.scatter [tilespmem:s29], [sflag:$0x11], $0x2000, $0x38;
	[tilespmem:$0x1E400] =	vst v63  }
0x43: {  	_ =	swait.ge [sflag:s30], $0x2000  }
0x44: {  	[sflag:s30] =	ssyncset.done $0x0  }
0x45: {  	s28 =	rddreg [dreg:$0x13];
	[sflag:s30] =	ssyncadd.s32 $0xFFFFE000  }
0x46: {  	[spmem:s28] =	stream.linear.scatter [tilespmem:s29], [sflag:$0x11], $0x2000, $0x38;
	[tilespmem:$0x1E400] =	vst v63  }
0x47: {  	_ =	swait.ge [sflag:s30], $0x2000  }
0x48: {  	[sflag:s30] =	ssyncset.done $0x0  }
0x49: {  	s28 =	rddreg [dreg:$0x14];
	[sflag:s30] =	ssyncadd.s32 $0xFFFFE000  }
0x4a: {  	[spmem:s28] =	stream.linear.scatter [tilespmem:s29], [sflag:$0x11], $0x2000, $0x38;
	[tilespmem:$0x1E400] =	vst v63  }
0x4b: {  	_ =	swait.ge [sflag:s30], $0x2000  }
0x4c: {  	[sflag:s30] =	ssyncset.done $0x0  }
0x4d: {  	s28 =	rddreg [dreg:$0x15];
	[sflag:s30] =	ssyncadd.s32 $0xFFFFE000  }
0x4e: {  	[spmem:s28] =	stream.linear.scatter [tilespmem:s29], [sflag:$0x11], $0x2000, $0x38;
	[tilespmem:$0x1E400] =	vst v63  }
0x4f: {  	_ =	swait.ge [sflag:s30], $0x2000  }
0x50: {  	[sflag:s30] =	ssyncset.done $0x0  }
0x51: {  	[sflag:s30] =	ssyncadd.s32 $0xFFFFE000  }
0x52: {  	[bflag:$0x0] =	sbarrier.arrive $0xFFFF  }
0x53: {  	s28 =	simm.s32 $0x0;
	s30 =	rddreg [dreg:$0x17]  }
0x54: {  	[tilespmem:s28], [sflag:$0x1] =	stream.linear.gather [hbm4b:s30+s28], $0x40, $0x38;
	[tilespmem:$0x1E400] =	vst v63  }
0x55: {  	s0 =	simm.s32 $0x200;
	s31 =	rddreg [dreg:$0x16]  }
0x56: {  	[tilespmem:s0], [sflag:$0x5] =	stream.linear.gather [hbm4b:s31+s28], $0x40, $0x38;
	[tilespmem:$0x1E400] =	vst v63  }
0x57: {  	s1 =	simm.s32 $0x80;
	s5 =	rddreg [dreg:$0x5]  }
0x58: {  	[tilespmem:s1], [sflag:$0x2] =	stream.linear.gather [hbm4b:s5+s28], $0x40, $0x38;
	[tilespmem:$0x1E400] =	vst v63  }
0x59: {  	s13 =	simm.s32 $0x280;
	s11 =	rddreg [dreg:$0x6]  }
0x5a: {  	[tilespmem:s13], [sflag:$0x6] =	stream.linear.gather [hbm4b:s11+s28], $0x40, $0x38;
	[tilespmem:$0x1E400] =	vst v63  }
0x5b: {  	s2 =	simm.s32 $0x100;
	s16 =	rddreg [dreg:$0x7]  }
0x5c: {  	[tilespmem:s2], [sflag:$0x3] =	stream.linear.gather [hbm4b:s16+s28], $0x40, $0x38;
	[tilespmem:$0x1E400] =	vst v63  }
0x5d: {  	s21 =	simm.s32 $0x300;
	s19 =	rddreg [dreg:$0x8]  }
0x5e: {  	[tilespmem:s21], [sflag:$0x7] =	stream.linear.gather [hbm4b:s19+s28], $0x40, $0x38;
	[tilespmem:$0x1E400] =	vst v63  }
0x5f: {  	s0 =	rddreg [dreg:$0x9];
	s5 =	simm.s32 $0x180  }
0x60: {  	[tilespmem:s5], [sflag:$0x4] =	stream.linear.gather [hbm4b:s0+s28], $0x40, $0x38;
	[tilespmem:$0x1E400] =	vst v63  }
0x61: {  	s11 =	rddreg [dreg:$0xa];
	s13 =	simm.s32 $0x380  }
0x62: {  	[tilespmem:s13], [sflag:$0x8] =	stream.linear.gather [hbm4b:s11+s28], $0x40, $0x38;
	[tilespmem:$0x1E400] =	vst v63  }
0x63: {  	_ =	swait.ge [sflag:s9], $0x40  }
0x64: {  	[sflag:s9] =	ssyncset.done $0x0  }
0x65: {  	s16 =	simm.s32 $0x400;
	[sflag:s9] =	ssyncadd.s32 $0xFFFFFFC0  }
0x66: {  	[tilespmem:s16], [sflag:$0x9] =	stream.indirect.gather [hbm4b:s4+s10], $0x80, s28, s10, $0xb8;
	[tilespmem:$0x1E400] =	vst v63  }
0x67: {  	_ =	swait.ge [sflag:s14], $0x40  }
0x68: {  	[sflag:s14] =	ssyncset.done $0x0  }
0x69: {  	s19 =	simm.s32 $0x2400;
	[sflag:s14] =	ssyncadd.s32 $0xFFFFFFC0  }
0x6a: {  	[tilespmem:s19], [sflag:$0xA] =	stream.indirect.gather [hbm4b:s4+s10], $0x80, s1, s10, $0xb8;
	[tilespmem:$0x1E400] =	vst v63  }
0x6b: {  	_ =	swait.ge [sflag:s18], $0x40  }
0x6c: {  	[sflag:s18] =	ssyncset.done $0x0  }
0x6d: {  	s21 =	simm.s32 $0x4400;
	[sflag:s18] =	ssyncadd.s32 $0xFFFFFFC0  }
0x6e: {  	[tilespmem:s21], [sflag:$0xB] =	stream.indirect.gather [hbm4b:s4+s10], $0x80, s2, s10, $0xb8;
	[tilespmem:$0x1E400] =	vst v63  }
0x6f: {  	_ =	swait.ge [sflag:s20], $0x40  }
0x70: {  	[sflag:s20] =	ssyncset.done $0x0  }
0x71: {  	s29 =	simm.s32 $0x6400;
	[sflag:s20] =	ssyncadd.s32 $0xFFFFFFC0  }
0x72: {  	[tilespmem:s29], [sflag:$0xC] =	stream.indirect.gather [hbm4b:s4+s10], $0x80, s5, s10, $0xb8;
	[tilespmem:$0x1E400] =	vst v63  }
0x73: {  	s5 =	simm.s32 $0x6  }
.LBB2_4:
0x74: {  	_ =	swait.ge [sflag:s22], $0x2000  }
0x75: {  	[sflag:s22] =	ssyncset.done $0x0  }
0x76: {  	[sflag:s22] =	ssyncadd.s32 $0xFFFFE000  }
0x77: {  	_ =	swait.ge [sflag:s23], $0x40  }
0x78: {  	[sflag:s23] =	ssyncset.done $0x0  }
0x79: {  	s11 =	simm.s32 $0x200;
	s13 =	simm.s32 $0x400;
	[sflag:s23] =	ssyncadd.s32 $0xFFFFFFC0  }
0x7a: {  	[spmem:s17] =	stream.indirect.scatter.add.f32 [tilespmem:s13], [sflag:$0xD], $0x80, s11, s10, $0xb8;
	[tilespmem:$0x1E400] =	vst v63  }
0x7b: {  	_ =	swait.ge [sflag:s24], $0x2000  }
0x7c: {  	[sflag:s24] =	ssyncset.done $0x0  }
0x7d: {  	[sflag:s24] =	ssyncadd.s32 $0xFFFFE000  }
0x7e: {  	_ =	swait.ge [sflag:s5], $0x40  }
0x7f: {  	[sflag:s5] =	ssyncset.done $0x0  }
0x80: {  	s16 =	simm.s32 $0x280;
	s0 =	simm.s32 $0x2400;
	[sflag:s5] =	ssyncadd.s32 $0xFFFFFFC0  }
0x81: {  	[spmem:s17] =	stream.indirect.scatter.add.f32 [tilespmem:s0], [sflag:$0xE], $0x80, s16, s10, $0xb8;
	[tilespmem:$0x1E400] =	vst v63  }
0x82: {  	_ =	swait.ge [sflag:s25], $0x2000  }
0x83: {  	[sflag:s25] =	ssyncset.done $0x0  }
0x84: {  	s1 =	simm.s32 $0x7;
	[sflag:s25] =	ssyncadd.s32 $0xFFFFE000  }
0x85: {  	_ =	swait.ge [sflag:s1], $0x40  }
0x86: {  	[sflag:s1] =	ssyncset.done $0x0  }
0x87: {  	s21 =	simm.s32 $0x300;
	s29 =	simm.s32 $0xC;
	[sflag:s1] =	ssyncadd.s32 $0xFFFFFFC0  }
0x88: {  	[spmem:s17] =	stream.indirect.scatter.add.f32 [tilespmem:s8], [sflag:$0xF], $0x80, s21, s10, $0xb8;
	[tilespmem:$0x1E400] =	vst v63  }
0x89: {  	_ =	swait.ge [sflag:s29], $0x2000  }
0x8a: {  	[sflag:s29] =	ssyncset.done $0x0  }
0x8b: {  	s2 =	simm.s32 $0x8;
	[sflag:s29] =	ssyncadd.s32 $0xFFFFE000  }
0x8c: {  	_ =	swait.ge [sflag:s2], $0x40  }
0x8d: {  	[sflag:s2] =	ssyncset.done $0x0  }
0x8e: {  	s19 =	simm.s32 $0x380;
	s9 =	simm.s32 $0xD;
	[sflag:s2] =	ssyncadd.s32 $0xFFFFFFC0  }
0x8f: {  	[spmem:s17] =	stream.indirect.scatter.add.f32 [tilespmem:s15], [sflag:$0x10], $0x80, s19, s10, $0xb8;
	[tilespmem:$0x1E400] =	vst v63  }
0x90: {  	_ =	swait.ge [sflag:s9], $0x2000  }
0x91: {  	s29 =	sadd.s32 s28, s30;
	[sflag:s9] =	ssyncset.done $0x0  }
0x92: {  	s30 =	sadd.s32 $0x20, s29;
	[sflag:s9] =	ssyncadd.s32 $0xFFFFE000  }
0x93: {  	[tilespmem:s3], [sflag:$0x1] =	stream.linear.gather [hbm4b:s30+s3], $0x40, $0x38;
	[tilespmem:$0x1E400] =	vst v63  }
0x94: {  	s30 =	sadd.s32 s28, s31  }
0x95: {  	s31 =	sadd.s32 $0x20, s30  }
0x96: {  	[tilespmem:s11], [sflag:$0x5] =	stream.linear.gather [hbm4b:s31+s3], $0x40, $0x38;
	[tilespmem:$0x1E400] =	vst v63  }
0x97: {  	s11 =	simm.s32 $0xE  }
0x98: {  	_ =	swait.ge [sflag:s11], $0x2000  }
0x99: {  	[sflag:s11] =	ssyncset.done $0x0  }
0x9a: {  	s2 =	simm.s32 $0x80;
	s31 =	sadd.s32 $0x28, s29;
	[sflag:s11] =	ssyncadd.s32 $0xFFFFE000  }
0x9b: {  	[tilespmem:s2], [sflag:$0x2] =	stream.linear.gather [hbm4b:s31+s3], $0x40, $0x38;
	[tilespmem:$0x1E400] =	vst v63  }
0x9c: {  	s31 =	sadd.s32 $0x28, s30  }
0x9d: {  	[tilespmem:s16], [sflag:$0x6] =	stream.linear.gather [hbm4b:s31+s3], $0x40, $0x38;
	[tilespmem:$0x1E400] =	vst v63  }
0x9e: {  	s16 =	simm.s32 $0xF  }
0x9f: {  	_ =	swait.ge [sflag:s16], $0x2000  }
0xa0: {  	[sflag:s16] =	ssyncset.done $0x0  }
0xa1: {  	s31 =	sadd.s32 $0x30, s29;
	[sflag:s16] =	ssyncadd.s32 $0xFFFFE000  }
0xa2: {  	[tilespmem:s7], [sflag:$0x3] =	stream.linear.gather [hbm4b:s31+s3], $0x40, $0x38;
	[tilespmem:$0x1E400] =	vst v63  }
0xa3: {  	s31 =	sadd.s32 $0x30, s30  }
0xa4: {  	[tilespmem:s21], [sflag:$0x7] =	stream.linear.gather [hbm4b:s31+s3], $0x40, $0x38;
	[tilespmem:$0x1E400] =	vst v63  }
0xa5: {  	s21 =	simm.s32 $0x10  }
0xa6: {  	s31 =	rddreg [dreg:$0x16];
	_ =	swait.ge [sflag:s21], $0x2000  }
0xa7: {  	[sflag:s21] =	ssyncset.done $0x0  }
0xa8: {  	s29 =	sadd.s32 $0x38, s29;
	[sflag:s21] =	ssyncadd.s32 $0xFFFFE000  }
0xa9: {  	[tilespmem:s26], [sflag:$0x4] =	stream.linear.gather [hbm4b:s29+s3], $0x40, $0x38;
	[tilespmem:$0x1E400] =	vst v63  }
0xaa: {  	s1 =	sadd.s32 $0x38, s30  }
0xab: {  	[tilespmem:s19], [sflag:$0x8] =	stream.linear.gather [hbm4b:s1+s3], $0x40, $0x38;
	[tilespmem:$0x1E400] =	vst v63  }
0xac: {  	s30 =	rddreg [dreg:$0x17];
	_ =	swait.ge [sflag:s12], $0x40  }
0xad: {  	[sflag:s12] =	ssyncset.done $0x0  }
0xae: {  	[sflag:s12] =	ssyncadd.s32 $0xFFFFFFC0  }
0xaf: {  	[tilespmem:s13], [sflag:$0x9] =	stream.indirect.gather [hbm4b:s4+s10], $0x80, s3, s10, $0xb8;
	[tilespmem:$0x1E400] =	vst v63  }
0xb0: {  	_ =	swait.ge [sflag:s14], $0x40  }
0xb1: {  	[sflag:s14] =	ssyncset.done $0x0  }
0xb2: {  	[sflag:s14] =	ssyncadd.s32 $0xFFFFFFC0  }
0xb3: {  	[tilespmem:s0], [sflag:$0xA] =	stream.indirect.gather [hbm4b:s4+s10], $0x80, s2, s10, $0xb8;
	[tilespmem:$0x1E400] =	vst v63  }
0xb4: {  	_ =	swait.ge [sflag:s18], $0x40  }
0xb5: {  	[sflag:s18] =	ssyncset.done $0x0  }
0xb6: {  	[sflag:s18] =	ssyncadd.s32 $0xFFFFFFC0  }
0xb7: {  	[tilespmem:s8], [sflag:$0xB] =	stream.indirect.gather [hbm4b:s4+s10], $0x80, s7, s10, $0xb8;
	[tilespmem:$0x1E400] =	vst v63  }
0xb8: {  	_ =	swait.ge [sflag:s20], $0x40  }
0xb9: {  	s28 =	sadd.s32 $0x20, s28;
	s2 =	rddreg [dreg:$0x3]  }
0xba: {  	p0 =	sne.s32 s2, s28  }
.Ltmp1:
0xbb: {  	_ = 	snop;
	(pc) =	sbr.rel @p0 .LBB2_4-.Ltmp1, $4  }
0xbc: {  	s9 =	simm.s32 $0x200;
	s11 =	simm.s32 $0x280;
	s16 =	simm.s32 $0x300  }
0xbd: {  	s21 =	simm.s32 $0x380;
	s1 =	simm.s32 $0x4400;
	[sflag:s20] =	ssyncset.done $0x0  }
0xbe: {  	s19 =	simm.s32 $0x6400;
	s13 =	simm.s32 $0x2400;
	[sflag:s20] =	ssyncadd.s32 $0xFFFFFFC0  }
0xbf: {  	[tilespmem:s15], [sflag:$0xC] =	stream.indirect.gather [hbm4b:s4+s10], $0x80, s26, s10, $0xb8;
	[tilespmem:$0x1E400] =	vst v63  }
0xc0: {  	_ =	swait.ge [sflag:s22], $0x2000  }
0xc1: {  	[sflag:s22] =	ssyncset.done $0x0  }
0xc2: {  	[sflag:s22] =	ssyncadd.s32 $0xFFFFE000  }
0xc3: {  	_ =	swait.ge [sflag:s23], $0x40  }
0xc4: {  	[sflag:s23] =	ssyncset.done $0x0  }
0xc5: {  	[sflag:s23] =	ssyncadd.s32 $0xFFFFFFC0  }
0xc6: {  	[spmem:s17] =	stream.indirect.scatter.add.f32 [tilespmem:s6], [sflag:$0xD], $0x80, s9, s10, $0xb8;
	[tilespmem:$0x1E400] =	vst v63  }
0xc7: {  	_ =	swait.ge [sflag:s24], $0x2000  }
0xc8: {  	[sflag:s24] =	ssyncset.done $0x0  }
0xc9: {  	[sflag:s24] =	ssyncadd.s32 $0xFFFFE000  }
0xca: {  	_ =	swait.ge [sflag:s5], $0x40  }
0xcb: {  	[sflag:s5] =	ssyncset.done $0x0  }
0xcc: {  	[sflag:s5] =	ssyncadd.s32 $0xFFFFFFC0  }
0xcd: {  	[spmem:s17] =	stream.indirect.scatter.add.f32 [tilespmem:s13], [sflag:$0xE], $0x80, s11, s10, $0xb8;
	[tilespmem:$0x1E400] =	vst v63  }
0xce: {  	_ =	swait.ge [sflag:s25], $0x2000  }
0xcf: {  	[sflag:s25] =	ssyncset.done $0x0  }
0xd0: {  	s0 =	simm.s32 $0x7;
	[sflag:s25] =	ssyncadd.s32 $0xFFFFE000  }
0xd1: {  	_ =	swait.ge [sflag:s0], $0x40  }
0xd2: {  	[sflag:s0] =	ssyncset.done $0x0  }
0xd3: {  	s5 =	simm.s32 $0xC;
	[sflag:s0] =	ssyncadd.s32 $0xFFFFFFC0  }
0xd4: {  	[spmem:s17] =	stream.indirect.scatter.add.f32 [tilespmem:s1], [sflag:$0xF], $0x80, s16, s10, $0xb8;
	[tilespmem:$0x1E400] =	vst v63  }
0xd5: {  	_ =	swait.ge [sflag:s5], $0x2000  }
0xd6: {  	[sflag:s5] =	ssyncset.done $0x0  }
0xd7: {  	s9 =	simm.s32 $0x8;
	[sflag:s5] =	ssyncadd.s32 $0xFFFFE000  }
0xd8: {  	_ =	swait.ge [sflag:s9], $0x40  }
0xd9: {  	[sflag:s9] =	ssyncset.done $0x0  }
0xda: {  	s11 =	simm.s32 $0xD;
	[sflag:s9] =	ssyncadd.s32 $0xFFFFFFC0  }
0xdb: {  	[spmem:s17] =	stream.indirect.scatter.add.f32 [tilespmem:s19], [sflag:$0x10], $0x80, s21, s10, $0xb8;
	[tilespmem:$0x1E400] =	vst v63  }
0xdc: {  	_ =	swait.ge [sflag:s11], $0x2000  }
0xdd: {  	[sflag:s11] =	ssyncset.done $0x0  }
0xde: {  	s13 =	simm.s32 $0xE;
	[sflag:s11] =	ssyncadd.s32 $0xFFFFE000  }
0xdf: {  	_ =	swait.ge [sflag:s13], $0x2000  }
0xe0: {  	[sflag:s13] =	ssyncset.done $0x0  }
0xe1: {  	s16 =	simm.s32 $0xF;
	[sflag:s13] =	ssyncadd.s32 $0xFFFFE000  }
0xe2: {  	_ =	swait.ge [sflag:s16], $0x2000  }
0xe3: {  	[sflag:s16] =	ssyncset.done $0x0  }
0xe4: {  	s19 =	simm.s32 $0x10;
	[sflag:s16] =	ssyncadd.s32 $0xFFFFE000  }
0xe5: {  	_ =	swait.ge [sflag:s19], $0x2000  }
0xe6: {  	[sflag:s19] =	ssyncset.done $0x0  }
0xe7: {  	[sflag:s19] =	ssyncadd.s32 $0xFFFFE000  }
0xe8: {  	s28 =	stileid.u32;
	[bflag:$0x0] =	sbarrier.arrive $0xFFFF  }
0xe9: {  	s30 =	simm.s32 $0x11;
	s28 =	sshll.u32 s28, $0x6;
	s29 =	rddreg [dreg:$0x4]  }
0xea: {  	s28 =	sor.u32 $0x1C11, s28;
	s21 =	rddreg [dreg:$0xb];
	s29 =	sshrl.u32 s29, $0x3  }
0xeb: {  	[hbm:s21], [sflag:s28] =	dma.local [spmem:s29], $0x2800  }
0xec: {  	_ =	swait.ge [sflag:s30], $0x2800  }
0xed: {  	s2 =	rddreg [dreg:$0x18]  }
0xee: {  	s31 =	rddreg [dreg:$0xc];
	s2 =	sadd.s32 $0x1, s2  }
0xef: {  	p0 =	sne.s32 s2, s31  }
.Ltmp2:
0xf0: {  	_ = 	snop;
	(pc) =	sbr.rel @p0 .LBB2_1-.Ltmp2, $3  }
0xf1: {  	_ =	sdelay $0x1  }
0xf2: {  	[sflag:s30] =	ssyncset.done $0x0  }
0xf3: {  	s9 =	simm.s32 $0x1;
	[sflag:s30] =	ssyncadd.s32 $0xFFFFD800  }
0xf4: {  	_ =	sfence.sel $0x180000  }
0xf5: {  	[bflag:$0x0] =	sbarrier.arrive $0xFFFF  }
0xf6: {  	_ =	strace $0x9000004A  }
0xf7: {  	s0 =	stileid.u32;
	[bflag:$0x2] =	sbarrier.arrive $0xFFFF  }
0xf8: {  	p0 =	sne.s32 s0, $0x0;
	s0 =	rddreg [dreg:$0x2]  }
0xf9: {  	s0 =	sadd.s32 @!p0 $0x100000, s0  }
0xfa: {  	[sflag:s0] =	ssyncadd.tile.s32 @!p0 $0x1;
	_ =	shalt  }
.Lfunc_end2:
_tile_overlayer_lowered:
.L_overlay_start_2:
0xfb: {  	(tag) =	ssettag $0x2  }
0xfc: {  	s0 =	rddreg [dreg:$0x0];
	s2 =	stileid.u32  }
0xfd: {  	s1 =	rddreg [dreg:$0x1];
	p0 =	sne.s32 s2, $0x0  }
0xfe: {  	s3 =	rddreg [dreg:$0x2];
	[bflag:$0x3] =	sbarrier.arrive $0xFFFF;
	s2 =	simm.s32 @!p0 $0x1C11  }
0xff: {  	[timem:s3], [sflag:s2] =	dma.local @!p0 [hbm:s0], s1  }
0x100: {  	s0 =	simm.s32 @!p0 $0x11  }
0x101: {  	_ =	swait.ge @!p0 [sflag:s0], s1  }
0x102: {  	s1 =	ssub.s32 @!p0 $0x0, s1;
	[sflag:s0] =	ssyncset.done @!p0 $0x0  }
0x103: {  	[sflag:s0] =	ssyncadd.s32 @!p0 s1  }
0x104: {  	[bflag:$0x3] =	sbarrier.arrive $0xFFFF  }
0x105: {  	_ =	shalt  }

// kernel: kernel.17.cloned.1.call-start
scs
__scs_entry_jumppad:
0x0: {  	(pc) =	sbr.rel $0x88, $3  }
0x1: {  	(tag) =	ssettag $0x0;
	lr =	simm.s32 $0x1  }
0x2: {  	[smem:$0x3F98] =	sst lr;
	_ =	strace $0xD0000000  }
0x3: {  	_ = 	snop  }
0x4: {  	_ = 	snop  }
0x5: {  	_ = 	snop  }
0x6: {  	_ = 	snop  }
0x7: {  	_ = 	snop  }
__scs_overlays_trampoline_lowered:
0x8: {  	[smem:$0x3FA7] =	sst s0  }
0x9: {  	[smem:$0x3FA8] =	sst s1  }
0xa: {  	[smem:$0x3FA9] =	sst s2  }
0xb: {  	[smem:$0x3FAA] =	sst s3  }
0xc: {  	[smem:$0x3FAB] =	sst s4  }
0xd: {  	[smem:$0x3FAC] =	sst s5  }
0xe: {  	[smem:$0x3FAD] =	sst s6  }
0xf: {  	[smem:$0x3FAE] =	sst s7  }
0x10: {  	[smem:$0x3FAF] =	sst s8  }
0x11: {  	[smem:$0x3FB0] =	sst s9;
	s0 =	simm.s32 @!p0 $0x0  }
0x12: {  	s1 =	sld [smem:$0x3F96];
	s0 =	simm.s32 @p0 $0x1  }
0x13: {  	[smem:$0x3FB1] =	sst s0;
	s0 =	simm.s32 @!p1 $0x0  }
0x14: {  	s2 =	sld [smem:$0x3F95];
	s0 =	simm.s32 @p1 $0x1  }
0x15: {  	[smem:$0x3FB2] =	sst s0;
	s0 =	simm.s32 @!p2 $0x0  }
0x16: {  	s3 =	sld [smem:$0x3FDB];
	s0 =	simm.s32 @p2 $0x1  }
0x17: {  	s4 =	simm.s32 $0x1BF5;
	[smem:$0x3FB4] =	sst s0  }
0x18: {  	s0 =	sld [smem:$0x3F97];
	_ =	swait.ge [sflag:s4], $0x0  }
0x19: {  	s7 =	sld [smem:$0x3F98]  }
0x1a: {  	s8 =	sadd.s32 $0xFFFFE003, lr  }
0x1b: {  	s9 =	sadd.s32 $0xFFFFFEF7, lr;
	s5 =	simm.s32 $0xFFFFFFFF;
	p2 =	slt.u32 s8, $0xFFFFF086  }
0x1c: {  	p1 =	slt.u32 s9, $0xF7A;
	s5 =	simm.s32 @!p2 $0x0  }
0x1d: {  	s5 =	simm.s32 @p1 $0x1;
	p0 =	seq.s32 s7, s2  }
0x1e: {  	s7 =	smul.u32 @!p0 $0xF7A, s2;
	p2 =	seq.s32 @!p0 s5, $0x0  }
0x1f: {  	s9 =	smul.u32 $0xF7A, s1;
	s8 =	simm.s32 @!p0 $0x1BF5;
	p2 =	por !p2, p0  }
0x20: {  	[sflag:s8] =	ssyncset.s32 @!p0 $0xFFFFF086;
	s6 =	sadd.s32 @!p0 s3, s7;
	s7 =	simm.s32 @!p0 $0x108  }
0x21: {  	s3 =	sadd.s32 s3, s9;
	s6 =	sadd.s32 @!p0 $0x88, s6;
	s7 =	simm.s32 @p2 $0x1082  }
0x22: {  	[simem:s7], [sflag:s8] =	dma.local @!p0 [hbm:s6], $0xF7A  }
0x23: {  	s9 =	sor.u32 $0xD0000000, s2;
	s6 =	simm.s32 $0x108;
	_ =	swait.ge @!p0 [sflag:s8], $0x0  }
0x24: {  	s3 =	sadd.s32 $0x88, s3;
	s6 =	simm.s32 @!p1 $0x1082;
	[sflag:s4] =	ssyncset.s32 $0xFFFFF086  }
0x25: {  	[simem:s6], [sflag:s4] =	dma.local [hbm:s3], $0xF7A  }
0x26: {  	[smem:$0x3F98] =	sst s1;
	(tag) =	ssettag s2;
	_ =	strace s9  }
0x27: {  	s1 =	sld [smem:$0x3FA8]  }
0x28: {  	s2 =	sld [smem:$0x3FA9]  }
0x29: {  	s4 =	sld [smem:$0x3FAB]  }
0x2a: {  	p0 =	seq.s32 s5, $0x0;
	s5 =	sld [smem:$0x3FAC]  }
0x2b: {  	s6 =	sld [smem:$0x3FAD]  }
0x2c: {  	s7 =	sld [smem:$0x3FAE]  }
0x2d: {  	s3 =	simm.s32 $0x108;
	s8 =	sld [smem:$0x3FAF]  }
0x2e: {  	s3 =	simm.s32 @!p0 $0x1082;
	s9 =	sld [smem:$0x3FB0]  }
0x2f: {  	lr =	sadd.s32 s0, s3;
	s0 =	sld [smem:$0x3FA7]  }
0x30: {  	s3 =	sld [smem:$0x3FAA]  }
0x31: {  	[smem:$0x3FB3] =	sst s10  }
0x32: {  	s10 =	sld [smem:$0x3FB1];
	_ =	sdelay $0x3  }
0x33: {  	p0 =	seq.s32 s10, $0x1;
	s10 =	sld [smem:$0x3FB3];
	_ =	sdelay $0x3  }
0x34: {  	[smem:$0x3FB3] =	sst s10  }
0x35: {  	s10 =	sld [smem:$0x3FB2];
	_ =	sdelay $0x3  }
0x36: {  	p1 =	seq.s32 s10, $0x1;
	s10 =	sld [smem:$0x3FB3];
	_ =	sdelay $0x3  }
0x37: {  	[smem:$0x3FB3] =	sst s10  }
0x38: {  	s10 =	sld [smem:$0x3FB4]  }
0x39: {  	_ = 	snop;
	(pc) =	sbr.ind lr, $3  }
0x3a: {  	_ = 	snop  }
0x3b: {  	_ = 	snop  }
0x3c: {  	p2 =	seq.s32 s10, $0x1;
	s10 =	sld [smem:$0x3FB3]  }
0x3d: {  	_ =	shalt  }
0x3e: {  	_ =	shalt  }
0x3f: {  	_ =	shalt  }
0x40: {  	_ =	shalt  }
0x41: {  	_ =	shalt  }
0x42: {  	_ =	shalt  }
0x43: {  	_ =	shalt  }
0x44: {  	_ =	shalt  }
0x45: {  	_ =	shalt  }
0x46: {  	_ =	shalt  }
0x47: {  	_ =	shalt  }
0x48: {  	_ =	shalt  }
0x49: {  	_ =	shalt  }
0x4a: {  	_ =	shalt  }
0x4b: {  	_ =	shalt  }
0x4c: {  	_ =	shalt  }
0x4d: {  	_ =	shalt  }
0x4e: {  	_ =	shalt  }
0x4f: {  	_ =	shalt  }
0x50: {  	_ =	shalt  }
0x51: {  	_ =	shalt  }
0x52: {  	_ =	shalt  }
0x53: {  	_ =	shalt  }
0x54: {  	_ =	shalt  }
0x55: {  	_ =	shalt  }
0x56: {  	_ =	shalt  }
0x57: {  	_ =	shalt  }
0x58: {  	_ =	shalt  }
0x59: {  	_ =	shalt  }
0x5a: {  	_ =	shalt  }
0x5b: {  	_ =	shalt  }
0x5c: {  	_ =	shalt  }
0x5d: {  	_ =	shalt  }
0x5e: {  	_ =	shalt  }
0x5f: {  	_ =	shalt  }
0x60: {  	_ =	shalt  }
0x61: {  	_ =	shalt  }
0x62: {  	_ =	shalt  }
0x63: {  	_ =	shalt  }
0x64: {  	_ =	shalt  }
0x65: {  	_ =	shalt  }
0x66: {  	_ =	shalt  }
0x67: {  	_ =	shalt  }
0x68: {  	_ =	shalt  }
0x69: {  	_ =	shalt  }
0x6a: {  	_ =	shalt  }
0x6b: {  	_ =	shalt  }
0x6c: {  	_ =	shalt  }
0x6d: {  	_ =	shalt  }
0x6e: {  	_ =	shalt  }
0x6f: {  	_ =	shalt  }
0x70: {  	_ =	shalt  }
0x71: {  	_ =	shalt  }
0x72: {  	_ =	shalt  }
0x73: {  	_ =	shalt  }
0x74: {  	_ =	shalt  }
0x75: {  	_ =	shalt  }
0x76: {  	_ =	shalt  }
0x77: {  	_ =	shalt  }
0x78: {  	_ =	shalt  }
0x79: {  	_ =	shalt  }
0x7a: {  	_ =	shalt  }
0x7b: {  	_ =	shalt  }
0x7c: {  	_ =	shalt  }
0x7d: {  	_ =	shalt  }
0x7e: {  	_ =	shalt  }
0x7f: {  	_ =	shalt  }
0x80: {  	_ =	shalt  }
0x81: {  	_ =	shalt  }
0x82: {  	_ =	shalt  }
0x83: {  	_ =	shalt  }
0x84: {  	_ =	shalt  }
0x85: {  	_ =	shalt  }
0x86: {  	_ =	shalt  }
0x87: {  	_ =	shalt  }
.Lfunc_end0:
.L_simem_size_0:
called_computation.2_lowered:
.L_overlay_start_0:
0x88: {  	s2 =	sld [smem:$0x3FD9]  }
0x89: {  	s3 =	sld [smem:$0x3FFE];
	_ =	sdelay $0x1  }
0x8a: {  	s1 =	srdreg.scid  }
0x8b: {  	s0 =	sand.u32 $0x1, s1  }
0x8c: {  	s16 =	sshll.u32 s0, $0xA;
	s2 =	sadd.s32 s3, s2  }
0x8d: {  	s2 =	sadd.s32 s2, s16  }
0x8e: {  	[smem:$0x3FBF] =	sst s2  }
0x8f: {  	_ = 	snop  }
0x90: {  	(tm) =	ssettm $0x1  }
0x91: {  	s17 =	sld [smem:$0x3FFB];
	_ =	sdelay $0x3  }
0x92: {  	_ =	strace s17  }
0x93: {  	s2 =	sld [smem:$0x3FFC];
	_ =	sdelay $0x3  }
0x94: {  	_ =	strace s2  }
0x95: {  	s2 =	sld [smem:$0x3FFD];
	_ =	sdelay $0x3  }
0x96: {  	_ =	strace s2  }
0x97: {  	_ =	strace $0x8FFFFFFF  }
0x98: {  	s18 =	sld [smem:$0x3FDB];
	_ =	sdelay $0x1  }
0x99: {  	s19 =	simm.s32 $_scs_section_size  }
0x9a: {  	s4 =	simm.s32 $_size__tile_overlayer_lowered;
	s5 =	simm.s32 $_tile_overlayer_lowered  }
0x9b: {  	s22 =	simm.s32 $0x1BFF;
	s21 =	sshll.u32 s5, $0x1;
	s2 =	sadd.s32 s19, s18  }
0x9c: {  	s6 =	simm.s32 $0x0;
	s20 =	sshll.u32 s4, $0x1;
	s4 =	sadd.s32 s21, s2  }
0x9d: {  	[timem:s6], [sflag:s22] =	dma.local [hbm:s4], s20  }
0x9e: {  	_ =	swait.ge [sflag:s22], s20  }
0x9f: {  	s3 =	ssub.s32 $0x0, s20;
	[sflag:s22] =	ssyncset.done $0x0  }
0xa0: {  	[sflag:s22] =	ssyncadd.s32 s3;
	_ =	sdelay $0x1  }
0xa1: {  	s23 =	simm.s32 $0x1B8B  }
0xa2: {  	_ =	swait.ge [sflag:s23], $0x1  }
0xa3: {  	[sflag:s23] =	ssyncset.done $0x0  }
0xa4: {  	s25 =	simm.s32 $0x1B8E;
	s24 =	sld [smem:$0x3FFE];
	[sflag:s23] =	ssyncadd.s32 $0xFFFFFFFF  }
0xa5: {  	s26 =	simm.s32 $execute0_lowered;
	[smem:$0x3FD2] =	sst s25  }
0xa6: {  	s4 =	sshll.u32 s26, $0x1;
	_ =	strace $0x8000004C;
	[dreg:$0x1] =	wrdreg $0xFFFFFFFF  }
0xa7: {  	s28 =	simm.s32 $_size_execute0_lowered;
	s2 =	sadd.s32 s2, s4;
	[dreg:$0x0] =	wrdreg $0x0  }
0xa8: {  	s4 =	sshll.u32 s28, $0x1;
	[dreg:$0x2] =	wrdreg s2  }
0xa9: {  	[dreg:$0x3] =	wrdreg s4  }
0xaa: {  	[dreg:$0x4] =	wrdreg $0xC0  }
0xab: {  	_ =	task [dreg:s6], $0x5FFFF  }
0xac: {  	[dreg:$0x1] =	wrdreg $0xFFFFFFFF  }
0xad: {  	[dreg:$0x0] =	wrdreg $0x60  }
0xae: {  	[dreg:$0x2] =	wrdreg s24  }
0xaf: {  	[dreg:$0x3] =	wrdreg $0xA4000  }
0xb0: {  	[dreg:$0x4] =	wrdreg $0x9  }
0xb1: {  	_ =	task.clear_ibuf [dreg:s6], $0x5FFFF;
	_ =	strace $0x9000004C  }
0xb2: {  	s29 =	simm.s32 $0x9;
	_ =	strace $0x8000004E  }
0xb3: {  	_ =	swait.ge [sflag:s29], $0x1  }
0xb4: {  	[sflag:s29] =	ssyncadd.s32 $0xFFFFFFFF  }
0xb5: {  	_ =	strace $0x9000004E  }
0xb6: {  	_ =	sfence  }
0xb7: {  	s30 =	sld [smem:$0x0];
	_ =	sdelay $0x2  }
0xb8: {  	s31 =	sshll.u32 s1, $0xD;
	s1 =	sshrl.u32 s1, $0x2  }
0xb9: {  	s3 =	sand.u32 $0x4000, s31;
	s1 =	sadd.s32 s1, s30  }
0xba: {  	s0 =	sor.u32 s3, s0;
	s1 =	sshll.u32 s1, $0x11  }
0xbb: {  	s0 =	sor.u32 s1, s0  }
0xbc: {  	s0 =	sadd.s32 $0x8F2B, s0  }
0xbd: {  	[sflag:s0] =	ssyncadd.remote.s32 $0x1  }
0xbe: {  	_ =	sfence.sel $0xFFFF  }
0xbf: {  	[dreg:$0x0] =	wrdreg $0xFFFFFFFF;
	(pc) =	sbr.abs _section_cstart, $3  }
0xc0: {  	[dreg:$0x1] =	wrdreg $0xFFFFFFFF  }
0xc1: {  	_ =	task.clear_ibuf [dreg:s6], $0x2FFFF;
	_ =	strace $0x9FFFFFFF  }
0xc2: {  	(tm) =	ssettm $0x7FFFFFFF  }
0xc3: {  	_ =	shalt  }
tec
execute0_lowered:
.L_overlay_start_1:
0x0: {  	(tag) =	ssettag $0x1  }
0x1: {  	s0 =	rddreg [dreg:$0x0];
	s1 =	srdreg.scid  }
0x2: {  	s17 =	rddreg [dreg:$0x1];
	s11 =	stileid.u32;
	s3 =	simm.s32 $0x0  }
0x3: {  	s10 =	simm.s32 $0x7A0;
	s1 =	sand.u32 $0x1, s1;
	s6 =	smul.u32 $0x14000, s11  }
0x4: {  	[smem:$0x7FF] =	sst s3;
	s4 =	sadd.s32 $0xD600, s0;
	s8 =	smul.u32 $0x48, s11  }
0x5: {  	s29 =	sadd.s32 $0x5E600, s0;
	s7 =	sadd.s32 $0x3000, s0;
	s5 =	smul.u32 $0x140000, s1  }
0x6: {  	s2 =	ssub.s32 $0x2, s1;
	p0 =	seq.s32 s1, $0x0;
	s1 =	smul.u32 $0xF8, s11  }
0x7: {  	_ =	strace $0x8000004D;
	s11 =	smul.u32 $0x50000, s11;
	s9 =	sshrl.u32 s2, $0x1  }
0x8: {  	s8 =	sadd.s32 $0xF80, s8;
	s10 =	simm.s32 @!p0 $0x220;
	s5 =	sadd.s32 s6, s5  }
0x9: {  	s8 =	smov.u32 @p0 s1;
	[dreg:$0x3] =	wrdreg s10;
	s10 =	sshrl.u32 s11, $0x2  }
0xa: {  	s5 =	sshrl.u32 s5, $0x3;
	s8 =	sshll.u32 s8, $0x3;
	s11 =	sadd.s32 s10, s17  }
0xb: {  	s10 =	simm.s32 $0x40;
	s20 =	sadd.s32 $0x2000, s11;
	[dreg:$0x4] =	wrdreg s11  }
0xc: {  	s0 =	sadd.s32 s5, s0;
	s21 =	sadd.s32 $0x4000, s11;
	[dreg:$0xd] =	wrdreg s20  }
0xd: {  	s5 =	ssub.s32 s2, s9;
	s22 =	sadd.s32 $0x6000, s11;
	[dreg:$0xe] =	wrdreg s21  }
0xe: {  	s30 =	sadd.s32 s29, s8;
	s23 =	sadd.s32 $0x8000, s11;
	[dreg:$0xf] =	wrdreg s22  }
0xf: {  	s12 =	sor.u32 $0x8, s8;
	s24 =	sadd.s32 $0xA000, s11;
	[dreg:$0x10] =	wrdreg s23  }
0x10: {  	s31 =	sadd.s32 s7, s8;
	s25 =	sadd.s32 $0xC000, s11;
	[dreg:$0x11] =	wrdreg s24  }
0x11: {  	s14 =	sor.u32 $0x10, s8;
	s26 =	sadd.s32 $0xE000, s11;
	[dreg:$0x12] =	wrdreg s25  }
0x12: {  	s16 =	sor.u32 $0x18, s8;
	s28 =	sadd.s32 $0x10000, s11;
	[dreg:$0x13] =	wrdreg s26  }
0x13: {  	s9 =	simm.s32 $0x1;
	s2 =	simm.s32 $0x0;
	[dreg:$0x14] =	wrdreg s28  }
0x14: {  	s8 =	simm.s32 $0x4400;
	s13 =	sadd.s32 s29, s12;
	[dreg:$0x16] =	wrdreg s31  }
0x15: {  	s1 =	sadd.s32 s7, s12;
	s15 =	sadd.s32 s29, s14;
	[dreg:$0x17] =	wrdreg s30  }
0x16: {  	s18 =	sadd.s32 s7, s14;
	s6 =	sadd.s32 s29, s16;
	[dreg:$0x5] =	wrdreg s13  }
0x17: {  	s0 =	sadd.s32 $0x68600, s0;
	s19 =	smax.u32 s5, $0x1;
	[dreg:$0x6] =	wrdreg s1  }
0x18: {  	s29 =	sadd.s32 $0x12000, s11;
	s12 =	simm.s32 $0x1;
	[dreg:$0x7] =	wrdreg s15  }
0x19: {  	s14 =	simm.s32 $0x2;
	s20 =	simm.s32 $0x4;
	[dreg:$0x8] =	wrdreg s18  }
0x1a: {  	s22 =	simm.s32 $0x9;
	s23 =	simm.s32 $0x5;
	[dreg:$0x9] =	wrdreg s6  }
0x1b: {  	s24 =	simm.s32 $0xA;
	s25 =	simm.s32 $0xB;
	[dreg:$0xb] =	wrdreg s0  }
0x1c: {  	s26 =	simm.s32 $0x180;
	s1 =	sadd.s32 s7, s16;
	[dreg:$0xc] =	wrdreg s19  }
0x1d: {  	[dreg:$0x15] =	wrdreg s29;
	s18 =	simm.s32 $0x3;
	s15 =	simm.s32 $0x6400  }
0x1e: {  	v0 =	vimm.f32 $0.0e+00;
	s7 =	simm.s32 $0x100;
	s6 =	simm.s32 $0x400;
	[dreg:$0xa] =	wrdreg s1  }
.LBB2_1:
0x1f: {  	s28 =	sand.u32 $0x7E00, s3  }
0x20: {  	[dreg:$0x18] =	wrdreg s2;
	s29 =	sand.u32 $0x70, s3;
	s30 =	sshrl.u32 s28, $0x2  }
0x21: {  	s28 =	simm.s32 $0x40;
	s30 =	sor.u32 s29, s30;
	s29 =	simm.s32 $0x0  }
.LBB2_2:
0x22: {  	p0 =	sne.s32 s28, $0x7FC0  }
0x23: {  	[tilespmem:s30+$0x8400] =	vst v0;
	s29 =	sadd.s32 $0x10, s29;
	s30 =	smov.u32 s28;
	s28 =	sadd.s32 $0x40, s28  }
.Ltmp0:
0x24: {  	(pc) =	sbr.rel @p0 .LBB2_2-.Ltmp0, $4  }
0x25: {  	_ = 	snop  }
0x26: {  	s30 =	sand.u32 $0x7E00, s30  }
0x27: {  	s31 =	sand.u32 $0x70, s29;
	s30 =	sshrl.u32 s30, $0x2  }
0x28: {  	s30 =	sor.u32 s31, s30  }
0x29: {  	[tilespmem:s30+$0x8400] =	vst v0;
	s28 =	rddreg [dreg:$0x4];
	s29 =	simm.s32 $0x8400;
	s30 =	simm.s32 $0x11  }
0x2a: {  	[spmem:s28] =	stream.linear.scatter [tilespmem:s29], [sflag:$0x11], $0x2000, $0x38;
	[tilespmem:$0x1E400] =	vst v63  }
0x2b: {  	_ =	swait.ge [sflag:s30], $0x2000  }
0x2c: {  	[sflag:s30] =	ssyncset.done $0x0  }
0x2d: {  	s28 =	rddreg [dreg:$0xd];
	[sflag:s30] =	ssyncadd.s32 $0xFFFFE000  }
0x2e: {  	[spmem:s28] =	stream.linear.scatter [tilespmem:s29], [sflag:$0x11], $0x2000, $0x38;
	[tilespmem:$0x1E400] =	vst v63  }
0x2f: {  	_ =	swait.ge [sflag:s30], $0x2000  }
0x30: {  	[sflag:s30] =	ssyncset.done $0x0  }
0x31: {  	s28 =	rddreg [dreg:$0xe];
	[sflag:s30] =	ssyncadd.s32 $0xFFFFE000  }
0x32: {  	[spmem:s28] =	stream.linear.scatter [tilespmem:s29], [sflag:$0x11], $0x2000, $0x38;
	[tilespmem:$0x1E400] =	vst v63  }
0x33: {  	_ =	swait.ge [sflag:s30], $0x2000  }
0x34: {  	[sflag:s30] =	ssyncset.done $0x0  }
0x35: {  	s28 =	rddreg [dreg:$0xf];
	[sflag:s30] =	ssyncadd.s32 $0xFFFFE000  }
0x36: {  	[spmem:s28] =	stream.linear.scatter [tilespmem:s29], [sflag:$0x11], $0x2000, $0x38;
	[tilespmem:$0x1E400] =	vst v63  }
0x37: {  	_ =	swait.ge [sflag:s30], $0x2000  }
0x38: {  	[sflag:s30] =	ssyncset.done $0x0  }
0x39: {  	s28 =	rddreg [dreg:$0x10];
	[sflag:s30] =	ssyncadd.s32 $0xFFFFE000  }
0x3a: {  	[spmem:s28] =	stream.linear.scatter [tilespmem:s29], [sflag:$0x11], $0x2000, $0x38;
	[tilespmem:$0x1E400] =	vst v63  }
0x3b: {  	_ =	swait.ge [sflag:s30], $0x2000  }
0x3c: {  	[sflag:s30] =	ssyncset.done $0x0  }
0x3d: {  	s28 =	rddreg [dreg:$0x11];
	[sflag:s30] =	ssyncadd.s32 $0xFFFFE000  }
0x3e: {  	[spmem:s28] =	stream.linear.scatter [tilespmem:s29], [sflag:$0x11], $0x2000, $0x38;
	[tilespmem:$0x1E400] =	vst v63  }
0x3f: {  	_ =	swait.ge [sflag:s30], $0x2000  }
0x40: {  	[sflag:s30] =	ssyncset.done $0x0  }
0x41: {  	s28 =	rddreg [dreg:$0x12];
	[sflag:s30] =	ssyncadd.s32 $0xFFFFE000  }
0x42: {  	[spmem:s28] =	stream.linear.scatter [tilespmem:s29], [sflag:$0x11], $0x2000, $0x38;
	[tilespmem:$0x1E400] =	vst v63  }
0x43: {  	_ =	swait.ge [sflag:s30], $0x2000  }
0x44: {  	[sflag:s30] =	ssyncset.done $0x0  }
0x45: {  	s28 =	rddreg [dreg:$0x13];
	[sflag:s30] =	ssyncadd.s32 $0xFFFFE000  }
0x46: {  	[spmem:s28] =	stream.linear.scatter [tilespmem:s29], [sflag:$0x11], $0x2000, $0x38;
	[tilespmem:$0x1E400] =	vst v63  }
0x47: {  	_ =	swait.ge [sflag:s30], $0x2000  }
0x48: {  	[sflag:s30] =	ssyncset.done $0x0  }
0x49: {  	s28 =	rddreg [dreg:$0x14];
	[sflag:s30] =	ssyncadd.s32 $0xFFFFE000  }
0x4a: {  	[spmem:s28] =	stream.linear.scatter [tilespmem:s29], [sflag:$0x11], $0x2000, $0x38;
	[tilespmem:$0x1E400] =	vst v63  }
0x4b: {  	_ =	swait.ge [sflag:s30], $0x2000  }
0x4c: {  	[sflag:s30] =	ssyncset.done $0x0  }
0x4d: {  	s28 =	rddreg [dreg:$0x15];
	[sflag:s30] =	ssyncadd.s32 $0xFFFFE000  }
0x4e: {  	[spmem:s28] =	stream.linear.scatter [tilespmem:s29], [sflag:$0x11], $0x2000, $0x38;
	[tilespmem:$0x1E400] =	vst v63  }
0x4f: {  	_ =	swait.ge [sflag:s30], $0x2000  }
0x50: {  	[sflag:s30] =	ssyncset.done $0x0  }
0x51: {  	[sflag:s30] =	ssyncadd.s32 $0xFFFFE000  }
0x52: {  	[bflag:$0x0] =	sbarrier.arrive $0xFFFF  }
0x53: {  	s28 =	simm.s32 $0x0;
	s30 =	rddreg [dreg:$0x17]  }
0x54: {  	[tilespmem:s28], [sflag:$0x1] =	stream.linear.gather [hbm4b:s30+s28], $0x40, $0x38;
	[tilespmem:$0x1E400] =	vst v63  }
0x55: {  	s0 =	simm.s32 $0x200;
	s31 =	rddreg [dreg:$0x16]  }
0x56: {  	[tilespmem:s0], [sflag:$0x5] =	stream.linear.gather [hbm4b:s31+s28], $0x40, $0x38;
	[tilespmem:$0x1E400] =	vst v63  }
0x57: {  	s1 =	simm.s32 $0x80;
	s5 =	rddreg [dreg:$0x5]  }
0x58: {  	[tilespmem:s1], [sflag:$0x2] =	stream.linear.gather [hbm4b:s5+s28], $0x40, $0x38;
	[tilespmem:$0x1E400] =	vst v63  }
0x59: {  	s13 =	simm.s32 $0x280;
	s11 =	rddreg [dreg:$0x6]  }
0x5a: {  	[tilespmem:s13], [sflag:$0x6] =	stream.linear.gather [hbm4b:s11+s28], $0x40, $0x38;
	[tilespmem:$0x1E400] =	vst v63  }
0x5b: {  	s2 =	simm.s32 $0x100;
	s16 =	rddreg [dreg:$0x7]  }
0x5c: {  	[tilespmem:s2], [sflag:$0x3] =	stream.linear.gather [hbm4b:s16+s28], $0x40, $0x38;
	[tilespmem:$0x1E400] =	vst v63  }
0x5d: {  	s21 =	simm.s32 $0x300;
	s19 =	rddreg [dreg:$0x8]  }
0x5e: {  	[tilespmem:s21], [sflag:$0x7] =	stream.linear.gather [hbm4b:s19+s28], $0x40, $0x38;
	[tilespmem:$0x1E400] =	vst v63  }
0x5f: {  	s0 =	rddreg [dreg:$0x9];
	s5 =	simm.s32 $0x180  }
0x60: {  	[tilespmem:s5], [sflag:$0x4] =	stream.linear.gather [hbm4b:s0+s28], $0x40, $0x38;
	[tilespmem:$0x1E400] =	vst v63  }
0x61: {  	s11 =	rddreg [dreg:$0xa];
	s13 =	simm.s32 $0x380  }
0x62: {  	[tilespmem:s13], [sflag:$0x8] =	stream.linear.gather [hbm4b:s11+s28], $0x40, $0x38;
	[tilespmem:$0x1E400] =	vst v63  }
0x63: {  	_ =	swait.ge [sflag:s9], $0x40  }
0x64: {  	[sflag:s9] =	ssyncset.done $0x0  }
0x65: {  	s16 =	simm.s32 $0x400;
	[sflag:s9] =	ssyncadd.s32 $0xFFFFFFC0  }
0x66: {  	[tilespmem:s16], [sflag:$0x9] =	stream.indirect.gather [hbm4b:s4+s10], $0x80, s28, s10, $0xb8;
	[tilespmem:$0x1E400] =	vst v63  }
0x67: {  	_ =	swait.ge [sflag:s14], $0x40  }
0x68: {  	[sflag:s14] =	ssyncset.done $0x0  }
0x69: {  	s19 =	simm.s32 $0x2400;
	[sflag:s14] =	ssyncadd.s32 $0xFFFFFFC0  }
0x6a: {  	[tilespmem:s19], [sflag:$0xA] =	stream.indirect.gather [hbm4b:s4+s10], $0x80, s1, s10, $0xb8;
	[tilespmem:$0x1E400] =	vst v63  }
0x6b: {  	_ =	swait.ge [sflag:s18], $0x40  }
0x6c: {  	[sflag:s18] =	ssyncset.done $0x0  }
0x6d: {  	s21 =	simm.s32 $0x4400;
	[sflag:s18] =	ssyncadd.s32 $0xFFFFFFC0  }
0x6e: {  	[tilespmem:s21], [sflag:$0xB] =	stream.indirect.gather [hbm4b:s4+s10], $0x80, s2, s10, $0xb8;
	[tilespmem:$0x1E400] =	vst v63  }
0x6f: {  	_ =	swait.ge [sflag:s20], $0x40  }
0x70: {  	[sflag:s20] =	ssyncset.done $0x0  }
0x71: {  	s29 =	simm.s32 $0x6400;
	[sflag:s20] =	ssyncadd.s32 $0xFFFFFFC0  }
0x72: {  	[tilespmem:s29], [sflag:$0xC] =	stream.indirect.gather [hbm4b:s4+s10], $0x80, s5, s10, $0xb8;
	[tilespmem:$0x1E400] =	vst v63  }
0x73: {  	s5 =	simm.s32 $0x6  }
.LBB2_4:
0x74: {  	_ =	swait.ge [sflag:s22], $0x2000  }
0x75: {  	[sflag:s22] =	ssyncset.done $0x0  }
0x76: {  	[sflag:s22] =	ssyncadd.s32 $0xFFFFE000  }
0x77: {  	_ =	swait.ge [sflag:s23], $0x40  }
0x78: {  	[sflag:s23] =	ssyncset.done $0x0  }
0x79: {  	s11 =	simm.s32 $0x200;
	s13 =	simm.s32 $0x400;
	[sflag:s23] =	ssyncadd.s32 $0xFFFFFFC0  }
0x7a: {  	[spmem:s17] =	stream.indirect.scatter.add.f32 [tilespmem:s13], [sflag:$0xD], $0x80, s11, s10, $0xb8;
	[tilespmem:$0x1E400] =	vst v63  }
0x7b: {  	_ =	swait.ge [sflag:s24], $0x2000  }
0x7c: {  	[sflag:s24] =	ssyncset.done $0x0  }
0x7d: {  	[sflag:s24] =	ssyncadd.s32 $0xFFFFE000  }
0x7e: {  	_ =	swait.ge [sflag:s5], $0x40  }
0x7f: {  	[sflag:s5] =	ssyncset.done $0x0  }
0x80: {  	s16 =	simm.s32 $0x280;
	s0 =	simm.s32 $0x2400;
	[sflag:s5] =	ssyncadd.s32 $0xFFFFFFC0  }
0x81: {  	[spmem:s17] =	stream.indirect.scatter.add.f32 [tilespmem:s0], [sflag:$0xE], $0x80, s16, s10, $0xb8;
	[tilespmem:$0x1E400] =	vst v63  }
0x82: {  	_ =	swait.ge [sflag:s25], $0x2000  }
0x83: {  	[sflag:s25] =	ssyncset.done $0x0  }
0x84: {  	s1 =	simm.s32 $0x7;
	[sflag:s25] =	ssyncadd.s32 $0xFFFFE000  }
0x85: {  	_ =	swait.ge [sflag:s1], $0x40  }
0x86: {  	[sflag:s1] =	ssyncset.done $0x0  }
0x87: {  	s21 =	simm.s32 $0x300;
	s29 =	simm.s32 $0xC;
	[sflag:s1] =	ssyncadd.s32 $0xFFFFFFC0  }
0x88: {  	[spmem:s17] =	stream.indirect.scatter.add.f32 [tilespmem:s8], [sflag:$0xF], $0x80, s21, s10, $0xb8;
	[tilespmem:$0x1E400] =	vst v63  }
0x89: {  	_ =	swait.ge [sflag:s29], $0x2000  }
0x8a: {  	[sflag:s29] =	ssyncset.done $0x0  }
0x8b: {  	s2 =	simm.s32 $0x8;
	[sflag:s29] =	ssyncadd.s32 $0xFFFFE000  }
0x8c: {  	_ =	swait.ge [sflag:s2], $0x40  }
0x8d: {  	[sflag:s2] =	ssyncset.done $0x0  }
0x8e: {  	s19 =	simm.s32 $0x380;
	s9 =	simm.s32 $0xD;
	[sflag:s2] =	ssyncadd.s32 $0xFFFFFFC0  }
0x8f: {  	[spmem:s17] =	stream.indirect.scatter.add.f32 [tilespmem:s15], [sflag:$0x10], $0x80, s19, s10, $0xb8;
	[tilespmem:$0x1E400] =	vst v63  }
0x90: {  	_ =	swait.ge [sflag:s9], $0x2000  }
0x91: {  	s29 =	sadd.s32 s28, s30;
	[sflag:s9] =	ssyncset.done $0x0  }
0x92: {  	s30 =	sadd.s32 $0x20, s29;
	[sflag:s9] =	ssyncadd.s32 $0xFFFFE000  }
0x93: {  	[tilespmem:s3], [sflag:$0x1] =	stream.linear.gather [hbm4b:s30+s3], $0x40, $0x38;
	[tilespmem:$0x1E400] =	vst v63  }
0x94: {  	s30 =	sadd.s32 s28, s31  }
0x95: {  	s31 =	sadd.s32 $0x20, s30  }
0x96: {  	[tilespmem:s11], [sflag:$0x5] =	stream.linear.gather [hbm4b:s31+s3], $0x40, $0x38;
	[tilespmem:$0x1E400] =	vst v63  }
0x97: {  	s11 =	simm.s32 $0xE  }
0x98: {  	_ =	swait.ge [sflag:s11], $0x2000  }
0x99: {  	[sflag:s11] =	ssyncset.done $0x0  }
0x9a: {  	s2 =	simm.s32 $0x80;
	s31 =	sadd.s32 $0x28, s29;
	[sflag:s11] =	ssyncadd.s32 $0xFFFFE000  }
0x9b: {  	[tilespmem:s2], [sflag:$0x2] =	stream.linear.gather [hbm4b:s31+s3], $0x40, $0x38;
	[tilespmem:$0x1E400] =	vst v63  }
0x9c: {  	s31 =	sadd.s32 $0x28, s30  }
0x9d: {  	[tilespmem:s16], [sflag:$0x6] =	stream.linear.gather [hbm4b:s31+s3], $0x40, $0x38;
	[tilespmem:$0x1E400] =	vst v63  }
0x9e: {  	s16 =	simm.s32 $0xF  }
0x9f: {  	_ =	swait.ge [sflag:s16], $0x2000  }
0xa0: {  	[sflag:s16] =	ssyncset.done $0x0  }
0xa1: {  	s31 =	sadd.s32 $0x30, s29;
	[sflag:s16] =	ssyncadd.s32 $0xFFFFE000  }
0xa2: {  	[tilespmem:s7], [sflag:$0x3] =	stream.linear.gather [hbm4b:s31+s3], $0x40, $0x38;
	[tilespmem:$0x1E400] =	vst v63  }
0xa3: {  	s31 =	sadd.s32 $0x30, s30  }
0xa4: {  	[tilespmem:s21], [sflag:$0x7] =	stream.linear.gather [hbm4b:s31+s3], $0x40, $0x38;
	[tilespmem:$0x1E400] =	vst v63  }
0xa5: {  	s21 =	simm.s32 $0x10  }
0xa6: {  	s31 =	rddreg [dreg:$0x16];
	_ =	swait.ge [sflag:s21], $0x2000  }
0xa7: {  	[sflag:s21] =	ssyncset.done $0x0  }
0xa8: {  	s29 =	sadd.s32 $0x38, s29;
	[sflag:s21] =	ssyncadd.s32 $0xFFFFE000  }
0xa9: {  	[tilespmem:s26], [sflag:$0x4] =	stream.linear.gather [hbm4b:s29+s3], $0x40, $0x38;
	[tilespmem:$0x1E400] =	vst v63  }
0xaa: {  	s1 =	sadd.s32 $0x38, s30  }
0xab: {  	[tilespmem:s19], [sflag:$0x8] =	stream.linear.gather [hbm4b:s1+s3], $0x40, $0x38;
	[tilespmem:$0x1E400] =	vst v63  }
0xac: {  	s30 =	rddreg [dreg:$0x17];
	_ =	swait.ge [sflag:s12], $0x40  }
0xad: {  	[sflag:s12] =	ssyncset.done $0x0  }
0xae: {  	[sflag:s12] =	ssyncadd.s32 $0xFFFFFFC0  }
0xaf: {  	[tilespmem:s13], [sflag:$0x9] =	stream.indirect.gather [hbm4b:s4+s10], $0x80, s3, s10, $0xb8;
	[tilespmem:$0x1E400] =	vst v63  }
0xb0: {  	_ =	swait.ge [sflag:s14], $0x40  }
0xb1: {  	[sflag:s14] =	ssyncset.done $0x0  }
0xb2: {  	[sflag:s14] =	ssyncadd.s32 $0xFFFFFFC0  }
0xb3: {  	[tilespmem:s0], [sflag:$0xA] =	stream.indirect.gather [hbm4b:s4+s10], $0x80, s2, s10, $0xb8;
	[tilespmem:$0x1E400] =	vst v63  }
0xb4: {  	_ =	swait.ge [sflag:s18], $0x40  }
0xb5: {  	[sflag:s18] =	ssyncset.done $0x0  }
0xb6: {  	[sflag:s18] =	ssyncadd.s32 $0xFFFFFFC0  }
0xb7: {  	[tilespmem:s8], [sflag:$0xB] =	stream.indirect.gather [hbm4b:s4+s10], $0x80, s7, s10, $0xb8;
	[tilespmem:$0x1E400] =	vst v63  }
0xb8: {  	_ =	swait.ge [sflag:s20], $0x40  }
0xb9: {  	s28 =	sadd.s32 $0x20, s28;
	s2 =	rddreg [dreg:$0x3]  }
0xba: {  	p0 =	sne.s32 s2, s28  }
.Ltmp1:
0xbb: {  	_ = 	snop;
	(pc) =	sbr.rel @p0 .LBB2_4-.Ltmp1, $4  }
0xbc: {  	s9 =	simm.s32 $0x200;
	s11 =	simm.s32 $0x280;
	s16 =	simm.s32 $0x300  }
0xbd: {  	s21 =	simm.s32 $0x380;
	s1 =	simm.s32 $0x4400;
	[sflag:s20] =	ssyncset.done $0x0  }
0xbe: {  	s19 =	simm.s32 $0x6400;
	s13 =	simm.s32 $0x2400;
	[sflag:s20] =	ssyncadd.s32 $0xFFFFFFC0  }
0xbf: {  	[tilespmem:s15], [sflag:$0xC] =	stream.indirect.gather [hbm4b:s4+s10], $0x80, s26, s10, $0xb8;
	[tilespmem:$0x1E400] =	vst v63  }
0xc0: {  	_ =	swait.ge [sflag:s22], $0x2000  }
0xc1: {  	[sflag:s22] =	ssyncset.done $0x0  }
0xc2: {  	[sflag:s22] =	ssyncadd.s32 $0xFFFFE000  }
0xc3: {  	_ =	swait.ge [sflag:s23], $0x40  }
0xc4: {  	[sflag:s23] =	ssyncset.done $0x0  }
0xc5: {  	[sflag:s23] =	ssyncadd.s32 $0xFFFFFFC0  }
0xc6: {  	[spmem:s17] =	stream.indirect.scatter.add.f32 [tilespmem:s6], [sflag:$0xD], $0x80, s9, s10, $0xb8;
	[tilespmem:$0x1E400] =	vst v63  }
0xc7: {  	_ =	swait.ge [sflag:s24], $0x2000  }
0xc8: {  	[sflag:s24] =	ssyncset.done $0x0  }
0xc9: {  	[sflag:s24] =	ssyncadd.s32 $0xFFFFE000  }
0xca: {  	_ =	swait.ge [sflag:s5], $0x40  }
0xcb: {  	[sflag:s5] =	ssyncset.done $0x0  }
0xcc: {  	[sflag:s5] =	ssyncadd.s32 $0xFFFFFFC0  }
0xcd: {  	[spmem:s17] =	stream.indirect.scatter.add.f32 [tilespmem:s13], [sflag:$0xE], $0x80, s11, s10, $0xb8;
	[tilespmem:$0x1E400] =	vst v63  }
0xce: {  	_ =	swait.ge [sflag:s25], $0x2000  }
0xcf: {  	[sflag:s25] =	ssyncset.done $0x0  }
0xd0: {  	s0 =	simm.s32 $0x7;
	[sflag:s25] =	ssyncadd.s32 $0xFFFFE000  }
0xd1: {  	_ =	swait.ge [sflag:s0], $0x40  }
0xd2: {  	[sflag:s0] =	ssyncset.done $0x0  }
0xd3: {  	s5 =	simm.s32 $0xC;
	[sflag:s0] =	ssyncadd.s32 $0xFFFFFFC0  }
0xd4: {  	[spmem:s17] =	stream.indirect.scatter.add.f32 [tilespmem:s1], [sflag:$0xF], $0x80, s16, s10, $0xb8;
	[tilespmem:$0x1E400] =	vst v63  }
0xd5: {  	_ =	swait.ge [sflag:s5], $0x2000  }
0xd6: {  	[sflag:s5] =	ssyncset.done $0x0  }
0xd7: {  	s9 =	simm.s32 $0x8;
	[sflag:s5] =	ssyncadd.s32 $0xFFFFE000  }
0xd8: {  	_ =	swait.ge [sflag:s9], $0x40  }
0xd9: {  	[sflag:s9] =	ssyncset.done $0x0  }
0xda: {  	s11 =	simm.s32 $0xD;
	[sflag:s9] =	ssyncadd.s32 $0xFFFFFFC0  }
0xdb: {  	[spmem:s17] =	stream.indirect.scatter.add.f32 [tilespmem:s19], [sflag:$0x10], $0x80, s21, s10, $0xb8;
	[tilespmem:$0x1E400] =	vst v63  }
0xdc: {  	_ =	swait.ge [sflag:s11], $0x2000  }
0xdd: {  	[sflag:s11] =	ssyncset.done $0x0  }
0xde: {  	s13 =	simm.s32 $0xE;
	[sflag:s11] =	ssyncadd.s32 $0xFFFFE000  }
0xdf: {  	_ =	swait.ge [sflag:s13], $0x2000  }
0xe0: {  	[sflag:s13] =	ssyncset.done $0x0  }
0xe1: {  	s16 =	simm.s32 $0xF;
	[sflag:s13] =	ssyncadd.s32 $0xFFFFE000  }
0xe2: {  	_ =	swait.ge [sflag:s16], $0x2000  }
0xe3: {  	[sflag:s16] =	ssyncset.done $0x0  }
0xe4: {  	s19 =	simm.s32 $0x10;
	[sflag:s16] =	ssyncadd.s32 $0xFFFFE000  }
0xe5: {  	_ =	swait.ge [sflag:s19], $0x2000  }
0xe6: {  	[sflag:s19] =	ssyncset.done $0x0  }
0xe7: {  	[sflag:s19] =	ssyncadd.s32 $0xFFFFE000  }
0xe8: {  	s28 =	stileid.u32;
	[bflag:$0x0] =	sbarrier.arrive $0xFFFF  }
0xe9: {  	s30 =	simm.s32 $0x11;
	s28 =	sshll.u32 s28, $0x6;
	s29 =	rddreg [dreg:$0x4]  }
0xea: {  	s28 =	sor.u32 $0x1C11, s28;
	s21 =	rddreg [dreg:$0xb];
	s29 =	sshrl.u32 s29, $0x3  }
0xeb: {  	[hbm:s21], [sflag:s28] =	dma.local [spmem:s29], $0x2800  }
0xec: {  	_ =	swait.ge [sflag:s30], $0x2800  }
0xed: {  	s2 =	rddreg [dreg:$0x18]  }
0xee: {  	s31 =	rddreg [dreg:$0xc];
	s2 =	sadd.s32 $0x1, s2  }
0xef: {  	p0 =	sne.s32 s2, s31  }
.Ltmp2:
0xf0: {  	_ = 	snop;
	(pc) =	sbr.rel @p0 .LBB2_1-.Ltmp2, $3  }
0xf1: {  	_ =	sdelay $0x1  }
0xf2: {  	[sflag:s30] =	ssyncset.done $0x0  }
0xf3: {  	s9 =	simm.s32 $0x1;
	[sflag:s30] =	ssyncadd.s32 $0xFFFFD800  }
0xf4: {  	_ =	sfence.sel $0x180000  }
0xf5: {  	[bflag:$0x0] =	sbarrier.arrive $0xFFFF  }
0xf6: {  	_ =	strace $0x9000004D  }
0xf7: {  	s0 =	stileid.u32;
	[bflag:$0x2] =	sbarrier.arrive $0xFFFF  }
0xf8: {  	p0 =	sne.s32 s0, $0x0;
	s0 =	rddreg [dreg:$0x2]  }
0xf9: {  	s0 =	sadd.s32 @!p0 $0x100000, s0  }
0xfa: {  	[sflag:s0] =	ssyncadd.tile.s32 @!p0 $0x1;
	_ =	shalt  }
.Lfunc_end2:
_tile_overlayer_lowered:
.L_overlay_start_2:
0xfb: {  	(tag) =	ssettag $0x2  }
0xfc: {  	s0 =	rddreg [dreg:$0x0];
	s2 =	stileid.u32  }
0xfd: {  	s1 =	rddreg [dreg:$0x1];
	p0 =	sne.s32 s2, $0x0  }
0xfe: {  	s3 =	rddreg [dreg:$0x2];
	[bflag:$0x3] =	sbarrier.arrive $0xFFFF;
	s2 =	simm.s32 @!p0 $0x1C11  }
0xff: {  	[timem:s3], [sflag:s2] =	dma.local @!p0 [hbm:s0], s1  }
0x100: {  	s0 =	simm.s32 @!p0 $0x11  }
0x101: {  	_ =	swait.ge @!p0 [sflag:s0], s1  }
0x102: {  	s1 =	ssub.s32 @!p0 $0x0, s1;
	[sflag:s0] =	ssyncset.done @!p0 $0x0  }
0x103: {  	[sflag:s0] =	ssyncadd.s32 @!p0 s1  }
0x104: {  	[bflag:$0x3] =	sbarrier.arrive $0xFFFF  }
0x105: {  	_ =	shalt  }

// kernel: kernel.20.cloned.1.call-start
scs
__scs_entry_jumppad:
0x0: {  	(pc) =	sbr.rel $0x88, $3  }
0x1: {  	(tag) =	ssettag $0x0;
	lr =	simm.s32 $0x1  }
0x2: {  	[smem:$0x3F98] =	sst lr;
	_ =	strace $0xD0000000  }
0x3: {  	_ = 	snop  }
0x4: {  	_ = 	snop  }
0x5: {  	_ = 	snop  }
0x6: {  	_ = 	snop  }
0x7: {  	_ = 	snop  }
__scs_overlays_trampoline_lowered:
0x8: {  	[smem:$0x3FA7] =	sst s0  }
0x9: {  	[smem:$0x3FA8] =	sst s1  }
0xa: {  	[smem:$0x3FA9] =	sst s2  }
0xb: {  	[smem:$0x3FAA] =	sst s3  }
0xc: {  	[smem:$0x3FAB] =	sst s4  }
0xd: {  	[smem:$0x3FAC] =	sst s5  }
0xe: {  	[smem:$0x3FAD] =	sst s6  }
0xf: {  	[smem:$0x3FAE] =	sst s7  }
0x10: {  	[smem:$0x3FAF] =	sst s8  }
0x11: {  	[smem:$0x3FB0] =	sst s9;
	s0 =	simm.s32 @!p0 $0x0  }
0x12: {  	s1 =	sld [smem:$0x3F96];
	s0 =	simm.s32 @p0 $0x1  }
0x13: {  	[smem:$0x3FB1] =	sst s0;
	s0 =	simm.s32 @!p1 $0x0  }
0x14: {  	s2 =	sld [smem:$0x3F95];
	s0 =	simm.s32 @p1 $0x1  }
0x15: {  	[smem:$0x3FB2] =	sst s0;
	s0 =	simm.s32 @!p2 $0x0  }
0x16: {  	s3 =	sld [smem:$0x3FDB];
	s0 =	simm.s32 @p2 $0x1  }
0x17: {  	s4 =	simm.s32 $0x1BF5;
	[smem:$0x3FB4] =	sst s0  }
0x18: {  	s0 =	sld [smem:$0x3F97];
	_ =	swait.ge [sflag:s4], $0x0  }
0x19: {  	s7 =	sld [smem:$0x3F98]  }
0x1a: {  	s8 =	sadd.s32 $0xFFFFE003, lr  }
0x1b: {  	s9 =	sadd.s32 $0xFFFFFEF7, lr;
	s5 =	simm.s32 $0xFFFFFFFF;
	p2 =	slt.u32 s8, $0xFFFFF086  }
0x1c: {  	p1 =	slt.u32 s9, $0xF7A;
	s5 =	simm.s32 @!p2 $0x0  }
0x1d: {  	s5 =	simm.s32 @p1 $0x1;
	p0 =	seq.s32 s7, s2  }
0x1e: {  	s7 =	smul.u32 @!p0 $0xF7A, s2;
	p2 =	seq.s32 @!p0 s5, $0x0  }
0x1f: {  	s9 =	smul.u32 $0xF7A, s1;
	s8 =	simm.s32 @!p0 $0x1BF5;
	p2 =	por !p2, p0  }
0x20: {  	[sflag:s8] =	ssyncset.s32 @!p0 $0xFFFFF086;
	s6 =	sadd.s32 @!p0 s3, s7;
	s7 =	simm.s32 @!p0 $0x108  }
0x21: {  	s3 =	sadd.s32 s3, s9;
	s6 =	sadd.s32 @!p0 $0x88, s6;
	s7 =	simm.s32 @p2 $0x1082  }
0x22: {  	[simem:s7], [sflag:s8] =	dma.local @!p0 [hbm:s6], $0xF7A  }
0x23: {  	s9 =	sor.u32 $0xD0000000, s2;
	s6 =	simm.s32 $0x108;
	_ =	swait.ge @!p0 [sflag:s8], $0x0  }
0x24: {  	s3 =	sadd.s32 $0x88, s3;
	s6 =	simm.s32 @!p1 $0x1082;
	[sflag:s4] =	ssyncset.s32 $0xFFFFF086  }
0x25: {  	[simem:s6], [sflag:s4] =	dma.local [hbm:s3], $0xF7A  }
0x26: {  	[smem:$0x3F98] =	sst s1;
	(tag) =	ssettag s2;
	_ =	strace s9  }
0x27: {  	s1 =	sld [smem:$0x3FA8]  }
0x28: {  	s2 =	sld [smem:$0x3FA9]  }
0x29: {  	s4 =	sld [smem:$0x3FAB]  }
0x2a: {  	p0 =	seq.s32 s5, $0x0;
	s5 =	sld [smem:$0x3FAC]  }
0x2b: {  	s6 =	sld [smem:$0x3FAD]  }
0x2c: {  	s7 =	sld [smem:$0x3FAE]  }
0x2d: {  	s3 =	simm.s32 $0x108;
	s8 =	sld [smem:$0x3FAF]  }
0x2e: {  	s3 =	simm.s32 @!p0 $0x1082;
	s9 =	sld [smem:$0x3FB0]  }
0x2f: {  	lr =	sadd.s32 s0, s3;
	s0 =	sld [smem:$0x3FA7]  }
0x30: {  	s3 =	sld [smem:$0x3FAA]  }
0x31: {  	[smem:$0x3FB3] =	sst s10  }
0x32: {  	s10 =	sld [smem:$0x3FB1];
	_ =	sdelay $0x3  }
0x33: {  	p0 =	seq.s32 s10, $0x1;
	s10 =	sld [smem:$0x3FB3];
	_ =	sdelay $0x3  }
0x34: {  	[smem:$0x3FB3] =	sst s10  }
0x35: {  	s10 =	sld [smem:$0x3FB2];
	_ =	sdelay $0x3  }
0x36: {  	p1 =	seq.s32 s10, $0x1;
	s10 =	sld [smem:$0x3FB3];
	_ =	sdelay $0x3  }
0x37: {  	[smem:$0x3FB3] =	sst s10  }
0x38: {  	s10 =	sld [smem:$0x3FB4]  }
0x39: {  	_ = 	snop;
	(pc) =	sbr.ind lr, $3  }
0x3a: {  	_ = 	snop  }
0x3b: {  	_ = 	snop  }
0x3c: {  	p2 =	seq.s32 s10, $0x1;
	s10 =	sld [smem:$0x3FB3]  }
0x3d: {  	_ =	shalt  }
0x3e: {  	_ =	shalt  }
0x3f: {  	_ =	shalt  }
0x40: {  	_ =	shalt  }
0x41: {  	_ =	shalt  }
0x42: {  	_ =	shalt  }
0x43: {  	_ =	shalt  }
0x44: {  	_ =	shalt  }
0x45: {  	_ =	shalt  }
0x46: {  	_ =	shalt  }
0x47: {  	_ =	shalt  }
0x48: {  	_ =	shalt  }
0x49: {  	_ =	shalt  }
0x4a: {  	_ =	shalt  }
0x4b: {  	_ =	shalt  }
0x4c: {  	_ =	shalt  }
0x4d: {  	_ =	shalt  }
0x4e: {  	_ =	shalt  }
0x4f: {  	_ =	shalt  }
0x50: {  	_ =	shalt  }
0x51: {  	_ =	shalt  }
0x52: {  	_ =	shalt  }
0x53: {  	_ =	shalt  }
0x54: {  	_ =	shalt  }
0x55: {  	_ =	shalt  }
0x56: {  	_ =	shalt  }
0x57: {  	_ =	shalt  }
0x58: {  	_ =	shalt  }
0x59: {  	_ =	shalt  }
0x5a: {  	_ =	shalt  }
0x5b: {  	_ =	shalt  }
0x5c: {  	_ =	shalt  }
0x5d: {  	_ =	shalt  }
0x5e: {  	_ =	shalt  }
0x5f: {  	_ =	shalt  }
0x60: {  	_ =	shalt  }
0x61: {  	_ =	shalt  }
0x62: {  	_ =	shalt  }
0x63: {  	_ =	shalt  }
0x64: {  	_ =	shalt  }
0x65: {  	_ =	shalt  }
0x66: {  	_ =	shalt  }
0x67: {  	_ =	shalt  }
0x68: {  	_ =	shalt  }
0x69: {  	_ =	shalt  }
0x6a: {  	_ =	shalt  }
0x6b: {  	_ =	shalt  }
0x6c: {  	_ =	shalt  }
0x6d: {  	_ =	shalt  }
0x6e: {  	_ =	shalt  }
0x6f: {  	_ =	shalt  }
0x70: {  	_ =	shalt  }
0x71: {  	_ =	shalt  }
0x72: {  	_ =	shalt  }
0x73: {  	_ =	shalt  }
0x74: {  	_ =	shalt  }
0x75: {  	_ =	shalt  }
0x76: {  	_ =	shalt  }
0x77: {  	_ =	shalt  }
0x78: {  	_ =	shalt  }
0x79: {  	_ =	shalt  }
0x7a: {  	_ =	shalt  }
0x7b: {  	_ =	shalt  }
0x7c: {  	_ =	shalt  }
0x7d: {  	_ =	shalt  }
0x7e: {  	_ =	shalt  }
0x7f: {  	_ =	shalt  }
0x80: {  	_ =	shalt  }
0x81: {  	_ =	shalt  }
0x82: {  	_ =	shalt  }
0x83: {  	_ =	shalt  }
0x84: {  	_ =	shalt  }
0x85: {  	_ =	shalt  }
0x86: {  	_ =	shalt  }
0x87: {  	_ =	shalt  }
.Lfunc_end0:
.L_simem_size_0:
called_computation.3_lowered:
.L_overlay_start_0:
0x88: {  	s2 =	sld [smem:$0x3FD9]  }
0x89: {  	s3 =	sld [smem:$0x3FFE];
	_ =	sdelay $0x1  }
0x8a: {  	s1 =	srdreg.scid  }
0x8b: {  	s0 =	sand.u32 $0x1, s1  }
0x8c: {  	s16 =	sshll.u32 s0, $0xA;
	s2 =	sadd.s32 s3, s2  }
0x8d: {  	s2 =	sadd.s32 s2, s16  }
0x8e: {  	[smem:$0x3FBF] =	sst s2  }
0x8f: {  	_ = 	snop  }
0x90: {  	(tm) =	ssettm $0x1  }
0x91: {  	s17 =	sld [smem:$0x3FFB];
	_ =	sdelay $0x3  }
0x92: {  	_ =	strace s17  }
0x93: {  	s2 =	sld [smem:$0x3FFC];
	_ =	sdelay $0x3  }
0x94: {  	_ =	strace s2  }
0x95: {  	s2 =	sld [smem:$0x3FFD];
	_ =	sdelay $0x3  }
0x96: {  	_ =	strace s2  }
0x97: {  	_ =	strace $0x8FFFFFFF  }
0x98: {  	s18 =	sld [smem:$0x3FDB];
	_ =	sdelay $0x1  }
0x99: {  	s19 =	simm.s32 $_scs_section_size  }
0x9a: {  	s4 =	simm.s32 $_size__tile_overlayer_lowered;
	s5 =	simm.s32 $_tile_overlayer_lowered  }
0x9b: {  	s22 =	simm.s32 $0x1BFF;
	s21 =	sshll.u32 s5, $0x1;
	s2 =	sadd.s32 s19, s18  }
0x9c: {  	s6 =	simm.s32 $0x0;
	s20 =	sshll.u32 s4, $0x1;
	s4 =	sadd.s32 s21, s2  }
0x9d: {  	[timem:s6], [sflag:s22] =	dma.local [hbm:s4], s20  }
0x9e: {  	_ =	swait.ge [sflag:s22], s20  }
0x9f: {  	s3 =	ssub.s32 $0x0, s20;
	[sflag:s22] =	ssyncset.done $0x0  }
0xa0: {  	[sflag:s22] =	ssyncadd.s32 s3;
	_ =	sdelay $0x1  }
0xa1: {  	s23 =	simm.s32 $0x1B8B  }
0xa2: {  	_ =	swait.ge [sflag:s23], $0x1  }
0xa3: {  	[sflag:s23] =	ssyncset.done $0x0  }
0xa4: {  	s25 =	simm.s32 $0x1B8E;
	s24 =	sld [smem:$0x3FFE];
	[sflag:s23] =	ssyncadd.s32 $0xFFFFFFFF  }
0xa5: {  	s26 =	simm.s32 $execute0_lowered;
	[smem:$0x3FD2] =	sst s25  }
0xa6: {  	s4 =	sshll.u32 s26, $0x1;
	_ =	strace $0x8000004F;
	[dreg:$0x1] =	wrdreg $0xFFFFFFFF  }
0xa7: {  	s28 =	simm.s32 $_size_execute0_lowered;
	s2 =	sadd.s32 s2, s4;
	[dreg:$0x0] =	wrdreg $0x0  }
0xa8: {  	s4 =	sshll.u32 s28, $0x1;
	[dreg:$0x2] =	wrdreg s2  }
0xa9: {  	[dreg:$0x3] =	wrdreg s4  }
0xaa: {  	[dreg:$0x4] =	wrdreg $0xC0  }
0xab: {  	_ =	task [dreg:s6], $0x5FFFF  }
0xac: {  	[dreg:$0x1] =	wrdreg $0xFFFFFFFF  }
0xad: {  	[dreg:$0x0] =	wrdreg $0x60  }
0xae: {  	[dreg:$0x2] =	wrdreg s24  }
0xaf: {  	[dreg:$0x3] =	wrdreg $0x60800  }
0xb0: {  	[dreg:$0x4] =	wrdreg $0x9  }
0xb1: {  	_ =	task.clear_ibuf [dreg:s6], $0x5FFFF;
	_ =	strace $0x9000004F  }
0xb2: {  	s29 =	simm.s32 $0x9;
	_ =	strace $0x80000051  }
0xb3: {  	_ =	swait.ge [sflag:s29], $0x1  }
0xb4: {  	[sflag:s29] =	ssyncadd.s32 $0xFFFFFFFF  }
0xb5: {  	_ =	strace $0x90000051  }
0xb6: {  	_ =	sfence  }
0xb7: {  	s30 =	sld [smem:$0x0];
	_ =	sdelay $0x2  }
0xb8: {  	s31 =	sshll.u32 s1, $0xD;
	s1 =	sshrl.u32 s1, $0x2  }
0xb9: {  	s3 =	sand.u32 $0x4000, s31;
	s1 =	sadd.s32 s1, s30  }
0xba: {  	s0 =	sor.u32 s3, s0;
	s1 =	sshll.u32 s1, $0x11  }
0xbb: {  	s0 =	sor.u32 s1, s0  }
0xbc: {  	s0 =	sadd.s32 $0x8F2B, s0  }
0xbd: {  	[sflag:s0] =	ssyncadd.remote.s32 $0x1  }
0xbe: {  	_ =	sfence.sel $0xFFFF  }
0xbf: {  	[dreg:$0x0] =	wrdreg $0xFFFFFFFF;
	(pc) =	sbr.abs _section_cstart, $3  }
0xc0: {  	[dreg:$0x1] =	wrdreg $0xFFFFFFFF  }
0xc1: {  	_ =	task.clear_ibuf [dreg:s6], $0x2FFFF;
	_ =	strace $0x9FFFFFFF  }
0xc2: {  	(tm) =	ssettm $0x7FFFFFFF  }
0xc3: {  	_ =	shalt  }
tec
execute0_lowered:
.L_overlay_start_1:
0x0: {  	(tag) =	ssettag $0x1  }
0x1: {  	s4 =	rddreg [dreg:$0x0]  }
0x2: {  	s1 =	rddreg [dreg:$0x1]  }
0x3: {  	s0 =	rddreg [dreg:$0x2];
	s2 =	simm.s32 $0x0  }
0x4: {  	s5 =	srdreg.scid;
	s3 =	stileid.u32;
	s19 =	simm.s32 $0x40  }
0x5: {  	s21 =	simm.s32 $0x0;
	[smem:$0x7FF] =	sst s2;
	s16 =	sadd.s32 $0xD600, s4  }
0x6: {  	s5 =	sand.u32 $0x1, s5;
	s15 =	sadd.s32 $0xD000, s4;
	s6 =	sshll.u32 s3, $0x8  }
0x7: {  	s25 =	sshll.u32 s3, $0xE;
	s26 =	sshll.u32 s3, $0xB;
	p0 =	sgt.u32 s3, $0x1  }
0x8: {  	p1 =	sgt.u32 s3, $0x7;
	_ =	strace $0x80000050;
	s8 =	sshll.u32 s5, $0x4  }
0x9: {  	s7 =	ssub.s32 $0x2, s5;
	s6 =	sadd.s32 s6, s4;
	s8 =	sor.u32 s3, s8  }
0xa: {  	s4 =	sadd.s32 s25, s1;
	s5 =	sshll.u32 s5, $0xB;
	s14 =	smul.u32 $0x5, s8  }
0xb: {  	s20 =	sadd.s32 s26, s1;
	s24 =	sshrl.u32 s7, $0x1;
	s9 =	smul.u32 $0x28, s8  }
0xc: {  	s5 =	sadd.s32 s5, s6;
	s7 =	ssub.s32 s7, s24;
	s8 =	smul.u32 $0x1400, s8  }
0xd: {  	s20 =	sshrl.u32 @!p1 s20, $0x3;
	s5 =	sadd.s32 $0x3000, s5;
	s6 =	smax.u32 s7, $0x1  }
0xe: {  	s7 =	sadd.s32 s15, s9;
	s28 =	sadd.s32 $0x1, s14;
	s8 =	sadd.s32 s16, s8  }
0xf: {  	s29 =	sadd.s32 $0x2, s14;
	s17 =	sadd.s32 $0x3, s14;
	s18 =	sadd.s32 $0x4, s14  }
0x10: {  	s10 =	sshll.u32 s28, $0x3;
	s11 =	sshll.u32 s28, $0xA;
	s12 =	sshll.u32 s29, $0x3  }
0x11: {  	s13 =	sshll.u32 s29, $0xA;
	s30 =	sshll.u32 s17, $0x3;
	s17 =	sshll.u32 s17, $0xA  }
0x12: {  	s31 =	sshll.u32 s18, $0x3;
	s18 =	sshll.u32 s18, $0xA;
	s9 =	sadd.s32 s15, s10  }
0x13: {  	s10 =	sadd.s32 s16, s11;
	s11 =	sadd.s32 s15, s12;
	s12 =	sadd.s32 s16, s13  }
0x14: {  	s13 =	sadd.s32 s15, s30;
	s14 =	sadd.s32 s16, s17;
	s15 =	sadd.s32 s15, s31  }
0x15: {  	v0 =	vimm.f32 $0.0e+00;
	s16 =	sadd.s32 s16, s18;
	s17 =	simm.s32 $0x1;
	s18 =	simm.s32 $0x80  }
.LBB2_1:
0x16: {  	s22 =	sand.u32 $0xFE00, s2  }
0x17: {  	s23 =	sand.u32 $0x70, s2;
	s24 =	sshrl.u32 s22, $0x2  }
0x18: {  	s22 =	simm.s32 $0x40;
	s24 =	sor.u32 s23, s24;
	s23 =	simm.s32 $0x0  }
.LBB2_2:
0x19: {  	p2 =	sne.s32 s22, $0xFFC0  }
0x1a: {  	[tilespmem:s24+$0x2080] =	vst v0;
	s23 =	sadd.s32 $0x10, s23;
	s24 =	smov.u32 s22;
	s22 =	sadd.s32 $0x40, s22  }
.Ltmp0:
0x1b: {  	(pc) =	sbr.rel @p2 .LBB2_2-.Ltmp0, $4  }
0x1c: {  	_ = 	snop  }
0x1d: {  	s24 =	sand.u32 $0xFE00, s24  }
0x1e: {  	s25 =	sand.u32 $0x70, s23;
	s24 =	sshrl.u32 s24, $0x2  }
0x1f: {  	s24 =	sor.u32 s25, s24  }
0x20: {  	[tilespmem:s24+$0x2080] =	vst v0;
	s22 =	simm.s32 @!p0 $0x2080  }
0x21: {  	[spmem:s4] =	stream.linear.scatter @!p0 [tilespmem:s22], [sflag:$0x1], $0x4000, $0x38;
	[tilespmem:$0x6880] =	vst v63  }
0x22: {  	s22 =	simm.s32 @!p0 $0x1  }
0x23: {  	_ =	swait.ge @!p0 [sflag:s22], $0x4000  }
0x24: {  	[sflag:s22] =	ssyncset.done @!p0 $0x0  }
0x25: {  	[sflag:s22] =	ssyncadd.s32 @!p0 $0xFFFFC000  }
0x26: {  	[bflag:$0x0] =	sbarrier.arrive $0xFFFF  }
0x27: {  	[tilespmem:s2], [sflag:$0x1] =	stream.linear.gather [hbm4b:s7+s2], $0x40, $0x38;
	[tilespmem:$0x6880] =	vst v63  }
0x28: {  	_ =	swait.ge [sflag:s17], $0x40  }
0x29: {  	[sflag:s17] =	ssyncset.done $0x0  }
0x2a: {  	[sflag:s17] =	ssyncadd.s32 $0xFFFFFFC0  }
0x2b: {  	[tilespmem:s18], [sflag:$0x1] =	stream.linear.gather [hbm4b:s8+s2], $0x2000, $0x38;
	[tilespmem:$0x6880] =	vst v63  }
0x2c: {  	_ =	swait.ge [sflag:s17], $0x2000  }
0x2d: {  	[sflag:s17] =	ssyncset.done $0x0  }
0x2e: {  	[sflag:s17] =	ssyncadd.s32 $0xFFFFE000  }
0x2f: {  	[spmem:s1] =	stream.indirect.scatter.add.f32 [tilespmem:s18], [sflag:$0x1], $0x80, s2, s19, $0xb8;
	[tilespmem:$0x6880] =	vst v63  }
0x30: {  	_ =	swait.ge [sflag:s17], $0x2000  }
0x31: {  	[sflag:s17] =	ssyncset.done $0x0  }
0x32: {  	[sflag:s17] =	ssyncadd.s32 $0xFFFFE000  }
0x33: {  	[tilespmem:s2], [sflag:$0x1] =	stream.linear.gather [hbm4b:s9+s2], $0x40, $0x38;
	[tilespmem:$0x6880] =	vst v63  }
0x34: {  	_ =	swait.ge [sflag:s17], $0x40  }
0x35: {  	[sflag:s17] =	ssyncset.done $0x0  }
0x36: {  	[sflag:s17] =	ssyncadd.s32 $0xFFFFFFC0  }
0x37: {  	[tilespmem:s18], [sflag:$0x1] =	stream.linear.gather [hbm4b:s10+s2], $0x2000, $0x38;
	[tilespmem:$0x6880] =	vst v63  }
0x38: {  	_ =	swait.ge [sflag:s17], $0x2000  }
0x39: {  	[sflag:s17] =	ssyncset.done $0x0  }
0x3a: {  	[sflag:s17] =	ssyncadd.s32 $0xFFFFE000  }
0x3b: {  	[spmem:s1] =	stream.indirect.scatter.add.f32 [tilespmem:s18], [sflag:$0x1], $0x80, s2, s19, $0xb8;
	[tilespmem:$0x6880] =	vst v63  }
0x3c: {  	_ =	swait.ge [sflag:s17], $0x2000  }
0x3d: {  	[sflag:s17] =	ssyncset.done $0x0  }
0x3e: {  	[sflag:s17] =	ssyncadd.s32 $0xFFFFE000  }
0x3f: {  	[tilespmem:s2], [sflag:$0x1] =	stream.linear.gather [hbm4b:s11+s2], $0x40, $0x38;
	[tilespmem:$0x6880] =	vst v63  }
0x40: {  	_ =	swait.ge [sflag:s17], $0x40  }
0x41: {  	[sflag:s17] =	ssyncset.done $0x0  }
0x42: {  	[sflag:s17] =	ssyncadd.s32 $0xFFFFFFC0  }
0x43: {  	[tilespmem:s18], [sflag:$0x1] =	stream.linear.gather [hbm4b:s12+s2], $0x2000, $0x38;
	[tilespmem:$0x6880] =	vst v63  }
0x44: {  	_ =	swait.ge [sflag:s17], $0x2000  }
0x45: {  	[sflag:s17] =	ssyncset.done $0x0  }
0x46: {  	[sflag:s17] =	ssyncadd.s32 $0xFFFFE000  }
0x47: {  	[spmem:s1] =	stream.indirect.scatter.add.f32 [tilespmem:s18], [sflag:$0x1], $0x80, s2, s19, $0xb8;
	[tilespmem:$0x6880] =	vst v63  }
0x48: {  	_ =	swait.ge [sflag:s17], $0x2000  }
0x49: {  	[sflag:s17] =	ssyncset.done $0x0  }
0x4a: {  	[sflag:s17] =	ssyncadd.s32 $0xFFFFE000  }
0x4b: {  	[tilespmem:s2], [sflag:$0x1] =	stream.linear.gather [hbm4b:s13+s2], $0x40, $0x38;
	[tilespmem:$0x6880] =	vst v63  }
0x4c: {  	_ =	swait.ge [sflag:s17], $0x40  }
0x4d: {  	[sflag:s17] =	ssyncset.done $0x0  }
0x4e: {  	[sflag:s17] =	ssyncadd.s32 $0xFFFFFFC0  }
0x4f: {  	[tilespmem:s18], [sflag:$0x1] =	stream.linear.gather [hbm4b:s14+s2], $0x2000, $0x38;
	[tilespmem:$0x6880] =	vst v63  }
0x50: {  	_ =	swait.ge [sflag:s17], $0x2000  }
0x51: {  	[sflag:s17] =	ssyncset.done $0x0  }
0x52: {  	[sflag:s17] =	ssyncadd.s32 $0xFFFFE000  }
0x53: {  	[spmem:s1] =	stream.indirect.scatter.add.f32 [tilespmem:s18], [sflag:$0x1], $0x80, s2, s19, $0xb8;
	[tilespmem:$0x6880] =	vst v63  }
0x54: {  	_ =	swait.ge [sflag:s17], $0x2000  }
0x55: {  	[sflag:s17] =	ssyncset.done $0x0  }
0x56: {  	[sflag:s17] =	ssyncadd.s32 $0xFFFFE000  }
0x57: {  	[tilespmem:s2], [sflag:$0x1] =	stream.linear.gather [hbm4b:s15+s2], $0x40, $0x38;
	[tilespmem:$0x6880] =	vst v63  }
0x58: {  	_ =	swait.ge [sflag:s17], $0x40  }
0x59: {  	[sflag:s17] =	ssyncset.done $0x0  }
0x5a: {  	[sflag:s17] =	ssyncadd.s32 $0xFFFFFFC0  }
0x5b: {  	[tilespmem:s18], [sflag:$0x1] =	stream.linear.gather [hbm4b:s16+s2], $0x2000, $0x38;
	[tilespmem:$0x6880] =	vst v63  }
0x5c: {  	_ =	swait.ge [sflag:s17], $0x2000  }
0x5d: {  	[sflag:s17] =	ssyncset.done $0x0  }
0x5e: {  	[sflag:s17] =	ssyncadd.s32 $0xFFFFE000  }
0x5f: {  	[spmem:s1] =	stream.indirect.scatter.add.f32 [tilespmem:s18], [sflag:$0x1], $0x80, s2, s19, $0xb8;
	[tilespmem:$0x6880] =	vst v63  }
0x60: {  	_ =	swait.ge [sflag:s17], $0x2000  }
0x61: {  	[sflag:s17] =	ssyncset.done $0x0  }
0x62: {  	s21 =	sadd.s32 $0x1, s21;
	s22 =	sshll.u32 @!p1 s3, $0x6;
	[sflag:s17] =	ssyncadd.s32 $0xFFFFE000  }
0x63: {  	p2 =	sne.s32 s21, s6;
	s22 =	sor.u32 @!p1 $0x1C01, s22;
	[bflag:$0x0] =	sbarrier.arrive $0xFFFF  }
0x64: {  	[hbm:s5], [sflag:s22] =	dma.local @!p1 [spmem:s20], $0x100  }
.Ltmp1:
0x65: {  	_ = 	snop;
	(pc) =	sbr.rel @p2 .LBB2_1-.Ltmp1, $4  }
0x66: {  	s22 =	simm.s32 @!p1 $0x1  }
0x67: {  	_ =	swait.ge @!p1 [sflag:s22], $0x100  }
0x68: {  	[sflag:s22] =	ssyncset.done @!p1 $0x0  }
0x69: {  	[sflag:s22] =	ssyncadd.s32 @!p1 $0xFFFFFF00  }
0x6a: {  	_ =	sfence.sel $0x180000  }
0x6b: {  	[bflag:$0x0] =	sbarrier.arrive $0xFFFF  }
0x6c: {  	p0 =	sne.s32 s3, $0x0;
	_ =	strace $0x90000050  }
0x6d: {  	s0 =	sadd.s32 @!p0 $0x100000, s0;
	[bflag:$0x2] =	sbarrier.arrive $0xFFFF  }
0x6e: {  	[sflag:s0] =	ssyncadd.tile.s32 @!p0 $0x1;
	_ =	shalt  }
.Lfunc_end2:
_tile_overlayer_lowered:
.L_overlay_start_2:
0x6f: {  	(tag) =	ssettag $0x2  }
0x70: {  	s0 =	rddreg [dreg:$0x0];
	s2 =	stileid.u32  }
0x71: {  	s1 =	rddreg [dreg:$0x1];
	p0 =	sne.s32 s2, $0x0  }
0x72: {  	s3 =	rddreg [dreg:$0x2];
	[bflag:$0x3] =	sbarrier.arrive $0xFFFF;
	s2 =	simm.s32 @!p0 $0x1C01  }
0x73: {  	[timem:s3], [sflag:s2] =	dma.local @!p0 [hbm:s0], s1  }
0x74: {  	s0 =	simm.s32 @!p0 $0x1  }
0x75: {  	_ =	swait.ge @!p0 [sflag:s0], s1  }
0x76: {  	s1 =	ssub.s32 @!p0 $0x0, s1;
	[sflag:s0] =	ssyncset.done @!p0 $0x0  }
0x77: {  	[sflag:s0] =	ssyncadd.s32 @!p0 s1  }
0x78: {  	[bflag:$0x3] =	sbarrier.arrive $0xFFFF  }
0x79: {  	_ =	shalt  }

</sc_bundles>
